<compile_context>
chip_gen: v7x
topology: tpu7x:2x2x1
jax: 0.10.2.dev20260603
libtpu: 0.0.44.dev20260713+nightly
codegen_flags: <defaults>
</compile_context>

<pallas_src>
import jax
import jax.numpy as jnp
from jax import lax
from jax.experimental import pallas as pl
from jax.experimental.pallas import tpu as pltpu
from jax.experimental.pallas import tpu_sc as plsc

TT = 5
NP = 3
NN = 10000
EE = 320000
FD = 128
HD = 64
HD2 = 2 * HD
GD = 32

NC = 2
NS = 16
NW = NC * NS
EPW = EE // NW
CW = 128
CH = 80
NACC = 10240
PW = NACC // NS
BN = 1000


def _sc_segsum_kernel(with_cnt, npairs):
    mesh = plsc.VectorSubcoreMesh(core_axis_name="c", subcore_axis_name="s")

    out_type = [jax.ShapeDtypeStruct((npairs, NC, NACC, HD2), jnp.float32)]
    if with_cnt:
        out_type.append(jax.ShapeDtypeStruct((NC * NACC,), jnp.float32))

    scratch = [
        pltpu.VMEM((CW,), jnp.int32),
        pltpu.VMEM((CW,), jnp.int32),
        pltpu.VMEM((CW,), jnp.int32),
        pltpu.VMEM((CW,), jnp.int32),
        pltpu.VMEM((CW, HD2), jnp.float32),
        pltpu.VMEM((CW, HD2), jnp.float32),
        pltpu.VMEM_SHARED((NACC, HD2), jnp.float32),
        pltpu.SemaphoreType.DMA,
        pltpu.SemaphoreType.DMA,
        pltpu.SemaphoreType.DMA,
        pltpu.SemaphoreType.DMA,
        pltpu.SemaphoreType.DMA,
        pltpu.SemaphoreType.DMA,
        pltpu.SemaphoreType.DMA,
        pltpu.SemaphoreType.DMA,
        pltpu.SemaphoreType.DMA,
        pltpu.SemaphoreType.DMA,
    ]
    if with_cnt:
        scratch += [
            pltpu.VMEM((CW,), jnp.float32),
            pltpu.VMEM((PW,), jnp.float32),
            pltpu.VMEM_SHARED((NACC,), jnp.float32),
        ]

    def body(*refs):
        if with_cnt:
            (src_h, dst_h), tbls, (zh, out_h, cnt_h,
             si0, si1, di0, di1, rows0, rows1, acc,
             gs0, gs1, ss0, ss1, is0, is1, id0, id1, os0, os1,
             onesv, zbuf, acc1) = refs[:2], refs[2:2 + npairs], refs[2 + npairs:]
        else:
            (src_h, dst_h), tbls, (zh, out_h,
             si0, si1, di0, di1, rows0, rows1, acc,
             gs0, gs1, ss0, ss1, is0, is1, id0, id1, os0, os1) = refs[:2], refs[2:2 + npairs], refs[2 + npairs:]
        c = lax.axis_index("c")
        s = lax.axis_index("s")
        wid = s * NC + c
        myrows = pl.ds(s * PW, PW)

        if with_cnt:
            @pl.loop(0, CW // 16)
            def _ones(u):
                onesv[pl.ds(u * 16, 16)] = jnp.ones((16,), jnp.float32)

            @pl.loop(0, PW // 16)
            def _zb(u):
                zbuf[pl.ds(u * 16, 16)] = jnp.zeros((16,), jnp.float32)

            pltpu.sync_copy(zbuf, acc1.at[pl.ds(s * PW, PW)])
            plsc.subcore_barrier()

            pltpu.sync_copy(dst_h.at[wid, 0], di0)
            pltpu.async_copy(onesv, acc1.at[di0], ss0, add=True)
            pltpu.async_copy(dst_h.at[wid, 1], di1, id1)

            @pl.loop(0, CH // 2)
            def _cnt(j2):
                j = j2 * 2
                pltpu.make_async_copy(dst_h.at[wid, j + 1], di1, id1).wait()
                pltpu.async_copy(onesv, acc1.at[di1], ss1, add=True)
                pltpu.make_async_copy(onesv, acc1.at[di0], ss0).wait()
                pltpu.async_copy(dst_h.at[wid, j + 2], di0, id0)
                pltpu.make_async_copy(dst_h.at[wid, j + 2], di0, id0).wait()
                pltpu.async_copy(onesv, acc1.at[di0], ss0, add=True)
                pltpu.make_async_copy(onesv, acc1.at[di1], ss1).wait()
                pltpu.async_copy(dst_h.at[wid, j + 3], di1, id1)

            pltpu.make_async_copy(onesv, acc1.at[di0], ss0).wait()
            pltpu.make_async_copy(dst_h.at[wid, CH + 1], di1, id1).wait()
            plsc.subcore_barrier()
            pltpu.sync_copy(acc1.at[pl.ds(s * PW, PW)], zbuf)
            pltpu.sync_copy(zbuf, cnt_h.at[pl.ds(c * NACC + s * PW, PW)])

        for p in range(npairs):
            tbl = tbls[p]
            if p > 0:
                pltpu.make_async_copy(
                    acc.at[myrows], out_h.at[p - 1, c, myrows], os0).wait()
            pltpu.sync_copy(zh, acc.at[myrows])
            plsc.subcore_barrier()

            pltpu.sync_copy(src_h.at[wid, 0], si0)
            pltpu.sync_copy(dst_h.at[wid, 0], di0)
            pltpu.async_copy(tbl.at[si0], rows0, gs0)
            pltpu.async_copy(src_h.at[wid, 1], si1, is1)

            pltpu.make_async_copy(tbl.at[si0], rows0, gs0).wait()
            pltpu.make_async_copy(src_h.at[wid, 1], si1, is1).wait()
            pltpu.async_copy(tbl.at[si1], rows1, gs1)
            pltpu.async_copy(dst_h.at[wid, 1], di1, id1)
            pltpu.async_copy(rows0, acc.at[di0], ss0, add=True)
            pltpu.async_copy(src_h.at[wid, 2], si0, is0)

            pltpu.make_async_copy(tbl.at[si1], rows1, gs1).wait()
            pltpu.make_async_copy(src_h.at[wid, 2], si0, is0).wait()
            pltpu.make_async_copy(rows0, acc.at[di0], ss0).wait()
            pltpu.async_copy(tbl.at[si0], rows0, gs0)
            pltpu.async_copy(dst_h.at[wid, 2], di0, id0)
            pltpu.make_async_copy(dst_h.at[wid, 1], di1, id1).wait()
            pltpu.async_copy(rows1, acc.at[di1], ss1, add=True)
            pltpu.async_copy(src_h.at[wid, 3], si1, is1)

            @pl.loop(1, CH // 2)
            def _chunks(j2):
                j = j2 * 2
                pltpu.make_async_copy(tbl.at[si0], rows0, gs0).wait()
                pltpu.make_async_copy(src_h.at[wid, j + 1], si1, is1).wait()
                pltpu.make_async_copy(rows1, acc.at[di1], ss1).wait()
                pltpu.async_copy(tbl.at[si1], rows1, gs1)
                pltpu.async_copy(dst_h.at[wid, j + 1], di1, id1)
                pltpu.make_async_copy(dst_h.at[wid, j], di0, id0).wait()
                pltpu.async_copy(rows0, acc.at[di0], ss0, add=True)
                pltpu.async_copy(src_h.at[wid, j + 2], si0, is0)
                pltpu.make_async_copy(tbl.at[si1], rows1, gs1).wait()
                pltpu.make_async_copy(src_h.at[wid, j + 2], si0, is0).wait()
                pltpu.make_async_copy(rows0, acc.at[di0], ss0).wait()
                pltpu.async_copy(tbl.at[si0], rows0, gs0)
                pltpu.async_copy(dst_h.at[wid, j + 2], di0, id0)
                pltpu.make_async_copy(dst_h.at[wid, j + 1], di1, id1).wait()
                pltpu.async_copy(rows1, acc.at[di1], ss1, add=True)
                pltpu.async_copy(src_h.at[wid, j + 3], si1, is1)

            pltpu.make_async_copy(tbl.at[si0], rows0, gs0).wait()
            pltpu.make_async_copy(src_h.at[wid, CH + 1], si1, is1).wait()
            pltpu.make_async_copy(dst_h.at[wid, CH], di0, id0).wait()
            pltpu.make_async_copy(rows1, acc.at[di1], ss1).wait()
            plsc.subcore_barrier()

            pltpu.async_copy(acc.at[myrows], out_h.at[p, c, myrows], os0)

        pltpu.make_async_copy(
            acc.at[myrows], out_h.at[npairs - 1, c, myrows], os0).wait()

    return pl.kernel(body, out_type=out_type, mesh=mesh,
                     scratch_types=scratch)



def _stage_a(x3, W1l, W1r, b1l):
    BA = 2000

    def body(xa_ref, xb_ref, wl_ref, wr_ref, bl_ref, z_ref, s_ref):
        xa = xa_ref[0]
        xb = xb_ref[0]
        wl = wl_ref[...]
        wr = wr_ref[...]
        za = jnp.dot(xa, wl, preferred_element_type=jnp.float32)
        zb = jnp.dot(xb, wl, preferred_element_type=jnp.float32)
        z_ref[0] = jnp.concatenate([za, zb], axis=1)
        sa = jnp.dot(xa, wr, preferred_element_type=jnp.float32)
        sb = jnp.dot(xb, wr, preferred_element_type=jnp.float32)
        s_ref[0] = jnp.concatenate([sa, sb], axis=1) + bl_ref[...]

    return pl.pallas_call(
        body,
        grid=(NP, NN // BA),
        in_specs=[
            pl.BlockSpec((1, BA, FD), lambda p, i: (2 * p, i, 0)),
            pl.BlockSpec((1, BA, FD),
                         lambda p, i: (jnp.minimum(2 * p + 1, TT - 1), i, 0)),
            pl.BlockSpec((FD, HD), lambda p, i: (0, 0)),
            pl.BlockSpec((FD, HD), lambda p, i: (0, 0)),
            pl.BlockSpec((1, HD2), lambda p, i: (0, 0)),
        ],
        out_specs=[
            pl.BlockSpec((1, BA, HD2), lambda p, i: (p, i, 0)),
            pl.BlockSpec((1, BA, HD2), lambda p, i: (p, i, 0)),
        ],
        out_shape=[
            jax.ShapeDtypeStruct((NP, NN, HD2), jnp.float32),
            jax.ShapeDtypeStruct((NP, NN, HD2), jnp.float32),
        ],
    )(x3, x3, W1l, W1r, b1l)


def _stage_c(agg1, cntT, s1p, W2ld, W2rd, b2d):
    npp = agg1.shape[0]

    def body(agg_ref, cnt_ref, s1_ref, wl_ref, wr_ref, bl_ref,
             z_ref, s_ref):
        a = agg_ref[0, 0] + agg_ref[0, 1]
        cnt = cnt_ref[:, 0] + cnt_ref[:, 1]
        inv = 1.0 / jnp.maximum(cnt, 1.0)
        h1 = jnp.maximum(a * inv[:, None] + s1_ref[0], 0.0)
        z_ref[0] = jnp.dot(h1, wl_ref[...],
                           preferred_element_type=jnp.float32)
        s_ref[0] = jnp.dot(h1, wr_ref[...],
                           preferred_element_type=jnp.float32) + bl_ref[...]

    return pl.pallas_call(
        body,
        grid=(npp, NN // BN),
        in_specs=[
            pl.BlockSpec((1, 2, BN, HD2), lambda p, i: (p, 0, i, 0)),
            pl.BlockSpec((BN, 2), lambda p, i: (i, 0)),
            pl.BlockSpec((1, BN, HD2), lambda p, i: (p, i, 0)),
            pl.BlockSpec((HD2, HD2), lambda p, i: (0, 0)),
            pl.BlockSpec((HD2, HD2), lambda p, i: (0, 0)),
            pl.BlockSpec((1, HD2), lambda p, i: (0, 0)),
        ],
        out_specs=[
            pl.BlockSpec((1, BN, HD2), lambda p, i: (p, i, 0)),
            pl.BlockSpec((1, BN, HD2), lambda p, i: (p, i, 0)),
        ],
        out_shape=[
            jax.ShapeDtypeStruct((npp, NN, HD2), jnp.float32),
            jax.ShapeDtypeStruct((npp, NN, HD2), jnp.float32),
        ],
    )(agg1, cntT, s1p, W2ld, W2rd, b2d)


def _stage_c2(a14, cntT, s1t4, W2l, W2r, b2l):

    def body(a_ref, cnt_ref, s1_ref, wl_ref, wr_ref, bl_ref, z_ref, s_ref):
        a = a_ref[0] + a_ref[1]
        cnt = cnt_ref[:, 0] + cnt_ref[:, 1]
        inv = 1.0 / jnp.maximum(cnt, 1.0)
        h1 = jnp.maximum(a * inv[:, None] + s1_ref[...], 0.0)
        z_ref[...] = jnp.dot(h1, wl_ref[...],
                             preferred_element_type=jnp.float32)
        s_ref[...] = jnp.dot(h1, wr_ref[...],
                             preferred_element_type=jnp.float32) + bl_ref[...]

    return pl.pallas_call(
        body,
        grid=(NN // BN,),
        in_specs=[
            pl.BlockSpec((2, BN, HD), lambda i: (0, i, 0)),
            pl.BlockSpec((BN, 2), lambda i: (i, 0)),
            pl.BlockSpec((BN, HD), lambda i: (i, 0)),
            pl.BlockSpec((HD, HD), lambda i: (0, 0)),
            pl.BlockSpec((HD, HD), lambda i: (0, 0)),
            pl.BlockSpec((1, HD), lambda i: (0, 0)),
        ],
        out_specs=[
            pl.BlockSpec((BN, HD), lambda i: (i, 0)),
            pl.BlockSpec((BN, HD), lambda i: (i, 0)),
        ],
        out_shape=[
            jax.ShapeDtypeStruct((NN, HD), jnp.float32),
            jax.ShapeDtypeStruct((NN, HD), jnp.float32),
        ],
    )(a14, cntT, s1t4, W2l, W2r, b2l)


def _stage_e1(agg2, cntT, s2p):
    NB = NN // BN

    def body(agg_ref, cnt_ref, s2_ref, last_ref, pool_ref):
        cnt = cnt_ref[:, 0] + cnt_ref[:, 1]
        inv = 1.0 / jnp.maximum(cnt, 1.0)
        h2 = (agg_ref[0, 0] + agg_ref[0, 1]) * inv[:, None] + s2_ref[0]
        last_ref[...] = h2[:, :HD]
        p = jnp.sum(h2, axis=0, keepdims=True)
        pool_ref[0, 0] = jnp.broadcast_to(p, (8, HD2))

    return pl.pallas_call(
        body,
        grid=(NB, NP),
        in_specs=[
            pl.BlockSpec((1, 2, BN, HD2), lambda i, p: (p, 0, i, 0)),
            pl.BlockSpec((BN, 2), lambda i, p: (i, 0)),
            pl.BlockSpec((1, BN, HD2), lambda i, p: (p, i, 0)),
        ],
        out_specs=[
            pl.BlockSpec((BN, HD), lambda i, p: (i, 0)),
            pl.BlockSpec((1, 1, 8, HD2), lambda i, p: (p, i, 0, 0)),
        ],
        out_shape=[
            jax.ShapeDtypeStruct((NN, HD), jnp.float32),
            jax.ShapeDtypeStruct((NP, NB, 8, HD2), jnp.float32),
        ],
    )(agg2, cntT, s2p)


def _stage_e2(pool_part, WihTf, WhhTf, bihf, bhhf, WihTb, WhhTb, bihb, bhhb,
              A1, a1b, a2row, a2b, G1, g1b, G2p, g2bp, N1b, n1b):
    NB = NN // BN

    def gru_cell(xt, h, WihT, WhhT, bih, bhh):
        gi = jnp.dot(xt, WihT, preferred_element_type=jnp.float32) + bih
        gh = jnp.dot(h, WhhT, preferred_element_type=jnp.float32) + bhh
        r = jax.nn.sigmoid(gi[:, 0:GD] + gh[:, 0:GD])
        z = jax.nn.sigmoid(gi[:, GD:2 * GD] + gh[:, GD:2 * GD])
        n = jnp.tanh(gi[:, 2 * GD:] + r * gh[:, 2 * GD:])
        return (1.0 - z) * n + z * h

    def body(pp_ref, wihf_ref, whhf_ref, bihf_ref, bhhf_ref,
             wihb_ref, whhb_ref, bihb_ref, bhhb_ref,
             a1_ref, a1b_ref, a2r_ref, a2b_ref,
             g1_ref, g1b_ref, g2_ref, g2b_ref, n1b_ref, n1bb_ref,
             gl_ref, attw_ref, bias2_ref):
        seq = []
        for t in range(TT):
            p, h = divmod(t, 2)
            acc = pp_ref[p * NB * 8:p * NB * 8 + 1, h * HD:(h + 1) * HD]
            for i in range(1, NB):
                r = (p * NB + i) * 8
                acc = acc + pp_ref[r:r + 1, h * HD:(h + 1) * HD]
            seq.append(acc * (1.0 / NN))
        hf = jnp.zeros((1, GD), jnp.float32)
        outs_f = []
        for t in range(TT):
            hf = gru_cell(seq[t], hf, wihf_ref[...], whhf_ref[...],
                          bihf_ref[...], bhhf_ref[...])
            outs_f.append(hf)
        hb = jnp.zeros((1, GD), jnp.float32)
        outs_b = [None] * TT
        for t in range(TT - 1, -1, -1):
            hb = gru_cell(seq[t], hb, wihb_ref[...], whhb_ref[...],
                          bihb_ref[...], bhhb_ref[...])
            outs_b[t] = hb
        gru = jnp.concatenate(
            [jnp.concatenate([outs_f[t], outs_b[t]], axis=1)
             for t in range(TT)], axis=0)
        th = jnp.tanh(jnp.dot(gru, a1_ref[...],
                              preferred_element_type=jnp.float32)
                      + a1b_ref[...])
        scores = (jnp.sum(th * a2r_ref[...], axis=1, keepdims=True)
                  + a2b_ref[0, 0])
        m = jnp.max(scores)
        e = jnp.exp(scores - m)
        attw = e / jnp.sum(e)
        att = jnp.sum(gru * attw, axis=0, keepdims=True)
        hidg = jnp.maximum(
            jnp.dot(att, g1_ref[...], preferred_element_type=jnp.float32)
            + g1b_ref[...], 0.0)
        gl_ref[...] = jnp.dot(hidg, g2_ref[...],
                              preferred_element_type=jnp.float32) + g2b_ref[...]
        attw_ref[...] = jnp.broadcast_to(attw, (TT, 128))
        bias2_ref[...] = jnp.dot(att, n1b_ref[...],
                                 preferred_element_type=jnp.float32) + n1bb_ref[...]

    return pl.pallas_call(
        body,
        out_shape=[
            jax.ShapeDtypeStruct((1, 128), jnp.float32),
            jax.ShapeDtypeStruct((TT, 128), jnp.float32),
            jax.ShapeDtypeStruct((1, HD), jnp.float32),
        ],
    )(pool_part, WihTf, WhhTf, bihf, bhhf, WihTb, WhhTb, bihb, bhhb,
      A1, a1b, a2row, a2b, G1, g1b, G2p, g2bp, N1b, n1b)


def _stage_e3(last, bias2, N1a, N2p, n2bp):

    def body(last_ref, b2_ref, n1a_ref, n2_ref, n2b_ref, out_ref):
        h = jnp.maximum(
            jnp.dot(last_ref[...], n1a_ref[...],
                    preferred_element_type=jnp.float32) + b2_ref[...], 0.0)
        out_ref[...] = jnp.dot(h, n2_ref[...],
                               preferred_element_type=jnp.float32) + n2b_ref[...]

    return pl.pallas_call(
        body,
        grid=(NN // BN,),
        in_specs=[
            pl.BlockSpec((BN, HD), lambda i: (i, 0)),
            pl.BlockSpec((1, HD), lambda i: (0, 0)),
            pl.BlockSpec((HD, HD), lambda i: (0, 0)),
            pl.BlockSpec((HD, 128), lambda i: (0, 0)),
            pl.BlockSpec((1, 128), lambda i: (0, 0)),
        ],
        out_specs=pl.BlockSpec((BN, 128), lambda i: (i, 0)),
        out_shape=jax.ShapeDtypeStruct((NN, 128), jnp.float32),
    )(last, bias2, N1a, N2p, n2bp)


def kernel(x, edge_index, node_indices, W1l, b1l, W1r, W2l, b2l, W2r,
           Wih_f, Whh_f, bih_f, bhh_f, Wih_b, Whh_b, bih_b, bhh_b,
           A1, a1b, A2, a2b, G1, g1b, G2, g2b, N1, n1b, N2, n2b):
    f32 = jnp.float32

    src = edge_index[0].astype(jnp.int32).reshape(NW, EPW)
    dst = edge_index[1].astype(jnp.int32).reshape(NW, EPW)
    padn = (CH + 2) * CW - EPW
    srcp = jnp.concatenate(
        [src, jnp.zeros((NW, padn), jnp.int32)], axis=1
    ).reshape(NW, CH + 2, CW)
    dstp = jnp.concatenate(
        [dst, jnp.full((NW, padn), NN, jnp.int32)], axis=1
    ).reshape(NW, CH + 2, CW)
    zh = jnp.zeros((PW, HD2), f32)

    z1p, s1p = _stage_a(x, W1l, W1r,
                        jnp.concatenate([b1l, b1l]).reshape(1, HD2))

    scA = _sc_segsum_kernel(True, 2)
    aggA, cnt = scA(srcp, dstp, z1p[0], z1p[1], zh)
    aggA = aggA[:, :, :NN, :]
    cntT = cnt.reshape(NC, NACC)[:, :NN].T

    W2ld = jnp.zeros((HD2, HD2), f32).at[:HD, :HD].set(W2l).at[HD:, HD:].set(W2l)
    W2rd = jnp.zeros((HD2, HD2), f32).at[:HD, :HD].set(W2r).at[HD:, HD:].set(W2r)
    b2d = jnp.concatenate([b2l, b2l]).reshape(1, HD2)
    z2p01, s2p01 = _stage_c(aggA, cntT, s1p[:2], W2ld, W2rd, b2d)

    tb0 = jnp.concatenate([z1p[2, :, :HD], z2p01[0, :, :HD]], axis=1)
    tb1 = jnp.concatenate([z2p01[0, :, HD:], z2p01[1, :, :HD]], axis=1)
    scB = _sc_segsum_kernel(False, 2)
    (aggB,) = scB(srcp, dstp, tb0, tb1, zh)
    aggB = aggB[:, :, :NN, :]

    z2t4, s2t4 = _stage_c2(aggB[0, :, :, :HD], cntT, s1p[2, :, :HD],
                           W2l, W2r, b2l.reshape(1, HD))

    tc0 = jnp.concatenate([z2p01[1, :, HD:], z2t4], axis=1)
    scC = _sc_segsum_kernel(False, 1)
    (aggC,) = scC(srcp, dstp, tc0, zh)
    aggC = aggC[:, :, :NN, :]

    agg2 = jnp.stack([
        jnp.concatenate([aggB[0, :, :, HD:], aggB[1, :, :, :HD]], axis=-1),
        jnp.concatenate([aggB[1, :, :, HD:], aggC[0, :, :, :HD]], axis=-1),
        jnp.concatenate([aggC[0, :, :, HD:], aggC[0, :, :, HD:]], axis=-1),
    ])
    s2p = jnp.stack([
        s2p01[0], s2p01[1], jnp.concatenate([s2t4, s2t4], axis=1),
    ])

    last, pool_part = _stage_e1(agg2, cntT, s2p)

    G2p = jnp.zeros((HD, 128), f32).at[:, :2].set(G2)
    g2bp = jnp.zeros((1, 128), f32).at[0, :2].set(g2b)
    gl_pad, attw_b, bias2 = _stage_e2(
        pool_part.reshape(NP * (NN // BN) * 8, HD2),
        Wih_f.T, Whh_f.T, bih_f.reshape(1, 3 * GD), bhh_f.reshape(1, 3 * GD),
        Wih_b.T, Whh_b.T, bih_b.reshape(1, 3 * GD), bhh_b.reshape(1, 3 * GD),
        A1, a1b.reshape(1, GD), A2.T, a2b.reshape(1, 1),
        G1, g1b.reshape(1, HD), G2p, g2bp,
        N1[HD:, :], n1b.reshape(1, HD))

    N2p = jnp.zeros((HD, 128), f32).at[:, :2].set(N2)
    n2bp = jnp.zeros((1, 128), f32).at[0, :2].set(n2b)
    node_pad = _stage_e3(last, bias2, N1[:HD, :], N2p, n2bp)

    graph_logits = gl_pad[:, :2]
    node_logits = node_pad[:, :2]
    attw = attw_b[:, 0].reshape(1, TT)
    return (graph_logits, node_logits, attw, last)

# --- scband reference (transcript-rebuilt; emitter-appended) ---
"""Pipeline reference for scband-tdgnn-50826642981408 (READ-ONLY COPY).

The authoritative reference and input builder live on the scoring server;
editing this copy changes nothing except your own understanding.
"""

import jax, jax.numpy as jnp
import numpy as np

T = 5
N = 10000
E = 320000
F_IN = 128
H = 64
TD = 32


def setup_inputs(seed: int = 0) -> dict:
    key = jax.random.key(seed)
    ks = jax.random.split(key, 40)

    def p(i, shape, s=0.05):
        return jax.random.normal(ks[i], shape, dtype=jnp.float32) * s

    inp = {}
    inp["x"] = jax.random.normal(ks[0], (T, N, F_IN), dtype=jnp.float32)
    inp["edge_index"] = jax.random.randint(ks[1], (2, E), 0, N).astype(jnp.int64)
    inp["node_indices"] = jnp.arange(N, dtype=jnp.int64)
    # SAGEConv layer 1 (in=F_IN, out=H): lin_l (with bias) on aggregated neighbors, lin_r (no bias) on self
    inp["W1l"] = p(2, (F_IN, H)); inp["b1l"] = p(3, (H,)); inp["W1r"] = p(4, (F_IN, H))
    # SAGEConv layer 2 (in=H, out=H)
    inp["W2l"] = p(5, (H, H)); inp["b2l"] = p(6, (H,)); inp["W2r"] = p(7, (H, H))
    # Bidirectional GRU (input H, hidden TD), PyTorch layout W_ih:[3*TD,H], W_hh:[3*TD,TD]
    inp["Wih_f"] = p(8, (3 * TD, H)); inp["Whh_f"] = p(9, (3 * TD, TD)); inp["bih_f"] = p(10, (3 * TD,)); inp["bhh_f"] = p(11, (3 * TD,))
    inp["Wih_b"] = p(12, (3 * TD, H)); inp["Whh_b"] = p(13, (3 * TD, TD)); inp["bih_b"] = p(14, (3 * TD,)); inp["bhh_b"] = p(15, (3 * TD,))
    # TemporalAttention: Linear(2*TD, TD), Tanh, Linear(TD, 1)
    inp["A1"] = p(16, (2 * TD, TD)); inp["a1b"] = p(17, (TD,)); inp["A2"] = p(18, (TD, 1)); inp["a2b"] = p(19, (1,))
    # graph_classifier: Linear(2*TD, H), ReLU, Linear(H, 2)
    inp["G1"] = p(20, (2 * TD, H)); inp["g1b"] = p(21, (H,)); inp["G2"] = p(22, (H, 2)); inp["g2b"] = p(23, (2,))
    # node_classifier: Linear(H+2*TD, H), ReLU, Linear(H, 2)
    inp["N1"] = p(24, (H + 2 * TD, H)); inp["n1b"] = p(25, (H,)); inp["N2"] = p(26, (H, 2)); inp["n2b"] = p(27, (2,))
    return inp


def reference(x, edge_index, node_indices, W1l, b1l, W1r, W2l, b2l, W2r,
              Wih_f, Whh_f, bih_f, bhh_f, Wih_b, Whh_b, bih_b, bhh_b,
              A1, a1b, A2, a2b, G1, g1b, G2, g2b, N1, n1b, N2, n2b):
    n = x.shape[1]
    src = edge_index[0]
    dst = edge_index[1]

    def sage(h, Wl, bl, Wr):
        # mean aggregation of neighbor messages (src -> dst), then lin_l(agg) + lin_r(self)
        agg = jax.ops.segment_sum(h[src], dst, num_segments=n)
        cnt = jax.ops.segment_sum(jnp.ones((src.shape[0],), jnp.float32), dst, num_segments=n)
        agg = agg / jnp.clip(cnt, 1.0)[:, None]
        return agg @ Wl + bl + h @ Wr

    embs = []
    pools = []
    for t in range(x.shape[0]):
        h = jax.nn.relu(sage(x[t], W1l, b1l, W1r))  # dropout p=0.0
        h = sage(h, W2l, b2l, W2r)
        embs.append(h)
        pools.append(h.mean(axis=0))  # global_mean_pool with single graph id
    seq = jnp.stack(pools, axis=0)[None]  # [1, T, H]

    def gru_cell(xt, hprev, Wih, Whh, bih, bhh):
        gi = xt @ Wih.T + bih
        gh = hprev @ Whh.T + bhh
        ir, iz, inn = jnp.split(gi, 3, axis=-1)
        hr, hz, hn = jnp.split(gh, 3, axis=-1)
        r = jax.nn.sigmoid(ir + hr)
        z = jax.nn.sigmoid(iz + hz)
        nn_ = jnp.tanh(inn + r * hn)
        return (1.0 - z) * nn_ + z * hprev

    Tn = seq.shape[1]
    hf = jnp.zeros((1, TD), jnp.float32)
    outs_f = []
    for t in range(Tn):
        hf = gru_cell(seq[:, t], hf, Wih_f, Whh_f, bih_f, bhh_f)
        outs_f.append(hf)
    hb = jnp.zeros((1, TD), jnp.float32)
    outs_b = [None] * Tn
    for t in range(Tn - 1, -1, -1):
        hb = gru_cell(seq[:, t], hb, Wih_b, Whh_b, bih_b, bhh_b)
        outs_b[t] = hb
    gru_out = jnp.stack([jnp.concatenate([outs_f[t], outs_b[t]], axis=-1) for t in range(Tn)], axis=1)  # [1, T, 2*TD]

    scores = jnp.tanh(gru_out @ A1 + a1b) @ A2 + a2b  # [1, T, 1]
    attw = jax.nn.softmax(scores, axis=1)
    attended = (gru_out * attw).sum(axis=1)  # [1, 2*TD]

    graph_logits = jax.nn.relu(attended @ G1 + g1b) @ G2 + g2b  # [1, 2]

    last = embs[-1]  # [N, H]
    comb = jnp.concatenate([last, jnp.broadcast_to(attended, (last.shape[0], attended.shape[1]))], axis=1)
    node_logits = jax.nn.relu(comb @ N1 + n1b) @ N2 + n2b  # [N, 2]

    return (graph_logits, node_logits, attw.squeeze(-1), last)

if __name__ == "__main__":
    import jax
    _d = setup_inputs()
    print(jax.jit(kernel)(*tuple(_d.values())))

</pallas_src>

<mosaic_0001>
#map = affine_map<(d0, d1) -> (0, 0, 0)>
#map1 = affine_map<(d0, d1) -> (0, 0)>
#map2 = affine_map<(d0, d1) -> (0, 0, 0, 0)>
#map3 = affine_map<(d0, d1) -> (0)>
module attributes {stable_mosaic.version = 14 : i64} {
  func.func @body(%arg0: i32, %arg1: i32, %arg2: memref<32x82x128xi32, #tpu.memory_space<hbm>>, %arg3: memref<32x82x128xi32, #tpu.memory_space<hbm>>, %arg4: memref<10000x128xf32, #tpu.memory_space<hbm>>, %arg5: memref<10000x128xf32, #tpu.memory_space<hbm>>, %arg6: memref<640x128xf32, #tpu.memory_space<hbm>>, %arg7: memref<2x2x10240x128xf32, #tpu.memory_space<hbm>>, %arg8: memref<20480xf32, #tpu.memory_space<hbm>>, %arg9: memref<128xi32, #tpu.memory_space<vmem>>, %arg10: memref<128xi32, #tpu.memory_space<vmem>>, %arg11: memref<128xi32, #tpu.memory_space<vmem>>, %arg12: memref<128xi32, #tpu.memory_space<vmem>>, %arg13: memref<128x128xf32, #tpu.memory_space<vmem>>, %arg14: memref<128x128xf32, #tpu.memory_space<vmem>>, %arg15: memref<10240x128xf32, #tpu.memory_space<vmem_shared>>, %arg16: memref<!tpu.dma_semaphore, #tpu.memory_space<semaphore_mem>>, %arg17: memref<!tpu.dma_semaphore, #tpu.memory_space<semaphore_mem>>, %arg18: memref<!tpu.dma_semaphore, #tpu.memory_space<semaphore_mem>>, %arg19: memref<!tpu.dma_semaphore, #tpu.memory_space<semaphore_mem>>, %arg20: memref<!tpu.dma_semaphore, #tpu.memory_space<semaphore_mem>>, %arg21: memref<!tpu.dma_semaphore, #tpu.memory_space<semaphore_mem>>, %arg22: memref<!tpu.dma_semaphore, #tpu.memory_space<semaphore_mem>>, %arg23: memref<!tpu.dma_semaphore, #tpu.memory_space<semaphore_mem>>, %arg24: memref<!tpu.dma_semaphore, #tpu.memory_space<semaphore_mem>>, %arg25: memref<!tpu.dma_semaphore, #tpu.memory_space<semaphore_mem>>, %arg26: memref<128xf32, #tpu.memory_space<vmem>>, %arg27: memref<640xf32, #tpu.memory_space<vmem>>, %arg28: memref<10240xf32, #tpu.memory_space<vmem_shared>>) attributes {dimension_semantics = [#tpu.dimension_semantics<core_parallel>, #tpu.dimension_semantics<subcore_parallel>], iteration_bounds = array<i64: 2, 16>, scalar_prefetch = 0 : i64, scratch_operands = 20 : i64, tpu.core_type = #tpu.core_type<sc_vector_subcore>, window_params = [{transform_indices = #map}, {transform_indices = #map}, {transform_indices = #map1}, {transform_indices = #map1}, {transform_indices = #map1}, {transform_indices = #map2}, {transform_indices = #map3}]} {
    %mul3A = arith.constant 2 : i32
    %mul3A_0 = arith.muli %arg1, %mul3A : i32
    %add3A = arith.addi %mul3A_0, %arg0 : i32
    %mul3A_1 = arith.constant 640 : i32
    %mul3A_2 = arith.muli %arg1, %mul3A_1 : i32
    %scan3A = arith.constant 0 : i32
    %scan3A_3 = arith.constant 8 : i32
    %scan3A_4 = arith.addi %scan3A, %scan3A_3 : i32
    %scan3A_5 = arith.constant 1 : i32
    scf.for %scan3A_285 = %scan3A to %scan3A_4 step %scan3A_5  : i32 {
      %mul3A_286 = arith.constant 1 : i32
      %mul3A_287 = arith.muli %scan3A_285, %mul3A_286 : i32
      %add3A_288 = arith.constant 0 : i32
      %add3A_289 = arith.addi %add3A_288, %mul3A_287 : i32
      %broadcast_in_dim3A = arith.constant 1.000000e+00 : f32
      %broadcast_in_dim3A_290 = vector.broadcast %broadcast_in_dim3A : f32 to vector<16xf32>
      %mul3A_291 = arith.constant 16 : i32
      %mul3A_292 = arith.muli %add3A_289, %mul3A_291 : i32
      %swap3A = arith.index_cast %mul3A_292 : i32 to index
      %swap3A_293 = tpu.vector_load %arg26[%swap3A] {strides = array<i32>} : memref<128xf32, #tpu.memory_space<vmem>>, vector<16xf32>,
      %swap3A_294 = vector.shape_cast %swap3A_293 : vector<16xf32> to vector<16xf32>
      %swap3A_295 = vector.shape_cast %broadcast_in_dim3A_290 : vector<16xf32> to vector<16xf32>
      tpu.vector_store %arg26[%swap3A], %swap3A_295 {strides = array<i32>} : memref<128xf32, #tpu.memory_space<vmem>>, vector<16xf32>,
    }
    %scan3A_6 = arith.constant 8 : i32
    %scan3A_7 = arith.constant 0 : i32
    %scan3A_8 = arith.constant 40 : i32
    %scan3A_9 = arith.addi %scan3A_7, %scan3A_8 : i32
    %scan3A_10 = arith.constant 1 : i32
    scf.for %scan3A_285 = %scan3A_7 to %scan3A_9 step %scan3A_10  : i32 {
      %mul3A_286 = arith.constant 1 : i32
      %mul3A_287 = arith.muli %scan3A_285, %mul3A_286 : i32
      %add3A_288 = arith.constant 0 : i32
      %add3A_289 = arith.addi %add3A_288, %mul3A_287 : i32
      %broadcast_in_dim3A = arith.constant 0.000000e+00 : f32
      %broadcast_in_dim3A_290 = vector.broadcast %broadcast_in_dim3A : f32 to vector<16xf32>
      %mul3A_291 = arith.constant 16 : i32
      %mul3A_292 = arith.muli %add3A_289, %mul3A_291 : i32
      %swap3A = arith.index_cast %mul3A_292 : i32 to index
      %swap3A_293 = tpu.vector_load %arg27[%swap3A] {strides = array<i32>} : memref<640xf32, #tpu.memory_space<vmem>>, vector<16xf32>,
      %swap3A_294 = vector.shape_cast %swap3A_293 : vector<16xf32> to vector<16xf32>
      %swap3A_295 = vector.shape_cast %broadcast_in_dim3A_290 : vector<16xf32> to vector<16xf32>
      tpu.vector_store %arg27[%swap3A], %swap3A_295 {strides = array<i32>} : memref<640xf32, #tpu.memory_space<vmem>>, vector<16xf32>,
    }
    %scan3A_11 = arith.constant 40 : i32
    %mul3A_12 = arith.constant 640 : i32
    %mul3A_13 = arith.muli %arg1, %mul3A_12 : i32
    "tpu.region"() ({
      %run_scoped3A_285 = tpu.sem_alloc : memref<!tpu.dma_semaphore, #tpu.memory_space<semaphore_mem>>
      %dma_start3A_286 = tpu.memref_slice %arg28[%mul3A_13] : memref<10240xf32, #tpu.memory_space<vmem_shared>> -> memref<640xf32, #tpu.memory_space<vmem_shared>>
      %dma_start3A_287 = tpu.memref_slice %arg28[%mul3A_13] : memref<10240xf32, #tpu.memory_space<vmem_shared>> -> memref<640xf32, #tpu.memory_space<vmem_shared>>
      tpu.enqueue_dma source(%arg27 : memref<640xf32, #tpu.memory_space<vmem>>) target(%dma_start3A_287 : memref<640xf32, #tpu.memory_space<vmem_shared>>) target_semaphore(%run_scoped3A_285 : memref<!tpu.dma_semaphore, #tpu.memory_space<semaphore_mem>>)
      %dma_wait3A_288 = tpu.memref_slice %arg28[%mul3A_13] : memref<10240xf32, #tpu.memory_space<vmem_shared>> -> memref<640xf32, #tpu.memory_space<vmem_shared>>
      %dma_wait3A_289 = tpu.memref_slice %arg28[%mul3A_13] : memref<10240xf32, #tpu.memory_space<vmem_shared>> -> memref<640xf32, #tpu.memory_space<vmem_shared>>
      tpu.wait_dma2 semaphore(%run_scoped3A_285 : memref<!tpu.dma_semaphore, #tpu.memory_space<semaphore_mem>>) src(%arg27 : memref<640xf32, #tpu.memory_space<vmem>>) dst(%dma_wait3A_289 : memref<640xf32, #tpu.memory_space<vmem_shared>>)
      tpu.yield
    }) : () -> ()
    %barrier3A = arith.constant 0 : index
    tpu.barrier barrier_id(%barrier3A)
    %run_scoped3A = arith.constant 0 : i32
    "tpu.region"() ({
      %run_scoped3A_285 = tpu.sem_alloc : memref<!tpu.dma_semaphore, #tpu.memory_space<semaphore_mem>>
      %dma_start3A_286 = arith.constant 0 : i32
      %dma_start3A_287 = tpu.memref_slice %arg3[%add3A, %run_scoped3A, %dma_start3A_286] : memref<32x82x128xi32, #tpu.memory_space<hbm>> -> memref<1x1x128xi32, #tpu.memory_space<hbm>>
      %dma_start3A_288 = tpu.memref_squeeze %dma_start3A_287 : memref<1x1x128xi32, #tpu.memory_space<hbm>> -> memref<128xi32, #tpu.memory_space<hbm>>
      %dma_start3A_289 = arith.constant 0 : i32
      %dma_start3A_290 = tpu.memref_slice %arg3[%add3A, %run_scoped3A, %dma_start3A_289] : memref<32x82x128xi32, #tpu.memory_space<hbm>> -> memref<1x1x128xi32, #tpu.memory_space<hbm>>
      %dma_start3A_291 = tpu.memref_squeeze %dma_start3A_290 : memref<1x1x128xi32, #tpu.memory_space<hbm>> -> memref<128xi32, #tpu.memory_space<hbm>>
      tpu.enqueue_dma source(%dma_start3A_291 : memref<128xi32, #tpu.memory_space<hbm>>) target(%arg11 : memref<128xi32, #tpu.memory_space<vmem>>) target_semaphore(%run_scoped3A_285 : memref<!tpu.dma_semaphore, #tpu.memory_space<semaphore_mem>>)
      %dma_wait3A_292 = arith.constant 0 : i32
      %dma_wait3A_293 = tpu.memref_slice %arg3[%add3A, %run_scoped3A, %dma_wait3A_292] : memref<32x82x128xi32, #tpu.memory_space<hbm>> -> memref<1x1x128xi32, #tpu.memory_space<hbm>>
      %dma_wait3A_294 = tpu.memref_squeeze %dma_wait3A_293 : memref<1x1x128xi32, #tpu.memory_space<hbm>> -> memref<128xi32, #tpu.memory_space<hbm>>
      %dma_wait3A_295 = arith.constant 0 : i32
      %dma_wait3A_296 = tpu.memref_slice %arg3[%add3A, %run_scoped3A, %dma_wait3A_295] : memref<32x82x128xi32, #tpu.memory_space<hbm>> -> memref<1x1x128xi32, #tpu.memory_space<hbm>>
      %dma_wait3A_297 = tpu.memref_squeeze %dma_wait3A_296 : memref<1x1x128xi32, #tpu.memory_space<hbm>> -> memref<128xi32, #tpu.memory_space<hbm>>
      tpu.wait_dma2 semaphore(%run_scoped3A_285 : memref<!tpu.dma_semaphore, #tpu.memory_space<semaphore_mem>>) src(%dma_wait3A_297 : memref<128xi32, #tpu.memory_space<hbm>>) dst(%arg11 : memref<128xi32, #tpu.memory_space<vmem>>)
      tpu.yield
    }) : () -> ()
    %dma_start3A = arith.constant 0 : i32
    %dma_start3A_14 = tpu.memref_slice %arg28[%dma_start3A] : memref<10240xf32, #tpu.memory_space<vmem_shared>> -> memref<10240xf32, #tpu.memory_space<vmem_shared>>
    tpu.enqueue_indirect_dma source(%arg26 : memref<128xf32, #tpu.memory_space<vmem>>) target(%dma_start3A_14 : memref<10240xf32, #tpu.memory_space<vmem_shared>>) offsets(%arg11 : memref<128xi32, #tpu.memory_space<vmem>>) semaphore(%arg18 : memref<!tpu.dma_semaphore, #tpu.memory_space<semaphore_mem>>) {add = true}
    %dma_start3A_15 = arith.constant 1 : i32
    %dma_start3A_16 = arith.constant 0 : i32
    %dma_start3A_17 = tpu.memref_slice %arg3[%add3A, %dma_start3A_15, %dma_start3A_16] : memref<32x82x128xi32, #tpu.memory_space<hbm>> -> memref<1x1x128xi32, #tpu.memory_space<hbm>>
    %dma_start3A_18 = tpu.memref_squeeze %dma_start3A_17 : memref<1x1x128xi32, #tpu.memory_space<hbm>> -> memref<128xi32, #tpu.memory_space<hbm>>
    %dma_start3A_19 = arith.constant 0 : i32
    %dma_start3A_20 = tpu.memref_slice %arg3[%add3A, %dma_start3A_15, %dma_start3A_19] : memref<32x82x128xi32, #tpu.memory_space<hbm>> -> memref<1x1x128xi32, #tpu.memory_space<hbm>>
    %dma_start3A_21 = tpu.memref_squeeze %dma_start3A_20 : memref<1x1x128xi32, #tpu.memory_space<hbm>> -> memref<128xi32, #tpu.memory_space<hbm>>
    tpu.enqueue_dma source(%dma_start3A_21 : memref<128xi32, #tpu.memory_space<hbm>>) target(%arg12 : memref<128xi32, #tpu.memory_space<vmem>>) target_semaphore(%arg23 : memref<!tpu.dma_semaphore, #tpu.memory_space<semaphore_mem>>)
    %scan3A_22 = arith.constant 0 : i32
    %scan3A_23 = arith.constant 40 : i32
    %scan3A_24 = arith.addi %scan3A_22, %scan3A_23 : i32
    %scan3A_25 = arith.constant 1 : i32
    scf.for %scan3A_285 = %scan3A_22 to %scan3A_24 step %scan3A_25  : i32 {
      %mul3A_286 = arith.constant 1 : i32
      %mul3A_287 = arith.muli %scan3A_285, %mul3A_286 : i32
      %add3A_288 = arith.constant 0 : i32
      %add3A_289 = arith.addi %add3A_288, %mul3A_287 : i32
      %mul3A_290 = arith.constant 2 : i32
      %mul3A_291 = arith.muli %add3A_289, %mul3A_290 : i32
      %add3A_292 = arith.constant 1 : i32
      %add3A_293 = arith.addi %mul3A_291, %add3A_292 : i32
      %dma_wait3A_294 = arith.constant 0 : i32
      %dma_wait3A_295 = tpu.memref_slice %arg3[%add3A, %add3A_293, %dma_wait3A_294] : memref<32x82x128xi32, #tpu.memory_space<hbm>> -> memref<1x1x128xi32, #tpu.memory_space<hbm>>
      %dma_wait3A_296 = tpu.memref_squeeze %dma_wait3A_295 : memref<1x1x128xi32, #tpu.memory_space<hbm>> -> memref<128xi32, #tpu.memory_space<hbm>>
      %dma_wait3A_297 = arith.constant 0 : i32
      %dma_wait3A_298 = tpu.memref_slice %arg3[%add3A, %add3A_293, %dma_wait3A_297] : memref<32x82x128xi32, #tpu.memory_space<hbm>> -> memref<1x1x128xi32, #tpu.memory_space<hbm>>
      %dma_wait3A_299 = tpu.memref_squeeze %dma_wait3A_298 : memref<1x1x128xi32, #tpu.memory_space<hbm>> -> memref<128xi32, #tpu.memory_space<hbm>>
      tpu.wait_dma2 semaphore(%arg23 : memref<!tpu.dma_semaphore, #tpu.memory_space<semaphore_mem>>) src(%dma_wait3A_299 : memref<128xi32, #tpu.memory_space<hbm>>) dst(%arg12 : memref<128xi32, #tpu.memory_space<vmem>>)
      %dma_start3A_300 = arith.constant 0 : i32
      %dma_start3A_301 = tpu.memref_slice %arg28[%dma_start3A_300] : memref<10240xf32, #tpu.memory_space<vmem_shared>> -> memref<10240xf32, #tpu.memory_space<vmem_shared>>
      tpu.enqueue_indirect_dma source(%arg26 : memref<128xf32, #tpu.memory_space<vmem>>) target(%dma_start3A_301 : memref<10240xf32, #tpu.memory_space<vmem_shared>>) offsets(%arg12 : memref<128xi32, #tpu.memory_space<vmem>>) semaphore(%arg19 : memref<!tpu.dma_semaphore, #tpu.memory_space<semaphore_mem>>) {add = true}
      %dma_wait3A_302 = arith.constant 0 : i32
      %dma_wait3A_303 = tpu.memref_slice %arg28[%dma_wait3A_302] : memref<10240xf32, #tpu.memory_space<vmem_shared>> -> memref<10240xf32, #tpu.memory_space<vmem_shared>>
      tpu.wait_indirect_dma semaphore(%arg18 : memref<!tpu.dma_semaphore, #tpu.memory_space<semaphore_mem>>) src(%arg26 : memref<128xf32, #tpu.memory_space<vmem>>) dst(%dma_wait3A_303 : memref<10240xf32, #tpu.memory_space<vmem_shared>>)
      %add3A_304 = arith.constant 2 : i32
      %add3A_305 = arith.addi %mul3A_291, %add3A_304 : i32
      %dma_start3A_306 = arith.constant 0 : i32
      %dma_start3A_307 = tpu.memref_slice %arg3[%add3A, %add3A_305, %dma_start3A_306] : memref<32x82x128xi32, #tpu.memory_space<hbm>> -> memref<1x1x128xi32, #tpu.memory_space<hbm>>
      %dma_start3A_308 = tpu.memref_squeeze %dma_start3A_307 : memref<1x1x128xi32, #tpu.memory_space<hbm>> -> memref<128xi32, #tpu.memory_space<hbm>>
      %dma_start3A_309 = arith.constant 0 : i32
      %dma_start3A_310 = tpu.memref_slice %arg3[%add3A, %add3A_305, %dma_start3A_309] : memref<32x82x128xi32, #tpu.memory_space<hbm>> -> memref<1x1x128xi32, #tpu.memory_space<hbm>>
      %dma_start3A_311 = tpu.memref_squeeze %dma_start3A_310 : memref<1x1x128xi32, #tpu.memory_space<hbm>> -> memref<128xi32, #tpu.memory_space<hbm>>
      tpu.enqueue_dma source(%dma_start3A_311 : memref<128xi32, #tpu.memory_space<hbm>>) target(%arg11 : memref<128xi32, #tpu.memory_space<vmem>>) target_semaphore(%arg22 : memref<!tpu.dma_semaphore, #tpu.memory_space<semaphore_mem>>)
      %add3A_312 = arith.constant 2 : i32
      %add3A_313 = arith.addi %mul3A_291, %add3A_312 : i32
      %dma_wait3A_314 = arith.constant 0 : i32
      %dma_wait3A_315 = tpu.memref_slice %arg3[%add3A, %add3A_313, %dma_wait3A_314] : memref<32x82x128xi32, #tpu.memory_space<hbm>> -> memref<1x1x128xi32, #tpu.memory_space<hbm>>
      %dma_wait3A_316 = tpu.memref_squeeze %dma_wait3A_315 : memref<1x1x128xi32, #tpu.memory_space<hbm>> -> memref<128xi32, #tpu.memory_space<hbm>>
      %dma_wait3A_317 = arith.constant 0 : i32
      %dma_wait3A_318 = tpu.memref_slice %arg3[%add3A, %add3A_313, %dma_wait3A_317] : memref<32x82x128xi32, #tpu.memory_space<hbm>> -> memref<1x1x128xi32, #tpu.memory_space<hbm>>
      %dma_wait3A_319 = tpu.memref_squeeze %dma_wait3A_318 : memref<1x1x128xi32, #tpu.memory_space<hbm>> -> memref<128xi32, #tpu.memory_space<hbm>>
      tpu.wait_dma2 semaphore(%arg22 : memref<!tpu.dma_semaphore, #tpu.memory_space<semaphore_mem>>) src(%dma_wait3A_319 : memref<128xi32, #tpu.memory_space<hbm>>) dst(%arg11 : memref<128xi32, #tpu.memory_space<vmem>>)
      %dma_start3A_320 = arith.constant 0 : i32
      %dma_start3A_321 = tpu.memref_slice %arg28[%dma_start3A_320] : memref<10240xf32, #tpu.memory_space<vmem_shared>> -> memref<10240xf32, #tpu.memory_space<vmem_shared>>
      tpu.enqueue_indirect_dma source(%arg26 : memref<128xf32, #tpu.memory_space<vmem>>) target(%dma_start3A_321 : memref<10240xf32, #tpu.memory_space<vmem_shared>>) offsets(%arg11 : memref<128xi32, #tpu.memory_space<vmem>>) semaphore(%arg18 : memref<!tpu.dma_semaphore, #tpu.memory_space<semaphore_mem>>) {add = true}
      %dma_wait3A_322 = arith.constant 0 : i32
      %dma_wait3A_323 = tpu.memref_slice %arg28[%dma_wait3A_322] : memref<10240xf32, #tpu.memory_space<vmem_shared>> -> memref<10240xf32, #tpu.memory_space<vmem_shared>>
      tpu.wait_indirect_dma semaphore(%arg19 : memref<!tpu.dma_semaphore, #tpu.memory_space<semaphore_mem>>) src(%arg26 : memref<128xf32, #tpu.memory_space<vmem>>) dst(%dma_wait3A_323 : memref<10240xf32, #tpu.memory_space<vmem_shared>>)
      %add3A_324 = arith.constant 3 : i32
      %add3A_325 = arith.addi %mul3A_291, %add3A_324 : i32
      %dma_start3A_326 = arith.constant 0 : i32
      %dma_start3A_327 = tpu.memref_slice %arg3[%add3A, %add3A_325, %dma_start3A_326] : memref<32x82x128xi32, #tpu.memory_space<hbm>> -> memref<1x1x128xi32, #tpu.memory_space<hbm>>
      %dma_start3A_328 = tpu.memref_squeeze %dma_start3A_327 : memref<1x1x128xi32, #tpu.memory_space<hbm>> -> memref<128xi32, #tpu.memory_space<hbm>>
      %dma_start3A_329 = arith.constant 0 : i32
      %dma_start3A_330 = tpu.memref_slice %arg3[%add3A, %add3A_325, %dma_start3A_329] : memref<32x82x128xi32, #tpu.memory_space<hbm>> -> memref<1x1x128xi32, #tpu.memory_space<hbm>>
      %dma_start3A_331 = tpu.memref_squeeze %dma_start3A_330 : memref<1x1x128xi32, #tpu.memory_space<hbm>> -> memref<128xi32, #tpu.memory_space<hbm>>
      tpu.enqueue_dma source(%dma_start3A_331 : memref<128xi32, #tpu.memory_space<hbm>>) target(%arg12 : memref<128xi32, #tpu.memory_space<vmem>>) target_semaphore(%arg23 : memref<!tpu.dma_semaphore, #tpu.memory_space<semaphore_mem>>)
    }
    %scan3A_26 = arith.constant 40 : i32
    %dma_wait3A = arith.constant 0 : i32
    %dma_wait3A_27 = tpu.memref_slice %arg28[%dma_wait3A] : memref<10240xf32, #tpu.memory_space<vmem_shared>> -> memref<10240xf32, #tpu.memory_space<vmem_shared>>
    tpu.wait_indirect_dma semaphore(%arg18 : memref<!tpu.dma_semaphore, #tpu.memory_space<semaphore_mem>>) src(%arg26 : memref<128xf32, #tpu.memory_space<vmem>>) dst(%dma_wait3A_27 : memref<10240xf32, #tpu.memory_space<vmem_shared>>)
    %dma_wait3A_28 = arith.constant 81 : i32
    %dma_wait3A_29 = arith.constant 0 : i32
    %dma_wait3A_30 = tpu.memref_slice %arg3[%add3A, %dma_wait3A_28, %dma_wait3A_29] : memref<32x82x128xi32, #tpu.memory_space<hbm>> -> memref<1x1x128xi32, #tpu.memory_space<hbm>>
    %dma_wait3A_31 = tpu.memref_squeeze %dma_wait3A_30 : memref<1x1x128xi32, #tpu.memory_space<hbm>> -> memref<128xi32, #tpu.memory_space<hbm>>
    %dma_wait3A_32 = arith.constant 0 : i32
    %dma_wait3A_33 = tpu.memref_slice %arg3[%add3A, %dma_wait3A_28, %dma_wait3A_32] : memref<32x82x128xi32, #tpu.memory_space<hbm>> -> memref<1x1x128xi32, #tpu.memory_space<hbm>>
    %dma_wait3A_34 = tpu.memref_squeeze %dma_wait3A_33 : memref<1x1x128xi32, #tpu.memory_space<hbm>> -> memref<128xi32, #tpu.memory_space<hbm>>
    tpu.wait_dma2 semaphore(%arg23 : memref<!tpu.dma_semaphore, #tpu.memory_space<semaphore_mem>>) src(%dma_wait3A_34 : memref<128xi32, #tpu.memory_space<hbm>>) dst(%arg12 : memref<128xi32, #tpu.memory_space<vmem>>)
    %barrier3A_35 = arith.constant 0 : index
    tpu.barrier barrier_id(%barrier3A_35)
    %mul3A_36 = arith.constant 640 : i32
    %mul3A_37 = arith.muli %arg1, %mul3A_36 : i32
    "tpu.region"() ({
      %run_scoped3A_285 = tpu.sem_alloc : memref<!tpu.dma_semaphore, #tpu.memory_space<semaphore_mem>>
      %dma_start3A_286 = tpu.memref_slice %arg28[%mul3A_37] : memref<10240xf32, #tpu.memory_space<vmem_shared>> -> memref<640xf32, #tpu.memory_space<vmem_shared>>
      %dma_start3A_287 = tpu.memref_slice %arg28[%mul3A_37] : memref<10240xf32, #tpu.memory_space<vmem_shared>> -> memref<640xf32, #tpu.memory_space<vmem_shared>>
      tpu.enqueue_dma source(%dma_start3A_287 : memref<640xf32, #tpu.memory_space<vmem_shared>>) target(%arg27 : memref<640xf32, #tpu.memory_space<vmem>>) target_semaphore(%run_scoped3A_285 : memref<!tpu.dma_semaphore, #tpu.memory_space<semaphore_mem>>)
      %dma_wait3A_288 = tpu.memref_slice %arg28[%mul3A_37] : memref<10240xf32, #tpu.memory_space<vmem_shared>> -> memref<640xf32, #tpu.memory_space<vmem_shared>>
      %dma_wait3A_289 = tpu.memref_slice %arg28[%mul3A_37] : memref<10240xf32, #tpu.memory_space<vmem_shared>> -> memref<640xf32, #tpu.memory_space<vmem_shared>>
      tpu.wait_dma2 semaphore(%run_scoped3A_285 : memref<!tpu.dma_semaphore, #tpu.memory_space<semaphore_mem>>) src(%dma_wait3A_289 : memref<640xf32, #tpu.memory_space<vmem_shared>>) dst(%arg27 : memref<640xf32, #tpu.memory_space<vmem>>)
      tpu.yield
    }) : () -> ()
    %mul3A_38 = arith.constant 10240 : i32
    %mul3A_39 = arith.muli %arg0, %mul3A_38 : i32
    %mul3A_40 = arith.constant 640 : i32
    %mul3A_41 = arith.muli %arg1, %mul3A_40 : i32
    %add3A_42 = arith.addi %mul3A_39, %mul3A_41 : i32
    "tpu.region"() ({
      %run_scoped3A_285 = tpu.sem_alloc : memref<!tpu.dma_semaphore, #tpu.memory_space<semaphore_mem>>
      %dma_start3A_286 = tpu.memref_slice %arg8[%add3A_42] : memref<20480xf32, #tpu.memory_space<hbm>> -> memref<640xf32, #tpu.memory_space<hbm>>
      %dma_start3A_287 = tpu.memref_slice %arg8[%add3A_42] : memref<20480xf32, #tpu.memory_space<hbm>> -> memref<640xf32, #tpu.memory_space<hbm>>
      tpu.enqueue_dma source(%arg27 : memref<640xf32, #tpu.memory_space<vmem>>) target(%dma_start3A_287 : memref<640xf32, #tpu.memory_space<hbm>>) target_semaphore(%run_scoped3A_285 : memref<!tpu.dma_semaphore, #tpu.memory_space<semaphore_mem>>)
      %dma_wait3A_288 = tpu.memref_slice %arg8[%add3A_42] : memref<20480xf32, #tpu.memory_space<hbm>> -> memref<640xf32, #tpu.memory_space<hbm>>
      %dma_wait3A_289 = tpu.memref_slice %arg8[%add3A_42] : memref<20480xf32, #tpu.memory_space<hbm>> -> memref<640xf32, #tpu.memory_space<hbm>>
      tpu.wait_dma2 semaphore(%run_scoped3A_285 : memref<!tpu.dma_semaphore, #tpu.memory_space<semaphore_mem>>) src(%arg27 : memref<640xf32, #tpu.memory_space<vmem>>) dst(%dma_wait3A_289 : memref<640xf32, #tpu.memory_space<hbm>>)
      tpu.yield
    }) : () -> ()
    "tpu.region"() ({
      %run_scoped3A_285 = tpu.sem_alloc : memref<!tpu.dma_semaphore, #tpu.memory_space<semaphore_mem>>
      %dma_start3A_286 = arith.constant 0 : i32
      %dma_start3A_287 = tpu.memref_slice %arg15[%mul3A_2, %dma_start3A_286] : memref<10240x128xf32, #tpu.memory_space<vmem_shared>> -> memref<640x128xf32, #tpu.memory_space<vmem_shared>>
      tpu.enqueue_dma source(%arg6 : memref<640x128xf32, #tpu.memory_space<hbm>>) target(%dma_start3A_287 : memref<640x128xf32, #tpu.memory_space<vmem_shared>>) target_semaphore(%run_scoped3A_285 : memref<!tpu.dma_semaphore, #tpu.memory_space<semaphore_mem>>)
      %dma_wait3A_288 = arith.constant 0 : i32
      %dma_wait3A_289 = tpu.memref_slice %arg15[%mul3A_2, %dma_wait3A_288] : memref<10240x128xf32, #tpu.memory_space<vmem_shared>> -> memref<640x128xf32, #tpu.memory_space<vmem_shared>>
      tpu.wait_dma2 semaphore(%run_scoped3A_285 : memref<!tpu.dma_semaphore, #tpu.memory_space<semaphore_mem>>) src(%arg6 : memref<640x128xf32, #tpu.memory_space<hbm>>) dst(%dma_wait3A_289 : memref<640x128xf32, #tpu.memory_space<vmem_shared>>)
      tpu.yield
    }) : () -> ()
    %barrier3A_43 = arith.constant 0 : index
    tpu.barrier barrier_id(%barrier3A_43)
    %run_scoped3A_44 = arith.constant 0 : i32
    "tpu.region"() ({
      %run_scoped3A_285 = tpu.sem_alloc : memref<!tpu.dma_semaphore, #tpu.memory_space<semaphore_mem>>
      %dma_start3A_286 = arith.constant 0 : i32
      %dma_start3A_287 = tpu.memref_slice %arg2[%add3A, %run_scoped3A_44, %dma_start3A_286] : memref<32x82x128xi32, #tpu.memory_space<hbm>> -> memref<1x1x128xi32, #tpu.memory_space<hbm>>
      %dma_start3A_288 = tpu.memref_squeeze %dma_start3A_287 : memref<1x1x128xi32, #tpu.memory_space<hbm>> -> memref<128xi32, #tpu.memory_space<hbm>>
      %dma_start3A_289 = arith.constant 0 : i32
      %dma_start3A_290 = tpu.memref_slice %arg2[%add3A, %run_scoped3A_44, %dma_start3A_289] : memref<32x82x128xi32, #tpu.memory_space<hbm>> -> memref<1x1x128xi32, #tpu.memory_space<hbm>>
      %dma_start3A_291 = tpu.memref_squeeze %dma_start3A_290 : memref<1x1x128xi32, #tpu.memory_space<hbm>> -> memref<128xi32, #tpu.memory_space<hbm>>
      tpu.enqueue_dma source(%dma_start3A_291 : memref<128xi32, #tpu.memory_space<hbm>>) target(%arg9 : memref<128xi32, #tpu.memory_space<vmem>>) target_semaphore(%run_scoped3A_285 : memref<!tpu.dma_semaphore, #tpu.memory_space<semaphore_mem>>)
      %dma_wait3A_292 = arith.constant 0 : i32
      %dma_wait3A_293 = tpu.memref_slice %arg2[%add3A, %run_scoped3A_44, %dma_wait3A_292] : memref<32x82x128xi32, #tpu.memory_space<hbm>> -> memref<1x1x128xi32, #tpu.memory_space<hbm>>
      %dma_wait3A_294 = tpu.memref_squeeze %dma_wait3A_293 : memref<1x1x128xi32, #tpu.memory_space<hbm>> -> memref<128xi32, #tpu.memory_space<hbm>>
      %dma_wait3A_295 = arith.constant 0 : i32
      %dma_wait3A_296 = tpu.memref_slice %arg2[%add3A, %run_scoped3A_44, %dma_wait3A_295] : memref<32x82x128xi32, #tpu.memory_space<hbm>> -> memref<1x1x128xi32, #tpu.memory_space<hbm>>
      %dma_wait3A_297 = tpu.memref_squeeze %dma_wait3A_296 : memref<1x1x128xi32, #tpu.memory_space<hbm>> -> memref<128xi32, #tpu.memory_space<hbm>>
      tpu.wait_dma2 semaphore(%run_scoped3A_285 : memref<!tpu.dma_semaphore, #tpu.memory_space<semaphore_mem>>) src(%dma_wait3A_297 : memref<128xi32, #tpu.memory_space<hbm>>) dst(%arg9 : memref<128xi32, #tpu.memory_space<vmem>>)
      tpu.yield
    }) : () -> ()
    %run_scoped3A_45 = arith.constant 0 : i32
    "tpu.region"() ({
      %run_scoped3A_285 = tpu.sem_alloc : memref<!tpu.dma_semaphore, #tpu.memory_space<semaphore_mem>>
      %dma_start3A_286 = arith.constant 0 : i32
      %dma_start3A_287 = tpu.memref_slice %arg3[%add3A, %run_scoped3A_45, %dma_start3A_286] : memref<32x82x128xi32, #tpu.memory_space<hbm>> -> memref<1x1x128xi32, #tpu.memory_space<hbm>>
      %dma_start3A_288 = tpu.memref_squeeze %dma_start3A_287 : memref<1x1x128xi32, #tpu.memory_space<hbm>> -> memref<128xi32, #tpu.memory_space<hbm>>
      %dma_start3A_289 = arith.constant 0 : i32
      %dma_start3A_290 = tpu.memref_slice %arg3[%add3A, %run_scoped3A_45, %dma_start3A_289] : memref<32x82x128xi32, #tpu.memory_space<hbm>> -> memref<1x1x128xi32, #tpu.memory_space<hbm>>
      %dma_start3A_291 = tpu.memref_squeeze %dma_start3A_290 : memref<1x1x128xi32, #tpu.memory_space<hbm>> -> memref<128xi32, #tpu.memory_space<hbm>>
      tpu.enqueue_dma source(%dma_start3A_291 : memref<128xi32, #tpu.memory_space<hbm>>) target(%arg11 : memref<128xi32, #tpu.memory_space<vmem>>) target_semaphore(%run_scoped3A_285 : memref<!tpu.dma_semaphore, #tpu.memory_space<semaphore_mem>>)
      %dma_wait3A_292 = arith.constant 0 : i32
      %dma_wait3A_293 = tpu.memref_slice %arg3[%add3A, %run_scoped3A_45, %dma_wait3A_292] : memref<32x82x128xi32, #tpu.memory_space<hbm>> -> memref<1x1x128xi32, #tpu.memory_space<hbm>>
      %dma_wait3A_294 = tpu.memref_squeeze %dma_wait3A_293 : memref<1x1x128xi32, #tpu.memory_space<hbm>> -> memref<128xi32, #tpu.memory_space<hbm>>
      %dma_wait3A_295 = arith.constant 0 : i32
      %dma_wait3A_296 = tpu.memref_slice %arg3[%add3A, %run_scoped3A_45, %dma_wait3A_295] : memref<32x82x128xi32, #tpu.memory_space<hbm>> -> memref<1x1x128xi32, #tpu.memory_space<hbm>>
      %dma_wait3A_297 = tpu.memref_squeeze %dma_wait3A_296 : memref<1x1x128xi32, #tpu.memory_space<hbm>> -> memref<128xi32, #tpu.memory_space<hbm>>
      tpu.wait_dma2 semaphore(%run_scoped3A_285 : memref<!tpu.dma_semaphore, #tpu.memory_space<semaphore_mem>>) src(%dma_wait3A_297 : memref<128xi32, #tpu.memory_space<hbm>>) dst(%arg11 : memref<128xi32, #tpu.memory_space<vmem>>)
      tpu.yield
    }) : () -> ()
    %dma_start3A_46 = arith.constant 0 : i32
    %dma_start3A_47 = arith.constant 0 : i32
    %dma_start3A_48 = tpu.memref_slice %arg4[%dma_start3A_46, %dma_start3A_47] : memref<10000x128xf32, #tpu.memory_space<hbm>> -> memref<10000x128xf32, #tpu.memory_space<hbm>>
    tpu.enqueue_indirect_dma source(%dma_start3A_48 : memref<10000x128xf32, #tpu.memory_space<hbm>>) target(%arg13 : memref<128x128xf32, #tpu.memory_space<vmem>>) offsets(%arg9 : memref<128xi32, #tpu.memory_space<vmem>>) semaphore(%arg16 : memref<!tpu.dma_semaphore, #tpu.memory_space<semaphore_mem>>)
    %dma_start3A_49 = arith.constant 1 : i32
    %dma_start3A_50 = arith.constant 0 : i32
    %dma_start3A_51 = tpu.memref_slice %arg2[%add3A, %dma_start3A_49, %dma_start3A_50] : memref<32x82x128xi32, #tpu.memory_space<hbm>> -> memref<1x1x128xi32, #tpu.memory_space<hbm>>
    %dma_start3A_52 = tpu.memref_squeeze %dma_start3A_51 : memref<1x1x128xi32, #tpu.memory_space<hbm>> -> memref<128xi32, #tpu.memory_space<hbm>>
    %dma_start3A_53 = arith.constant 0 : i32
    %dma_start3A_54 = tpu.memref_slice %arg2[%add3A, %dma_start3A_49, %dma_start3A_53] : memref<32x82x128xi32, #tpu.memory_space<hbm>> -> memref<1x1x128xi32, #tpu.memory_space<hbm>>
    %dma_start3A_55 = tpu.memref_squeeze %dma_start3A_54 : memref<1x1x128xi32, #tpu.memory_space<hbm>> -> memref<128xi32, #tpu.memory_space<hbm>>
    tpu.enqueue_dma source(%dma_start3A_55 : memref<128xi32, #tpu.memory_space<hbm>>) target(%arg10 : memref<128xi32, #tpu.memory_space<vmem>>) target_semaphore(%arg21 : memref<!tpu.dma_semaphore, #tpu.memory_space<semaphore_mem>>)
    %dma_wait3A_56 = arith.constant 0 : i32
    %dma_wait3A_57 = arith.constant 0 : i32
    %dma_wait3A_58 = tpu.memref_slice %arg4[%dma_wait3A_56, %dma_wait3A_57] : memref<10000x128xf32, #tpu.memory_space<hbm>> -> memref<10000x128xf32, #tpu.memory_space<hbm>>
    tpu.wait_indirect_dma semaphore(%arg16 : memref<!tpu.dma_semaphore, #tpu.memory_space<semaphore_mem>>) src(%dma_wait3A_58 : memref<10000x128xf32, #tpu.memory_space<hbm>>) dst(%arg13 : memref<128x128xf32, #tpu.memory_space<vmem>>)
    %dma_wait3A_59 = arith.constant 1 : i32
    %dma_wait3A_60 = arith.constant 0 : i32
    %dma_wait3A_61 = tpu.memref_slice %arg2[%add3A, %dma_wait3A_59, %dma_wait3A_60] : memref<32x82x128xi32, #tpu.memory_space<hbm>> -> memref<1x1x128xi32, #tpu.memory_space<hbm>>
    %dma_wait3A_62 = tpu.memref_squeeze %dma_wait3A_61 : memref<1x1x128xi32, #tpu.memory_space<hbm>> -> memref<128xi32, #tpu.memory_space<hbm>>
    %dma_wait3A_63 = arith.constant 0 : i32
    %dma_wait3A_64 = tpu.memref_slice %arg2[%add3A, %dma_wait3A_59, %dma_wait3A_63] : memref<32x82x128xi32, #tpu.memory_space<hbm>> -> memref<1x1x128xi32, #tpu.memory_space<hbm>>
    %dma_wait3A_65 = tpu.memref_squeeze %dma_wait3A_64 : memref<1x1x128xi32, #tpu.memory_space<hbm>> -> memref<128xi32, #tpu.memory_space<hbm>>
    tpu.wait_dma2 semaphore(%arg21 : memref<!tpu.dma_semaphore, #tpu.memory_space<semaphore_mem>>) src(%dma_wait3A_65 : memref<128xi32, #tpu.memory_space<hbm>>) dst(%arg10 : memref<128xi32, #tpu.memory_space<vmem>>)
    %dma_start3A_66 = arith.constant 0 : i32
    %dma_start3A_67 = arith.constant 0 : i32
    %dma_start3A_68 = tpu.memref_slice %arg4[%dma_start3A_66, %dma_start3A_67] : memref<10000x128xf32, #tpu.memory_space<hbm>> -> memref<10000x128xf32, #tpu.memory_space<hbm>>
    tpu.enqueue_indirect_dma source(%dma_start3A_68 : memref<10000x128xf32, #tpu.memory_space<hbm>>) target(%arg14 : memref<128x128xf32, #tpu.memory_space<vmem>>) offsets(%arg10 : memref<128xi32, #tpu.memory_space<vmem>>) semaphore(%arg17 : memref<!tpu.dma_semaphore, #tpu.memory_space<semaphore_mem>>)
    %dma_start3A_69 = arith.constant 1 : i32
    %dma_start3A_70 = arith.constant 0 : i32
    %dma_start3A_71 = tpu.memref_slice %arg3[%add3A, %dma_start3A_69, %dma_start3A_70] : memref<32x82x128xi32, #tpu.memory_space<hbm>> -> memref<1x1x128xi32, #tpu.memory_space<hbm>>
    %dma_start3A_72 = tpu.memref_squeeze %dma_start3A_71 : memref<1x1x128xi32, #tpu.memory_space<hbm>> -> memref<128xi32, #tpu.memory_space<hbm>>
    %dma_start3A_73 = arith.constant 0 : i32
    %dma_start3A_74 = tpu.memref_slice %arg3[%add3A, %dma_start3A_69, %dma_start3A_73] : memref<32x82x128xi32, #tpu.memory_space<hbm>> -> memref<1x1x128xi32, #tpu.memory_space<hbm>>
    %dma_start3A_75 = tpu.memref_squeeze %dma_start3A_74 : memref<1x1x128xi32, #tpu.memory_space<hbm>> -> memref<128xi32, #tpu.memory_space<hbm>>
    tpu.enqueue_dma source(%dma_start3A_75 : memref<128xi32, #tpu.memory_space<hbm>>) target(%arg12 : memref<128xi32, #tpu.memory_space<vmem>>) target_semaphore(%arg23 : memref<!tpu.dma_semaphore, #tpu.memory_space<semaphore_mem>>)
    %dma_start3A_76 = arith.constant 0 : i32
    %dma_start3A_77 = arith.constant 0 : i32
    %dma_start3A_78 = tpu.memref_slice %arg15[%dma_start3A_76, %dma_start3A_77] : memref<10240x128xf32, #tpu.memory_space<vmem_shared>> -> memref<10240x128xf32, #tpu.memory_space<vmem_shared>>
    tpu.enqueue_indirect_dma source(%arg13 : memref<128x128xf32, #tpu.memory_space<vmem>>) target(%dma_start3A_78 : memref<10240x128xf32, #tpu.memory_space<vmem_shared>>) offsets(%arg11 : memref<128xi32, #tpu.memory_space<vmem>>) semaphore(%arg18 : memref<!tpu.dma_semaphore, #tpu.memory_space<semaphore_mem>>) {add = true}
    %dma_start3A_79 = arith.constant 2 : i32
    %dma_start3A_80 = arith.constant 0 : i32
    %dma_start3A_81 = tpu.memref_slice %arg2[%add3A, %dma_start3A_79, %dma_start3A_80] : memref<32x82x128xi32, #tpu.memory_space<hbm>> -> memref<1x1x128xi32, #tpu.memory_space<hbm>>
    %dma_start3A_82 = tpu.memref_squeeze %dma_start3A_81 : memref<1x1x128xi32, #tpu.memory_space<hbm>> -> memref<128xi32, #tpu.memory_space<hbm>>
    %dma_start3A_83 = arith.constant 0 : i32
    %dma_start3A_84 = tpu.memref_slice %arg2[%add3A, %dma_start3A_79, %dma_start3A_83] : memref<32x82x128xi32, #tpu.memory_space<hbm>> -> memref<1x1x128xi32, #tpu.memory_space<hbm>>
    %dma_start3A_85 = tpu.memref_squeeze %dma_start3A_84 : memref<1x1x128xi32, #tpu.memory_space<hbm>> -> memref<128xi32, #tpu.memory_space<hbm>>
    tpu.enqueue_dma source(%dma_start3A_85 : memref<128xi32, #tpu.memory_space<hbm>>) target(%arg9 : memref<128xi32, #tpu.memory_space<vmem>>) target_semaphore(%arg20 : memref<!tpu.dma_semaphore, #tpu.memory_space<semaphore_mem>>)
    %dma_wait3A_86 = arith.constant 0 : i32
    %dma_wait3A_87 = arith.constant 0 : i32
    %dma_wait3A_88 = tpu.memref_slice %arg4[%dma_wait3A_86, %dma_wait3A_87] : memref<10000x128xf32, #tpu.memory_space<hbm>> -> memref<10000x128xf32, #tpu.memory_space<hbm>>
    tpu.wait_indirect_dma semaphore(%arg17 : memref<!tpu.dma_semaphore, #tpu.memory_space<semaphore_mem>>) src(%dma_wait3A_88 : memref<10000x128xf32, #tpu.memory_space<hbm>>) dst(%arg14 : memref<128x128xf32, #tpu.memory_space<vmem>>)
    %dma_wait3A_89 = arith.constant 2 : i32
    %dma_wait3A_90 = arith.constant 0 : i32
    %dma_wait3A_91 = tpu.memref_slice %arg2[%add3A, %dma_wait3A_89, %dma_wait3A_90] : memref<32x82x128xi32, #tpu.memory_space<hbm>> -> memref<1x1x128xi32, #tpu.memory_space<hbm>>
    %dma_wait3A_92 = tpu.memref_squeeze %dma_wait3A_91 : memref<1x1x128xi32, #tpu.memory_space<hbm>> -> memref<128xi32, #tpu.memory_space<hbm>>
    %dma_wait3A_93 = arith.constant 0 : i32
    %dma_wait3A_94 = tpu.memref_slice %arg2[%add3A, %dma_wait3A_89, %dma_wait3A_93] : memref<32x82x128xi32, #tpu.memory_space<hbm>> -> memref<1x1x128xi32, #tpu.memory_space<hbm>>
    %dma_wait3A_95 = tpu.memref_squeeze %dma_wait3A_94 : memref<1x1x128xi32, #tpu.memory_space<hbm>> -> memref<128xi32, #tpu.memory_space<hbm>>
    tpu.wait_dma2 semaphore(%arg20 : memref<!tpu.dma_semaphore, #tpu.memory_space<semaphore_mem>>) src(%dma_wait3A_95 : memref<128xi32, #tpu.memory_space<hbm>>) dst(%arg9 : memref<128xi32, #tpu.memory_space<vmem>>)
    %dma_wait3A_96 = arith.constant 0 : i32
    %dma_wait3A_97 = arith.constant 0 : i32
    %dma_wait3A_98 = tpu.memref_slice %arg15[%dma_wait3A_96, %dma_wait3A_97] : memref<10240x128xf32, #tpu.memory_space<vmem_shared>> -> memref<10240x128xf32, #tpu.memory_space<vmem_shared>>
    tpu.wait_indirect_dma semaphore(%arg18 : memref<!tpu.dma_semaphore, #tpu.memory_space<semaphore_mem>>) src(%arg13 : memref<128x128xf32, #tpu.memory_space<vmem>>) dst(%dma_wait3A_98 : memref<10240x128xf32, #tpu.memory_space<vmem_shared>>)
    %dma_start3A_99 = arith.constant 0 : i32
    %dma_start3A_100 = arith.constant 0 : i32
    %dma_start3A_101 = tpu.memref_slice %arg4[%dma_start3A_99, %dma_start3A_100] : memref<10000x128xf32, #tpu.memory_space<hbm>> -> memref<10000x128xf32, #tpu.memory_space<hbm>>
    tpu.enqueue_indirect_dma source(%dma_start3A_101 : memref<10000x128xf32, #tpu.memory_space<hbm>>) target(%arg13 : memref<128x128xf32, #tpu.memory_space<vmem>>) offsets(%arg9 : memref<128xi32, #tpu.memory_space<vmem>>) semaphore(%arg16 : memref<!tpu.dma_semaphore, #tpu.memory_space<semaphore_mem>>)
    %dma_start3A_102 = arith.constant 2 : i32
    %dma_start3A_103 = arith.constant 0 : i32
    %dma_start3A_104 = tpu.memref_slice %arg3[%add3A, %dma_start3A_102, %dma_start3A_103] : memref<32x82x128xi32, #tpu.memory_space<hbm>> -> memref<1x1x128xi32, #tpu.memory_space<hbm>>
    %dma_start3A_105 = tpu.memref_squeeze %dma_start3A_104 : memref<1x1x128xi32, #tpu.memory_space<hbm>> -> memref<128xi32, #tpu.memory_space<hbm>>
    %dma_start3A_106 = arith.constant 0 : i32
    %dma_start3A_107 = tpu.memref_slice %arg3[%add3A, %dma_start3A_102, %dma_start3A_106] : memref<32x82x128xi32, #tpu.memory_space<hbm>> -> memref<1x1x128xi32, #tpu.memory_space<hbm>>
    %dma_start3A_108 = tpu.memref_squeeze %dma_start3A_107 : memref<1x1x128xi32, #tpu.memory_space<hbm>> -> memref<128xi32, #tpu.memory_space<hbm>>
    tpu.enqueue_dma source(%dma_start3A_108 : memref<128xi32, #tpu.memory_space<hbm>>) target(%arg11 : memref<128xi32, #tpu.memory_space<vmem>>) target_semaphore(%arg22 : memref<!tpu.dma_semaphore, #tpu.memory_space<semaphore_mem>>)
    %dma_wait3A_109 = arith.constant 1 : i32
    %dma_wait3A_110 = arith.constant 0 : i32
    %dma_wait3A_111 = tpu.memref_slice %arg3[%add3A, %dma_wait3A_109, %dma_wait3A_110] : memref<32x82x128xi32, #tpu.memory_space<hbm>> -> memref<1x1x128xi32, #tpu.memory_space<hbm>>
    %dma_wait3A_112 = tpu.memref_squeeze %dma_wait3A_111 : memref<1x1x128xi32, #tpu.memory_space<hbm>> -> memref<128xi32, #tpu.memory_space<hbm>>
    %dma_wait3A_113 = arith.constant 0 : i32
    %dma_wait3A_114 = tpu.memref_slice %arg3[%add3A, %dma_wait3A_109, %dma_wait3A_113] : memref<32x82x128xi32, #tpu.memory_space<hbm>> -> memref<1x1x128xi32, #tpu.memory_space<hbm>>
    %dma_wait3A_115 = tpu.memref_squeeze %dma_wait3A_114 : memref<1x1x128xi32, #tpu.memory_space<hbm>> -> memref<128xi32, #tpu.memory_space<hbm>>
    tpu.wait_dma2 semaphore(%arg23 : memref<!tpu.dma_semaphore, #tpu.memory_space<semaphore_mem>>) src(%dma_wait3A_115 : memref<128xi32, #tpu.memory_space<hbm>>) dst(%arg12 : memref<128xi32, #tpu.memory_space<vmem>>)
    %dma_start3A_116 = arith.constant 0 : i32
    %dma_start3A_117 = arith.constant 0 : i32
    %dma_start3A_118 = tpu.memref_slice %arg15[%dma_start3A_116, %dma_start3A_117] : memref<10240x128xf32, #tpu.memory_space<vmem_shared>> -> memref<10240x128xf32, #tpu.memory_space<vmem_shared>>
    tpu.enqueue_indirect_dma source(%arg14 : memref<128x128xf32, #tpu.memory_space<vmem>>) target(%dma_start3A_118 : memref<10240x128xf32, #tpu.memory_space<vmem_shared>>) offsets(%arg12 : memref<128xi32, #tpu.memory_space<vmem>>) semaphore(%arg19 : memref<!tpu.dma_semaphore, #tpu.memory_space<semaphore_mem>>) {add = true}
    %dma_start3A_119 = arith.constant 3 : i32
    %dma_start3A_120 = arith.constant 0 : i32
    %dma_start3A_121 = tpu.memref_slice %arg2[%add3A, %dma_start3A_119, %dma_start3A_120] : memref<32x82x128xi32, #tpu.memory_space<hbm>> -> memref<1x1x128xi32, #tpu.memory_space<hbm>>
    %dma_start3A_122 = tpu.memref_squeeze %dma_start3A_121 : memref<1x1x128xi32, #tpu.memory_space<hbm>> -> memref<128xi32, #tpu.memory_space<hbm>>
    %dma_start3A_123 = arith.constant 0 : i32
    %dma_start3A_124 = tpu.memref_slice %arg2[%add3A, %dma_start3A_119, %dma_start3A_123] : memref<32x82x128xi32, #tpu.memory_space<hbm>> -> memref<1x1x128xi32, #tpu.memory_space<hbm>>
    %dma_start3A_125 = tpu.memref_squeeze %dma_start3A_124 : memref<1x1x128xi32, #tpu.memory_space<hbm>> -> memref<128xi32, #tpu.memory_space<hbm>>
    tpu.enqueue_dma source(%dma_start3A_125 : memref<128xi32, #tpu.memory_space<hbm>>) target(%arg10 : memref<128xi32, #tpu.memory_space<vmem>>) target_semaphore(%arg21 : memref<!tpu.dma_semaphore, #tpu.memory_space<semaphore_mem>>)
    %scan3A_126 = arith.constant 0 : i32
    %scan3A_127 = arith.constant 39 : i32
    %scan3A_128 = arith.addi %scan3A_126, %scan3A_127 : i32
    %scan3A_129 = arith.constant 1 : i32
    scf.for %scan3A_285 = %scan3A_126 to %scan3A_128 step %scan3A_129  : i32 {
      %mul3A_286 = arith.constant 1 : i32
      %mul3A_287 = arith.muli %scan3A_285, %mul3A_286 : i32
      %add3A_288 = arith.constant 1 : i32
      %add3A_289 = arith.addi %add3A_288, %mul3A_287 : i32
      %mul3A_290 = arith.constant 2 : i32
      %mul3A_291 = arith.muli %add3A_289, %mul3A_290 : i32
      %dma_wait3A_292 = arith.constant 0 : i32
      %dma_wait3A_293 = arith.constant 0 : i32
      %dma_wait3A_294 = tpu.memref_slice %arg4[%dma_wait3A_292, %dma_wait3A_293] : memref<10000x128xf32, #tpu.memory_space<hbm>> -> memref<10000x128xf32, #tpu.memory_space<hbm>>
      tpu.wait_indirect_dma semaphore(%arg16 : memref<!tpu.dma_semaphore, #tpu.memory_space<semaphore_mem>>) src(%dma_wait3A_294 : memref<10000x128xf32, #tpu.memory_space<hbm>>) dst(%arg13 : memref<128x128xf32, #tpu.memory_space<vmem>>)
      %add3A_295 = arith.constant 1 : i32
      %add3A_296 = arith.addi %mul3A_291, %add3A_295 : i32
      %dma_wait3A_297 = arith.constant 0 : i32
      %dma_wait3A_298 = tpu.memref_slice %arg2[%add3A, %add3A_296, %dma_wait3A_297] : memref<32x82x128xi32, #tpu.memory_space<hbm>> -> memref<1x1x128xi32, #tpu.memory_space<hbm>>
      %dma_wait3A_299 = tpu.memref_squeeze %dma_wait3A_298 : memref<1x1x128xi32, #tpu.memory_space<hbm>> -> memref<128xi32, #tpu.memory_space<hbm>>
      %dma_wait3A_300 = arith.constant 0 : i32
      %dma_wait3A_301 = tpu.memref_slice %arg2[%add3A, %add3A_296, %dma_wait3A_300] : memref<32x82x128xi32, #tpu.memory_space<hbm>> -> memref<1x1x128xi32, #tpu.memory_space<hbm>>
      %dma_wait3A_302 = tpu.memref_squeeze %dma_wait3A_301 : memref<1x1x128xi32, #tpu.memory_space<hbm>> -> memref<128xi32, #tpu.memory_space<hbm>>
      tpu.wait_dma2 semaphore(%arg21 : memref<!tpu.dma_semaphore, #tpu.memory_space<semaphore_mem>>) src(%dma_wait3A_302 : memref<128xi32, #tpu.memory_space<hbm>>) dst(%arg10 : memref<128xi32, #tpu.memory_space<vmem>>)
      %dma_wait3A_303 = arith.constant 0 : i32
      %dma_wait3A_304 = arith.constant 0 : i32
      %dma_wait3A_305 = tpu.memref_slice %arg15[%dma_wait3A_303, %dma_wait3A_304] : memref<10240x128xf32, #tpu.memory_space<vmem_shared>> -> memref<10240x128xf32, #tpu.memory_space<vmem_shared>>
      tpu.wait_indirect_dma semaphore(%arg19 : memref<!tpu.dma_semaphore, #tpu.memory_space<semaphore_mem>>) src(%arg14 : memref<128x128xf32, #tpu.memory_space<vmem>>) dst(%dma_wait3A_305 : memref<10240x128xf32, #tpu.memory_space<vmem_shared>>)
      %dma_start3A_306 = arith.constant 0 : i32
      %dma_start3A_307 = arith.constant 0 : i32
      %dma_start3A_308 = tpu.memref_slice %arg4[%dma_start3A_306, %dma_start3A_307] : memref<10000x128xf32, #tpu.memory_space<hbm>> -> memref<10000x128xf32, #tpu.memory_space<hbm>>
      tpu.enqueue_indirect_dma source(%dma_start3A_308 : memref<10000x128xf32, #tpu.memory_space<hbm>>) target(%arg14 : memref<128x128xf32, #tpu.memory_space<vmem>>) offsets(%arg10 : memref<128xi32, #tpu.memory_space<vmem>>) semaphore(%arg17 : memref<!tpu.dma_semaphore, #tpu.memory_space<semaphore_mem>>)
      %add3A_309 = arith.constant 1 : i32
      %add3A_310 = arith.addi %mul3A_291, %add3A_309 : i32
      %dma_start3A_311 = arith.constant 0 : i32
      %dma_start3A_312 = tpu.memref_slice %arg3[%add3A, %add3A_310, %dma_start3A_311] : memref<32x82x128xi32, #tpu.memory_space<hbm>> -> memref<1x1x128xi32, #tpu.memory_space<hbm>>
      %dma_start3A_313 = tpu.memref_squeeze %dma_start3A_312 : memref<1x1x128xi32, #tpu.memory_space<hbm>> -> memref<128xi32, #tpu.memory_space<hbm>>
      %dma_start3A_314 = arith.constant 0 : i32
      %dma_start3A_315 = tpu.memref_slice %arg3[%add3A, %add3A_310, %dma_start3A_314] : memref<32x82x128xi32, #tpu.memory_space<hbm>> -> memref<1x1x128xi32, #tpu.memory_space<hbm>>
      %dma_start3A_316 = tpu.memref_squeeze %dma_start3A_315 : memref<1x1x128xi32, #tpu.memory_space<hbm>> -> memref<128xi32, #tpu.memory_space<hbm>>
      tpu.enqueue_dma source(%dma_start3A_316 : memref<128xi32, #tpu.memory_space<hbm>>) target(%arg12 : memref<128xi32, #tpu.memory_space<vmem>>) target_semaphore(%arg23 : memref<!tpu.dma_semaphore, #tpu.memory_space<semaphore_mem>>)
      %dma_wait3A_317 = arith.constant 0 : i32
      %dma_wait3A_318 = tpu.memref_slice %arg3[%add3A, %mul3A_291, %dma_wait3A_317] : memref<32x82x128xi32, #tpu.memory_space<hbm>> -> memref<1x1x128xi32, #tpu.memory_space<hbm>>
      %dma_wait3A_319 = tpu.memref_squeeze %dma_wait3A_318 : memref<1x1x128xi32, #tpu.memory_space<hbm>> -> memref<128xi32, #tpu.memory_space<hbm>>
      %dma_wait3A_320 = arith.constant 0 : i32
      %dma_wait3A_321 = tpu.memref_slice %arg3[%add3A, %mul3A_291, %dma_wait3A_320] : memref<32x82x128xi32, #tpu.memory_space<hbm>> -> memref<1x1x128xi32, #tpu.memory_space<hbm>>
      %dma_wait3A_322 = tpu.memref_squeeze %dma_wait3A_321 : memref<1x1x128xi32, #tpu.memory_space<hbm>> -> memref<128xi32, #tpu.memory_space<hbm>>
      tpu.wait_dma2 semaphore(%arg22 : memref<!tpu.dma_semaphore, #tpu.memory_space<semaphore_mem>>) src(%dma_wait3A_322 : memref<128xi32, #tpu.memory_space<hbm>>) dst(%arg11 : memref<128xi32, #tpu.memory_space<vmem>>)
      %dma_start3A_323 = arith.constant 0 : i32
      %dma_start3A_324 = arith.constant 0 : i32
      %dma_start3A_325 = tpu.memref_slice %arg15[%dma_start3A_323, %dma_start3A_324] : memref<10240x128xf32, #tpu.memory_space<vmem_shared>> -> memref<10240x128xf32, #tpu.memory_space<vmem_shared>>
      tpu.enqueue_indirect_dma source(%arg13 : memref<128x128xf32, #tpu.memory_space<vmem>>) target(%dma_start3A_325 : memref<10240x128xf32, #tpu.memory_space<vmem_shared>>) offsets(%arg11 : memref<128xi32, #tpu.memory_space<vmem>>) semaphore(%arg18 : memref<!tpu.dma_semaphore, #tpu.memory_space<semaphore_mem>>) {add = true}
      %add3A_326 = arith.constant 2 : i32
      %add3A_327 = arith.addi %mul3A_291, %add3A_326 : i32
      %dma_start3A_328 = arith.constant 0 : i32
      %dma_start3A_329 = tpu.memref_slice %arg2[%add3A, %add3A_327, %dma_start3A_328] : memref<32x82x128xi32, #tpu.memory_space<hbm>> -> memref<1x1x128xi32, #tpu.memory_space<hbm>>
      %dma_start3A_330 = tpu.memref_squeeze %dma_start3A_329 : memref<1x1x128xi32, #tpu.memory_space<hbm>> -> memref<128xi32, #tpu.memory_space<hbm>>
      %dma_start3A_331 = arith.constant 0 : i32
      %dma_start3A_332 = tpu.memref_slice %arg2[%add3A, %add3A_327, %dma_start3A_331] : memref<32x82x128xi32, #tpu.memory_space<hbm>> -> memref<1x1x128xi32, #tpu.memory_space<hbm>>
      %dma_start3A_333 = tpu.memref_squeeze %dma_start3A_332 : memref<1x1x128xi32, #tpu.memory_space<hbm>> -> memref<128xi32, #tpu.memory_space<hbm>>
      tpu.enqueue_dma source(%dma_start3A_333 : memref<128xi32, #tpu.memory_space<hbm>>) target(%arg9 : memref<128xi32, #tpu.memory_space<vmem>>) target_semaphore(%arg20 : memref<!tpu.dma_semaphore, #tpu.memory_space<semaphore_mem>>)
      %dma_wait3A_334 = arith.constant 0 : i32
      %dma_wait3A_335 = arith.constant 0 : i32
      %dma_wait3A_336 = tpu.memref_slice %arg4[%dma_wait3A_334, %dma_wait3A_335] : memref<10000x128xf32, #tpu.memory_space<hbm>> -> memref<10000x128xf32, #tpu.memory_space<hbm>>
      tpu.wait_indirect_dma semaphore(%arg17 : memref<!tpu.dma_semaphore, #tpu.memory_space<semaphore_mem>>) src(%dma_wait3A_336 : memref<10000x128xf32, #tpu.memory_space<hbm>>) dst(%arg14 : memref<128x128xf32, #tpu.memory_space<vmem>>)
      %add3A_337 = arith.constant 2 : i32
      %add3A_338 = arith.addi %mul3A_291, %add3A_337 : i32
      %dma_wait3A_339 = arith.constant 0 : i32
      %dma_wait3A_340 = tpu.memref_slice %arg2[%add3A, %add3A_338, %dma_wait3A_339] : memref<32x82x128xi32, #tpu.memory_space<hbm>> -> memref<1x1x128xi32, #tpu.memory_space<hbm>>
      %dma_wait3A_341 = tpu.memref_squeeze %dma_wait3A_340 : memref<1x1x128xi32, #tpu.memory_space<hbm>> -> memref<128xi32, #tpu.memory_space<hbm>>
      %dma_wait3A_342 = arith.constant 0 : i32
      %dma_wait3A_343 = tpu.memref_slice %arg2[%add3A, %add3A_338, %dma_wait3A_342] : memref<32x82x128xi32, #tpu.memory_space<hbm>> -> memref<1x1x128xi32, #tpu.memory_space<hbm>>
      %dma_wait3A_344 = tpu.memref_squeeze %dma_wait3A_343 : memref<1x1x128xi32, #tpu.memory_space<hbm>> -> memref<128xi32, #tpu.memory_space<hbm>>
      tpu.wait_dma2 semaphore(%arg20 : memref<!tpu.dma_semaphore, #tpu.memory_space<semaphore_mem>>) src(%dma_wait3A_344 : memref<128xi32, #tpu.memory_space<hbm>>) dst(%arg9 : memref<128xi32, #tpu.memory_space<vmem>>)
      %dma_wait3A_345 = arith.constant 0 : i32
      %dma_wait3A_346 = arith.constant 0 : i32
      %dma_wait3A_347 = tpu.memref_slice %arg15[%dma_wait3A_345, %dma_wait3A_346] : memref<10240x128xf32, #tpu.memory_space<vmem_shared>> -> memref<10240x128xf32, #tpu.memory_space<vmem_shared>>
      tpu.wait_indirect_dma semaphore(%arg18 : memref<!tpu.dma_semaphore, #tpu.memory_space<semaphore_mem>>) src(%arg13 : memref<128x128xf32, #tpu.memory_space<vmem>>) dst(%dma_wait3A_347 : memref<10240x128xf32, #tpu.memory_space<vmem_shared>>)
      %dma_start3A_348 = arith.constant 0 : i32
      %dma_start3A_349 = arith.constant 0 : i32
      %dma_start3A_350 = tpu.memref_slice %arg4[%dma_start3A_348, %dma_start3A_349] : memref<10000x128xf32, #tpu.memory_space<hbm>> -> memref<10000x128xf32, #tpu.memory_space<hbm>>
      tpu.enqueue_indirect_dma source(%dma_start3A_350 : memref<10000x128xf32, #tpu.memory_space<hbm>>) target(%arg13 : memref<128x128xf32, #tpu.memory_space<vmem>>) offsets(%arg9 : memref<128xi32, #tpu.memory_space<vmem>>) semaphore(%arg16 : memref<!tpu.dma_semaphore, #tpu.memory_space<semaphore_mem>>)
      %add3A_351 = arith.constant 2 : i32
      %add3A_352 = arith.addi %mul3A_291, %add3A_351 : i32
      %dma_start3A_353 = arith.constant 0 : i32
      %dma_start3A_354 = tpu.memref_slice %arg3[%add3A, %add3A_352, %dma_start3A_353] : memref<32x82x128xi32, #tpu.memory_space<hbm>> -> memref<1x1x128xi32, #tpu.memory_space<hbm>>
      %dma_start3A_355 = tpu.memref_squeeze %dma_start3A_354 : memref<1x1x128xi32, #tpu.memory_space<hbm>> -> memref<128xi32, #tpu.memory_space<hbm>>
      %dma_start3A_356 = arith.constant 0 : i32
      %dma_start3A_357 = tpu.memref_slice %arg3[%add3A, %add3A_352, %dma_start3A_356] : memref<32x82x128xi32, #tpu.memory_space<hbm>> -> memref<1x1x128xi32, #tpu.memory_space<hbm>>
      %dma_start3A_358 = tpu.memref_squeeze %dma_start3A_357 : memref<1x1x128xi32, #tpu.memory_space<hbm>> -> memref<128xi32, #tpu.memory_space<hbm>>
      tpu.enqueue_dma source(%dma_start3A_358 : memref<128xi32, #tpu.memory_space<hbm>>) target(%arg11 : memref<128xi32, #tpu.memory_space<vmem>>) target_semaphore(%arg22 : memref<!tpu.dma_semaphore, #tpu.memory_space<semaphore_mem>>)
      %add3A_359 = arith.constant 1 : i32
      %add3A_360 = arith.addi %mul3A_291, %add3A_359 : i32
      %dma_wait3A_361 = arith.constant 0 : i32
      %dma_wait3A_362 = tpu.memref_slice %arg3[%add3A, %add3A_360, %dma_wait3A_361] : memref<32x82x128xi32, #tpu.memory_space<hbm>> -> memref<1x1x128xi32, #tpu.memory_space<hbm>>
      %dma_wait3A_363 = tpu.memref_squeeze %dma_wait3A_362 : memref<1x1x128xi32, #tpu.memory_space<hbm>> -> memref<128xi32, #tpu.memory_space<hbm>>
      %dma_wait3A_364 = arith.constant 0 : i32
      %dma_wait3A_365 = tpu.memref_slice %arg3[%add3A, %add3A_360, %dma_wait3A_364] : memref<32x82x128xi32, #tpu.memory_space<hbm>> -> memref<1x1x128xi32, #tpu.memory_space<hbm>>
      %dma_wait3A_366 = tpu.memref_squeeze %dma_wait3A_365 : memref<1x1x128xi32, #tpu.memory_space<hbm>> -> memref<128xi32, #tpu.memory_space<hbm>>
      tpu.wait_dma2 semaphore(%arg23 : memref<!tpu.dma_semaphore, #tpu.memory_space<semaphore_mem>>) src(%dma_wait3A_366 : memref<128xi32, #tpu.memory_space<hbm>>) dst(%arg12 : memref<128xi32, #tpu.memory_space<vmem>>)
      %dma_start3A_367 = arith.constant 0 : i32
      %dma_start3A_368 = arith.constant 0 : i32
      %dma_start3A_369 = tpu.memref_slice %arg15[%dma_start3A_367, %dma_start3A_368] : memref<10240x128xf32, #tpu.memory_space<vmem_shared>> -> memref<10240x128xf32, #tpu.memory_space<vmem_shared>>
      tpu.enqueue_indirect_dma source(%arg14 : memref<128x128xf32, #tpu.memory_space<vmem>>) target(%dma_start3A_369 : memref<10240x128xf32, #tpu.memory_space<vmem_shared>>) offsets(%arg12 : memref<128xi32, #tpu.memory_space<vmem>>) semaphore(%arg19 : memref<!tpu.dma_semaphore, #tpu.memory_space<semaphore_mem>>) {add = true}
      %add3A_370 = arith.constant 3 : i32
      %add3A_371 = arith.addi %mul3A_291, %add3A_370 : i32
      %dma_start3A_372 = arith.constant 0 : i32
      %dma_start3A_373 = tpu.memref_slice %arg2[%add3A, %add3A_371, %dma_start3A_372] : memref<32x82x128xi32, #tpu.memory_space<hbm>> -> memref<1x1x128xi32, #tpu.memory_space<hbm>>
      %dma_start3A_374 = tpu.memref_squeeze %dma_start3A_373 : memref<1x1x128xi32, #tpu.memory_space<hbm>> -> memref<128xi32, #tpu.memory_space<hbm>>
      %dma_start3A_375 = arith.constant 0 : i32
      %dma_start3A_376 = tpu.memref_slice %arg2[%add3A, %add3A_371, %dma_start3A_375] : memref<32x82x128xi32, #tpu.memory_space<hbm>> -> memref<1x1x128xi32, #tpu.memory_space<hbm>>
      %dma_start3A_377 = tpu.memref_squeeze %dma_start3A_376 : memref<1x1x128xi32, #tpu.memory_space<hbm>> -> memref<128xi32, #tpu.memory_space<hbm>>
      tpu.enqueue_dma source(%dma_start3A_377 : memref<128xi32, #tpu.memory_space<hbm>>) target(%arg10 : memref<128xi32, #tpu.memory_space<vmem>>) target_semaphore(%arg21 : memref<!tpu.dma_semaphore, #tpu.memory_space<semaphore_mem>>)
    }
    %scan3A_130 = arith.constant 39 : i32
    %dma_wait3A_131 = arith.constant 0 : i32
    %dma_wait3A_132 = arith.constant 0 : i32
    %dma_wait3A_133 = tpu.memref_slice %arg4[%dma_wait3A_131, %dma_wait3A_132] : memref<10000x128xf32, #tpu.memory_space<hbm>> -> memref<10000x128xf32, #tpu.memory_space<hbm>>
    tpu.wait_indirect_dma semaphore(%arg16 : memref<!tpu.dma_semaphore, #tpu.memory_space<semaphore_mem>>) src(%dma_wait3A_133 : memref<10000x128xf32, #tpu.memory_space<hbm>>) dst(%arg13 : memref<128x128xf32, #tpu.memory_space<vmem>>)
    %dma_wait3A_134 = arith.constant 81 : i32
    %dma_wait3A_135 = arith.constant 0 : i32
    %dma_wait3A_136 = tpu.memref_slice %arg2[%add3A, %dma_wait3A_134, %dma_wait3A_135] : memref<32x82x128xi32, #tpu.memory_space<hbm>> -> memref<1x1x128xi32, #tpu.memory_space<hbm>>
    %dma_wait3A_137 = tpu.memref_squeeze %dma_wait3A_136 : memref<1x1x128xi32, #tpu.memory_space<hbm>> -> memref<128xi32, #tpu.memory_space<hbm>>
    %dma_wait3A_138 = arith.constant 0 : i32
    %dma_wait3A_139 = tpu.memref_slice %arg2[%add3A, %dma_wait3A_134, %dma_wait3A_138] : memref<32x82x128xi32, #tpu.memory_space<hbm>> -> memref<1x1x128xi32, #tpu.memory_space<hbm>>
    %dma_wait3A_140 = tpu.memref_squeeze %dma_wait3A_139 : memref<1x1x128xi32, #tpu.memory_space<hbm>> -> memref<128xi32, #tpu.memory_space<hbm>>
    tpu.wait_dma2 semaphore(%arg21 : memref<!tpu.dma_semaphore, #tpu.memory_space<semaphore_mem>>) src(%dma_wait3A_140 : memref<128xi32, #tpu.memory_space<hbm>>) dst(%arg10 : memref<128xi32, #tpu.memory_space<vmem>>)
    %dma_wait3A_141 = arith.constant 80 : i32
    %dma_wait3A_142 = arith.constant 0 : i32
    %dma_wait3A_143 = tpu.memref_slice %arg3[%add3A, %dma_wait3A_141, %dma_wait3A_142] : memref<32x82x128xi32, #tpu.memory_space<hbm>> -> memref<1x1x128xi32, #tpu.memory_space<hbm>>
    %dma_wait3A_144 = tpu.memref_squeeze %dma_wait3A_143 : memref<1x1x128xi32, #tpu.memory_space<hbm>> -> memref<128xi32, #tpu.memory_space<hbm>>
    %dma_wait3A_145 = arith.constant 0 : i32
    %dma_wait3A_146 = tpu.memref_slice %arg3[%add3A, %dma_wait3A_141, %dma_wait3A_145] : memref<32x82x128xi32, #tpu.memory_space<hbm>> -> memref<1x1x128xi32, #tpu.memory_space<hbm>>
    %dma_wait3A_147 = tpu.memref_squeeze %dma_wait3A_146 : memref<1x1x128xi32, #tpu.memory_space<hbm>> -> memref<128xi32, #tpu.memory_space<hbm>>
    tpu.wait_dma2 semaphore(%arg22 : memref<!tpu.dma_semaphore, #tpu.memory_space<semaphore_mem>>) src(%dma_wait3A_147 : memref<128xi32, #tpu.memory_space<hbm>>) dst(%arg11 : memref<128xi32, #tpu.memory_space<vmem>>)
    %dma_wait3A_148 = arith.constant 0 : i32
    %dma_wait3A_149 = arith.constant 0 : i32
    %dma_wait3A_150 = tpu.memref_slice %arg15[%dma_wait3A_148, %dma_wait3A_149] : memref<10240x128xf32, #tpu.memory_space<vmem_shared>> -> memref<10240x128xf32, #tpu.memory_space<vmem_shared>>
    tpu.wait_indirect_dma semaphore(%arg19 : memref<!tpu.dma_semaphore, #tpu.memory_space<semaphore_mem>>) src(%arg14 : memref<128x128xf32, #tpu.memory_space<vmem>>) dst(%dma_wait3A_150 : memref<10240x128xf32, #tpu.memory_space<vmem_shared>>)
    %barrier3A_151 = arith.constant 0 : index
    tpu.barrier barrier_id(%barrier3A_151)
    %dma_start3A_152 = arith.constant 0 : i32
    %dma_start3A_153 = arith.constant 0 : i32
    %dma_start3A_154 = tpu.memref_slice %arg7[%dma_start3A_152, %arg0, %mul3A_2, %dma_start3A_153] : memref<2x2x10240x128xf32, #tpu.memory_space<hbm>> -> memref<1x1x640x128xf32, #tpu.memory_space<hbm>>
    %dma_start3A_155 = tpu.memref_squeeze %dma_start3A_154 : memref<1x1x640x128xf32, #tpu.memory_space<hbm>> -> memref<640x128xf32, #tpu.memory_space<hbm>>
    %dma_start3A_156 = arith.constant 0 : i32
    %dma_start3A_157 = tpu.memref_slice %arg15[%mul3A_2, %dma_start3A_156] : memref<10240x128xf32, #tpu.memory_space<vmem_shared>> -> memref<640x128xf32, #tpu.memory_space<vmem_shared>>
    tpu.enqueue_dma source(%dma_start3A_157 : memref<640x128xf32, #tpu.memory_space<vmem_shared>>) target(%dma_start3A_155 : memref<640x128xf32, #tpu.memory_space<hbm>>) target_semaphore(%arg24 : memref<!tpu.dma_semaphore, #tpu.memory_space<semaphore_mem>>)
    %dma_wait3A_158 = arith.constant 0 : i32
    %dma_wait3A_159 = arith.constant 0 : i32
    %dma_wait3A_160 = tpu.memref_slice %arg7[%dma_wait3A_158, %arg0, %mul3A_2, %dma_wait3A_159] : memref<2x2x10240x128xf32, #tpu.memory_space<hbm>> -> memref<1x1x640x128xf32, #tpu.memory_space<hbm>>
    %dma_wait3A_161 = tpu.memref_squeeze %dma_wait3A_160 : memref<1x1x640x128xf32, #tpu.memory_space<hbm>> -> memref<640x128xf32, #tpu.memory_space<hbm>>
    %dma_wait3A_162 = arith.constant 0 : i32
    %dma_wait3A_163 = tpu.memref_slice %arg15[%mul3A_2, %dma_wait3A_162] : memref<10240x128xf32, #tpu.memory_space<vmem_shared>> -> memref<640x128xf32, #tpu.memory_space<vmem_shared>>
    tpu.wait_dma2 semaphore(%arg24 : memref<!tpu.dma_semaphore, #tpu.memory_space<semaphore_mem>>) src(%dma_wait3A_163 : memref<640x128xf32, #tpu.memory_space<vmem_shared>>) dst(%dma_wait3A_161 : memref<640x128xf32, #tpu.memory_space<hbm>>)
    "tpu.region"() ({
      %run_scoped3A_285 = tpu.sem_alloc : memref<!tpu.dma_semaphore, #tpu.memory_space<semaphore_mem>>
      %dma_start3A_286 = arith.constant 0 : i32
      %dma_start3A_287 = tpu.memref_slice %arg15[%mul3A_2, %dma_start3A_286] : memref<10240x128xf32, #tpu.memory_space<vmem_shared>> -> memref<640x128xf32, #tpu.memory_space<vmem_shared>>
      tpu.enqueue_dma source(%arg6 : memref<640x128xf32, #tpu.memory_space<hbm>>) target(%dma_start3A_287 : memref<640x128xf32, #tpu.memory_space<vmem_shared>>) target_semaphore(%run_scoped3A_285 : memref<!tpu.dma_semaphore, #tpu.memory_space<semaphore_mem>>)
      %dma_wait3A_288 = arith.constant 0 : i32
      %dma_wait3A_289 = tpu.memref_slice %arg15[%mul3A_2, %dma_wait3A_288] : memref<10240x128xf32, #tpu.memory_space<vmem_shared>> -> memref<640x128xf32, #tpu.memory_space<vmem_shared>>
      tpu.wait_dma2 semaphore(%run_scoped3A_285 : memref<!tpu.dma_semaphore, #tpu.memory_space<semaphore_mem>>) src(%arg6 : memref<640x128xf32, #tpu.memory_space<hbm>>) dst(%dma_wait3A_289 : memref<640x128xf32, #tpu.memory_space<vmem_shared>>)
      tpu.yield
    }) : () -> ()
    %barrier3A_164 = arith.constant 0 : index
    tpu.barrier barrier_id(%barrier3A_164)
    %run_scoped3A_165 = arith.constant 0 : i32
    "tpu.region"() ({
      %run_scoped3A_285 = tpu.sem_alloc : memref<!tpu.dma_semaphore, #tpu.memory_space<semaphore_mem>>
      %dma_start3A_286 = arith.constant 0 : i32
      %dma_start3A_287 = tpu.memref_slice %arg2[%add3A, %run_scoped3A_165, %dma_start3A_286] : memref<32x82x128xi32, #tpu.memory_space<hbm>> -> memref<1x1x128xi32, #tpu.memory_space<hbm>>
      %dma_start3A_288 = tpu.memref_squeeze %dma_start3A_287 : memref<1x1x128xi32, #tpu.memory_space<hbm>> -> memref<128xi32, #tpu.memory_space<hbm>>
      %dma_start3A_289 = arith.constant 0 : i32
      %dma_start3A_290 = tpu.memref_slice %arg2[%add3A, %run_scoped3A_165, %dma_start3A_289] : memref<32x82x128xi32, #tpu.memory_space<hbm>> -> memref<1x1x128xi32, #tpu.memory_space<hbm>>
      %dma_start3A_291 = tpu.memref_squeeze %dma_start3A_290 : memref<1x1x128xi32, #tpu.memory_space<hbm>> -> memref<128xi32, #tpu.memory_space<hbm>>
      tpu.enqueue_dma source(%dma_start3A_291 : memref<128xi32, #tpu.memory_space<hbm>>) target(%arg9 : memref<128xi32, #tpu.memory_space<vmem>>) target_semaphore(%run_scoped3A_285 : memref<!tpu.dma_semaphore, #tpu.memory_space<semaphore_mem>>)
      %dma_wait3A_292 = arith.constant 0 : i32
      %dma_wait3A_293 = tpu.memref_slice %arg2[%add3A, %run_scoped3A_165, %dma_wait3A_292] : memref<32x82x128xi32, #tpu.memory_space<hbm>> -> memref<1x1x128xi32, #tpu.memory_space<hbm>>
      %dma_wait3A_294 = tpu.memref_squeeze %dma_wait3A_293 : memref<1x1x128xi32, #tpu.memory_space<hbm>> -> memref<128xi32, #tpu.memory_space<hbm>>
      %dma_wait3A_295 = arith.constant 0 : i32
      %dma_wait3A_296 = tpu.memref_slice %arg2[%add3A, %run_scoped3A_165, %dma_wait3A_295] : memref<32x82x128xi32, #tpu.memory_space<hbm>> -> memref<1x1x128xi32, #tpu.memory_space<hbm>>
      %dma_wait3A_297 = tpu.memref_squeeze %dma_wait3A_296 : memref<1x1x128xi32, #tpu.memory_space<hbm>> -> memref<128xi32, #tpu.memory_space<hbm>>
      tpu.wait_dma2 semaphore(%run_scoped3A_285 : memref<!tpu.dma_semaphore, #tpu.memory_space<semaphore_mem>>) src(%dma_wait3A_297 : memref<128xi32, #tpu.memory_space<hbm>>) dst(%arg9 : memref<128xi32, #tpu.memory_space<vmem>>)
      tpu.yield
    }) : () -> ()
    %run_scoped3A_166 = arith.constant 0 : i32
    "tpu.region"() ({
      %run_scoped3A_285 = tpu.sem_alloc : memref<!tpu.dma_semaphore, #tpu.memory_space<semaphore_mem>>
      %dma_start3A_286 = arith.constant 0 : i32
      %dma_start3A_287 = tpu.memref_slice %arg3[%add3A, %run_scoped3A_166, %dma_start3A_286] : memref<32x82x128xi32, #tpu.memory_space<hbm>> -> memref<1x1x128xi32, #tpu.memory_space<hbm>>
      %dma_start3A_288 = tpu.memref_squeeze %dma_start3A_287 : memref<1x1x128xi32, #tpu.memory_space<hbm>> -> memref<128xi32, #tpu.memory_space<hbm>>
      %dma_start3A_289 = arith.constant 0 : i32
      %dma_start3A_290 = tpu.memref_slice %arg3[%add3A, %run_scoped3A_166, %dma_start3A_289] : memref<32x82x128xi32, #tpu.memory_space<hbm>> -> memref<1x1x128xi32, #tpu.memory_space<hbm>>
      %dma_start3A_291 = tpu.memref_squeeze %dma_start3A_290 : memref<1x1x128xi32, #tpu.memory_space<hbm>> -> memref<128xi32, #tpu.memory_space<hbm>>
      tpu.enqueue_dma source(%dma_start3A_291 : memref<128xi32, #tpu.memory_space<hbm>>) target(%arg11 : memref<128xi32, #tpu.memory_space<vmem>>) target_semaphore(%run_scoped3A_285 : memref<!tpu.dma_semaphore, #tpu.memory_space<semaphore_mem>>)
      %dma_wait3A_292 = arith.constant 0 : i32
      %dma_wait3A_293 = tpu.memref_slice %arg3[%add3A, %run_scoped3A_166, %dma_wait3A_292] : memref<32x82x128xi32, #tpu.memory_space<hbm>> -> memref<1x1x128xi32, #tpu.memory_space<hbm>>
      %dma_wait3A_294 = tpu.memref_squeeze %dma_wait3A_293 : memref<1x1x128xi32, #tpu.memory_space<hbm>> -> memref<128xi32, #tpu.memory_space<hbm>>
      %dma_wait3A_295 = arith.constant 0 : i32
      %dma_wait3A_296 = tpu.memref_slice %arg3[%add3A, %run_scoped3A_166, %dma_wait3A_295] : memref<32x82x128xi32, #tpu.memory_space<hbm>> -> memref<1x1x128xi32, #tpu.memory_space<hbm>>
      %dma_wait3A_297 = tpu.memref_squeeze %dma_wait3A_296 : memref<1x1x128xi32, #tpu.memory_space<hbm>> -> memref<128xi32, #tpu.memory_space<hbm>>
      tpu.wait_dma2 semaphore(%run_scoped3A_285 : memref<!tpu.dma_semaphore, #tpu.memory_space<semaphore_mem>>) src(%dma_wait3A_297 : memref<128xi32, #tpu.memory_space<hbm>>) dst(%arg11 : memref<128xi32, #tpu.memory_space<vmem>>)
      tpu.yield
    }) : () -> ()
    %dma_start3A_167 = arith.constant 0 : i32
    %dma_start3A_168 = arith.constant 0 : i32
    %dma_start3A_169 = tpu.memref_slice %arg5[%dma_start3A_167, %dma_start3A_168] : memref<10000x128xf32, #tpu.memory_space<hbm>> -> memref<10000x128xf32, #tpu.memory_space<hbm>>
    tpu.enqueue_indirect_dma source(%dma_start3A_169 : memref<10000x128xf32, #tpu.memory_space<hbm>>) target(%arg13 : memref<128x128xf32, #tpu.memory_space<vmem>>) offsets(%arg9 : memref<128xi32, #tpu.memory_space<vmem>>) semaphore(%arg16 : memref<!tpu.dma_semaphore, #tpu.memory_space<semaphore_mem>>)
    %dma_start3A_170 = arith.constant 1 : i32
    %dma_start3A_171 = arith.constant 0 : i32
    %dma_start3A_172 = tpu.memref_slice %arg2[%add3A, %dma_start3A_170, %dma_start3A_171] : memref<32x82x128xi32, #tpu.memory_space<hbm>> -> memref<1x1x128xi32, #tpu.memory_space<hbm>>
    %dma_start3A_173 = tpu.memref_squeeze %dma_start3A_172 : memref<1x1x128xi32, #tpu.memory_space<hbm>> -> memref<128xi32, #tpu.memory_space<hbm>>
    %dma_start3A_174 = arith.constant 0 : i32
    %dma_start3A_175 = tpu.memref_slice %arg2[%add3A, %dma_start3A_170, %dma_start3A_174] : memref<32x82x128xi32, #tpu.memory_space<hbm>> -> memref<1x1x128xi32, #tpu.memory_space<hbm>>
    %dma_start3A_176 = tpu.memref_squeeze %dma_start3A_175 : memref<1x1x128xi32, #tpu.memory_space<hbm>> -> memref<128xi32, #tpu.memory_space<hbm>>
    tpu.enqueue_dma source(%dma_start3A_176 : memref<128xi32, #tpu.memory_space<hbm>>) target(%arg10 : memref<128xi32, #tpu.memory_space<vmem>>) target_semaphore(%arg21 : memref<!tpu.dma_semaphore, #tpu.memory_space<semaphore_mem>>)
    %dma_wait3A_177 = arith.constant 0 : i32
    %dma_wait3A_178 = arith.constant 0 : i32
    %dma_wait3A_179 = tpu.memref_slice %arg5[%dma_wait3A_177, %dma_wait3A_178] : memref<10000x128xf32, #tpu.memory_space<hbm>> -> memref<10000x128xf32, #tpu.memory_space<hbm>>
    tpu.wait_indirect_dma semaphore(%arg16 : memref<!tpu.dma_semaphore, #tpu.memory_space<semaphore_mem>>) src(%dma_wait3A_179 : memref<10000x128xf32, #tpu.memory_space<hbm>>) dst(%arg13 : memref<128x128xf32, #tpu.memory_space<vmem>>)
    %dma_wait3A_180 = arith.constant 1 : i32
    %dma_wait3A_181 = arith.constant 0 : i32
    %dma_wait3A_182 = tpu.memref_slice %arg2[%add3A, %dma_wait3A_180, %dma_wait3A_181] : memref<32x82x128xi32, #tpu.memory_space<hbm>> -> memref<1x1x128xi32, #tpu.memory_space<hbm>>
    %dma_wait3A_183 = tpu.memref_squeeze %dma_wait3A_182 : memref<1x1x128xi32, #tpu.memory_space<hbm>> -> memref<128xi32, #tpu.memory_space<hbm>>
    %dma_wait3A_184 = arith.constant 0 : i32
    %dma_wait3A_185 = tpu.memref_slice %arg2[%add3A, %dma_wait3A_180, %dma_wait3A_184] : memref<32x82x128xi32, #tpu.memory_space<hbm>> -> memref<1x1x128xi32, #tpu.memory_space<hbm>>
    %dma_wait3A_186 = tpu.memref_squeeze %dma_wait3A_185 : memref<1x1x128xi32, #tpu.memory_space<hbm>> -> memref<128xi32, #tpu.memory_space<hbm>>
    tpu.wait_dma2 semaphore(%arg21 : memref<!tpu.dma_semaphore, #tpu.memory_space<semaphore_mem>>) src(%dma_wait3A_186 : memref<128xi32, #tpu.memory_space<hbm>>) dst(%arg10 : memref<128xi32, #tpu.memory_space<vmem>>)
    %dma_start3A_187 = arith.constant 0 : i32
    %dma_start3A_188 = arith.constant 0 : i32
    %dma_start3A_189 = tpu.memref_slice %arg5[%dma_start3A_187, %dma_start3A_188] : memref<10000x128xf32, #tpu.memory_space<hbm>> -> memref<10000x128xf32, #tpu.memory_space<hbm>>
    tpu.enqueue_indirect_dma source(%dma_start3A_189 : memref<10000x128xf32, #tpu.memory_space<hbm>>) target(%arg14 : memref<128x128xf32, #tpu.memory_space<vmem>>) offsets(%arg10 : memref<128xi32, #tpu.memory_space<vmem>>) semaphore(%arg17 : memref<!tpu.dma_semaphore, #tpu.memory_space<semaphore_mem>>)
    %dma_start3A_190 = arith.constant 1 : i32
    %dma_start3A_191 = arith.constant 0 : i32
    %dma_start3A_192 = tpu.memref_slice %arg3[%add3A, %dma_start3A_190, %dma_start3A_191] : memref<32x82x128xi32, #tpu.memory_space<hbm>> -> memref<1x1x128xi32, #tpu.memory_space<hbm>>
    %dma_start3A_193 = tpu.memref_squeeze %dma_start3A_192 : memref<1x1x128xi32, #tpu.memory_space<hbm>> -> memref<128xi32, #tpu.memory_space<hbm>>
    %dma_start3A_194 = arith.constant 0 : i32
    %dma_start3A_195 = tpu.memref_slice %arg3[%add3A, %dma_start3A_190, %dma_start3A_194] : memref<32x82x128xi32, #tpu.memory_space<hbm>> -> memref<1x1x128xi32, #tpu.memory_space<hbm>>
    %dma_start3A_196 = tpu.memref_squeeze %dma_start3A_195 : memref<1x1x128xi32, #tpu.memory_space<hbm>> -> memref<128xi32, #tpu.memory_space<hbm>>
    tpu.enqueue_dma source(%dma_start3A_196 : memref<128xi32, #tpu.memory_space<hbm>>) target(%arg12 : memref<128xi32, #tpu.memory_space<vmem>>) target_semaphore(%arg23 : memref<!tpu.dma_semaphore, #tpu.memory_space<semaphore_mem>>)
    %dma_start3A_197 = arith.constant 0 : i32
    %dma_start3A_198 = arith.constant 0 : i32
    %dma_start3A_199 = tpu.memref_slice %arg15[%dma_start3A_197, %dma_start3A_198] : memref<10240x128xf32, #tpu.memory_space<vmem_shared>> -> memref<10240x128xf32, #tpu.memory_space<vmem_shared>>
    tpu.enqueue_indirect_dma source(%arg13 : memref<128x128xf32, #tpu.memory_space<vmem>>) target(%dma_start3A_199 : memref<10240x128xf32, #tpu.memory_space<vmem_shared>>) offsets(%arg11 : memref<128xi32, #tpu.memory_space<vmem>>) semaphore(%arg18 : memref<!tpu.dma_semaphore, #tpu.memory_space<semaphore_mem>>) {add = true}
    %dma_start3A_200 = arith.constant 2 : i32
    %dma_start3A_201 = arith.constant 0 : i32
    %dma_start3A_202 = tpu.memref_slice %arg2[%add3A, %dma_start3A_200, %dma_start3A_201] : memref<32x82x128xi32, #tpu.memory_space<hbm>> -> memref<1x1x128xi32, #tpu.memory_space<hbm>>
    %dma_start3A_203 = tpu.memref_squeeze %dma_start3A_202 : memref<1x1x128xi32, #tpu.memory_space<hbm>> -> memref<128xi32, #tpu.memory_space<hbm>>
    %dma_start3A_204 = arith.constant 0 : i32
    %dma_start3A_205 = tpu.memref_slice %arg2[%add3A, %dma_start3A_200, %dma_start3A_204] : memref<32x82x128xi32, #tpu.memory_space<hbm>> -> memref<1x1x128xi32, #tpu.memory_space<hbm>>
    %dma_start3A_206 = tpu.memref_squeeze %dma_start3A_205 : memref<1x1x128xi32, #tpu.memory_space<hbm>> -> memref<128xi32, #tpu.memory_space<hbm>>
    tpu.enqueue_dma source(%dma_start3A_206 : memref<128xi32, #tpu.memory_space<hbm>>) target(%arg9 : memref<128xi32, #tpu.memory_space<vmem>>) target_semaphore(%arg20 : memref<!tpu.dma_semaphore, #tpu.memory_space<semaphore_mem>>)
    %dma_wait3A_207 = arith.constant 0 : i32
    %dma_wait3A_208 = arith.constant 0 : i32
    %dma_wait3A_209 = tpu.memref_slice %arg5[%dma_wait3A_207, %dma_wait3A_208] : memref<10000x128xf32, #tpu.memory_space<hbm>> -> memref<10000x128xf32, #tpu.memory_space<hbm>>
    tpu.wait_indirect_dma semaphore(%arg17 : memref<!tpu.dma_semaphore, #tpu.memory_space<semaphore_mem>>) src(%dma_wait3A_209 : memref<10000x128xf32, #tpu.memory_space<hbm>>) dst(%arg14 : memref<128x128xf32, #tpu.memory_space<vmem>>)
    %dma_wait3A_210 = arith.constant 2 : i32
    %dma_wait3A_211 = arith.constant 0 : i32
    %dma_wait3A_212 = tpu.memref_slice %arg2[%add3A, %dma_wait3A_210, %dma_wait3A_211] : memref<32x82x128xi32, #tpu.memory_space<hbm>> -> memref<1x1x128xi32, #tpu.memory_space<hbm>>
    %dma_wait3A_213 = tpu.memref_squeeze %dma_wait3A_212 : memref<1x1x128xi32, #tpu.memory_space<hbm>> -> memref<128xi32, #tpu.memory_space<hbm>>
    %dma_wait3A_214 = arith.constant 0 : i32
    %dma_wait3A_215 = tpu.memref_slice %arg2[%add3A, %dma_wait3A_210, %dma_wait3A_214] : memref<32x82x128xi32, #tpu.memory_space<hbm>> -> memref<1x1x128xi32, #tpu.memory_space<hbm>>
    %dma_wait3A_216 = tpu.memref_squeeze %dma_wait3A_215 : memref<1x1x128xi32, #tpu.memory_space<hbm>> -> memref<128xi32, #tpu.memory_space<hbm>>
    tpu.wait_dma2 semaphore(%arg20 : memref<!tpu.dma_semaphore, #tpu.memory_space<semaphore_mem>>) src(%dma_wait3A_216 : memref<128xi32, #tpu.memory_space<hbm>>) dst(%arg9 : memref<128xi32, #tpu.memory_space<vmem>>)
    %dma_wait3A_217 = arith.constant 0 : i32
    %dma_wait3A_218 = arith.constant 0 : i32
    %dma_wait3A_219 = tpu.memref_slice %arg15[%dma_wait3A_217, %dma_wait3A_218] : memref<10240x128xf32, #tpu.memory_space<vmem_shared>> -> memref<10240x128xf32, #tpu.memory_space<vmem_shared>>
    tpu.wait_indirect_dma semaphore(%arg18 : memref<!tpu.dma_semaphore, #tpu.memory_space<semaphore_mem>>) src(%arg13 : memref<128x128xf32, #tpu.memory_space<vmem>>) dst(%dma_wait3A_219 : memref<10240x128xf32, #tpu.memory_space<vmem_shared>>)
    %dma_start3A_220 = arith.constant 0 : i32
    %dma_start3A_221 = arith.constant 0 : i32
    %dma_start3A_222 = tpu.memref_slice %arg5[%dma_start3A_220, %dma_start3A_221] : memref<10000x128xf32, #tpu.memory_space<hbm>> -> memref<10000x128xf32, #tpu.memory_space<hbm>>
    tpu.enqueue_indirect_dma source(%dma_start3A_222 : memref<10000x128xf32, #tpu.memory_space<hbm>>) target(%arg13 : memref<128x128xf32, #tpu.memory_space<vmem>>) offsets(%arg9 : memref<128xi32, #tpu.memory_space<vmem>>) semaphore(%arg16 : memref<!tpu.dma_semaphore, #tpu.memory_space<semaphore_mem>>)
    %dma_start3A_223 = arith.constant 2 : i32
    %dma_start3A_224 = arith.constant 0 : i32
    %dma_start3A_225 = tpu.memref_slice %arg3[%add3A, %dma_start3A_223, %dma_start3A_224] : memref<32x82x128xi32, #tpu.memory_space<hbm>> -> memref<1x1x128xi32, #tpu.memory_space<hbm>>
    %dma_start3A_226 = tpu.memref_squeeze %dma_start3A_225 : memref<1x1x128xi32, #tpu.memory_space<hbm>> -> memref<128xi32, #tpu.memory_space<hbm>>
    %dma_start3A_227 = arith.constant 0 : i32
    %dma_start3A_228 = tpu.memref_slice %arg3[%add3A, %dma_start3A_223, %dma_start3A_227] : memref<32x82x128xi32, #tpu.memory_space<hbm>> -> memref<1x1x128xi32, #tpu.memory_space<hbm>>
    %dma_start3A_229 = tpu.memref_squeeze %dma_start3A_228 : memref<1x1x128xi32, #tpu.memory_space<hbm>> -> memref<128xi32, #tpu.memory_space<hbm>>
    tpu.enqueue_dma source(%dma_start3A_229 : memref<128xi32, #tpu.memory_space<hbm>>) target(%arg11 : memref<128xi32, #tpu.memory_space<vmem>>) target_semaphore(%arg22 : memref<!tpu.dma_semaphore, #tpu.memory_space<semaphore_mem>>)
    %dma_wait3A_230 = arith.constant 1 : i32
    %dma_wait3A_231 = arith.constant 0 : i32
    %dma_wait3A_232 = tpu.memref_slice %arg3[%add3A, %dma_wait3A_230, %dma_wait3A_231] : memref<32x82x128xi32, #tpu.memory_space<hbm>> -> memref<1x1x128xi32, #tpu.memory_space<hbm>>
    %dma_wait3A_233 = tpu.memref_squeeze %dma_wait3A_232 : memref<1x1x128xi32, #tpu.memory_space<hbm>> -> memref<128xi32, #tpu.memory_space<hbm>>
    %dma_wait3A_234 = arith.constant 0 : i32
    %dma_wait3A_235 = tpu.memref_slice %arg3[%add3A, %dma_wait3A_230, %dma_wait3A_234] : memref<32x82x128xi32, #tpu.memory_space<hbm>> -> memref<1x1x128xi32, #tpu.memory_space<hbm>>
    %dma_wait3A_236 = tpu.memref_squeeze %dma_wait3A_235 : memref<1x1x128xi32, #tpu.memory_space<hbm>> -> memref<128xi32, #tpu.memory_space<hbm>>
    tpu.wait_dma2 semaphore(%arg23 : memref<!tpu.dma_semaphore, #tpu.memory_space<semaphore_mem>>) src(%dma_wait3A_236 : memref<128xi32, #tpu.memory_space<hbm>>) dst(%arg12 : memref<128xi32, #tpu.memory_space<vmem>>)
    %dma_start3A_237 = arith.constant 0 : i32
    %dma_start3A_238 = arith.constant 0 : i32
    %dma_start3A_239 = tpu.memref_slice %arg15[%dma_start3A_237, %dma_start3A_238] : memref<10240x128xf32, #tpu.memory_space<vmem_shared>> -> memref<10240x128xf32, #tpu.memory_space<vmem_shared>>
    tpu.enqueue_indirect_dma source(%arg14 : memref<128x128xf32, #tpu.memory_space<vmem>>) target(%dma_start3A_239 : memref<10240x128xf32, #tpu.memory_space<vmem_shared>>) offsets(%arg12 : memref<128xi32, #tpu.memory_space<vmem>>) semaphore(%arg19 : memref<!tpu.dma_semaphore, #tpu.memory_space<semaphore_mem>>) {add = true}
    %dma_start3A_240 = arith.constant 3 : i32
    %dma_start3A_241 = arith.constant 0 : i32
    %dma_start3A_242 = tpu.memref_slice %arg2[%add3A, %dma_start3A_240, %dma_start3A_241] : memref<32x82x128xi32, #tpu.memory_space<hbm>> -> memref<1x1x128xi32, #tpu.memory_space<hbm>>
    %dma_start3A_243 = tpu.memref_squeeze %dma_start3A_242 : memref<1x1x128xi32, #tpu.memory_space<hbm>> -> memref<128xi32, #tpu.memory_space<hbm>>
    %dma_start3A_244 = arith.constant 0 : i32
    %dma_start3A_245 = tpu.memref_slice %arg2[%add3A, %dma_start3A_240, %dma_start3A_244] : memref<32x82x128xi32, #tpu.memory_space<hbm>> -> memref<1x1x128xi32, #tpu.memory_space<hbm>>
    %dma_start3A_246 = tpu.memref_squeeze %dma_start3A_245 : memref<1x1x128xi32, #tpu.memory_space<hbm>> -> memref<128xi32, #tpu.memory_space<hbm>>
    tpu.enqueue_dma source(%dma_start3A_246 : memref<128xi32, #tpu.memory_space<hbm>>) target(%arg10 : memref<128xi32, #tpu.memory_space<vmem>>) target_semaphore(%arg21 : memref<!tpu.dma_semaphore, #tpu.memory_space<semaphore_mem>>)
    %scan3A_247 = arith.constant 0 : i32
    %scan3A_248 = arith.constant 39 : i32
    %scan3A_249 = arith.addi %scan3A_247, %scan3A_248 : i32
    %scan3A_250 = arith.constant 1 : i32
    scf.for %scan3A_285 = %scan3A_247 to %scan3A_249 step %scan3A_250  : i32 {
      %mul3A_286 = arith.constant 1 : i32
      %mul3A_287 = arith.muli %scan3A_285, %mul3A_286 : i32
      %add3A_288 = arith.constant 1 : i32
      %add3A_289 = arith.addi %add3A_288, %mul3A_287 : i32
      %mul3A_290 = arith.constant 2 : i32
      %mul3A_291 = arith.muli %add3A_289, %mul3A_290 : i32
      %dma_wait3A_292 = arith.constant 0 : i32
      %dma_wait3A_293 = arith.constant 0 : i32
      %dma_wait3A_294 = tpu.memref_slice %arg5[%dma_wait3A_292, %dma_wait3A_293] : memref<10000x128xf32, #tpu.memory_space<hbm>> -> memref<10000x128xf32, #tpu.memory_space<hbm>>
      tpu.wait_indirect_dma semaphore(%arg16 : memref<!tpu.dma_semaphore, #tpu.memory_space<semaphore_mem>>) src(%dma_wait3A_294 : memref<10000x128xf32, #tpu.memory_space<hbm>>) dst(%arg13 : memref<128x128xf32, #tpu.memory_space<vmem>>)
      %add3A_295 = arith.constant 1 : i32
      %add3A_296 = arith.addi %mul3A_291, %add3A_295 : i32
      %dma_wait3A_297 = arith.constant 0 : i32
      %dma_wait3A_298 = tpu.memref_slice %arg2[%add3A, %add3A_296, %dma_wait3A_297] : memref<32x82x128xi32, #tpu.memory_space<hbm>> -> memref<1x1x128xi32, #tpu.memory_space<hbm>>
      %dma_wait3A_299 = tpu.memref_squeeze %dma_wait3A_298 : memref<1x1x128xi32, #tpu.memory_space<hbm>> -> memref<128xi32, #tpu.memory_space<hbm>>
      %dma_wait3A_300 = arith.constant 0 : i32
      %dma_wait3A_301 = tpu.memref_slice %arg2[%add3A, %add3A_296, %dma_wait3A_300] : memref<32x82x128xi32, #tpu.memory_space<hbm>> -> memref<1x1x128xi32, #tpu.memory_space<hbm>>
      %dma_wait3A_302 = tpu.memref_squeeze %dma_wait3A_301 : memref<1x1x128xi32, #tpu.memory_space<hbm>> -> memref<128xi32, #tpu.memory_space<hbm>>
      tpu.wait_dma2 semaphore(%arg21 : memref<!tpu.dma_semaphore, #tpu.memory_space<semaphore_mem>>) src(%dma_wait3A_302 : memref<128xi32, #tpu.memory_space<hbm>>) dst(%arg10 : memref<128xi32, #tpu.memory_space<vmem>>)
      %dma_wait3A_303 = arith.constant 0 : i32
      %dma_wait3A_304 = arith.constant 0 : i32
      %dma_wait3A_305 = tpu.memref_slice %arg15[%dma_wait3A_303, %dma_wait3A_304] : memref<10240x128xf32, #tpu.memory_space<vmem_shared>> -> memref<10240x128xf32, #tpu.memory_space<vmem_shared>>
      tpu.wait_indirect_dma semaphore(%arg19 : memref<!tpu.dma_semaphore, #tpu.memory_space<semaphore_mem>>) src(%arg14 : memref<128x128xf32, #tpu.memory_space<vmem>>) dst(%dma_wait3A_305 : memref<10240x128xf32, #tpu.memory_space<vmem_shared>>)
      %dma_start3A_306 = arith.constant 0 : i32
      %dma_start3A_307 = arith.constant 0 : i32
      %dma_start3A_308 = tpu.memref_slice %arg5[%dma_start3A_306, %dma_start3A_307] : memref<10000x128xf32, #tpu.memory_space<hbm>> -> memref<10000x128xf32, #tpu.memory_space<hbm>>
      tpu.enqueue_indirect_dma source(%dma_start3A_308 : memref<10000x128xf32, #tpu.memory_space<hbm>>) target(%arg14 : memref<128x128xf32, #tpu.memory_space<vmem>>) offsets(%arg10 : memref<128xi32, #tpu.memory_space<vmem>>) semaphore(%arg17 : memref<!tpu.dma_semaphore, #tpu.memory_space<semaphore_mem>>)
      %add3A_309 = arith.constant 1 : i32
      %add3A_310 = arith.addi %mul3A_291, %add3A_309 : i32
      %dma_start3A_311 = arith.constant 0 : i32
      %dma_start3A_312 = tpu.memref_slice %arg3[%add3A, %add3A_310, %dma_start3A_311] : memref<32x82x128xi32, #tpu.memory_space<hbm>> -> memref<1x1x128xi32, #tpu.memory_space<hbm>>
      %dma_start3A_313 = tpu.memref_squeeze %dma_start3A_312 : memref<1x1x128xi32, #tpu.memory_space<hbm>> -> memref<128xi32, #tpu.memory_space<hbm>>
      %dma_start3A_314 = arith.constant 0 : i32
      %dma_start3A_315 = tpu.memref_slice %arg3[%add3A, %add3A_310, %dma_start3A_314] : memref<32x82x128xi32, #tpu.memory_space<hbm>> -> memref<1x1x128xi32, #tpu.memory_space<hbm>>
      %dma_start3A_316 = tpu.memref_squeeze %dma_start3A_315 : memref<1x1x128xi32, #tpu.memory_space<hbm>> -> memref<128xi32, #tpu.memory_space<hbm>>
      tpu.enqueue_dma source(%dma_start3A_316 : memref<128xi32, #tpu.memory_space<hbm>>) target(%arg12 : memref<128xi32, #tpu.memory_space<vmem>>) target_semaphore(%arg23 : memref<!tpu.dma_semaphore, #tpu.memory_space<semaphore_mem>>)
      %dma_wait3A_317 = arith.constant 0 : i32
      %dma_wait3A_318 = tpu.memref_slice %arg3[%add3A, %mul3A_291, %dma_wait3A_317] : memref<32x82x128xi32, #tpu.memory_space<hbm>> -> memref<1x1x128xi32, #tpu.memory_space<hbm>>
      %dma_wait3A_319 = tpu.memref_squeeze %dma_wait3A_318 : memref<1x1x128xi32, #tpu.memory_space<hbm>> -> memref<128xi32, #tpu.memory_space<hbm>>
      %dma_wait3A_320 = arith.constant 0 : i32
      %dma_wait3A_321 = tpu.memref_slice %arg3[%add3A, %mul3A_291, %dma_wait3A_320] : memref<32x82x128xi32, #tpu.memory_space<hbm>> -> memref<1x1x128xi32, #tpu.memory_space<hbm>>
      %dma_wait3A_322 = tpu.memref_squeeze %dma_wait3A_321 : memref<1x1x128xi32, #tpu.memory_space<hbm>> -> memref<128xi32, #tpu.memory_space<hbm>>
      tpu.wait_dma2 semaphore(%arg22 : memref<!tpu.dma_semaphore, #tpu.memory_space<semaphore_mem>>) src(%dma_wait3A_322 : memref<128xi32, #tpu.memory_space<hbm>>) dst(%arg11 : memref<128xi32, #tpu.memory_space<vmem>>)
      %dma_start3A_323 = arith.constant 0 : i32
      %dma_start3A_324 = arith.constant 0 : i32
      %dma_start3A_325 = tpu.memref_slice %arg15[%dma_start3A_323, %dma_start3A_324] : memref<10240x128xf32, #tpu.memory_space<vmem_shared>> -> memref<10240x128xf32, #tpu.memory_space<vmem_shared>>
      tpu.enqueue_indirect_dma source(%arg13 : memref<128x128xf32, #tpu.memory_space<vmem>>) target(%dma_start3A_325 : memref<10240x128xf32, #tpu.memory_space<vmem_shared>>) offsets(%arg11 : memref<128xi32, #tpu.memory_space<vmem>>) semaphore(%arg18 : memref<!tpu.dma_semaphore, #tpu.memory_space<semaphore_mem>>) {add = true}
      %add3A_326 = arith.constant 2 : i32
      %add3A_327 = arith.addi %mul3A_291, %add3A_326 : i32
      %dma_start3A_328 = arith.constant 0 : i32
      %dma_start3A_329 = tpu.memref_slice %arg2[%add3A, %add3A_327, %dma_start3A_328] : memref<32x82x128xi32, #tpu.memory_space<hbm>> -> memref<1x1x128xi32, #tpu.memory_space<hbm>>
      %dma_start3A_330 = tpu.memref_squeeze %dma_start3A_329 : memref<1x1x128xi32, #tpu.memory_space<hbm>> -> memref<128xi32, #tpu.memory_space<hbm>>
      %dma_start3A_331 = arith.constant 0 : i32
      %dma_start3A_332 = tpu.memref_slice %arg2[%add3A, %add3A_327, %dma_start3A_331] : memref<32x82x128xi32, #tpu.memory_space<hbm>> -> memref<1x1x128xi32, #tpu.memory_space<hbm>>
      %dma_start3A_333 = tpu.memref_squeeze %dma_start3A_332 : memref<1x1x128xi32, #tpu.memory_space<hbm>> -> memref<128xi32, #tpu.memory_space<hbm>>
      tpu.enqueue_dma source(%dma_start3A_333 : memref<128xi32, #tpu.memory_space<hbm>>) target(%arg9 : memref<128xi32, #tpu.memory_space<vmem>>) target_semaphore(%arg20 : memref<!tpu.dma_semaphore, #tpu.memory_space<semaphore_mem>>)
      %dma_wait3A_334 = arith.constant 0 : i32
      %dma_wait3A_335 = arith.constant 0 : i32
      %dma_wait3A_336 = tpu.memref_slice %arg5[%dma_wait3A_334, %dma_wait3A_335] : memref<10000x128xf32, #tpu.memory_space<hbm>> -> memref<10000x128xf32, #tpu.memory_space<hbm>>
      tpu.wait_indirect_dma semaphore(%arg17 : memref<!tpu.dma_semaphore, #tpu.memory_space<semaphore_mem>>) src(%dma_wait3A_336 : memref<10000x128xf32, #tpu.memory_space<hbm>>) dst(%arg14 : memref<128x128xf32, #tpu.memory_space<vmem>>)
      %add3A_337 = arith.constant 2 : i32
      %add3A_338 = arith.addi %mul3A_291, %add3A_337 : i32
      %dma_wait3A_339 = arith.constant 0 : i32
      %dma_wait3A_340 = tpu.memref_slice %arg2[%add3A, %add3A_338, %dma_wait3A_339] : memref<32x82x128xi32, #tpu.memory_space<hbm>> -> memref<1x1x128xi32, #tpu.memory_space<hbm>>
      %dma_wait3A_341 = tpu.memref_squeeze %dma_wait3A_340 : memref<1x1x128xi32, #tpu.memory_space<hbm>> -> memref<128xi32, #tpu.memory_space<hbm>>
      %dma_wait3A_342 = arith.constant 0 : i32
      %dma_wait3A_343 = tpu.memref_slice %arg2[%add3A, %add3A_338, %dma_wait3A_342] : memref<32x82x128xi32, #tpu.memory_space<hbm>> -> memref<1x1x128xi32, #tpu.memory_space<hbm>>
      %dma_wait3A_344 = tpu.memref_squeeze %dma_wait3A_343 : memref<1x1x128xi32, #tpu.memory_space<hbm>> -> memref<128xi32, #tpu.memory_space<hbm>>
      tpu.wait_dma2 semaphore(%arg20 : memref<!tpu.dma_semaphore, #tpu.memory_space<semaphore_mem>>) src(%dma_wait3A_344 : memref<128xi32, #tpu.memory_space<hbm>>) dst(%arg9 : memref<128xi32, #tpu.memory_space<vmem>>)
      %dma_wait3A_345 = arith.constant 0 : i32
      %dma_wait3A_346 = arith.constant 0 : i32
      %dma_wait3A_347 = tpu.memref_slice %arg15[%dma_wait3A_345, %dma_wait3A_346] : memref<10240x128xf32, #tpu.memory_space<vmem_shared>> -> memref<10240x128xf32, #tpu.memory_space<vmem_shared>>
      tpu.wait_indirect_dma semaphore(%arg18 : memref<!tpu.dma_semaphore, #tpu.memory_space<semaphore_mem>>) src(%arg13 : memref<128x128xf32, #tpu.memory_space<vmem>>) dst(%dma_wait3A_347 : memref<10240x128xf32, #tpu.memory_space<vmem_shared>>)
      %dma_start3A_348 = arith.constant 0 : i32
      %dma_start3A_349 = arith.constant 0 : i32
      %dma_start3A_350 = tpu.memref_slice %arg5[%dma_start3A_348, %dma_start3A_349] : memref<10000x128xf32, #tpu.memory_space<hbm>> -> memref<10000x128xf32, #tpu.memory_space<hbm>>
      tpu.enqueue_indirect_dma source(%dma_start3A_350 : memref<10000x128xf32, #tpu.memory_space<hbm>>) target(%arg13 : memref<128x128xf32, #tpu.memory_space<vmem>>) offsets(%arg9 : memref<128xi32, #tpu.memory_space<vmem>>) semaphore(%arg16 : memref<!tpu.dma_semaphore, #tpu.memory_space<semaphore_mem>>)
      %add3A_351 = arith.constant 2 : i32
      %add3A_352 = arith.addi %mul3A_291, %add3A_351 : i32
      %dma_start3A_353 = arith.constant 0 : i32
      %dma_start3A_354 = tpu.memref_slice %arg3[%add3A, %add3A_352, %dma_start3A_353] : memref<32x82x128xi32, #tpu.memory_space<hbm>> -> memref<1x1x128xi32, #tpu.memory_space<hbm>>
      %dma_start3A_355 = tpu.memref_squeeze %dma_start3A_354 : memref<1x1x128xi32, #tpu.memory_space<hbm>> -> memref<128xi32, #tpu.memory_space<hbm>>
      %dma_start3A_356 = arith.constant 0 : i32
      %dma_start3A_357 = tpu.memref_slice %arg3[%add3A, %add3A_352, %dma_start3A_356] : memref<32x82x128xi32, #tpu.memory_space<hbm>> -> memref<1x1x128xi32, #tpu.memory_space<hbm>>
      %dma_start3A_358 = tpu.memref_squeeze %dma_start3A_357 : memref<1x1x128xi32, #tpu.memory_space<hbm>> -> memref<128xi32, #tpu.memory_space<hbm>>
      tpu.enqueue_dma source(%dma_start3A_358 : memref<128xi32, #tpu.memory_space<hbm>>) target(%arg11 : memref<128xi32, #tpu.memory_space<vmem>>) target_semaphore(%arg22 : memref<!tpu.dma_semaphore, #tpu.memory_space<semaphore_mem>>)
      %add3A_359 = arith.constant 1 : i32
      %add3A_360 = arith.addi %mul3A_291, %add3A_359 : i32
      %dma_wait3A_361 = arith.constant 0 : i32
      %dma_wait3A_362 = tpu.memref_slice %arg3[%add3A, %add3A_360, %dma_wait3A_361] : memref<32x82x128xi32, #tpu.memory_space<hbm>> -> memref<1x1x128xi32, #tpu.memory_space<hbm>>
      %dma_wait3A_363 = tpu.memref_squeeze %dma_wait3A_362 : memref<1x1x128xi32, #tpu.memory_space<hbm>> -> memref<128xi32, #tpu.memory_space<hbm>>
      %dma_wait3A_364 = arith.constant 0 : i32
      %dma_wait3A_365 = tpu.memref_slice %arg3[%add3A, %add3A_360, %dma_wait3A_364] : memref<32x82x128xi32, #tpu.memory_space<hbm>> -> memref<1x1x128xi32, #tpu.memory_space<hbm>>
      %dma_wait3A_366 = tpu.memref_squeeze %dma_wait3A_365 : memref<1x1x128xi32, #tpu.memory_space<hbm>> -> memref<128xi32, #tpu.memory_space<hbm>>
      tpu.wait_dma2 semaphore(%arg23 : memref<!tpu.dma_semaphore, #tpu.memory_space<semaphore_mem>>) src(%dma_wait3A_366 : memref<128xi32, #tpu.memory_space<hbm>>) dst(%arg12 : memref<128xi32, #tpu.memory_space<vmem>>)
      %dma_start3A_367 = arith.constant 0 : i32
      %dma_start3A_368 = arith.constant 0 : i32
      %dma_start3A_369 = tpu.memref_slice %arg15[%dma_start3A_367, %dma_start3A_368] : memref<10240x128xf32, #tpu.memory_space<vmem_shared>> -> memref<10240x128xf32, #tpu.memory_space<vmem_shared>>
      tpu.enqueue_indirect_dma source(%arg14 : memref<128x128xf32, #tpu.memory_space<vmem>>) target(%dma_start3A_369 : memref<10240x128xf32, #tpu.memory_space<vmem_shared>>) offsets(%arg12 : memref<128xi32, #tpu.memory_space<vmem>>) semaphore(%arg19 : memref<!tpu.dma_semaphore, #tpu.memory_space<semaphore_mem>>) {add = true}
      %add3A_370 = arith.constant 3 : i32
      %add3A_371 = arith.addi %mul3A_291, %add3A_370 : i32
      %dma_start3A_372 = arith.constant 0 : i32
      %dma_start3A_373 = tpu.memref_slice %arg2[%add3A, %add3A_371, %dma_start3A_372] : memref<32x82x128xi32, #tpu.memory_space<hbm>> -> memref<1x1x128xi32, #tpu.memory_space<hbm>>
      %dma_start3A_374 = tpu.memref_squeeze %dma_start3A_373 : memref<1x1x128xi32, #tpu.memory_space<hbm>> -> memref<128xi32, #tpu.memory_space<hbm>>
      %dma_start3A_375 = arith.constant 0 : i32
      %dma_start3A_376 = tpu.memref_slice %arg2[%add3A, %add3A_371, %dma_start3A_375] : memref<32x82x128xi32, #tpu.memory_space<hbm>> -> memref<1x1x128xi32, #tpu.memory_space<hbm>>
      %dma_start3A_377 = tpu.memref_squeeze %dma_start3A_376 : memref<1x1x128xi32, #tpu.memory_space<hbm>> -> memref<128xi32, #tpu.memory_space<hbm>>
      tpu.enqueue_dma source(%dma_start3A_377 : memref<128xi32, #tpu.memory_space<hbm>>) target(%arg10 : memref<128xi32, #tpu.memory_space<vmem>>) target_semaphore(%arg21 : memref<!tpu.dma_semaphore, #tpu.memory_space<semaphore_mem>>)
    }
    %scan3A_251 = arith.constant 39 : i32
    %dma_wait3A_252 = arith.constant 0 : i32
    %dma_wait3A_253 = arith.constant 0 : i32
    %dma_wait3A_254 = tpu.memref_slice %arg5[%dma_wait3A_252, %dma_wait3A_253] : memref<10000x128xf32, #tpu.memory_space<hbm>> -> memref<10000x128xf32, #tpu.memory_space<hbm>>
    tpu.wait_indirect_dma semaphore(%arg16 : memref<!tpu.dma_semaphore, #tpu.memory_space<semaphore_mem>>) src(%dma_wait3A_254 : memref<10000x128xf32, #tpu.memory_space<hbm>>) dst(%arg13 : memref<128x128xf32, #tpu.memory_space<vmem>>)
    %dma_wait3A_255 = arith.constant 81 : i32
    %dma_wait3A_256 = arith.constant 0 : i32
    %dma_wait3A_257 = tpu.memref_slice %arg2[%add3A, %dma_wait3A_255, %dma_wait3A_256] : memref<32x82x128xi32, #tpu.memory_space<hbm>> -> memref<1x1x128xi32, #tpu.memory_space<hbm>>
    %dma_wait3A_258 = tpu.memref_squeeze %dma_wait3A_257 : memref<1x1x128xi32, #tpu.memory_space<hbm>> -> memref<128xi32, #tpu.memory_space<hbm>>
    %dma_wait3A_259 = arith.constant 0 : i32
    %dma_wait3A_260 = tpu.memref_slice %arg2[%add3A, %dma_wait3A_255, %dma_wait3A_259] : memref<32x82x128xi32, #tpu.memory_space<hbm>> -> memref<1x1x128xi32, #tpu.memory_space<hbm>>
    %dma_wait3A_261 = tpu.memref_squeeze %dma_wait3A_260 : memref<1x1x128xi32, #tpu.memory_space<hbm>> -> memref<128xi32, #tpu.memory_space<hbm>>
    tpu.wait_dma2 semaphore(%arg21 : memref<!tpu.dma_semaphore, #tpu.memory_space<semaphore_mem>>) src(%dma_wait3A_261 : memref<128xi32, #tpu.memory_space<hbm>>) dst(%arg10 : memref<128xi32, #tpu.memory_space<vmem>>)
    %dma_wait3A_262 = arith.constant 80 : i32
    %dma_wait3A_263 = arith.constant 0 : i32
    %dma_wait3A_264 = tpu.memref_slice %arg3[%add3A, %dma_wait3A_262, %dma_wait3A_263] : memref<32x82x128xi32, #tpu.memory_space<hbm>> -> memref<1x1x128xi32, #tpu.memory_space<hbm>>
    %dma_wait3A_265 = tpu.memref_squeeze %dma_wait3A_264 : memref<1x1x128xi32, #tpu.memory_space<hbm>> -> memref<128xi32, #tpu.memory_space<hbm>>
    %dma_wait3A_266 = arith.constant 0 : i32
    %dma_wait3A_267 = tpu.memref_slice %arg3[%add3A, %dma_wait3A_262, %dma_wait3A_266] : memref<32x82x128xi32, #tpu.memory_space<hbm>> -> memref<1x1x128xi32, #tpu.memory_space<hbm>>
    %dma_wait3A_268 = tpu.memref_squeeze %dma_wait3A_267 : memref<1x1x128xi32, #tpu.memory_space<hbm>> -> memref<128xi32, #tpu.memory_space<hbm>>
    tpu.wait_dma2 semaphore(%arg22 : memref<!tpu.dma_semaphore, #tpu.memory_space<semaphore_mem>>) src(%dma_wait3A_268 : memref<128xi32, #tpu.memory_space<hbm>>) dst(%arg11 : memref<128xi32, #tpu.memory_space<vmem>>)
    %dma_wait3A_269 = arith.constant 0 : i32
    %dma_wait3A_270 = arith.constant 0 : i32
    %dma_wait3A_271 = tpu.memref_slice %arg15[%dma_wait3A_269, %dma_wait3A_270] : memref<10240x128xf32, #tpu.memory_space<vmem_shared>> -> memref<10240x128xf32, #tpu.memory_space<vmem_shared>>
    tpu.wait_indirect_dma semaphore(%arg19 : memref<!tpu.dma_semaphore, #tpu.memory_space<semaphore_mem>>) src(%arg14 : memref<128x128xf32, #tpu.memory_space<vmem>>) dst(%dma_wait3A_271 : memref<10240x128xf32, #tpu.memory_space<vmem_shared>>)
    %barrier3A_272 = arith.constant 0 : index
    tpu.barrier barrier_id(%barrier3A_272)
    %dma_start3A_273 = arith.constant 1 : i32
    %dma_start3A_274 = arith.constant 0 : i32
    %dma_start3A_275 = tpu.memref_slice %arg7[%dma_start3A_273, %arg0, %mul3A_2, %dma_start3A_274] : memref<2x2x10240x128xf32, #tpu.memory_space<hbm>> -> memref<1x1x640x128xf32, #tpu.memory_space<hbm>>
    %dma_start3A_276 = tpu.memref_squeeze %dma_start3A_275 : memref<1x1x640x128xf32, #tpu.memory_space<hbm>> -> memref<640x128xf32, #tpu.memory_space<hbm>>
    %dma_start3A_277 = arith.constant 0 : i32
    %dma_start3A_278 = tpu.memref_slice %arg15[%mul3A_2, %dma_start3A_277] : memref<10240x128xf32, #tpu.memory_space<vmem_shared>> -> memref<640x128xf32, #tpu.memory_space<vmem_shared>>
    tpu.enqueue_dma source(%dma_start3A_278 : memref<640x128xf32, #tpu.memory_space<vmem_shared>>) target(%dma_start3A_276 : memref<640x128xf32, #tpu.memory_space<hbm>>) target_semaphore(%arg24 : memref<!tpu.dma_semaphore, #tpu.memory_space<semaphore_mem>>)
    %dma_wait3A_279 = arith.constant 1 : i32
    %dma_wait3A_280 = arith.constant 0 : i32
    %dma_wait3A_281 = tpu.memref_slice %arg7[%dma_wait3A_279, %arg0, %mul3A_2, %dma_wait3A_280] : memref<2x2x10240x128xf32, #tpu.memory_space<hbm>> -> memref<1x1x640x128xf32, #tpu.memory_space<hbm>>
    %dma_wait3A_282 = tpu.memref_squeeze %dma_wait3A_281 : memref<1x1x640x128xf32, #tpu.memory_space<hbm>> -> memref<640x128xf32, #tpu.memory_space<hbm>>
    %dma_wait3A_283 = arith.constant 0 : i32
    %dma_wait3A_284 = tpu.memref_slice %arg15[%mul3A_2, %dma_wait3A_283] : memref<10240x128xf32, #tpu.memory_space<vmem_shared>> -> memref<640x128xf32, #tpu.memory_space<vmem_shared>>
    tpu.wait_dma2 semaphore(%arg24 : memref<!tpu.dma_semaphore, #tpu.memory_space<semaphore_mem>>) src(%dma_wait3A_284 : memref<640x128xf32, #tpu.memory_space<vmem_shared>>) dst(%dma_wait3A_282 : memref<640x128xf32, #tpu.memory_space<hbm>>)
    return
  }
}

#map = affine_map<(d0, d1) -> (0, 0, 0)>
#map1 = affine_map<(d0, d1) -> (0, 0)>
#map2 = affine_map<(d0, d1) -> (0, 0, 0, 0)>
module attributes {stable_mosaic.version = 14 : i64} {
  func.func @body(%arg0: i32, %arg1: i32, %arg2: memref<32x82x128xi32, #tpu.memory_space<hbm>>, %arg3: memref<32x82x128xi32, #tpu.memory_space<hbm>>, %arg4: memref<10000x128xf32, #tpu.memory_space<hbm>>, %arg5: memref<640x128xf32, #tpu.memory_space<hbm>>, %arg6: memref<1x2x10240x128xf32, #tpu.memory_space<hbm>>, %arg7: memref<128xi32, #tpu.memory_space<vmem>>, %arg8: memref<128xi32, #tpu.memory_space<vmem>>, %arg9: memref<128xi32, #tpu.memory_space<vmem>>, %arg10: memref<128xi32, #tpu.memory_space<vmem>>, %arg11: memref<128x128xf32, #tpu.memory_space<vmem>>, %arg12: memref<128x128xf32, #tpu.memory_space<vmem>>, %arg13: memref<10240x128xf32, #tpu.memory_space<vmem_shared>>, %arg14: memref<!tpu.dma_semaphore, #tpu.memory_space<semaphore_mem>>, %arg15: memref<!tpu.dma_semaphore, #tpu.memory_space<semaphore_mem>>, %arg16: memref<!tpu.dma_semaphore, #tpu.memory_space<semaphore_mem>>, %arg17: memref<!tpu.dma_semaphore, #tpu.memory_space<semaphore_mem>>, %arg18: memref<!tpu.dma_semaphore, #tpu.memory_space<semaphore_mem>>, %arg19: memref<!tpu.dma_semaphore, #tpu.memory_space<semaphore_mem>>, %arg20: memref<!tpu.dma_semaphore, #tpu.memory_space<semaphore_mem>>, %arg21: memref<!tpu.dma_semaphore, #tpu.memory_space<semaphore_mem>>, %arg22: memref<!tpu.dma_semaphore, #tpu.memory_space<semaphore_mem>>, %arg23: memref<!tpu.dma_semaphore, #tpu.memory_space<semaphore_mem>>) attributes {dimension_semantics = [#tpu.dimension_semantics<core_parallel>, #tpu.dimension_semantics<subcore_parallel>], iteration_bounds = array<i64: 2, 16>, scalar_prefetch = 0 : i64, scratch_operands = 17 : i64, tpu.core_type = #tpu.core_type<sc_vector_subcore>, window_params = [{transform_indices = #map}, {transform_indices = #map}, {transform_indices = #map1}, {transform_indices = #map1}, {transform_indices = #map2}]} {
    %mul3A = arith.constant 2 : i32
    %mul3A_0 = arith.muli %arg1, %mul3A : i32
    %add3A = arith.addi %mul3A_0, %arg0 : i32
    %mul3A_1 = arith.constant 640 : i32
    %mul3A_2 = arith.muli %arg1, %mul3A_1 : i32
    "tpu.region"() ({
      %run_scoped3A_119 = tpu.sem_alloc : memref<!tpu.dma_semaphore, #tpu.memory_space<semaphore_mem>>
      %dma_start3A_120 = arith.constant 0 : i32
      %dma_start3A_121 = tpu.memref_slice %arg13[%mul3A_2, %dma_start3A_120] : memref<10240x128xf32, #tpu.memory_space<vmem_shared>> -> memref<640x128xf32, #tpu.memory_space<vmem_shared>>
      tpu.enqueue_dma source(%arg5 : memref<640x128xf32, #tpu.memory_space<hbm>>) target(%dma_start3A_121 : memref<640x128xf32, #tpu.memory_space<vmem_shared>>) target_semaphore(%run_scoped3A_119 : memref<!tpu.dma_semaphore, #tpu.memory_space<semaphore_mem>>)
      %dma_wait3A_122 = arith.constant 0 : i32
      %dma_wait3A_123 = tpu.memref_slice %arg13[%mul3A_2, %dma_wait3A_122] : memref<10240x128xf32, #tpu.memory_space<vmem_shared>> -> memref<640x128xf32, #tpu.memory_space<vmem_shared>>
      tpu.wait_dma2 semaphore(%run_scoped3A_119 : memref<!tpu.dma_semaphore, #tpu.memory_space<semaphore_mem>>) src(%arg5 : memref<640x128xf32, #tpu.memory_space<hbm>>) dst(%dma_wait3A_123 : memref<640x128xf32, #tpu.memory_space<vmem_shared>>)
      tpu.yield
    }) : () -> ()
    %barrier3A = arith.constant 0 : index
    tpu.barrier barrier_id(%barrier3A)
    %run_scoped3A = arith.constant 0 : i32
    "tpu.region"() ({
      %run_scoped3A_119 = tpu.sem_alloc : memref<!tpu.dma_semaphore, #tpu.memory_space<semaphore_mem>>
      %dma_start3A_120 = arith.constant 0 : i32
      %dma_start3A_121 = tpu.memref_slice %arg2[%add3A, %run_scoped3A, %dma_start3A_120] : memref<32x82x128xi32, #tpu.memory_space<hbm>> -> memref<1x1x128xi32, #tpu.memory_space<hbm>>
      %dma_start3A_122 = tpu.memref_squeeze %dma_start3A_121 : memref<1x1x128xi32, #tpu.memory_space<hbm>> -> memref<128xi32, #tpu.memory_space<hbm>>
      %dma_start3A_123 = arith.constant 0 : i32
      %dma_start3A_124 = tpu.memref_slice %arg2[%add3A, %run_scoped3A, %dma_start3A_123] : memref<32x82x128xi32, #tpu.memory_space<hbm>> -> memref<1x1x128xi32, #tpu.memory_space<hbm>>
      %dma_start3A_125 = tpu.memref_squeeze %dma_start3A_124 : memref<1x1x128xi32, #tpu.memory_space<hbm>> -> memref<128xi32, #tpu.memory_space<hbm>>
      tpu.enqueue_dma source(%dma_start3A_125 : memref<128xi32, #tpu.memory_space<hbm>>) target(%arg7 : memref<128xi32, #tpu.memory_space<vmem>>) target_semaphore(%run_scoped3A_119 : memref<!tpu.dma_semaphore, #tpu.memory_space<semaphore_mem>>)
      %dma_wait3A_126 = arith.constant 0 : i32
      %dma_wait3A_127 = tpu.memref_slice %arg2[%add3A, %run_scoped3A, %dma_wait3A_126] : memref<32x82x128xi32, #tpu.memory_space<hbm>> -> memref<1x1x128xi32, #tpu.memory_space<hbm>>
      %dma_wait3A_128 = tpu.memref_squeeze %dma_wait3A_127 : memref<1x1x128xi32, #tpu.memory_space<hbm>> -> memref<128xi32, #tpu.memory_space<hbm>>
      %dma_wait3A_129 = arith.constant 0 : i32
      %dma_wait3A_130 = tpu.memref_slice %arg2[%add3A, %run_scoped3A, %dma_wait3A_129] : memref<32x82x128xi32, #tpu.memory_space<hbm>> -> memref<1x1x128xi32, #tpu.memory_space<hbm>>
      %dma_wait3A_131 = tpu.memref_squeeze %dma_wait3A_130 : memref<1x1x128xi32, #tpu.memory_space<hbm>> -> memref<128xi32, #tpu.memory_space<hbm>>
      tpu.wait_dma2 semaphore(%run_scoped3A_119 : memref<!tpu.dma_semaphore, #tpu.memory_space<semaphore_mem>>) src(%dma_wait3A_131 : memref<128xi32, #tpu.memory_space<hbm>>) dst(%arg7 : memref<128xi32, #tpu.memory_space<vmem>>)
      tpu.yield
    }) : () -> ()
    %run_scoped3A_3 = arith.constant 0 : i32
    "tpu.region"() ({
      %run_scoped3A_119 = tpu.sem_alloc : memref<!tpu.dma_semaphore, #tpu.memory_space<semaphore_mem>>
      %dma_start3A_120 = arith.constant 0 : i32
      %dma_start3A_121 = tpu.memref_slice %arg3[%add3A, %run_scoped3A_3, %dma_start3A_120] : memref<32x82x128xi32, #tpu.memory_space<hbm>> -> memref<1x1x128xi32, #tpu.memory_space<hbm>>
      %dma_start3A_122 = tpu.memref_squeeze %dma_start3A_121 : memref<1x1x128xi32, #tpu.memory_space<hbm>> -> memref<128xi32, #tpu.memory_space<hbm>>
      %dma_start3A_123 = arith.constant 0 : i32
      %dma_start3A_124 = tpu.memref_slice %arg3[%add3A, %run_scoped3A_3, %dma_start3A_123] : memref<32x82x128xi32, #tpu.memory_space<hbm>> -> memref<1x1x128xi32, #tpu.memory_space<hbm>>
      %dma_start3A_125 = tpu.memref_squeeze %dma_start3A_124 : memref<1x1x128xi32, #tpu.memory_space<hbm>> -> memref<128xi32, #tpu.memory_space<hbm>>
      tpu.enqueue_dma source(%dma_start3A_125 : memref<128xi32, #tpu.memory_space<hbm>>) target(%arg9 : memref<128xi32, #tpu.memory_space<vmem>>) target_semaphore(%run_scoped3A_119 : memref<!tpu.dma_semaphore, #tpu.memory_space<semaphore_mem>>)
      %dma_wait3A_126 = arith.constant 0 : i32
      %dma_wait3A_127 = tpu.memref_slice %arg3[%add3A, %run_scoped3A_3, %dma_wait3A_126] : memref<32x82x128xi32, #tpu.memory_space<hbm>> -> memref<1x1x128xi32, #tpu.memory_space<hbm>>
      %dma_wait3A_128 = tpu.memref_squeeze %dma_wait3A_127 : memref<1x1x128xi32, #tpu.memory_space<hbm>> -> memref<128xi32, #tpu.memory_space<hbm>>
      %dma_wait3A_129 = arith.constant 0 : i32
      %dma_wait3A_130 = tpu.memref_slice %arg3[%add3A, %run_scoped3A_3, %dma_wait3A_129] : memref<32x82x128xi32, #tpu.memory_space<hbm>> -> memref<1x1x128xi32, #tpu.memory_space<hbm>>
      %dma_wait3A_131 = tpu.memref_squeeze %dma_wait3A_130 : memref<1x1x128xi32, #tpu.memory_space<hbm>> -> memref<128xi32, #tpu.memory_space<hbm>>
      tpu.wait_dma2 semaphore(%run_scoped3A_119 : memref<!tpu.dma_semaphore, #tpu.memory_space<semaphore_mem>>) src(%dma_wait3A_131 : memref<128xi32, #tpu.memory_space<hbm>>) dst(%arg9 : memref<128xi32, #tpu.memory_space<vmem>>)
      tpu.yield
    }) : () -> ()
    %dma_start3A = arith.constant 0 : i32
    %dma_start3A_4 = arith.constant 0 : i32
    %dma_start3A_5 = tpu.memref_slice %arg4[%dma_start3A, %dma_start3A_4] : memref<10000x128xf32, #tpu.memory_space<hbm>> -> memref<10000x128xf32, #tpu.memory_space<hbm>>
    tpu.enqueue_indirect_dma source(%dma_start3A_5 : memref<10000x128xf32, #tpu.memory_space<hbm>>) target(%arg11 : memref<128x128xf32, #tpu.memory_space<vmem>>) offsets(%arg7 : memref<128xi32, #tpu.memory_space<vmem>>) semaphore(%arg14 : memref<!tpu.dma_semaphore, #tpu.memory_space<semaphore_mem>>)
    %dma_start3A_6 = arith.constant 1 : i32
    %dma_start3A_7 = arith.constant 0 : i32
    %dma_start3A_8 = tpu.memref_slice %arg2[%add3A, %dma_start3A_6, %dma_start3A_7] : memref<32x82x128xi32, #tpu.memory_space<hbm>> -> memref<1x1x128xi32, #tpu.memory_space<hbm>>
    %dma_start3A_9 = tpu.memref_squeeze %dma_start3A_8 : memref<1x1x128xi32, #tpu.memory_space<hbm>> -> memref<128xi32, #tpu.memory_space<hbm>>
    %dma_start3A_10 = arith.constant 0 : i32
    %dma_start3A_11 = tpu.memref_slice %arg2[%add3A, %dma_start3A_6, %dma_start3A_10] : memref<32x82x128xi32, #tpu.memory_space<hbm>> -> memref<1x1x128xi32, #tpu.memory_space<hbm>>
    %dma_start3A_12 = tpu.memref_squeeze %dma_start3A_11 : memref<1x1x128xi32, #tpu.memory_space<hbm>> -> memref<128xi32, #tpu.memory_space<hbm>>
    tpu.enqueue_dma source(%dma_start3A_12 : memref<128xi32, #tpu.memory_space<hbm>>) target(%arg8 : memref<128xi32, #tpu.memory_space<vmem>>) target_semaphore(%arg19 : memref<!tpu.dma_semaphore, #tpu.memory_space<semaphore_mem>>)
    %dma_wait3A = arith.constant 0 : i32
    %dma_wait3A_13 = arith.constant 0 : i32
    %dma_wait3A_14 = tpu.memref_slice %arg4[%dma_wait3A, %dma_wait3A_13] : memref<10000x128xf32, #tpu.memory_space<hbm>> -> memref<10000x128xf32, #tpu.memory_space<hbm>>
    tpu.wait_indirect_dma semaphore(%arg14 : memref<!tpu.dma_semaphore, #tpu.memory_space<semaphore_mem>>) src(%dma_wait3A_14 : memref<10000x128xf32, #tpu.memory_space<hbm>>) dst(%arg11 : memref<128x128xf32, #tpu.memory_space<vmem>>)
    %dma_wait3A_15 = arith.constant 1 : i32
    %dma_wait3A_16 = arith.constant 0 : i32
    %dma_wait3A_17 = tpu.memref_slice %arg2[%add3A, %dma_wait3A_15, %dma_wait3A_16] : memref<32x82x128xi32, #tpu.memory_space<hbm>> -> memref<1x1x128xi32, #tpu.memory_space<hbm>>
    %dma_wait3A_18 = tpu.memref_squeeze %dma_wait3A_17 : memref<1x1x128xi32, #tpu.memory_space<hbm>> -> memref<128xi32, #tpu.memory_space<hbm>>
    %dma_wait3A_19 = arith.constant 0 : i32
    %dma_wait3A_20 = tpu.memref_slice %arg2[%add3A, %dma_wait3A_15, %dma_wait3A_19] : memref<32x82x128xi32, #tpu.memory_space<hbm>> -> memref<1x1x128xi32, #tpu.memory_space<hbm>>
    %dma_wait3A_21 = tpu.memref_squeeze %dma_wait3A_20 : memref<1x1x128xi32, #tpu.memory_space<hbm>> -> memref<128xi32, #tpu.memory_space<hbm>>
    tpu.wait_dma2 semaphore(%arg19 : memref<!tpu.dma_semaphore, #tpu.memory_space<semaphore_mem>>) src(%dma_wait3A_21 : memref<128xi32, #tpu.memory_space<hbm>>) dst(%arg8 : memref<128xi32, #tpu.memory_space<vmem>>)
    %dma_start3A_22 = arith.constant 0 : i32
    %dma_start3A_23 = arith.constant 0 : i32
    %dma_start3A_24 = tpu.memref_slice %arg4[%dma_start3A_22, %dma_start3A_23] : memref<10000x128xf32, #tpu.memory_space<hbm>> -> memref<10000x128xf32, #tpu.memory_space<hbm>>
    tpu.enqueue_indirect_dma source(%dma_start3A_24 : memref<10000x128xf32, #tpu.memory_space<hbm>>) target(%arg12 : memref<128x128xf32, #tpu.memory_space<vmem>>) offsets(%arg8 : memref<128xi32, #tpu.memory_space<vmem>>) semaphore(%arg15 : memref<!tpu.dma_semaphore, #tpu.memory_space<semaphore_mem>>)
    %dma_start3A_25 = arith.constant 1 : i32
    %dma_start3A_26 = arith.constant 0 : i32
    %dma_start3A_27 = tpu.memref_slice %arg3[%add3A, %dma_start3A_25, %dma_start3A_26] : memref<32x82x128xi32, #tpu.memory_space<hbm>> -> memref<1x1x128xi32, #tpu.memory_space<hbm>>
    %dma_start3A_28 = tpu.memref_squeeze %dma_start3A_27 : memref<1x1x128xi32, #tpu.memory_space<hbm>> -> memref<128xi32, #tpu.memory_space<hbm>>
    %dma_start3A_29 = arith.constant 0 : i32
    %dma_start3A_30 = tpu.memref_slice %arg3[%add3A, %dma_start3A_25, %dma_start3A_29] : memref<32x82x128xi32, #tpu.memory_space<hbm>> -> memref<1x1x128xi32, #tpu.memory_space<hbm>>
    %dma_start3A_31 = tpu.memref_squeeze %dma_start3A_30 : memref<1x1x128xi32, #tpu.memory_space<hbm>> -> memref<128xi32, #tpu.memory_space<hbm>>
    tpu.enqueue_dma source(%dma_start3A_31 : memref<128xi32, #tpu.memory_space<hbm>>) target(%arg10 : memref<128xi32, #tpu.memory_space<vmem>>) target_semaphore(%arg21 : memref<!tpu.dma_semaphore, #tpu.memory_space<semaphore_mem>>)
    %dma_start3A_32 = arith.constant 0 : i32
    %dma_start3A_33 = arith.constant 0 : i32
    %dma_start3A_34 = tpu.memref_slice %arg13[%dma_start3A_32, %dma_start3A_33] : memref<10240x128xf32, #tpu.memory_space<vmem_shared>> -> memref<10240x128xf32, #tpu.memory_space<vmem_shared>>
    tpu.enqueue_indirect_dma source(%arg11 : memref<128x128xf32, #tpu.memory_space<vmem>>) target(%dma_start3A_34 : memref<10240x128xf32, #tpu.memory_space<vmem_shared>>) offsets(%arg9 : memref<128xi32, #tpu.memory_space<vmem>>) semaphore(%arg16 : memref<!tpu.dma_semaphore, #tpu.memory_space<semaphore_mem>>) {add = true}
    %dma_start3A_35 = arith.constant 2 : i32
    %dma_start3A_36 = arith.constant 0 : i32
    %dma_start3A_37 = tpu.memref_slice %arg2[%add3A, %dma_start3A_35, %dma_start3A_36] : memref<32x82x128xi32, #tpu.memory_space<hbm>> -> memref<1x1x128xi32, #tpu.memory_space<hbm>>
    %dma_start3A_38 = tpu.memref_squeeze %dma_start3A_37 : memref<1x1x128xi32, #tpu.memory_space<hbm>> -> memref<128xi32, #tpu.memory_space<hbm>>
    %dma_start3A_39 = arith.constant 0 : i32
    %dma_start3A_40 = tpu.memref_slice %arg2[%add3A, %dma_start3A_35, %dma_start3A_39] : memref<32x82x128xi32, #tpu.memory_space<hbm>> -> memref<1x1x128xi32, #tpu.memory_space<hbm>>
    %dma_start3A_41 = tpu.memref_squeeze %dma_start3A_40 : memref<1x1x128xi32, #tpu.memory_space<hbm>> -> memref<128xi32, #tpu.memory_space<hbm>>
    tpu.enqueue_dma source(%dma_start3A_41 : memref<128xi32, #tpu.memory_space<hbm>>) target(%arg7 : memref<128xi32, #tpu.memory_space<vmem>>) target_semaphore(%arg18 : memref<!tpu.dma_semaphore, #tpu.memory_space<semaphore_mem>>)
    %dma_wait3A_42 = arith.constant 0 : i32
    %dma_wait3A_43 = arith.constant 0 : i32
    %dma_wait3A_44 = tpu.memref_slice %arg4[%dma_wait3A_42, %dma_wait3A_43] : memref<10000x128xf32, #tpu.memory_space<hbm>> -> memref<10000x128xf32, #tpu.memory_space<hbm>>
    tpu.wait_indirect_dma semaphore(%arg15 : memref<!tpu.dma_semaphore, #tpu.memory_space<semaphore_mem>>) src(%dma_wait3A_44 : memref<10000x128xf32, #tpu.memory_space<hbm>>) dst(%arg12 : memref<128x128xf32, #tpu.memory_space<vmem>>)
    %dma_wait3A_45 = arith.constant 2 : i32
    %dma_wait3A_46 = arith.constant 0 : i32
    %dma_wait3A_47 = tpu.memref_slice %arg2[%add3A, %dma_wait3A_45, %dma_wait3A_46] : memref<32x82x128xi32, #tpu.memory_space<hbm>> -> memref<1x1x128xi32, #tpu.memory_space<hbm>>
    %dma_wait3A_48 = tpu.memref_squeeze %dma_wait3A_47 : memref<1x1x128xi32, #tpu.memory_space<hbm>> -> memref<128xi32, #tpu.memory_space<hbm>>
    %dma_wait3A_49 = arith.constant 0 : i32
    %dma_wait3A_50 = tpu.memref_slice %arg2[%add3A, %dma_wait3A_45, %dma_wait3A_49] : memref<32x82x128xi32, #tpu.memory_space<hbm>> -> memref<1x1x128xi32, #tpu.memory_space<hbm>>
    %dma_wait3A_51 = tpu.memref_squeeze %dma_wait3A_50 : memref<1x1x128xi32, #tpu.memory_space<hbm>> -> memref<128xi32, #tpu.memory_space<hbm>>
    tpu.wait_dma2 semaphore(%arg18 : memref<!tpu.dma_semaphore, #tpu.memory_space<semaphore_mem>>) src(%dma_wait3A_51 : memref<128xi32, #tpu.memory_space<hbm>>) dst(%arg7 : memref<128xi32, #tpu.memory_space<vmem>>)
    %dma_wait3A_52 = arith.constant 0 : i32
    %dma_wait3A_53 = arith.constant 0 : i32
    %dma_wait3A_54 = tpu.memref_slice %arg13[%dma_wait3A_52, %dma_wait3A_53] : memref<10240x128xf32, #tpu.memory_space<vmem_shared>> -> memref<10240x128xf32, #tpu.memory_space<vmem_shared>>
    tpu.wait_indirect_dma semaphore(%arg16 : memref<!tpu.dma_semaphore, #tpu.memory_space<semaphore_mem>>) src(%arg11 : memref<128x128xf32, #tpu.memory_space<vmem>>) dst(%dma_wait3A_54 : memref<10240x128xf32, #tpu.memory_space<vmem_shared>>)
    %dma_start3A_55 = arith.constant 0 : i32
    %dma_start3A_56 = arith.constant 0 : i32
    %dma_start3A_57 = tpu.memref_slice %arg4[%dma_start3A_55, %dma_start3A_56] : memref<10000x128xf32, #tpu.memory_space<hbm>> -> memref<10000x128xf32, #tpu.memory_space<hbm>>
    tpu.enqueue_indirect_dma source(%dma_start3A_57 : memref<10000x128xf32, #tpu.memory_space<hbm>>) target(%arg11 : memref<128x128xf32, #tpu.memory_space<vmem>>) offsets(%arg7 : memref<128xi32, #tpu.memory_space<vmem>>) semaphore(%arg14 : memref<!tpu.dma_semaphore, #tpu.memory_space<semaphore_mem>>)
    %dma_start3A_58 = arith.constant 2 : i32
    %dma_start3A_59 = arith.constant 0 : i32
    %dma_start3A_60 = tpu.memref_slice %arg3[%add3A, %dma_start3A_58, %dma_start3A_59] : memref<32x82x128xi32, #tpu.memory_space<hbm>> -> memref<1x1x128xi32, #tpu.memory_space<hbm>>
    %dma_start3A_61 = tpu.memref_squeeze %dma_start3A_60 : memref<1x1x128xi32, #tpu.memory_space<hbm>> -> memref<128xi32, #tpu.memory_space<hbm>>
    %dma_start3A_62 = arith.constant 0 : i32
    %dma_start3A_63 = tpu.memref_slice %arg3[%add3A, %dma_start3A_58, %dma_start3A_62] : memref<32x82x128xi32, #tpu.memory_space<hbm>> -> memref<1x1x128xi32, #tpu.memory_space<hbm>>
    %dma_start3A_64 = tpu.memref_squeeze %dma_start3A_63 : memref<1x1x128xi32, #tpu.memory_space<hbm>> -> memref<128xi32, #tpu.memory_space<hbm>>
    tpu.enqueue_dma source(%dma_start3A_64 : memref<128xi32, #tpu.memory_space<hbm>>) target(%arg9 : memref<128xi32, #tpu.memory_space<vmem>>) target_semaphore(%arg20 : memref<!tpu.dma_semaphore, #tpu.memory_space<semaphore_mem>>)
    %dma_wait3A_65 = arith.constant 1 : i32
    %dma_wait3A_66 = arith.constant 0 : i32
    %dma_wait3A_67 = tpu.memref_slice %arg3[%add3A, %dma_wait3A_65, %dma_wait3A_66] : memref<32x82x128xi32, #tpu.memory_space<hbm>> -> memref<1x1x128xi32, #tpu.memory_space<hbm>>
    %dma_wait3A_68 = tpu.memref_squeeze %dma_wait3A_67 : memref<1x1x128xi32, #tpu.memory_space<hbm>> -> memref<128xi32, #tpu.memory_space<hbm>>
    %dma_wait3A_69 = arith.constant 0 : i32
    %dma_wait3A_70 = tpu.memref_slice %arg3[%add3A, %dma_wait3A_65, %dma_wait3A_69] : memref<32x82x128xi32, #tpu.memory_space<hbm>> -> memref<1x1x128xi32, #tpu.memory_space<hbm>>
    %dma_wait3A_71 = tpu.memref_squeeze %dma_wait3A_70 : memref<1x1x128xi32, #tpu.memory_space<hbm>> -> memref<128xi32, #tpu.memory_space<hbm>>
    tpu.wait_dma2 semaphore(%arg21 : memref<!tpu.dma_semaphore, #tpu.memory_space<semaphore_mem>>) src(%dma_wait3A_71 : memref<128xi32, #tpu.memory_space<hbm>>) dst(%arg10 : memref<128xi32, #tpu.memory_space<vmem>>)
    %dma_start3A_72 = arith.constant 0 : i32
    %dma_start3A_73 = arith.constant 0 : i32
    %dma_start3A_74 = tpu.memref_slice %arg13[%dma_start3A_72, %dma_start3A_73] : memref<10240x128xf32, #tpu.memory_space<vmem_shared>> -> memref<10240x128xf32, #tpu.memory_space<vmem_shared>>
    tpu.enqueue_indirect_dma source(%arg12 : memref<128x128xf32, #tpu.memory_space<vmem>>) target(%dma_start3A_74 : memref<10240x128xf32, #tpu.memory_space<vmem_shared>>) offsets(%arg10 : memref<128xi32, #tpu.memory_space<vmem>>) semaphore(%arg17 : memref<!tpu.dma_semaphore, #tpu.memory_space<semaphore_mem>>) {add = true}
    %dma_start3A_75 = arith.constant 3 : i32
    %dma_start3A_76 = arith.constant 0 : i32
    %dma_start3A_77 = tpu.memref_slice %arg2[%add3A, %dma_start3A_75, %dma_start3A_76] : memref<32x82x128xi32, #tpu.memory_space<hbm>> -> memref<1x1x128xi32, #tpu.memory_space<hbm>>
    %dma_start3A_78 = tpu.memref_squeeze %dma_start3A_77 : memref<1x1x128xi32, #tpu.memory_space<hbm>> -> memref<128xi32, #tpu.memory_space<hbm>>
    %dma_start3A_79 = arith.constant 0 : i32
    %dma_start3A_80 = tpu.memref_slice %arg2[%add3A, %dma_start3A_75, %dma_start3A_79] : memref<32x82x128xi32, #tpu.memory_space<hbm>> -> memref<1x1x128xi32, #tpu.memory_space<hbm>>
    %dma_start3A_81 = tpu.memref_squeeze %dma_start3A_80 : memref<1x1x128xi32, #tpu.memory_space<hbm>> -> memref<128xi32, #tpu.memory_space<hbm>>
    tpu.enqueue_dma source(%dma_start3A_81 : memref<128xi32, #tpu.memory_space<hbm>>) target(%arg8 : memref<128xi32, #tpu.memory_space<vmem>>) target_semaphore(%arg19 : memref<!tpu.dma_semaphore, #tpu.memory_space<semaphore_mem>>)
    %scan3A = arith.constant 0 : i32
    %scan3A_82 = arith.constant 39 : i32
    %scan3A_83 = arith.addi %scan3A, %scan3A_82 : i32
    %scan3A_84 = arith.constant 1 : i32
    scf.for %scan3A_119 = %scan3A to %scan3A_83 step %scan3A_84  : i32 {
      %mul3A_120 = arith.constant 1 : i32
      %mul3A_121 = arith.muli %scan3A_119, %mul3A_120 : i32
      %add3A_122 = arith.constant 1 : i32
      %add3A_123 = arith.addi %add3A_122, %mul3A_121 : i32
      %mul3A_124 = arith.constant 2 : i32
      %mul3A_125 = arith.muli %add3A_123, %mul3A_124 : i32
      %dma_wait3A_126 = arith.constant 0 : i32
      %dma_wait3A_127 = arith.constant 0 : i32
      %dma_wait3A_128 = tpu.memref_slice %arg4[%dma_wait3A_126, %dma_wait3A_127] : memref<10000x128xf32, #tpu.memory_space<hbm>> -> memref<10000x128xf32, #tpu.memory_space<hbm>>
      tpu.wait_indirect_dma semaphore(%arg14 : memref<!tpu.dma_semaphore, #tpu.memory_space<semaphore_mem>>) src(%dma_wait3A_128 : memref<10000x128xf32, #tpu.memory_space<hbm>>) dst(%arg11 : memref<128x128xf32, #tpu.memory_space<vmem>>)
      %add3A_129 = arith.constant 1 : i32
      %add3A_130 = arith.addi %mul3A_125, %add3A_129 : i32
      %dma_wait3A_131 = arith.constant 0 : i32
      %dma_wait3A_132 = tpu.memref_slice %arg2[%add3A, %add3A_130, %dma_wait3A_131] : memref<32x82x128xi32, #tpu.memory_space<hbm>> -> memref<1x1x128xi32, #tpu.memory_space<hbm>>
      %dma_wait3A_133 = tpu.memref_squeeze %dma_wait3A_132 : memref<1x1x128xi32, #tpu.memory_space<hbm>> -> memref<128xi32, #tpu.memory_space<hbm>>
      %dma_wait3A_134 = arith.constant 0 : i32
      %dma_wait3A_135 = tpu.memref_slice %arg2[%add3A, %add3A_130, %dma_wait3A_134] : memref<32x82x128xi32, #tpu.memory_space<hbm>> -> memref<1x1x128xi32, #tpu.memory_space<hbm>>
      %dma_wait3A_136 = tpu.memref_squeeze %dma_wait3A_135 : memref<1x1x128xi32, #tpu.memory_space<hbm>> -> memref<128xi32, #tpu.memory_space<hbm>>
      tpu.wait_dma2 semaphore(%arg19 : memref<!tpu.dma_semaphore, #tpu.memory_space<semaphore_mem>>) src(%dma_wait3A_136 : memref<128xi32, #tpu.memory_space<hbm>>) dst(%arg8 : memref<128xi32, #tpu.memory_space<vmem>>)
      %dma_wait3A_137 = arith.constant 0 : i32
      %dma_wait3A_138 = arith.constant 0 : i32
      %dma_wait3A_139 = tpu.memref_slice %arg13[%dma_wait3A_137, %dma_wait3A_138] : memref<10240x128xf32, #tpu.memory_space<vmem_shared>> -> memref<10240x128xf32, #tpu.memory_space<vmem_shared>>
      tpu.wait_indirect_dma semaphore(%arg17 : memref<!tpu.dma_semaphore, #tpu.memory_space<semaphore_mem>>) src(%arg12 : memref<128x128xf32, #tpu.memory_space<vmem>>) dst(%dma_wait3A_139 : memref<10240x128xf32, #tpu.memory_space<vmem_shared>>)
      %dma_start3A_140 = arith.constant 0 : i32
      %dma_start3A_141 = arith.constant 0 : i32
      %dma_start3A_142 = tpu.memref_slice %arg4[%dma_start3A_140, %dma_start3A_141] : memref<10000x128xf32, #tpu.memory_space<hbm>> -> memref<10000x128xf32, #tpu.memory_space<hbm>>
      tpu.enqueue_indirect_dma source(%dma_start3A_142 : memref<10000x128xf32, #tpu.memory_space<hbm>>) target(%arg12 : memref<128x128xf32, #tpu.memory_space<vmem>>) offsets(%arg8 : memref<128xi32, #tpu.memory_space<vmem>>) semaphore(%arg15 : memref<!tpu.dma_semaphore, #tpu.memory_space<semaphore_mem>>)
      %add3A_143 = arith.constant 1 : i32
      %add3A_144 = arith.addi %mul3A_125, %add3A_143 : i32
      %dma_start3A_145 = arith.constant 0 : i32
      %dma_start3A_146 = tpu.memref_slice %arg3[%add3A, %add3A_144, %dma_start3A_145] : memref<32x82x128xi32, #tpu.memory_space<hbm>> -> memref<1x1x128xi32, #tpu.memory_space<hbm>>
      %dma_start3A_147 = tpu.memref_squeeze %dma_start3A_146 : memref<1x1x128xi32, #tpu.memory_space<hbm>> -> memref<128xi32, #tpu.memory_space<hbm>>
      %dma_start3A_148 = arith.constant 0 : i32
      %dma_start3A_149 = tpu.memref_slice %arg3[%add3A, %add3A_144, %dma_start3A_148] : memref<32x82x128xi32, #tpu.memory_space<hbm>> -> memref<1x1x128xi32, #tpu.memory_space<hbm>>
      %dma_start3A_150 = tpu.memref_squeeze %dma_start3A_149 : memref<1x1x128xi32, #tpu.memory_space<hbm>> -> memref<128xi32, #tpu.memory_space<hbm>>
      tpu.enqueue_dma source(%dma_start3A_150 : memref<128xi32, #tpu.memory_space<hbm>>) target(%arg10 : memref<128xi32, #tpu.memory_space<vmem>>) target_semaphore(%arg21 : memref<!tpu.dma_semaphore, #tpu.memory_space<semaphore_mem>>)
      %dma_wait3A_151 = arith.constant 0 : i32
      %dma_wait3A_152 = tpu.memref_slice %arg3[%add3A, %mul3A_125, %dma_wait3A_151] : memref<32x82x128xi32, #tpu.memory_space<hbm>> -> memref<1x1x128xi32, #tpu.memory_space<hbm>>
      %dma_wait3A_153 = tpu.memref_squeeze %dma_wait3A_152 : memref<1x1x128xi32, #tpu.memory_space<hbm>> -> memref<128xi32, #tpu.memory_space<hbm>>
      %dma_wait3A_154 = arith.constant 0 : i32
      %dma_wait3A_155 = tpu.memref_slice %arg3[%add3A, %mul3A_125, %dma_wait3A_154] : memref<32x82x128xi32, #tpu.memory_space<hbm>> -> memref<1x1x128xi32, #tpu.memory_space<hbm>>
      %dma_wait3A_156 = tpu.memref_squeeze %dma_wait3A_155 : memref<1x1x128xi32, #tpu.memory_space<hbm>> -> memref<128xi32, #tpu.memory_space<hbm>>
      tpu.wait_dma2 semaphore(%arg20 : memref<!tpu.dma_semaphore, #tpu.memory_space<semaphore_mem>>) src(%dma_wait3A_156 : memref<128xi32, #tpu.memory_space<hbm>>) dst(%arg9 : memref<128xi32, #tpu.memory_space<vmem>>)
      %dma_start3A_157 = arith.constant 0 : i32
      %dma_start3A_158 = arith.constant 0 : i32
      %dma_start3A_159 = tpu.memref_slice %arg13[%dma_start3A_157, %dma_start3A_158] : memref<10240x128xf32, #tpu.memory_space<vmem_shared>> -> memref<10240x128xf32, #tpu.memory_space<vmem_shared>>
      tpu.enqueue_indirect_dma source(%arg11 : memref<128x128xf32, #tpu.memory_space<vmem>>) target(%dma_start3A_159 : memref<10240x128xf32, #tpu.memory_space<vmem_shared>>) offsets(%arg9 : memref<128xi32, #tpu.memory_space<vmem>>) semaphore(%arg16 : memref<!tpu.dma_semaphore, #tpu.memory_space<semaphore_mem>>) {add = true}
      %add3A_160 = arith.constant 2 : i32
      %add3A_161 = arith.addi %mul3A_125, %add3A_160 : i32
      %dma_start3A_162 = arith.constant 0 : i32
      %dma_start3A_163 = tpu.memref_slice %arg2[%add3A, %add3A_161, %dma_start3A_162] : memref<32x82x128xi32, #tpu.memory_space<hbm>> -> memref<1x1x128xi32, #tpu.memory_space<hbm>>
      %dma_start3A_164 = tpu.memref_squeeze %dma_start3A_163 : memref<1x1x128xi32, #tpu.memory_space<hbm>> -> memref<128xi32, #tpu.memory_space<hbm>>
      %dma_start3A_165 = arith.constant 0 : i32
      %dma_start3A_166 = tpu.memref_slice %arg2[%add3A, %add3A_161, %dma_start3A_165] : memref<32x82x128xi32, #tpu.memory_space<hbm>> -> memref<1x1x128xi32, #tpu.memory_space<hbm>>
      %dma_start3A_167 = tpu.memref_squeeze %dma_start3A_166 : memref<1x1x128xi32, #tpu.memory_space<hbm>> -> memref<128xi32, #tpu.memory_space<hbm>>
      tpu.enqueue_dma source(%dma_start3A_167 : memref<128xi32, #tpu.memory_space<hbm>>) target(%arg7 : memref<128xi32, #tpu.memory_space<vmem>>) target_semaphore(%arg18 : memref<!tpu.dma_semaphore, #tpu.memory_space<semaphore_mem>>)
      %dma_wait3A_168 = arith.constant 0 : i32
      %dma_wait3A_169 = arith.constant 0 : i32
      %dma_wait3A_170 = tpu.memref_slice %arg4[%dma_wait3A_168, %dma_wait3A_169] : memref<10000x128xf32, #tpu.memory_space<hbm>> -> memref<10000x128xf32, #tpu.memory_space<hbm>>
      tpu.wait_indirect_dma semaphore(%arg15 : memref<!tpu.dma_semaphore, #tpu.memory_space<semaphore_mem>>) src(%dma_wait3A_170 : memref<10000x128xf32, #tpu.memory_space<hbm>>) dst(%arg12 : memref<128x128xf32, #tpu.memory_space<vmem>>)
      %add3A_171 = arith.constant 2 : i32
      %add3A_172 = arith.addi %mul3A_125, %add3A_171 : i32
      %dma_wait3A_173 = arith.constant 0 : i32
      %dma_wait3A_174 = tpu.memref_slice %arg2[%add3A, %add3A_172, %dma_wait3A_173] : memref<32x82x128xi32, #tpu.memory_space<hbm>> -> memref<1x1x128xi32, #tpu.memory_space<hbm>>
      %dma_wait3A_175 = tpu.memref_squeeze %dma_wait3A_174 : memref<1x1x128xi32, #tpu.memory_space<hbm>> -> memref<128xi32, #tpu.memory_space<hbm>>
      %dma_wait3A_176 = arith.constant 0 : i32
      %dma_wait3A_177 = tpu.memref_slice %arg2[%add3A, %add3A_172, %dma_wait3A_176] : memref<32x82x128xi32, #tpu.memory_space<hbm>> -> memref<1x1x128xi32, #tpu.memory_space<hbm>>
      %dma_wait3A_178 = tpu.memref_squeeze %dma_wait3A_177 : memref<1x1x128xi32, #tpu.memory_space<hbm>> -> memref<128xi32, #tpu.memory_space<hbm>>
      tpu.wait_dma2 semaphore(%arg18 : memref<!tpu.dma_semaphore, #tpu.memory_space<semaphore_mem>>) src(%dma_wait3A_178 : memref<128xi32, #tpu.memory_space<hbm>>) dst(%arg7 : memref<128xi32, #tpu.memory_space<vmem>>)
      %dma_wait3A_179 = arith.constant 0 : i32
      %dma_wait3A_180 = arith.constant 0 : i32
      %dma_wait3A_181 = tpu.memref_slice %arg13[%dma_wait3A_179, %dma_wait3A_180] : memref<10240x128xf32, #tpu.memory_space<vmem_shared>> -> memref<10240x128xf32, #tpu.memory_space<vmem_shared>>
      tpu.wait_indirect_dma semaphore(%arg16 : memref<!tpu.dma_semaphore, #tpu.memory_space<semaphore_mem>>) src(%arg11 : memref<128x128xf32, #tpu.memory_space<vmem>>) dst(%dma_wait3A_181 : memref<10240x128xf32, #tpu.memory_space<vmem_shared>>)
      %dma_start3A_182 = arith.constant 0 : i32
      %dma_start3A_183 = arith.constant 0 : i32
      %dma_start3A_184 = tpu.memref_slice %arg4[%dma_start3A_182, %dma_start3A_183] : memref<10000x128xf32, #tpu.memory_space<hbm>> -> memref<10000x128xf32, #tpu.memory_space<hbm>>
      tpu.enqueue_indirect_dma source(%dma_start3A_184 : memref<10000x128xf32, #tpu.memory_space<hbm>>) target(%arg11 : memref<128x128xf32, #tpu.memory_space<vmem>>) offsets(%arg7 : memref<128xi32, #tpu.memory_space<vmem>>) semaphore(%arg14 : memref<!tpu.dma_semaphore, #tpu.memory_space<semaphore_mem>>)
      %add3A_185 = arith.constant 2 : i32
      %add3A_186 = arith.addi %mul3A_125, %add3A_185 : i32
      %dma_start3A_187 = arith.constant 0 : i32
      %dma_start3A_188 = tpu.memref_slice %arg3[%add3A, %add3A_186, %dma_start3A_187] : memref<32x82x128xi32, #tpu.memory_space<hbm>> -> memref<1x1x128xi32, #tpu.memory_space<hbm>>
      %dma_start3A_189 = tpu.memref_squeeze %dma_start3A_188 : memref<1x1x128xi32, #tpu.memory_space<hbm>> -> memref<128xi32, #tpu.memory_space<hbm>>
      %dma_start3A_190 = arith.constant 0 : i32
      %dma_start3A_191 = tpu.memref_slice %arg3[%add3A, %add3A_186, %dma_start3A_190] : memref<32x82x128xi32, #tpu.memory_space<hbm>> -> memref<1x1x128xi32, #tpu.memory_space<hbm>>
      %dma_start3A_192 = tpu.memref_squeeze %dma_start3A_191 : memref<1x1x128xi32, #tpu.memory_space<hbm>> -> memref<128xi32, #tpu.memory_space<hbm>>
      tpu.enqueue_dma source(%dma_start3A_192 : memref<128xi32, #tpu.memory_space<hbm>>) target(%arg9 : memref<128xi32, #tpu.memory_space<vmem>>) target_semaphore(%arg20 : memref<!tpu.dma_semaphore, #tpu.memory_space<semaphore_mem>>)
      %add3A_193 = arith.constant 1 : i32
      %add3A_194 = arith.addi %mul3A_125, %add3A_193 : i32
      %dma_wait3A_195 = arith.constant 0 : i32
      %dma_wait3A_196 = tpu.memref_slice %arg3[%add3A, %add3A_194, %dma_wait3A_195] : memref<32x82x128xi32, #tpu.memory_space<hbm>> -> memref<1x1x128xi32, #tpu.memory_space<hbm>>
      %dma_wait3A_197 = tpu.memref_squeeze %dma_wait3A_196 : memref<1x1x128xi32, #tpu.memory_space<hbm>> -> memref<128xi32, #tpu.memory_space<hbm>>
      %dma_wait3A_198 = arith.constant 0 : i32
      %dma_wait3A_199 = tpu.memref_slice %arg3[%add3A, %add3A_194, %dma_wait3A_198] : memref<32x82x128xi32, #tpu.memory_space<hbm>> -> memref<1x1x128xi32, #tpu.memory_space<hbm>>
      %dma_wait3A_200 = tpu.memref_squeeze %dma_wait3A_199 : memref<1x1x128xi32, #tpu.memory_space<hbm>> -> memref<128xi32, #tpu.memory_space<hbm>>
      tpu.wait_dma2 semaphore(%arg21 : memref<!tpu.dma_semaphore, #tpu.memory_space<semaphore_mem>>) src(%dma_wait3A_200 : memref<128xi32, #tpu.memory_space<hbm>>) dst(%arg10 : memref<128xi32, #tpu.memory_space<vmem>>)
      %dma_start3A_201 = arith.constant 0 : i32
      %dma_start3A_202 = arith.constant 0 : i32
      %dma_start3A_203 = tpu.memref_slice %arg13[%dma_start3A_201, %dma_start3A_202] : memref<10240x128xf32, #tpu.memory_space<vmem_shared>> -> memref<10240x128xf32, #tpu.memory_space<vmem_shared>>
      tpu.enqueue_indirect_dma source(%arg12 : memref<128x128xf32, #tpu.memory_space<vmem>>) target(%dma_start3A_203 : memref<10240x128xf32, #tpu.memory_space<vmem_shared>>) offsets(%arg10 : memref<128xi32, #tpu.memory_space<vmem>>) semaphore(%arg17 : memref<!tpu.dma_semaphore, #tpu.memory_space<semaphore_mem>>) {add = true}
      %add3A_204 = arith.constant 3 : i32
      %add3A_205 = arith.addi %mul3A_125, %add3A_204 : i32
      %dma_start3A_206 = arith.constant 0 : i32
      %dma_start3A_207 = tpu.memref_slice %arg2[%add3A, %add3A_205, %dma_start3A_206] : memref<32x82x128xi32, #tpu.memory_space<hbm>> -> memref<1x1x128xi32, #tpu.memory_space<hbm>>
      %dma_start3A_208 = tpu.memref_squeeze %dma_start3A_207 : memref<1x1x128xi32, #tpu.memory_space<hbm>> -> memref<128xi32, #tpu.memory_space<hbm>>
      %dma_start3A_209 = arith.constant 0 : i32
      %dma_start3A_210 = tpu.memref_slice %arg2[%add3A, %add3A_205, %dma_start3A_209] : memref<32x82x128xi32, #tpu.memory_space<hbm>> -> memref<1x1x128xi32, #tpu.memory_space<hbm>>
      %dma_start3A_211 = tpu.memref_squeeze %dma_start3A_210 : memref<1x1x128xi32, #tpu.memory_space<hbm>> -> memref<128xi32, #tpu.memory_space<hbm>>
      tpu.enqueue_dma source(%dma_start3A_211 : memref<128xi32, #tpu.memory_space<hbm>>) target(%arg8 : memref<128xi32, #tpu.memory_space<vmem>>) target_semaphore(%arg19 : memref<!tpu.dma_semaphore, #tpu.memory_space<semaphore_mem>>)
    }
    %scan3A_85 = arith.constant 39 : i32
    %dma_wait3A_86 = arith.constant 0 : i32
    %dma_wait3A_87 = arith.constant 0 : i32
    %dma_wait3A_88 = tpu.memref_slice %arg4[%dma_wait3A_86, %dma_wait3A_87] : memref<10000x128xf32, #tpu.memory_space<hbm>> -> memref<10000x128xf32, #tpu.memory_space<hbm>>
    tpu.wait_indirect_dma semaphore(%arg14 : memref<!tpu.dma_semaphore, #tpu.memory_space<semaphore_mem>>) src(%dma_wait3A_88 : memref<10000x128xf32, #tpu.memory_space<hbm>>) dst(%arg11 : memref<128x128xf32, #tpu.memory_space<vmem>>)
    %dma_wait3A_89 = arith.constant 81 : i32
    %dma_wait3A_90 = arith.constant 0 : i32
    %dma_wait3A_91 = tpu.memref_slice %arg2[%add3A, %dma_wait3A_89, %dma_wait3A_90] : memref<32x82x128xi32, #tpu.memory_space<hbm>> -> memref<1x1x128xi32, #tpu.memory_space<hbm>>
    %dma_wait3A_92 = tpu.memref_squeeze %dma_wait3A_91 : memref<1x1x128xi32, #tpu.memory_space<hbm>> -> memref<128xi32, #tpu.memory_space<hbm>>
    %dma_wait3A_93 = arith.constant 0 : i32
    %dma_wait3A_94 = tpu.memref_slice %arg2[%add3A, %dma_wait3A_89, %dma_wait3A_93] : memref<32x82x128xi32, #tpu.memory_space<hbm>> -> memref<1x1x128xi32, #tpu.memory_space<hbm>>
    %dma_wait3A_95 = tpu.memref_squeeze %dma_wait3A_94 : memref<1x1x128xi32, #tpu.memory_space<hbm>> -> memref<128xi32, #tpu.memory_space<hbm>>
    tpu.wait_dma2 semaphore(%arg19 : memref<!tpu.dma_semaphore, #tpu.memory_space<semaphore_mem>>) src(%dma_wait3A_95 : memref<128xi32, #tpu.memory_space<hbm>>) dst(%arg8 : memref<128xi32, #tpu.memory_space<vmem>>)
    %dma_wait3A_96 = arith.constant 80 : i32
    %dma_wait3A_97 = arith.constant 0 : i32
    %dma_wait3A_98 = tpu.memref_slice %arg3[%add3A, %dma_wait3A_96, %dma_wait3A_97] : memref<32x82x128xi32, #tpu.memory_space<hbm>> -> memref<1x1x128xi32, #tpu.memory_space<hbm>>
    %dma_wait3A_99 = tpu.memref_squeeze %dma_wait3A_98 : memref<1x1x128xi32, #tpu.memory_space<hbm>> -> memref<128xi32, #tpu.memory_space<hbm>>
    %dma_wait3A_100 = arith.constant 0 : i32
    %dma_wait3A_101 = tpu.memref_slice %arg3[%add3A, %dma_wait3A_96, %dma_wait3A_100] : memref<32x82x128xi32, #tpu.memory_space<hbm>> -> memref<1x1x128xi32, #tpu.memory_space<hbm>>
    %dma_wait3A_102 = tpu.memref_squeeze %dma_wait3A_101 : memref<1x1x128xi32, #tpu.memory_space<hbm>> -> memref<128xi32, #tpu.memory_space<hbm>>
    tpu.wait_dma2 semaphore(%arg20 : memref<!tpu.dma_semaphore, #tpu.memory_space<semaphore_mem>>) src(%dma_wait3A_102 : memref<128xi32, #tpu.memory_space<hbm>>) dst(%arg9 : memref<128xi32, #tpu.memory_space<vmem>>)
    %dma_wait3A_103 = arith.constant 0 : i32
    %dma_wait3A_104 = arith.constant 0 : i32
    %dma_wait3A_105 = tpu.memref_slice %arg13[%dma_wait3A_103, %dma_wait3A_104] : memref<10240x128xf32, #tpu.memory_space<vmem_shared>> -> memref<10240x128xf32, #tpu.memory_space<vmem_shared>>
    tpu.wait_indirect_dma semaphore(%arg17 : memref<!tpu.dma_semaphore, #tpu.memory_space<semaphore_mem>>) src(%arg12 : memref<128x128xf32, #tpu.memory_space<vmem>>) dst(%dma_wait3A_105 : memref<10240x128xf32, #tpu.memory_space<vmem_shared>>)
    %barrier3A_106 = arith.constant 0 : index
    tpu.barrier barrier_id(%barrier3A_106)
    %dma_start3A_107 = arith.constant 0 : i32
    %dma_start3A_108 = arith.constant 0 : i32
    %dma_start3A_109 = tpu.memref_slice %arg6[%dma_start3A_107, %arg0, %mul3A_2, %dma_start3A_108] : memref<1x2x10240x128xf32, #tpu.memory_space<hbm>> -> memref<1x1x640x128xf32, #tpu.memory_space<hbm>>
    %dma_start3A_110 = tpu.memref_squeeze %dma_start3A_109 : memref<1x1x640x128xf32, #tpu.memory_space<hbm>> -> memref<640x128xf32, #tpu.memory_space<hbm>>
    %dma_start3A_111 = arith.constant 0 : i32
    %dma_start3A_112 = tpu.memref_slice %arg13[%mul3A_2, %dma_start3A_111] : memref<10240x128xf32, #tpu.memory_space<vmem_shared>> -> memref<640x128xf32, #tpu.memory_space<vmem_shared>>
    tpu.enqueue_dma source(%dma_start3A_112 : memref<640x128xf32, #tpu.memory_space<vmem_shared>>) target(%dma_start3A_110 : memref<640x128xf32, #tpu.memory_space<hbm>>) target_semaphore(%arg22 : memref<!tpu.dma_semaphore, #tpu.memory_space<semaphore_mem>>)
    %dma_wait3A_113 = arith.constant 0 : i32
    %dma_wait3A_114 = arith.constant 0 : i32
    %dma_wait3A_115 = tpu.memref_slice %arg6[%dma_wait3A_113, %arg0, %mul3A_2, %dma_wait3A_114] : memref<1x2x10240x128xf32, #tpu.memory_space<hbm>> -> memref<1x1x640x128xf32, #tpu.memory_space<hbm>>
    %dma_wait3A_116 = tpu.memref_squeeze %dma_wait3A_115 : memref<1x1x640x128xf32, #tpu.memory_space<hbm>> -> memref<640x128xf32, #tpu.memory_space<hbm>>
    %dma_wait3A_117 = arith.constant 0 : i32
    %dma_wait3A_118 = tpu.memref_slice %arg13[%mul3A_2, %dma_wait3A_117] : memref<10240x128xf32, #tpu.memory_space<vmem_shared>> -> memref<640x128xf32, #tpu.memory_space<vmem_shared>>
    tpu.wait_dma2 semaphore(%arg22 : memref<!tpu.dma_semaphore, #tpu.memory_space<semaphore_mem>>) src(%dma_wait3A_118 : memref<640x128xf32, #tpu.memory_space<vmem_shared>>) dst(%dma_wait3A_116 : memref<640x128xf32, #tpu.memory_space<hbm>>)
    return
  }
}

#map = affine_map<(d0, d1) -> (0, 0, 0)>
#map1 = affine_map<(d0, d1) -> (0, 0)>
#map2 = affine_map<(d0, d1) -> (0, 0, 0, 0)>
module attributes {stable_mosaic.version = 14 : i64} {
  func.func @body(%arg0: i32, %arg1: i32, %arg2: memref<32x82x128xi32, #tpu.memory_space<hbm>>, %arg3: memref<32x82x128xi32, #tpu.memory_space<hbm>>, %arg4: memref<10000x128xf32, #tpu.memory_space<hbm>>, %arg5: memref<10000x128xf32, #tpu.memory_space<hbm>>, %arg6: memref<640x128xf32, #tpu.memory_space<hbm>>, %arg7: memref<2x2x10240x128xf32, #tpu.memory_space<hbm>>, %arg8: memref<128xi32, #tpu.memory_space<vmem>>, %arg9: memref<128xi32, #tpu.memory_space<vmem>>, %arg10: memref<128xi32, #tpu.memory_space<vmem>>, %arg11: memref<128xi32, #tpu.memory_space<vmem>>, %arg12: memref<128x128xf32, #tpu.memory_space<vmem>>, %arg13: memref<128x128xf32, #tpu.memory_space<vmem>>, %arg14: memref<10240x128xf32, #tpu.memory_space<vmem_shared>>, %arg15: memref<!tpu.dma_semaphore, #tpu.memory_space<semaphore_mem>>, %arg16: memref<!tpu.dma_semaphore, #tpu.memory_space<semaphore_mem>>, %arg17: memref<!tpu.dma_semaphore, #tpu.memory_space<semaphore_mem>>, %arg18: memref<!tpu.dma_semaphore, #tpu.memory_space<semaphore_mem>>, %arg19: memref<!tpu.dma_semaphore, #tpu.memory_space<semaphore_mem>>, %arg20: memref<!tpu.dma_semaphore, #tpu.memory_space<semaphore_mem>>, %arg21: memref<!tpu.dma_semaphore, #tpu.memory_space<semaphore_mem>>, %arg22: memref<!tpu.dma_semaphore, #tpu.memory_space<semaphore_mem>>, %arg23: memref<!tpu.dma_semaphore, #tpu.memory_space<semaphore_mem>>, %arg24: memref<!tpu.dma_semaphore, #tpu.memory_space<semaphore_mem>>) attributes {dimension_semantics = [#tpu.dimension_semantics<core_parallel>, #tpu.dimension_semantics<subcore_parallel>], iteration_bounds = array<i64: 2, 16>, scalar_prefetch = 0 : i64, scratch_operands = 17 : i64, tpu.core_type = #tpu.core_type<sc_vector_subcore>, window_params = [{transform_indices = #map}, {transform_indices = #map}, {transform_indices = #map1}, {transform_indices = #map1}, {transform_indices = #map1}, {transform_indices = #map2}]} {
    %mul3A = arith.constant 2 : i32
    %mul3A_0 = arith.muli %arg1, %mul3A : i32
    %add3A = arith.addi %mul3A_0, %arg0 : i32
    %mul3A_1 = arith.constant 640 : i32
    %mul3A_2 = arith.muli %arg1, %mul3A_1 : i32
    "tpu.region"() ({
      %run_scoped3A_240 = tpu.sem_alloc : memref<!tpu.dma_semaphore, #tpu.memory_space<semaphore_mem>>
      %dma_start3A_241 = arith.constant 0 : i32
      %dma_start3A_242 = tpu.memref_slice %arg14[%mul3A_2, %dma_start3A_241] : memref<10240x128xf32, #tpu.memory_space<vmem_shared>> -> memref<640x128xf32, #tpu.memory_space<vmem_shared>>
      tpu.enqueue_dma source(%arg6 : memref<640x128xf32, #tpu.memory_space<hbm>>) target(%dma_start3A_242 : memref<640x128xf32, #tpu.memory_space<vmem_shared>>) target_semaphore(%run_scoped3A_240 : memref<!tpu.dma_semaphore, #tpu.memory_space<semaphore_mem>>)
      %dma_wait3A_243 = arith.constant 0 : i32
      %dma_wait3A_244 = tpu.memref_slice %arg14[%mul3A_2, %dma_wait3A_243] : memref<10240x128xf32, #tpu.memory_space<vmem_shared>> -> memref<640x128xf32, #tpu.memory_space<vmem_shared>>
      tpu.wait_dma2 semaphore(%run_scoped3A_240 : memref<!tpu.dma_semaphore, #tpu.memory_space<semaphore_mem>>) src(%arg6 : memref<640x128xf32, #tpu.memory_space<hbm>>) dst(%dma_wait3A_244 : memref<640x128xf32, #tpu.memory_space<vmem_shared>>)
      tpu.yield
    }) : () -> ()
    %barrier3A = arith.constant 0 : index
    tpu.barrier barrier_id(%barrier3A)
    %run_scoped3A = arith.constant 0 : i32
    "tpu.region"() ({
      %run_scoped3A_240 = tpu.sem_alloc : memref<!tpu.dma_semaphore, #tpu.memory_space<semaphore_mem>>
      %dma_start3A_241 = arith.constant 0 : i32
      %dma_start3A_242 = tpu.memref_slice %arg2[%add3A, %run_scoped3A, %dma_start3A_241] : memref<32x82x128xi32, #tpu.memory_space<hbm>> -> memref<1x1x128xi32, #tpu.memory_space<hbm>>
      %dma_start3A_243 = tpu.memref_squeeze %dma_start3A_242 : memref<1x1x128xi32, #tpu.memory_space<hbm>> -> memref<128xi32, #tpu.memory_space<hbm>>
      %dma_start3A_244 = arith.constant 0 : i32
      %dma_start3A_245 = tpu.memref_slice %arg2[%add3A, %run_scoped3A, %dma_start3A_244] : memref<32x82x128xi32, #tpu.memory_space<hbm>> -> memref<1x1x128xi32, #tpu.memory_space<hbm>>
      %dma_start3A_246 = tpu.memref_squeeze %dma_start3A_245 : memref<1x1x128xi32, #tpu.memory_space<hbm>> -> memref<128xi32, #tpu.memory_space<hbm>>
      tpu.enqueue_dma source(%dma_start3A_246 : memref<128xi32, #tpu.memory_space<hbm>>) target(%arg8 : memref<128xi32, #tpu.memory_space<vmem>>) target_semaphore(%run_scoped3A_240 : memref<!tpu.dma_semaphore, #tpu.memory_space<semaphore_mem>>)
      %dma_wait3A_247 = arith.constant 0 : i32
      %dma_wait3A_248 = tpu.memref_slice %arg2[%add3A, %run_scoped3A, %dma_wait3A_247] : memref<32x82x128xi32, #tpu.memory_space<hbm>> -> memref<1x1x128xi32, #tpu.memory_space<hbm>>
      %dma_wait3A_249 = tpu.memref_squeeze %dma_wait3A_248 : memref<1x1x128xi32, #tpu.memory_space<hbm>> -> memref<128xi32, #tpu.memory_space<hbm>>
      %dma_wait3A_250 = arith.constant 0 : i32
      %dma_wait3A_251 = tpu.memref_slice %arg2[%add3A, %run_scoped3A, %dma_wait3A_250] : memref<32x82x128xi32, #tpu.memory_space<hbm>> -> memref<1x1x128xi32, #tpu.memory_space<hbm>>
      %dma_wait3A_252 = tpu.memref_squeeze %dma_wait3A_251 : memref<1x1x128xi32, #tpu.memory_space<hbm>> -> memref<128xi32, #tpu.memory_space<hbm>>
      tpu.wait_dma2 semaphore(%run_scoped3A_240 : memref<!tpu.dma_semaphore, #tpu.memory_space<semaphore_mem>>) src(%dma_wait3A_252 : memref<128xi32, #tpu.memory_space<hbm>>) dst(%arg8 : memref<128xi32, #tpu.memory_space<vmem>>)
      tpu.yield
    }) : () -> ()
    %run_scoped3A_3 = arith.constant 0 : i32
    "tpu.region"() ({
      %run_scoped3A_240 = tpu.sem_alloc : memref<!tpu.dma_semaphore, #tpu.memory_space<semaphore_mem>>
      %dma_start3A_241 = arith.constant 0 : i32
      %dma_start3A_242 = tpu.memref_slice %arg3[%add3A, %run_scoped3A_3, %dma_start3A_241] : memref<32x82x128xi32, #tpu.memory_space<hbm>> -> memref<1x1x128xi32, #tpu.memory_space<hbm>>
      %dma_start3A_243 = tpu.memref_squeeze %dma_start3A_242 : memref<1x1x128xi32, #tpu.memory_space<hbm>> -> memref<128xi32, #tpu.memory_space<hbm>>
      %dma_start3A_244 = arith.constant 0 : i32
      %dma_start3A_245 = tpu.memref_slice %arg3[%add3A, %run_scoped3A_3, %dma_start3A_244] : memref<32x82x128xi32, #tpu.memory_space<hbm>> -> memref<1x1x128xi32, #tpu.memory_space<hbm>>
      %dma_start3A_246 = tpu.memref_squeeze %dma_start3A_245 : memref<1x1x128xi32, #tpu.memory_space<hbm>> -> memref<128xi32, #tpu.memory_space<hbm>>
      tpu.enqueue_dma source(%dma_start3A_246 : memref<128xi32, #tpu.memory_space<hbm>>) target(%arg10 : memref<128xi32, #tpu.memory_space<vmem>>) target_semaphore(%run_scoped3A_240 : memref<!tpu.dma_semaphore, #tpu.memory_space<semaphore_mem>>)
      %dma_wait3A_247 = arith.constant 0 : i32
      %dma_wait3A_248 = tpu.memref_slice %arg3[%add3A, %run_scoped3A_3, %dma_wait3A_247] : memref<32x82x128xi32, #tpu.memory_space<hbm>> -> memref<1x1x128xi32, #tpu.memory_space<hbm>>
      %dma_wait3A_249 = tpu.memref_squeeze %dma_wait3A_248 : memref<1x1x128xi32, #tpu.memory_space<hbm>> -> memref<128xi32, #tpu.memory_space<hbm>>
      %dma_wait3A_250 = arith.constant 0 : i32
      %dma_wait3A_251 = tpu.memref_slice %arg3[%add3A, %run_scoped3A_3, %dma_wait3A_250] : memref<32x82x128xi32, #tpu.memory_space<hbm>> -> memref<1x1x128xi32, #tpu.memory_space<hbm>>
      %dma_wait3A_252 = tpu.memref_squeeze %dma_wait3A_251 : memref<1x1x128xi32, #tpu.memory_space<hbm>> -> memref<128xi32, #tpu.memory_space<hbm>>
      tpu.wait_dma2 semaphore(%run_scoped3A_240 : memref<!tpu.dma_semaphore, #tpu.memory_space<semaphore_mem>>) src(%dma_wait3A_252 : memref<128xi32, #tpu.memory_space<hbm>>) dst(%arg10 : memref<128xi32, #tpu.memory_space<vmem>>)
      tpu.yield
    }) : () -> ()
    %dma_start3A = arith.constant 0 : i32
    %dma_start3A_4 = arith.constant 0 : i32
    %dma_start3A_5 = tpu.memref_slice %arg4[%dma_start3A, %dma_start3A_4] : memref<10000x128xf32, #tpu.memory_space<hbm>> -> memref<10000x128xf32, #tpu.memory_space<hbm>>
    tpu.enqueue_indirect_dma source(%dma_start3A_5 : memref<10000x128xf32, #tpu.memory_space<hbm>>) target(%arg12 : memref<128x128xf32, #tpu.memory_space<vmem>>) offsets(%arg8 : memref<128xi32, #tpu.memory_space<vmem>>) semaphore(%arg15 : memref<!tpu.dma_semaphore, #tpu.memory_space<semaphore_mem>>)
    %dma_start3A_6 = arith.constant 1 : i32
    %dma_start3A_7 = arith.constant 0 : i32
    %dma_start3A_8 = tpu.memref_slice %arg2[%add3A, %dma_start3A_6, %dma_start3A_7] : memref<32x82x128xi32, #tpu.memory_space<hbm>> -> memref<1x1x128xi32, #tpu.memory_space<hbm>>
    %dma_start3A_9 = tpu.memref_squeeze %dma_start3A_8 : memref<1x1x128xi32, #tpu.memory_space<hbm>> -> memref<128xi32, #tpu.memory_space<hbm>>
    %dma_start3A_10 = arith.constant 0 : i32
    %dma_start3A_11 = tpu.memref_slice %arg2[%add3A, %dma_start3A_6, %dma_start3A_10] : memref<32x82x128xi32, #tpu.memory_space<hbm>> -> memref<1x1x128xi32, #tpu.memory_space<hbm>>
    %dma_start3A_12 = tpu.memref_squeeze %dma_start3A_11 : memref<1x1x128xi32, #tpu.memory_space<hbm>> -> memref<128xi32, #tpu.memory_space<hbm>>
    tpu.enqueue_dma source(%dma_start3A_12 : memref<128xi32, #tpu.memory_space<hbm>>) target(%arg9 : memref<128xi32, #tpu.memory_space<vmem>>) target_semaphore(%arg20 : memref<!tpu.dma_semaphore, #tpu.memory_space<semaphore_mem>>)
    %dma_wait3A = arith.constant 0 : i32
    %dma_wait3A_13 = arith.constant 0 : i32
    %dma_wait3A_14 = tpu.memref_slice %arg4[%dma_wait3A, %dma_wait3A_13] : memref<10000x128xf32, #tpu.memory_space<hbm>> -> memref<10000x128xf32, #tpu.memory_space<hbm>>
    tpu.wait_indirect_dma semaphore(%arg15 : memref<!tpu.dma_semaphore, #tpu.memory_space<semaphore_mem>>) src(%dma_wait3A_14 : memref<10000x128xf32, #tpu.memory_space<hbm>>) dst(%arg12 : memref<128x128xf32, #tpu.memory_space<vmem>>)
    %dma_wait3A_15 = arith.constant 1 : i32
    %dma_wait3A_16 = arith.constant 0 : i32
    %dma_wait3A_17 = tpu.memref_slice %arg2[%add3A, %dma_wait3A_15, %dma_wait3A_16] : memref<32x82x128xi32, #tpu.memory_space<hbm>> -> memref<1x1x128xi32, #tpu.memory_space<hbm>>
    %dma_wait3A_18 = tpu.memref_squeeze %dma_wait3A_17 : memref<1x1x128xi32, #tpu.memory_space<hbm>> -> memref<128xi32, #tpu.memory_space<hbm>>
    %dma_wait3A_19 = arith.constant 0 : i32
    %dma_wait3A_20 = tpu.memref_slice %arg2[%add3A, %dma_wait3A_15, %dma_wait3A_19] : memref<32x82x128xi32, #tpu.memory_space<hbm>> -> memref<1x1x128xi32, #tpu.memory_space<hbm>>
    %dma_wait3A_21 = tpu.memref_squeeze %dma_wait3A_20 : memref<1x1x128xi32, #tpu.memory_space<hbm>> -> memref<128xi32, #tpu.memory_space<hbm>>
    tpu.wait_dma2 semaphore(%arg20 : memref<!tpu.dma_semaphore, #tpu.memory_space<semaphore_mem>>) src(%dma_wait3A_21 : memref<128xi32, #tpu.memory_space<hbm>>) dst(%arg9 : memref<128xi32, #tpu.memory_space<vmem>>)
    %dma_start3A_22 = arith.constant 0 : i32
    %dma_start3A_23 = arith.constant 0 : i32
    %dma_start3A_24 = tpu.memref_slice %arg4[%dma_start3A_22, %dma_start3A_23] : memref<10000x128xf32, #tpu.memory_space<hbm>> -> memref<10000x128xf32, #tpu.memory_space<hbm>>
    tpu.enqueue_indirect_dma source(%dma_start3A_24 : memref<10000x128xf32, #tpu.memory_space<hbm>>) target(%arg13 : memref<128x128xf32, #tpu.memory_space<vmem>>) offsets(%arg9 : memref<128xi32, #tpu.memory_space<vmem>>) semaphore(%arg16 : memref<!tpu.dma_semaphore, #tpu.memory_space<semaphore_mem>>)
    %dma_start3A_25 = arith.constant 1 : i32
    %dma_start3A_26 = arith.constant 0 : i32
    %dma_start3A_27 = tpu.memref_slice %arg3[%add3A, %dma_start3A_25, %dma_start3A_26] : memref<32x82x128xi32, #tpu.memory_space<hbm>> -> memref<1x1x128xi32, #tpu.memory_space<hbm>>
    %dma_start3A_28 = tpu.memref_squeeze %dma_start3A_27 : memref<1x1x128xi32, #tpu.memory_space<hbm>> -> memref<128xi32, #tpu.memory_space<hbm>>
    %dma_start3A_29 = arith.constant 0 : i32
    %dma_start3A_30 = tpu.memref_slice %arg3[%add3A, %dma_start3A_25, %dma_start3A_29] : memref<32x82x128xi32, #tpu.memory_space<hbm>> -> memref<1x1x128xi32, #tpu.memory_space<hbm>>
    %dma_start3A_31 = tpu.memref_squeeze %dma_start3A_30 : memref<1x1x128xi32, #tpu.memory_space<hbm>> -> memref<128xi32, #tpu.memory_space<hbm>>
    tpu.enqueue_dma source(%dma_start3A_31 : memref<128xi32, #tpu.memory_space<hbm>>) target(%arg11 : memref<128xi32, #tpu.memory_space<vmem>>) target_semaphore(%arg22 : memref<!tpu.dma_semaphore, #tpu.memory_space<semaphore_mem>>)
    %dma_start3A_32 = arith.constant 0 : i32
    %dma_start3A_33 = arith.constant 0 : i32
    %dma_start3A_34 = tpu.memref_slice %arg14[%dma_start3A_32, %dma_start3A_33] : memref<10240x128xf32, #tpu.memory_space<vmem_shared>> -> memref<10240x128xf32, #tpu.memory_space<vmem_shared>>
    tpu.enqueue_indirect_dma source(%arg12 : memref<128x128xf32, #tpu.memory_space<vmem>>) target(%dma_start3A_34 : memref<10240x128xf32, #tpu.memory_space<vmem_shared>>) offsets(%arg10 : memref<128xi32, #tpu.memory_space<vmem>>) semaphore(%arg17 : memref<!tpu.dma_semaphore, #tpu.memory_space<semaphore_mem>>) {add = true}
    %dma_start3A_35 = arith.constant 2 : i32
    %dma_start3A_36 = arith.constant 0 : i32
    %dma_start3A_37 = tpu.memref_slice %arg2[%add3A, %dma_start3A_35, %dma_start3A_36] : memref<32x82x128xi32, #tpu.memory_space<hbm>> -> memref<1x1x128xi32, #tpu.memory_space<hbm>>
    %dma_start3A_38 = tpu.memref_squeeze %dma_start3A_37 : memref<1x1x128xi32, #tpu.memory_space<hbm>> -> memref<128xi32, #tpu.memory_space<hbm>>
    %dma_start3A_39 = arith.constant 0 : i32
    %dma_start3A_40 = tpu.memref_slice %arg2[%add3A, %dma_start3A_35, %dma_start3A_39] : memref<32x82x128xi32, #tpu.memory_space<hbm>> -> memref<1x1x128xi32, #tpu.memory_space<hbm>>
    %dma_start3A_41 = tpu.memref_squeeze %dma_start3A_40 : memref<1x1x128xi32, #tpu.memory_space<hbm>> -> memref<128xi32, #tpu.memory_space<hbm>>
    tpu.enqueue_dma source(%dma_start3A_41 : memref<128xi32, #tpu.memory_space<hbm>>) target(%arg8 : memref<128xi32, #tpu.memory_space<vmem>>) target_semaphore(%arg19 : memref<!tpu.dma_semaphore, #tpu.memory_space<semaphore_mem>>)
    %dma_wait3A_42 = arith.constant 0 : i32
    %dma_wait3A_43 = arith.constant 0 : i32
    %dma_wait3A_44 = tpu.memref_slice %arg4[%dma_wait3A_42, %dma_wait3A_43] : memref<10000x128xf32, #tpu.memory_space<hbm>> -> memref<10000x128xf32, #tpu.memory_space<hbm>>
    tpu.wait_indirect_dma semaphore(%arg16 : memref<!tpu.dma_semaphore, #tpu.memory_space<semaphore_mem>>) src(%dma_wait3A_44 : memref<10000x128xf32, #tpu.memory_space<hbm>>) dst(%arg13 : memref<128x128xf32, #tpu.memory_space<vmem>>)
    %dma_wait3A_45 = arith.constant 2 : i32
    %dma_wait3A_46 = arith.constant 0 : i32
    %dma_wait3A_47 = tpu.memref_slice %arg2[%add3A, %dma_wait3A_45, %dma_wait3A_46] : memref<32x82x128xi32, #tpu.memory_space<hbm>> -> memref<1x1x128xi32, #tpu.memory_space<hbm>>
    %dma_wait3A_48 = tpu.memref_squeeze %dma_wait3A_47 : memref<1x1x128xi32, #tpu.memory_space<hbm>> -> memref<128xi32, #tpu.memory_space<hbm>>
    %dma_wait3A_49 = arith.constant 0 : i32
    %dma_wait3A_50 = tpu.memref_slice %arg2[%add3A, %dma_wait3A_45, %dma_wait3A_49] : memref<32x82x128xi32, #tpu.memory_space<hbm>> -> memref<1x1x128xi32, #tpu.memory_space<hbm>>
    %dma_wait3A_51 = tpu.memref_squeeze %dma_wait3A_50 : memref<1x1x128xi32, #tpu.memory_space<hbm>> -> memref<128xi32, #tpu.memory_space<hbm>>
    tpu.wait_dma2 semaphore(%arg19 : memref<!tpu.dma_semaphore, #tpu.memory_space<semaphore_mem>>) src(%dma_wait3A_51 : memref<128xi32, #tpu.memory_space<hbm>>) dst(%arg8 : memref<128xi32, #tpu.memory_space<vmem>>)
    %dma_wait3A_52 = arith.constant 0 : i32
    %dma_wait3A_53 = arith.constant 0 : i32
    %dma_wait3A_54 = tpu.memref_slice %arg14[%dma_wait3A_52, %dma_wait3A_53] : memref<10240x128xf32, #tpu.memory_space<vmem_shared>> -> memref<10240x128xf32, #tpu.memory_space<vmem_shared>>
    tpu.wait_indirect_dma semaphore(%arg17 : memref<!tpu.dma_semaphore, #tpu.memory_space<semaphore_mem>>) src(%arg12 : memref<128x128xf32, #tpu.memory_space<vmem>>) dst(%dma_wait3A_54 : memref<10240x128xf32, #tpu.memory_space<vmem_shared>>)
    %dma_start3A_55 = arith.constant 0 : i32
    %dma_start3A_56 = arith.constant 0 : i32
    %dma_start3A_57 = tpu.memref_slice %arg4[%dma_start3A_55, %dma_start3A_56] : memref<10000x128xf32, #tpu.memory_space<hbm>> -> memref<10000x128xf32, #tpu.memory_space<hbm>>
    tpu.enqueue_indirect_dma source(%dma_start3A_57 : memref<10000x128xf32, #tpu.memory_space<hbm>>) target(%arg12 : memref<128x128xf32, #tpu.memory_space<vmem>>) offsets(%arg8 : memref<128xi32, #tpu.memory_space<vmem>>) semaphore(%arg15 : memref<!tpu.dma_semaphore, #tpu.memory_space<semaphore_mem>>)
    %dma_start3A_58 = arith.constant 2 : i32
    %dma_start3A_59 = arith.constant 0 : i32
    %dma_start3A_60 = tpu.memref_slice %arg3[%add3A, %dma_start3A_58, %dma_start3A_59] : memref<32x82x128xi32, #tpu.memory_space<hbm>> -> memref<1x1x128xi32, #tpu.memory_space<hbm>>
    %dma_start3A_61 = tpu.memref_squeeze %dma_start3A_60 : memref<1x1x128xi32, #tpu.memory_space<hbm>> -> memref<128xi32, #tpu.memory_space<hbm>>
    %dma_start3A_62 = arith.constant 0 : i32
    %dma_start3A_63 = tpu.memref_slice %arg3[%add3A, %dma_start3A_58, %dma_start3A_62] : memref<32x82x128xi32, #tpu.memory_space<hbm>> -> memref<1x1x128xi32, #tpu.memory_space<hbm>>
    %dma_start3A_64 = tpu.memref_squeeze %dma_start3A_63 : memref<1x1x128xi32, #tpu.memory_space<hbm>> -> memref<128xi32, #tpu.memory_space<hbm>>
    tpu.enqueue_dma source(%dma_start3A_64 : memref<128xi32, #tpu.memory_space<hbm>>) target(%arg10 : memref<128xi32, #tpu.memory_space<vmem>>) target_semaphore(%arg21 : memref<!tpu.dma_semaphore, #tpu.memory_space<semaphore_mem>>)
    %dma_wait3A_65 = arith.constant 1 : i32
    %dma_wait3A_66 = arith.constant 0 : i32
    %dma_wait3A_67 = tpu.memref_slice %arg3[%add3A, %dma_wait3A_65, %dma_wait3A_66] : memref<32x82x128xi32, #tpu.memory_space<hbm>> -> memref<1x1x128xi32, #tpu.memory_space<hbm>>
    %dma_wait3A_68 = tpu.memref_squeeze %dma_wait3A_67 : memref<1x1x128xi32, #tpu.memory_space<hbm>> -> memref<128xi32, #tpu.memory_space<hbm>>
    %dma_wait3A_69 = arith.constant 0 : i32
    %dma_wait3A_70 = tpu.memref_slice %arg3[%add3A, %dma_wait3A_65, %dma_wait3A_69] : memref<32x82x128xi32, #tpu.memory_space<hbm>> -> memref<1x1x128xi32, #tpu.memory_space<hbm>>
    %dma_wait3A_71 = tpu.memref_squeeze %dma_wait3A_70 : memref<1x1x128xi32, #tpu.memory_space<hbm>> -> memref<128xi32, #tpu.memory_space<hbm>>
    tpu.wait_dma2 semaphore(%arg22 : memref<!tpu.dma_semaphore, #tpu.memory_space<semaphore_mem>>) src(%dma_wait3A_71 : memref<128xi32, #tpu.memory_space<hbm>>) dst(%arg11 : memref<128xi32, #tpu.memory_space<vmem>>)
    %dma_start3A_72 = arith.constant 0 : i32
    %dma_start3A_73 = arith.constant 0 : i32
    %dma_start3A_74 = tpu.memref_slice %arg14[%dma_start3A_72, %dma_start3A_73] : memref<10240x128xf32, #tpu.memory_space<vmem_shared>> -> memref<10240x128xf32, #tpu.memory_space<vmem_shared>>
    tpu.enqueue_indirect_dma source(%arg13 : memref<128x128xf32, #tpu.memory_space<vmem>>) target(%dma_start3A_74 : memref<10240x128xf32, #tpu.memory_space<vmem_shared>>) offsets(%arg11 : memref<128xi32, #tpu.memory_space<vmem>>) semaphore(%arg18 : memref<!tpu.dma_semaphore, #tpu.memory_space<semaphore_mem>>) {add = true}
    %dma_start3A_75 = arith.constant 3 : i32
    %dma_start3A_76 = arith.constant 0 : i32
    %dma_start3A_77 = tpu.memref_slice %arg2[%add3A, %dma_start3A_75, %dma_start3A_76] : memref<32x82x128xi32, #tpu.memory_space<hbm>> -> memref<1x1x128xi32, #tpu.memory_space<hbm>>
    %dma_start3A_78 = tpu.memref_squeeze %dma_start3A_77 : memref<1x1x128xi32, #tpu.memory_space<hbm>> -> memref<128xi32, #tpu.memory_space<hbm>>
    %dma_start3A_79 = arith.constant 0 : i32
    %dma_start3A_80 = tpu.memref_slice %arg2[%add3A, %dma_start3A_75, %dma_start3A_79] : memref<32x82x128xi32, #tpu.memory_space<hbm>> -> memref<1x1x128xi32, #tpu.memory_space<hbm>>
    %dma_start3A_81 = tpu.memref_squeeze %dma_start3A_80 : memref<1x1x128xi32, #tpu.memory_space<hbm>> -> memref<128xi32, #tpu.memory_space<hbm>>
    tpu.enqueue_dma source(%dma_start3A_81 : memref<128xi32, #tpu.memory_space<hbm>>) target(%arg9 : memref<128xi32, #tpu.memory_space<vmem>>) target_semaphore(%arg20 : memref<!tpu.dma_semaphore, #tpu.memory_space<semaphore_mem>>)
    %scan3A = arith.constant 0 : i32
    %scan3A_82 = arith.constant 39 : i32
    %scan3A_83 = arith.addi %scan3A, %scan3A_82 : i32
    %scan3A_84 = arith.constant 1 : i32
    scf.for %scan3A_240 = %scan3A to %scan3A_83 step %scan3A_84  : i32 {
      %mul3A_241 = arith.constant 1 : i32
      %mul3A_242 = arith.muli %scan3A_240, %mul3A_241 : i32
      %add3A_243 = arith.constant 1 : i32
      %add3A_244 = arith.addi %add3A_243, %mul3A_242 : i32
      %mul3A_245 = arith.constant 2 : i32
      %mul3A_246 = arith.muli %add3A_244, %mul3A_245 : i32
      %dma_wait3A_247 = arith.constant 0 : i32
      %dma_wait3A_248 = arith.constant 0 : i32
      %dma_wait3A_249 = tpu.memref_slice %arg4[%dma_wait3A_247, %dma_wait3A_248] : memref<10000x128xf32, #tpu.memory_space<hbm>> -> memref<10000x128xf32, #tpu.memory_space<hbm>>
      tpu.wait_indirect_dma semaphore(%arg15 : memref<!tpu.dma_semaphore, #tpu.memory_space<semaphore_mem>>) src(%dma_wait3A_249 : memref<10000x128xf32, #tpu.memory_space<hbm>>) dst(%arg12 : memref<128x128xf32, #tpu.memory_space<vmem>>)
      %add3A_250 = arith.constant 1 : i32
      %add3A_251 = arith.addi %mul3A_246, %add3A_250 : i32
      %dma_wait3A_252 = arith.constant 0 : i32
      %dma_wait3A_253 = tpu.memref_slice %arg2[%add3A, %add3A_251, %dma_wait3A_252] : memref<32x82x128xi32, #tpu.memory_space<hbm>> -> memref<1x1x128xi32, #tpu.memory_space<hbm>>
      %dma_wait3A_254 = tpu.memref_squeeze %dma_wait3A_253 : memref<1x1x128xi32, #tpu.memory_space<hbm>> -> memref<128xi32, #tpu.memory_space<hbm>>
      %dma_wait3A_255 = arith.constant 0 : i32
      %dma_wait3A_256 = tpu.memref_slice %arg2[%add3A, %add3A_251, %dma_wait3A_255] : memref<32x82x128xi32, #tpu.memory_space<hbm>> -> memref<1x1x128xi32, #tpu.memory_space<hbm>>
      %dma_wait3A_257 = tpu.memref_squeeze %dma_wait3A_256 : memref<1x1x128xi32, #tpu.memory_space<hbm>> -> memref<128xi32, #tpu.memory_space<hbm>>
      tpu.wait_dma2 semaphore(%arg20 : memref<!tpu.dma_semaphore, #tpu.memory_space<semaphore_mem>>) src(%dma_wait3A_257 : memref<128xi32, #tpu.memory_space<hbm>>) dst(%arg9 : memref<128xi32, #tpu.memory_space<vmem>>)
      %dma_wait3A_258 = arith.constant 0 : i32
      %dma_wait3A_259 = arith.constant 0 : i32
      %dma_wait3A_260 = tpu.memref_slice %arg14[%dma_wait3A_258, %dma_wait3A_259] : memref<10240x128xf32, #tpu.memory_space<vmem_shared>> -> memref<10240x128xf32, #tpu.memory_space<vmem_shared>>
      tpu.wait_indirect_dma semaphore(%arg18 : memref<!tpu.dma_semaphore, #tpu.memory_space<semaphore_mem>>) src(%arg13 : memref<128x128xf32, #tpu.memory_space<vmem>>) dst(%dma_wait3A_260 : memref<10240x128xf32, #tpu.memory_space<vmem_shared>>)
      %dma_start3A_261 = arith.constant 0 : i32
      %dma_start3A_262 = arith.constant 0 : i32
      %dma_start3A_263 = tpu.memref_slice %arg4[%dma_start3A_261, %dma_start3A_262] : memref<10000x128xf32, #tpu.memory_space<hbm>> -> memref<10000x128xf32, #tpu.memory_space<hbm>>
      tpu.enqueue_indirect_dma source(%dma_start3A_263 : memref<10000x128xf32, #tpu.memory_space<hbm>>) target(%arg13 : memref<128x128xf32, #tpu.memory_space<vmem>>) offsets(%arg9 : memref<128xi32, #tpu.memory_space<vmem>>) semaphore(%arg16 : memref<!tpu.dma_semaphore, #tpu.memory_space<semaphore_mem>>)
      %add3A_264 = arith.constant 1 : i32
      %add3A_265 = arith.addi %mul3A_246, %add3A_264 : i32
      %dma_start3A_266 = arith.constant 0 : i32
      %dma_start3A_267 = tpu.memref_slice %arg3[%add3A, %add3A_265, %dma_start3A_266] : memref<32x82x128xi32, #tpu.memory_space<hbm>> -> memref<1x1x128xi32, #tpu.memory_space<hbm>>
      %dma_start3A_268 = tpu.memref_squeeze %dma_start3A_267 : memref<1x1x128xi32, #tpu.memory_space<hbm>> -> memref<128xi32, #tpu.memory_space<hbm>>
      %dma_start3A_269 = arith.constant 0 : i32
      %dma_start3A_270 = tpu.memref_slice %arg3[%add3A, %add3A_265, %dma_start3A_269] : memref<32x82x128xi32, #tpu.memory_space<hbm>> -> memref<1x1x128xi32, #tpu.memory_space<hbm>>
      %dma_start3A_271 = tpu.memref_squeeze %dma_start3A_270 : memref<1x1x128xi32, #tpu.memory_space<hbm>> -> memref<128xi32, #tpu.memory_space<hbm>>
      tpu.enqueue_dma source(%dma_start3A_271 : memref<128xi32, #tpu.memory_space<hbm>>) target(%arg11 : memref<128xi32, #tpu.memory_space<vmem>>) target_semaphore(%arg22 : memref<!tpu.dma_semaphore, #tpu.memory_space<semaphore_mem>>)
      %dma_wait3A_272 = arith.constant 0 : i32
      %dma_wait3A_273 = tpu.memref_slice %arg3[%add3A, %mul3A_246, %dma_wait3A_272] : memref<32x82x128xi32, #tpu.memory_space<hbm>> -> memref<1x1x128xi32, #tpu.memory_space<hbm>>
      %dma_wait3A_274 = tpu.memref_squeeze %dma_wait3A_273 : memref<1x1x128xi32, #tpu.memory_space<hbm>> -> memref<128xi32, #tpu.memory_space<hbm>>
      %dma_wait3A_275 = arith.constant 0 : i32
      %dma_wait3A_276 = tpu.memref_slice %arg3[%add3A, %mul3A_246, %dma_wait3A_275] : memref<32x82x128xi32, #tpu.memory_space<hbm>> -> memref<1x1x128xi32, #tpu.memory_space<hbm>>
      %dma_wait3A_277 = tpu.memref_squeeze %dma_wait3A_276 : memref<1x1x128xi32, #tpu.memory_space<hbm>> -> memref<128xi32, #tpu.memory_space<hbm>>
      tpu.wait_dma2 semaphore(%arg21 : memref<!tpu.dma_semaphore, #tpu.memory_space<semaphore_mem>>) src(%dma_wait3A_277 : memref<128xi32, #tpu.memory_space<hbm>>) dst(%arg10 : memref<128xi32, #tpu.memory_space<vmem>>)
      %dma_start3A_278 = arith.constant 0 : i32
      %dma_start3A_279 = arith.constant 0 : i32
      %dma_start3A_280 = tpu.memref_slice %arg14[%dma_start3A_278, %dma_start3A_279] : memref<10240x128xf32, #tpu.memory_space<vmem_shared>> -> memref<10240x128xf32, #tpu.memory_space<vmem_shared>>
      tpu.enqueue_indirect_dma source(%arg12 : memref<128x128xf32, #tpu.memory_space<vmem>>) target(%dma_start3A_280 : memref<10240x128xf32, #tpu.memory_space<vmem_shared>>) offsets(%arg10 : memref<128xi32, #tpu.memory_space<vmem>>) semaphore(%arg17 : memref<!tpu.dma_semaphore, #tpu.memory_space<semaphore_mem>>) {add = true}
      %add3A_281 = arith.constant 2 : i32
      %add3A_282 = arith.addi %mul3A_246, %add3A_281 : i32
      %dma_start3A_283 = arith.constant 0 : i32
      %dma_start3A_284 = tpu.memref_slice %arg2[%add3A, %add3A_282, %dma_start3A_283] : memref<32x82x128xi32, #tpu.memory_space<hbm>> -> memref<1x1x128xi32, #tpu.memory_space<hbm>>
      %dma_start3A_285 = tpu.memref_squeeze %dma_start3A_284 : memref<1x1x128xi32, #tpu.memory_space<hbm>> -> memref<128xi32, #tpu.memory_space<hbm>>
      %dma_start3A_286 = arith.constant 0 : i32
      %dma_start3A_287 = tpu.memref_slice %arg2[%add3A, %add3A_282, %dma_start3A_286] : memref<32x82x128xi32, #tpu.memory_space<hbm>> -> memref<1x1x128xi32, #tpu.memory_space<hbm>>
      %dma_start3A_288 = tpu.memref_squeeze %dma_start3A_287 : memref<1x1x128xi32, #tpu.memory_space<hbm>> -> memref<128xi32, #tpu.memory_space<hbm>>
      tpu.enqueue_dma source(%dma_start3A_288 : memref<128xi32, #tpu.memory_space<hbm>>) target(%arg8 : memref<128xi32, #tpu.memory_space<vmem>>) target_semaphore(%arg19 : memref<!tpu.dma_semaphore, #tpu.memory_space<semaphore_mem>>)
      %dma_wait3A_289 = arith.constant 0 : i32
      %dma_wait3A_290 = arith.constant 0 : i32
      %dma_wait3A_291 = tpu.memref_slice %arg4[%dma_wait3A_289, %dma_wait3A_290] : memref<10000x128xf32, #tpu.memory_space<hbm>> -> memref<10000x128xf32, #tpu.memory_space<hbm>>
      tpu.wait_indirect_dma semaphore(%arg16 : memref<!tpu.dma_semaphore, #tpu.memory_space<semaphore_mem>>) src(%dma_wait3A_291 : memref<10000x128xf32, #tpu.memory_space<hbm>>) dst(%arg13 : memref<128x128xf32, #tpu.memory_space<vmem>>)
      %add3A_292 = arith.constant 2 : i32
      %add3A_293 = arith.addi %mul3A_246, %add3A_292 : i32
      %dma_wait3A_294 = arith.constant 0 : i32
      %dma_wait3A_295 = tpu.memref_slice %arg2[%add3A, %add3A_293, %dma_wait3A_294] : memref<32x82x128xi32, #tpu.memory_space<hbm>> -> memref<1x1x128xi32, #tpu.memory_space<hbm>>
      %dma_wait3A_296 = tpu.memref_squeeze %dma_wait3A_295 : memref<1x1x128xi32, #tpu.memory_space<hbm>> -> memref<128xi32, #tpu.memory_space<hbm>>
      %dma_wait3A_297 = arith.constant 0 : i32
      %dma_wait3A_298 = tpu.memref_slice %arg2[%add3A, %add3A_293, %dma_wait3A_297] : memref<32x82x128xi32, #tpu.memory_space<hbm>> -> memref<1x1x128xi32, #tpu.memory_space<hbm>>
      %dma_wait3A_299 = tpu.memref_squeeze %dma_wait3A_298 : memref<1x1x128xi32, #tpu.memory_space<hbm>> -> memref<128xi32, #tpu.memory_space<hbm>>
      tpu.wait_dma2 semaphore(%arg19 : memref<!tpu.dma_semaphore, #tpu.memory_space<semaphore_mem>>) src(%dma_wait3A_299 : memref<128xi32, #tpu.memory_space<hbm>>) dst(%arg8 : memref<128xi32, #tpu.memory_space<vmem>>)
      %dma_wait3A_300 = arith.constant 0 : i32
      %dma_wait3A_301 = arith.constant 0 : i32
      %dma_wait3A_302 = tpu.memref_slice %arg14[%dma_wait3A_300, %dma_wait3A_301] : memref<10240x128xf32, #tpu.memory_space<vmem_shared>> -> memref<10240x128xf32, #tpu.memory_space<vmem_shared>>
      tpu.wait_indirect_dma semaphore(%arg17 : memref<!tpu.dma_semaphore, #tpu.memory_space<semaphore_mem>>) src(%arg12 : memref<128x128xf32, #tpu.memory_space<vmem>>) dst(%dma_wait3A_302 : memref<10240x128xf32, #tpu.memory_space<vmem_shared>>)
      %dma_start3A_303 = arith.constant 0 : i32
      %dma_start3A_304 = arith.constant 0 : i32
      %dma_start3A_305 = tpu.memref_slice %arg4[%dma_start3A_303, %dma_start3A_304] : memref<10000x128xf32, #tpu.memory_space<hbm>> -> memref<10000x128xf32, #tpu.memory_space<hbm>>
      tpu.enqueue_indirect_dma source(%dma_start3A_305 : memref<10000x128xf32, #tpu.memory_space<hbm>>) target(%arg12 : memref<128x128xf32, #tpu.memory_space<vmem>>) offsets(%arg8 : memref<128xi32, #tpu.memory_space<vmem>>) semaphore(%arg15 : memref<!tpu.dma_semaphore, #tpu.memory_space<semaphore_mem>>)
      %add3A_306 = arith.constant 2 : i32
      %add3A_307 = arith.addi %mul3A_246, %add3A_306 : i32
      %dma_start3A_308 = arith.constant 0 : i32
      %dma_start3A_309 = tpu.memref_slice %arg3[%add3A, %add3A_307, %dma_start3A_308] : memref<32x82x128xi32, #tpu.memory_space<hbm>> -> memref<1x1x128xi32, #tpu.memory_space<hbm>>
      %dma_start3A_310 = tpu.memref_squeeze %dma_start3A_309 : memref<1x1x128xi32, #tpu.memory_space<hbm>> -> memref<128xi32, #tpu.memory_space<hbm>>
      %dma_start3A_311 = arith.constant 0 : i32
      %dma_start3A_312 = tpu.memref_slice %arg3[%add3A, %add3A_307, %dma_start3A_311] : memref<32x82x128xi32, #tpu.memory_space<hbm>> -> memref<1x1x128xi32, #tpu.memory_space<hbm>>
      %dma_start3A_313 = tpu.memref_squeeze %dma_start3A_312 : memref<1x1x128xi32, #tpu.memory_space<hbm>> -> memref<128xi32, #tpu.memory_space<hbm>>
      tpu.enqueue_dma source(%dma_start3A_313 : memref<128xi32, #tpu.memory_space<hbm>>) target(%arg10 : memref<128xi32, #tpu.memory_space<vmem>>) target_semaphore(%arg21 : memref<!tpu.dma_semaphore, #tpu.memory_space<semaphore_mem>>)
      %add3A_314 = arith.constant 1 : i32
      %add3A_315 = arith.addi %mul3A_246, %add3A_314 : i32
      %dma_wait3A_316 = arith.constant 0 : i32
      %dma_wait3A_317 = tpu.memref_slice %arg3[%add3A, %add3A_315, %dma_wait3A_316] : memref<32x82x128xi32, #tpu.memory_space<hbm>> -> memref<1x1x128xi32, #tpu.memory_space<hbm>>
      %dma_wait3A_318 = tpu.memref_squeeze %dma_wait3A_317 : memref<1x1x128xi32, #tpu.memory_space<hbm>> -> memref<128xi32, #tpu.memory_space<hbm>>
      %dma_wait3A_319 = arith.constant 0 : i32
      %dma_wait3A_320 = tpu.memref_slice %arg3[%add3A, %add3A_315, %dma_wait3A_319] : memref<32x82x128xi32, #tpu.memory_space<hbm>> -> memref<1x1x128xi32, #tpu.memory_space<hbm>>
      %dma_wait3A_321 = tpu.memref_squeeze %dma_wait3A_320 : memref<1x1x128xi32, #tpu.memory_space<hbm>> -> memref<128xi32, #tpu.memory_space<hbm>>
      tpu.wait_dma2 semaphore(%arg22 : memref<!tpu.dma_semaphore, #tpu.memory_space<semaphore_mem>>) src(%dma_wait3A_321 : memref<128xi32, #tpu.memory_space<hbm>>) dst(%arg11 : memref<128xi32, #tpu.memory_space<vmem>>)
      %dma_start3A_322 = arith.constant 0 : i32
      %dma_start3A_323 = arith.constant 0 : i32
      %dma_start3A_324 = tpu.memref_slice %arg14[%dma_start3A_322, %dma_start3A_323] : memref<10240x128xf32, #tpu.memory_space<vmem_shared>> -> memref<10240x128xf32, #tpu.memory_space<vmem_shared>>
      tpu.enqueue_indirect_dma source(%arg13 : memref<128x128xf32, #tpu.memory_space<vmem>>) target(%dma_start3A_324 : memref<10240x128xf32, #tpu.memory_space<vmem_shared>>) offsets(%arg11 : memref<128xi32, #tpu.memory_space<vmem>>) semaphore(%arg18 : memref<!tpu.dma_semaphore, #tpu.memory_space<semaphore_mem>>) {add = true}
      %add3A_325 = arith.constant 3 : i32
      %add3A_326 = arith.addi %mul3A_246, %add3A_325 : i32
      %dma_start3A_327 = arith.constant 0 : i32
      %dma_start3A_328 = tpu.memref_slice %arg2[%add3A, %add3A_326, %dma_start3A_327] : memref<32x82x128xi32, #tpu.memory_space<hbm>> -> memref<1x1x128xi32, #tpu.memory_space<hbm>>
      %dma_start3A_329 = tpu.memref_squeeze %dma_start3A_328 : memref<1x1x128xi32, #tpu.memory_space<hbm>> -> memref<128xi32, #tpu.memory_space<hbm>>
      %dma_start3A_330 = arith.constant 0 : i32
      %dma_start3A_331 = tpu.memref_slice %arg2[%add3A, %add3A_326, %dma_start3A_330] : memref<32x82x128xi32, #tpu.memory_space<hbm>> -> memref<1x1x128xi32, #tpu.memory_space<hbm>>
      %dma_start3A_332 = tpu.memref_squeeze %dma_start3A_331 : memref<1x1x128xi32, #tpu.memory_space<hbm>> -> memref<128xi32, #tpu.memory_space<hbm>>
      tpu.enqueue_dma source(%dma_start3A_332 : memref<128xi32, #tpu.memory_space<hbm>>) target(%arg9 : memref<128xi32, #tpu.memory_space<vmem>>) target_semaphore(%arg20 : memref<!tpu.dma_semaphore, #tpu.memory_space<semaphore_mem>>)
    }
    %scan3A_85 = arith.constant 39 : i32
    %dma_wait3A_86 = arith.constant 0 : i32
    %dma_wait3A_87 = arith.constant 0 : i32
    %dma_wait3A_88 = tpu.memref_slice %arg4[%dma_wait3A_86, %dma_wait3A_87] : memref<10000x128xf32, #tpu.memory_space<hbm>> -> memref<10000x128xf32, #tpu.memory_space<hbm>>
    tpu.wait_indirect_dma semaphore(%arg15 : memref<!tpu.dma_semaphore, #tpu.memory_space<semaphore_mem>>) src(%dma_wait3A_88 : memref<10000x128xf32, #tpu.memory_space<hbm>>) dst(%arg12 : memref<128x128xf32, #tpu.memory_space<vmem>>)
    %dma_wait3A_89 = arith.constant 81 : i32
    %dma_wait3A_90 = arith.constant 0 : i32
    %dma_wait3A_91 = tpu.memref_slice %arg2[%add3A, %dma_wait3A_89, %dma_wait3A_90] : memref<32x82x128xi32, #tpu.memory_space<hbm>> -> memref<1x1x128xi32, #tpu.memory_space<hbm>>
    %dma_wait3A_92 = tpu.memref_squeeze %dma_wait3A_91 : memref<1x1x128xi32, #tpu.memory_space<hbm>> -> memref<128xi32, #tpu.memory_space<hbm>>
    %dma_wait3A_93 = arith.constant 0 : i32
    %dma_wait3A_94 = tpu.memref_slice %arg2[%add3A, %dma_wait3A_89, %dma_wait3A_93] : memref<32x82x128xi32, #tpu.memory_space<hbm>> -> memref<1x1x128xi32, #tpu.memory_space<hbm>>
    %dma_wait3A_95 = tpu.memref_squeeze %dma_wait3A_94 : memref<1x1x128xi32, #tpu.memory_space<hbm>> -> memref<128xi32, #tpu.memory_space<hbm>>
    tpu.wait_dma2 semaphore(%arg20 : memref<!tpu.dma_semaphore, #tpu.memory_space<semaphore_mem>>) src(%dma_wait3A_95 : memref<128xi32, #tpu.memory_space<hbm>>) dst(%arg9 : memref<128xi32, #tpu.memory_space<vmem>>)
    %dma_wait3A_96 = arith.constant 80 : i32
    %dma_wait3A_97 = arith.constant 0 : i32
    %dma_wait3A_98 = tpu.memref_slice %arg3[%add3A, %dma_wait3A_96, %dma_wait3A_97] : memref<32x82x128xi32, #tpu.memory_space<hbm>> -> memref<1x1x128xi32, #tpu.memory_space<hbm>>
    %dma_wait3A_99 = tpu.memref_squeeze %dma_wait3A_98 : memref<1x1x128xi32, #tpu.memory_space<hbm>> -> memref<128xi32, #tpu.memory_space<hbm>>
    %dma_wait3A_100 = arith.constant 0 : i32
    %dma_wait3A_101 = tpu.memref_slice %arg3[%add3A, %dma_wait3A_96, %dma_wait3A_100] : memref<32x82x128xi32, #tpu.memory_space<hbm>> -> memref<1x1x128xi32, #tpu.memory_space<hbm>>
    %dma_wait3A_102 = tpu.memref_squeeze %dma_wait3A_101 : memref<1x1x128xi32, #tpu.memory_space<hbm>> -> memref<128xi32, #tpu.memory_space<hbm>>
    tpu.wait_dma2 semaphore(%arg21 : memref<!tpu.dma_semaphore, #tpu.memory_space<semaphore_mem>>) src(%dma_wait3A_102 : memref<128xi32, #tpu.memory_space<hbm>>) dst(%arg10 : memref<128xi32, #tpu.memory_space<vmem>>)
    %dma_wait3A_103 = arith.constant 0 : i32
    %dma_wait3A_104 = arith.constant 0 : i32
    %dma_wait3A_105 = tpu.memref_slice %arg14[%dma_wait3A_103, %dma_wait3A_104] : memref<10240x128xf32, #tpu.memory_space<vmem_shared>> -> memref<10240x128xf32, #tpu.memory_space<vmem_shared>>
    tpu.wait_indirect_dma semaphore(%arg18 : memref<!tpu.dma_semaphore, #tpu.memory_space<semaphore_mem>>) src(%arg13 : memref<128x128xf32, #tpu.memory_space<vmem>>) dst(%dma_wait3A_105 : memref<10240x128xf32, #tpu.memory_space<vmem_shared>>)
    %barrier3A_106 = arith.constant 0 : index
    tpu.barrier barrier_id(%barrier3A_106)
    %dma_start3A_107 = arith.constant 0 : i32
    %dma_start3A_108 = arith.constant 0 : i32
    %dma_start3A_109 = tpu.memref_slice %arg7[%dma_start3A_107, %arg0, %mul3A_2, %dma_start3A_108] : memref<2x2x10240x128xf32, #tpu.memory_space<hbm>> -> memref<1x1x640x128xf32, #tpu.memory_space<hbm>>
    %dma_start3A_110 = tpu.memref_squeeze %dma_start3A_109 : memref<1x1x640x128xf32, #tpu.memory_space<hbm>> -> memref<640x128xf32, #tpu.memory_space<hbm>>
    %dma_start3A_111 = arith.constant 0 : i32
    %dma_start3A_112 = tpu.memref_slice %arg14[%mul3A_2, %dma_start3A_111] : memref<10240x128xf32, #tpu.memory_space<vmem_shared>> -> memref<640x128xf32, #tpu.memory_space<vmem_shared>>
    tpu.enqueue_dma source(%dma_start3A_112 : memref<640x128xf32, #tpu.memory_space<vmem_shared>>) target(%dma_start3A_110 : memref<640x128xf32, #tpu.memory_space<hbm>>) target_semaphore(%arg23 : memref<!tpu.dma_semaphore, #tpu.memory_space<semaphore_mem>>)
    %dma_wait3A_113 = arith.constant 0 : i32
    %dma_wait3A_114 = arith.constant 0 : i32
    %dma_wait3A_115 = tpu.memref_slice %arg7[%dma_wait3A_113, %arg0, %mul3A_2, %dma_wait3A_114] : memref<2x2x10240x128xf32, #tpu.memory_space<hbm>> -> memref<1x1x640x128xf32, #tpu.memory_space<hbm>>
    %dma_wait3A_116 = tpu.memref_squeeze %dma_wait3A_115 : memref<1x1x640x128xf32, #tpu.memory_space<hbm>> -> memref<640x128xf32, #tpu.memory_space<hbm>>
    %dma_wait3A_117 = arith.constant 0 : i32
    %dma_wait3A_118 = tpu.memref_slice %arg14[%mul3A_2, %dma_wait3A_117] : memref<10240x128xf32, #tpu.memory_space<vmem_shared>> -> memref<640x128xf32, #tpu.memory_space<vmem_shared>>
    tpu.wait_dma2 semaphore(%arg23 : memref<!tpu.dma_semaphore, #tpu.memory_space<semaphore_mem>>) src(%dma_wait3A_118 : memref<640x128xf32, #tpu.memory_space<vmem_shared>>) dst(%dma_wait3A_116 : memref<640x128xf32, #tpu.memory_space<hbm>>)
    "tpu.region"() ({
      %run_scoped3A_240 = tpu.sem_alloc : memref<!tpu.dma_semaphore, #tpu.memory_space<semaphore_mem>>
      %dma_start3A_241 = arith.constant 0 : i32
      %dma_start3A_242 = tpu.memref_slice %arg14[%mul3A_2, %dma_start3A_241] : memref<10240x128xf32, #tpu.memory_space<vmem_shared>> -> memref<640x128xf32, #tpu.memory_space<vmem_shared>>
      tpu.enqueue_dma source(%arg6 : memref<640x128xf32, #tpu.memory_space<hbm>>) target(%dma_start3A_242 : memref<640x128xf32, #tpu.memory_space<vmem_shared>>) target_semaphore(%run_scoped3A_240 : memref<!tpu.dma_semaphore, #tpu.memory_space<semaphore_mem>>)
      %dma_wait3A_243 = arith.constant 0 : i32
      %dma_wait3A_244 = tpu.memref_slice %arg14[%mul3A_2, %dma_wait3A_243] : memref<10240x128xf32, #tpu.memory_space<vmem_shared>> -> memref<640x128xf32, #tpu.memory_space<vmem_shared>>
      tpu.wait_dma2 semaphore(%run_scoped3A_240 : memref<!tpu.dma_semaphore, #tpu.memory_space<semaphore_mem>>) src(%arg6 : memref<640x128xf32, #tpu.memory_space<hbm>>) dst(%dma_wait3A_244 : memref<640x128xf32, #tpu.memory_space<vmem_shared>>)
      tpu.yield
    }) : () -> ()
    %barrier3A_119 = arith.constant 0 : index
    tpu.barrier barrier_id(%barrier3A_119)
    %run_scoped3A_120 = arith.constant 0 : i32
    "tpu.region"() ({
      %run_scoped3A_240 = tpu.sem_alloc : memref<!tpu.dma_semaphore, #tpu.memory_space<semaphore_mem>>
      %dma_start3A_241 = arith.constant 0 : i32
      %dma_start3A_242 = tpu.memref_slice %arg2[%add3A, %run_scoped3A_120, %dma_start3A_241] : memref<32x82x128xi32, #tpu.memory_space<hbm>> -> memref<1x1x128xi32, #tpu.memory_space<hbm>>
      %dma_start3A_243 = tpu.memref_squeeze %dma_start3A_242 : memref<1x1x128xi32, #tpu.memory_space<hbm>> -> memref<128xi32, #tpu.memory_space<hbm>>
      %dma_start3A_244 = arith.constant 0 : i32
      %dma_start3A_245 = tpu.memref_slice %arg2[%add3A, %run_scoped3A_120, %dma_start3A_244] : memref<32x82x128xi32, #tpu.memory_space<hbm>> -> memref<1x1x128xi32, #tpu.memory_space<hbm>>
      %dma_start3A_246 = tpu.memref_squeeze %dma_start3A_245 : memref<1x1x128xi32, #tpu.memory_space<hbm>> -> memref<128xi32, #tpu.memory_space<hbm>>
      tpu.enqueue_dma source(%dma_start3A_246 : memref<128xi32, #tpu.memory_space<hbm>>) target(%arg8 : memref<128xi32, #tpu.memory_space<vmem>>) target_semaphore(%run_scoped3A_240 : memref<!tpu.dma_semaphore, #tpu.memory_space<semaphore_mem>>)
      %dma_wait3A_247 = arith.constant 0 : i32
      %dma_wait3A_248 = tpu.memref_slice %arg2[%add3A, %run_scoped3A_120, %dma_wait3A_247] : memref<32x82x128xi32, #tpu.memory_space<hbm>> -> memref<1x1x128xi32, #tpu.memory_space<hbm>>
      %dma_wait3A_249 = tpu.memref_squeeze %dma_wait3A_248 : memref<1x1x128xi32, #tpu.memory_space<hbm>> -> memref<128xi32, #tpu.memory_space<hbm>>
      %dma_wait3A_250 = arith.constant 0 : i32
      %dma_wait3A_251 = tpu.memref_slice %arg2[%add3A, %run_scoped3A_120, %dma_wait3A_250] : memref<32x82x128xi32, #tpu.memory_space<hbm>> -> memref<1x1x128xi32, #tpu.memory_space<hbm>>
      %dma_wait3A_252 = tpu.memref_squeeze %dma_wait3A_251 : memref<1x1x128xi32, #tpu.memory_space<hbm>> -> memref<128xi32, #tpu.memory_space<hbm>>
      tpu.wait_dma2 semaphore(%run_scoped3A_240 : memref<!tpu.dma_semaphore, #tpu.memory_space<semaphore_mem>>) src(%dma_wait3A_252 : memref<128xi32, #tpu.memory_space<hbm>>) dst(%arg8 : memref<128xi32, #tpu.memory_space<vmem>>)
      tpu.yield
    }) : () -> ()
    %run_scoped3A_121 = arith.constant 0 : i32
    "tpu.region"() ({
      %run_scoped3A_240 = tpu.sem_alloc : memref<!tpu.dma_semaphore, #tpu.memory_space<semaphore_mem>>
      %dma_start3A_241 = arith.constant 0 : i32
      %dma_start3A_242 = tpu.memref_slice %arg3[%add3A, %run_scoped3A_121, %dma_start3A_241] : memref<32x82x128xi32, #tpu.memory_space<hbm>> -> memref<1x1x128xi32, #tpu.memory_space<hbm>>
      %dma_start3A_243 = tpu.memref_squeeze %dma_start3A_242 : memref<1x1x128xi32, #tpu.memory_space<hbm>> -> memref<128xi32, #tpu.memory_space<hbm>>
      %dma_start3A_244 = arith.constant 0 : i32
      %dma_start3A_245 = tpu.memref_slice %arg3[%add3A, %run_scoped3A_121, %dma_start3A_244] : memref<32x82x128xi32, #tpu.memory_space<hbm>> -> memref<1x1x128xi32, #tpu.memory_space<hbm>>
      %dma_start3A_246 = tpu.memref_squeeze %dma_start3A_245 : memref<1x1x128xi32, #tpu.memory_space<hbm>> -> memref<128xi32, #tpu.memory_space<hbm>>
      tpu.enqueue_dma source(%dma_start3A_246 : memref<128xi32, #tpu.memory_space<hbm>>) target(%arg10 : memref<128xi32, #tpu.memory_space<vmem>>) target_semaphore(%run_scoped3A_240 : memref<!tpu.dma_semaphore, #tpu.memory_space<semaphore_mem>>)
      %dma_wait3A_247 = arith.constant 0 : i32
      %dma_wait3A_248 = tpu.memref_slice %arg3[%add3A, %run_scoped3A_121, %dma_wait3A_247] : memref<32x82x128xi32, #tpu.memory_space<hbm>> -> memref<1x1x128xi32, #tpu.memory_space<hbm>>
      %dma_wait3A_249 = tpu.memref_squeeze %dma_wait3A_248 : memref<1x1x128xi32, #tpu.memory_space<hbm>> -> memref<128xi32, #tpu.memory_space<hbm>>
      %dma_wait3A_250 = arith.constant 0 : i32
      %dma_wait3A_251 = tpu.memref_slice %arg3[%add3A, %run_scoped3A_121, %dma_wait3A_250] : memref<32x82x128xi32, #tpu.memory_space<hbm>> -> memref<1x1x128xi32, #tpu.memory_space<hbm>>
      %dma_wait3A_252 = tpu.memref_squeeze %dma_wait3A_251 : memref<1x1x128xi32, #tpu.memory_space<hbm>> -> memref<128xi32, #tpu.memory_space<hbm>>
      tpu.wait_dma2 semaphore(%run_scoped3A_240 : memref<!tpu.dma_semaphore, #tpu.memory_space<semaphore_mem>>) src(%dma_wait3A_252 : memref<128xi32, #tpu.memory_space<hbm>>) dst(%arg10 : memref<128xi32, #tpu.memory_space<vmem>>)
      tpu.yield
    }) : () -> ()
    %dma_start3A_122 = arith.constant 0 : i32
    %dma_start3A_123 = arith.constant 0 : i32
    %dma_start3A_124 = tpu.memref_slice %arg5[%dma_start3A_122, %dma_start3A_123] : memref<10000x128xf32, #tpu.memory_space<hbm>> -> memref<10000x128xf32, #tpu.memory_space<hbm>>
    tpu.enqueue_indirect_dma source(%dma_start3A_124 : memref<10000x128xf32, #tpu.memory_space<hbm>>) target(%arg12 : memref<128x128xf32, #tpu.memory_space<vmem>>) offsets(%arg8 : memref<128xi32, #tpu.memory_space<vmem>>) semaphore(%arg15 : memref<!tpu.dma_semaphore, #tpu.memory_space<semaphore_mem>>)
    %dma_start3A_125 = arith.constant 1 : i32
    %dma_start3A_126 = arith.constant 0 : i32
    %dma_start3A_127 = tpu.memref_slice %arg2[%add3A, %dma_start3A_125, %dma_start3A_126] : memref<32x82x128xi32, #tpu.memory_space<hbm>> -> memref<1x1x128xi32, #tpu.memory_space<hbm>>
    %dma_start3A_128 = tpu.memref_squeeze %dma_start3A_127 : memref<1x1x128xi32, #tpu.memory_space<hbm>> -> memref<128xi32, #tpu.memory_space<hbm>>
    %dma_start3A_129 = arith.constant 0 : i32
    %dma_start3A_130 = tpu.memref_slice %arg2[%add3A, %dma_start3A_125, %dma_start3A_129] : memref<32x82x128xi32, #tpu.memory_space<hbm>> -> memref<1x1x128xi32, #tpu.memory_space<hbm>>
    %dma_start3A_131 = tpu.memref_squeeze %dma_start3A_130 : memref<1x1x128xi32, #tpu.memory_space<hbm>> -> memref<128xi32, #tpu.memory_space<hbm>>
    tpu.enqueue_dma source(%dma_start3A_131 : memref<128xi32, #tpu.memory_space<hbm>>) target(%arg9 : memref<128xi32, #tpu.memory_space<vmem>>) target_semaphore(%arg20 : memref<!tpu.dma_semaphore, #tpu.memory_space<semaphore_mem>>)
    %dma_wait3A_132 = arith.constant 0 : i32
    %dma_wait3A_133 = arith.constant 0 : i32
    %dma_wait3A_134 = tpu.memref_slice %arg5[%dma_wait3A_132, %dma_wait3A_133] : memref<10000x128xf32, #tpu.memory_space<hbm>> -> memref<10000x128xf32, #tpu.memory_space<hbm>>
    tpu.wait_indirect_dma semaphore(%arg15 : memref<!tpu.dma_semaphore, #tpu.memory_space<semaphore_mem>>) src(%dma_wait3A_134 : memref<10000x128xf32, #tpu.memory_space<hbm>>) dst(%arg12 : memref<128x128xf32, #tpu.memory_space<vmem>>)
    %dma_wait3A_135 = arith.constant 1 : i32
    %dma_wait3A_136 = arith.constant 0 : i32
    %dma_wait3A_137 = tpu.memref_slice %arg2[%add3A, %dma_wait3A_135, %dma_wait3A_136] : memref<32x82x128xi32, #tpu.memory_space<hbm>> -> memref<1x1x128xi32, #tpu.memory_space<hbm>>
    %dma_wait3A_138 = tpu.memref_squeeze %dma_wait3A_137 : memref<1x1x128xi32, #tpu.memory_space<hbm>> -> memref<128xi32, #tpu.memory_space<hbm>>
    %dma_wait3A_139 = arith.constant 0 : i32
    %dma_wait3A_140 = tpu.memref_slice %arg2[%add3A, %dma_wait3A_135, %dma_wait3A_139] : memref<32x82x128xi32, #tpu.memory_space<hbm>> -> memref<1x1x128xi32, #tpu.memory_space<hbm>>
    %dma_wait3A_141 = tpu.memref_squeeze %dma_wait3A_140 : memref<1x1x128xi32, #tpu.memory_space<hbm>> -> memref<128xi32, #tpu.memory_space<hbm>>
    tpu.wait_dma2 semaphore(%arg20 : memref<!tpu.dma_semaphore, #tpu.memory_space<semaphore_mem>>) src(%dma_wait3A_141 : memref<128xi32, #tpu.memory_space<hbm>>) dst(%arg9 : memref<128xi32, #tpu.memory_space<vmem>>)
    %dma_start3A_142 = arith.constant 0 : i32
    %dma_start3A_143 = arith.constant 0 : i32
    %dma_start3A_144 = tpu.memref_slice %arg5[%dma_start3A_142, %dma_start3A_143] : memref<10000x128xf32, #tpu.memory_space<hbm>> -> memref<10000x128xf32, #tpu.memory_space<hbm>>
    tpu.enqueue_indirect_dma source(%dma_start3A_144 : memref<10000x128xf32, #tpu.memory_space<hbm>>) target(%arg13 : memref<128x128xf32, #tpu.memory_space<vmem>>) offsets(%arg9 : memref<128xi32, #tpu.memory_space<vmem>>) semaphore(%arg16 : memref<!tpu.dma_semaphore, #tpu.memory_space<semaphore_mem>>)
    %dma_start3A_145 = arith.constant 1 : i32
    %dma_start3A_146 = arith.constant 0 : i32
    %dma_start3A_147 = tpu.memref_slice %arg3[%add3A, %dma_start3A_145, %dma_start3A_146] : memref<32x82x128xi32, #tpu.memory_space<hbm>> -> memref<1x1x128xi32, #tpu.memory_space<hbm>>
    %dma_start3A_148 = tpu.memref_squeeze %dma_start3A_147 : memref<1x1x128xi32, #tpu.memory_space<hbm>> -> memref<128xi32, #tpu.memory_space<hbm>>
    %dma_start3A_149 = arith.constant 0 : i32
    %dma_start3A_150 = tpu.memref_slice %arg3[%add3A, %dma_start3A_145, %dma_start3A_149] : memref<32x82x128xi32, #tpu.memory_space<hbm>> -> memref<1x1x128xi32, #tpu.memory_space<hbm>>
    %dma_start3A_151 = tpu.memref_squeeze %dma_start3A_150 : memref<1x1x128xi32, #tpu.memory_space<hbm>> -> memref<128xi32, #tpu.memory_space<hbm>>
    tpu.enqueue_dma source(%dma_start3A_151 : memref<128xi32, #tpu.memory_space<hbm>>) target(%arg11 : memref<128xi32, #tpu.memory_space<vmem>>) target_semaphore(%arg22 : memref<!tpu.dma_semaphore, #tpu.memory_space<semaphore_mem>>)
    %dma_start3A_152 = arith.constant 0 : i32
    %dma_start3A_153 = arith.constant 0 : i32
    %dma_start3A_154 = tpu.memref_slice %arg14[%dma_start3A_152, %dma_start3A_153] : memref<10240x128xf32, #tpu.memory_space<vmem_shared>> -> memref<10240x128xf32, #tpu.memory_space<vmem_shared>>
    tpu.enqueue_indirect_dma source(%arg12 : memref<128x128xf32, #tpu.memory_space<vmem>>) target(%dma_start3A_154 : memref<10240x128xf32, #tpu.memory_space<vmem_shared>>) offsets(%arg10 : memref<128xi32, #tpu.memory_space<vmem>>) semaphore(%arg17 : memref<!tpu.dma_semaphore, #tpu.memory_space<semaphore_mem>>) {add = true}
    %dma_start3A_155 = arith.constant 2 : i32
    %dma_start3A_156 = arith.constant 0 : i32
    %dma_start3A_157 = tpu.memref_slice %arg2[%add3A, %dma_start3A_155, %dma_start3A_156] : memref<32x82x128xi32, #tpu.memory_space<hbm>> -> memref<1x1x128xi32, #tpu.memory_space<hbm>>
    %dma_start3A_158 = tpu.memref_squeeze %dma_start3A_157 : memref<1x1x128xi32, #tpu.memory_space<hbm>> -> memref<128xi32, #tpu.memory_space<hbm>>
    %dma_start3A_159 = arith.constant 0 : i32
    %dma_start3A_160 = tpu.memref_slice %arg2[%add3A, %dma_start3A_155, %dma_start3A_159] : memref<32x82x128xi32, #tpu.memory_space<hbm>> -> memref<1x1x128xi32, #tpu.memory_space<hbm>>
    %dma_start3A_161 = tpu.memref_squeeze %dma_start3A_160 : memref<1x1x128xi32, #tpu.memory_space<hbm>> -> memref<128xi32, #tpu.memory_space<hbm>>
    tpu.enqueue_dma source(%dma_start3A_161 : memref<128xi32, #tpu.memory_space<hbm>>) target(%arg8 : memref<128xi32, #tpu.memory_space<vmem>>) target_semaphore(%arg19 : memref<!tpu.dma_semaphore, #tpu.memory_space<semaphore_mem>>)
    %dma_wait3A_162 = arith.constant 0 : i32
    %dma_wait3A_163 = arith.constant 0 : i32
    %dma_wait3A_164 = tpu.memref_slice %arg5[%dma_wait3A_162, %dma_wait3A_163] : memref<10000x128xf32, #tpu.memory_space<hbm>> -> memref<10000x128xf32, #tpu.memory_space<hbm>>
    tpu.wait_indirect_dma semaphore(%arg16 : memref<!tpu.dma_semaphore, #tpu.memory_space<semaphore_mem>>) src(%dma_wait3A_164 : memref<10000x128xf32, #tpu.memory_space<hbm>>) dst(%arg13 : memref<128x128xf32, #tpu.memory_space<vmem>>)
    %dma_wait3A_165 = arith.constant 2 : i32
    %dma_wait3A_166 = arith.constant 0 : i32
    %dma_wait3A_167 = tpu.memref_slice %arg2[%add3A, %dma_wait3A_165, %dma_wait3A_166] : memref<32x82x128xi32, #tpu.memory_space<hbm>> -> memref<1x1x128xi32, #tpu.memory_space<hbm>>
    %dma_wait3A_168 = tpu.memref_squeeze %dma_wait3A_167 : memref<1x1x128xi32, #tpu.memory_space<hbm>> -> memref<128xi32, #tpu.memory_space<hbm>>
    %dma_wait3A_169 = arith.constant 0 : i32
    %dma_wait3A_170 = tpu.memref_slice %arg2[%add3A, %dma_wait3A_165, %dma_wait3A_169] : memref<32x82x128xi32, #tpu.memory_space<hbm>> -> memref<1x1x128xi32, #tpu.memory_space<hbm>>
    %dma_wait3A_171 = tpu.memref_squeeze %dma_wait3A_170 : memref<1x1x128xi32, #tpu.memory_space<hbm>> -> memref<128xi32, #tpu.memory_space<hbm>>
    tpu.wait_dma2 semaphore(%arg19 : memref<!tpu.dma_semaphore, #tpu.memory_space<semaphore_mem>>) src(%dma_wait3A_171 : memref<128xi32, #tpu.memory_space<hbm>>) dst(%arg8 : memref<128xi32, #tpu.memory_space<vmem>>)
    %dma_wait3A_172 = arith.constant 0 : i32
    %dma_wait3A_173 = arith.constant 0 : i32
    %dma_wait3A_174 = tpu.memref_slice %arg14[%dma_wait3A_172, %dma_wait3A_173] : memref<10240x128xf32, #tpu.memory_space<vmem_shared>> -> memref<10240x128xf32, #tpu.memory_space<vmem_shared>>
    tpu.wait_indirect_dma semaphore(%arg17 : memref<!tpu.dma_semaphore, #tpu.memory_space<semaphore_mem>>) src(%arg12 : memref<128x128xf32, #tpu.memory_space<vmem>>) dst(%dma_wait3A_174 : memref<10240x128xf32, #tpu.memory_space<vmem_shared>>)
    %dma_start3A_175 = arith.constant 0 : i32
    %dma_start3A_176 = arith.constant 0 : i32
    %dma_start3A_177 = tpu.memref_slice %arg5[%dma_start3A_175, %dma_start3A_176] : memref<10000x128xf32, #tpu.memory_space<hbm>> -> memref<10000x128xf32, #tpu.memory_space<hbm>>
    tpu.enqueue_indirect_dma source(%dma_start3A_177 : memref<10000x128xf32, #tpu.memory_space<hbm>>) target(%arg12 : memref<128x128xf32, #tpu.memory_space<vmem>>) offsets(%arg8 : memref<128xi32, #tpu.memory_space<vmem>>) semaphore(%arg15 : memref<!tpu.dma_semaphore, #tpu.memory_space<semaphore_mem>>)
    %dma_start3A_178 = arith.constant 2 : i32
    %dma_start3A_179 = arith.constant 0 : i32
    %dma_start3A_180 = tpu.memref_slice %arg3[%add3A, %dma_start3A_178, %dma_start3A_179] : memref<32x82x128xi32, #tpu.memory_space<hbm>> -> memref<1x1x128xi32, #tpu.memory_space<hbm>>
    %dma_start3A_181 = tpu.memref_squeeze %dma_start3A_180 : memref<1x1x128xi32, #tpu.memory_space<hbm>> -> memref<128xi32, #tpu.memory_space<hbm>>
    %dma_start3A_182 = arith.constant 0 : i32
    %dma_start3A_183 = tpu.memref_slice %arg3[%add3A, %dma_start3A_178, %dma_start3A_182] : memref<32x82x128xi32, #tpu.memory_space<hbm>> -> memref<1x1x128xi32, #tpu.memory_space<hbm>>
    %dma_start3A_184 = tpu.memref_squeeze %dma_start3A_183 : memref<1x1x128xi32, #tpu.memory_space<hbm>> -> memref<128xi32, #tpu.memory_space<hbm>>
    tpu.enqueue_dma source(%dma_start3A_184 : memref<128xi32, #tpu.memory_space<hbm>>) target(%arg10 : memref<128xi32, #tpu.memory_space<vmem>>) target_semaphore(%arg21 : memref<!tpu.dma_semaphore, #tpu.memory_space<semaphore_mem>>)
    %dma_wait3A_185 = arith.constant 1 : i32
    %dma_wait3A_186 = arith.constant 0 : i32
    %dma_wait3A_187 = tpu.memref_slice %arg3[%add3A, %dma_wait3A_185, %dma_wait3A_186] : memref<32x82x128xi32, #tpu.memory_space<hbm>> -> memref<1x1x128xi32, #tpu.memory_space<hbm>>
    %dma_wait3A_188 = tpu.memref_squeeze %dma_wait3A_187 : memref<1x1x128xi32, #tpu.memory_space<hbm>> -> memref<128xi32, #tpu.memory_space<hbm>>
    %dma_wait3A_189 = arith.constant 0 : i32
    %dma_wait3A_190 = tpu.memref_slice %arg3[%add3A, %dma_wait3A_185, %dma_wait3A_189] : memref<32x82x128xi32, #tpu.memory_space<hbm>> -> memref<1x1x128xi32, #tpu.memory_space<hbm>>
    %dma_wait3A_191 = tpu.memref_squeeze %dma_wait3A_190 : memref<1x1x128xi32, #tpu.memory_space<hbm>> -> memref<128xi32, #tpu.memory_space<hbm>>
    tpu.wait_dma2 semaphore(%arg22 : memref<!tpu.dma_semaphore, #tpu.memory_space<semaphore_mem>>) src(%dma_wait3A_191 : memref<128xi32, #tpu.memory_space<hbm>>) dst(%arg11 : memref<128xi32, #tpu.memory_space<vmem>>)
    %dma_start3A_192 = arith.constant 0 : i32
    %dma_start3A_193 = arith.constant 0 : i32
    %dma_start3A_194 = tpu.memref_slice %arg14[%dma_start3A_192, %dma_start3A_193] : memref<10240x128xf32, #tpu.memory_space<vmem_shared>> -> memref<10240x128xf32, #tpu.memory_space<vmem_shared>>
    tpu.enqueue_indirect_dma source(%arg13 : memref<128x128xf32, #tpu.memory_space<vmem>>) target(%dma_start3A_194 : memref<10240x128xf32, #tpu.memory_space<vmem_shared>>) offsets(%arg11 : memref<128xi32, #tpu.memory_space<vmem>>) semaphore(%arg18 : memref<!tpu.dma_semaphore, #tpu.memory_space<semaphore_mem>>) {add = true}
    %dma_start3A_195 = arith.constant 3 : i32
    %dma_start3A_196 = arith.constant 0 : i32
    %dma_start3A_197 = tpu.memref_slice %arg2[%add3A, %dma_start3A_195, %dma_start3A_196] : memref<32x82x128xi32, #tpu.memory_space<hbm>> -> memref<1x1x128xi32, #tpu.memory_space<hbm>>
    %dma_start3A_198 = tpu.memref_squeeze %dma_start3A_197 : memref<1x1x128xi32, #tpu.memory_space<hbm>> -> memref<128xi32, #tpu.memory_space<hbm>>
    %dma_start3A_199 = arith.constant 0 : i32
    %dma_start3A_200 = tpu.memref_slice %arg2[%add3A, %dma_start3A_195, %dma_start3A_199] : memref<32x82x128xi32, #tpu.memory_space<hbm>> -> memref<1x1x128xi32, #tpu.memory_space<hbm>>
    %dma_start3A_201 = tpu.memref_squeeze %dma_start3A_200 : memref<1x1x128xi32, #tpu.memory_space<hbm>> -> memref<128xi32, #tpu.memory_space<hbm>>
    tpu.enqueue_dma source(%dma_start3A_201 : memref<128xi32, #tpu.memory_space<hbm>>) target(%arg9 : memref<128xi32, #tpu.memory_space<vmem>>) target_semaphore(%arg20 : memref<!tpu.dma_semaphore, #tpu.memory_space<semaphore_mem>>)
    %scan3A_202 = arith.constant 0 : i32
    %scan3A_203 = arith.constant 39 : i32
    %scan3A_204 = arith.addi %scan3A_202, %scan3A_203 : i32
    %scan3A_205 = arith.constant 1 : i32
    scf.for %scan3A_240 = %scan3A_202 to %scan3A_204 step %scan3A_205  : i32 {
      %mul3A_241 = arith.constant 1 : i32
      %mul3A_242 = arith.muli %scan3A_240, %mul3A_241 : i32
      %add3A_243 = arith.constant 1 : i32
      %add3A_244 = arith.addi %add3A_243, %mul3A_242 : i32
      %mul3A_245 = arith.constant 2 : i32
      %mul3A_246 = arith.muli %add3A_244, %mul3A_245 : i32
      %dma_wait3A_247 = arith.constant 0 : i32
      %dma_wait3A_248 = arith.constant 0 : i32
      %dma_wait3A_249 = tpu.memref_slice %arg5[%dma_wait3A_247, %dma_wait3A_248] : memref<10000x128xf32, #tpu.memory_space<hbm>> -> memref<10000x128xf32, #tpu.memory_space<hbm>>
      tpu.wait_indirect_dma semaphore(%arg15 : memref<!tpu.dma_semaphore, #tpu.memory_space<semaphore_mem>>) src(%dma_wait3A_249 : memref<10000x128xf32, #tpu.memory_space<hbm>>) dst(%arg12 : memref<128x128xf32, #tpu.memory_space<vmem>>)
      %add3A_250 = arith.constant 1 : i32
      %add3A_251 = arith.addi %mul3A_246, %add3A_250 : i32
      %dma_wait3A_252 = arith.constant 0 : i32
      %dma_wait3A_253 = tpu.memref_slice %arg2[%add3A, %add3A_251, %dma_wait3A_252] : memref<32x82x128xi32, #tpu.memory_space<hbm>> -> memref<1x1x128xi32, #tpu.memory_space<hbm>>
      %dma_wait3A_254 = tpu.memref_squeeze %dma_wait3A_253 : memref<1x1x128xi32, #tpu.memory_space<hbm>> -> memref<128xi32, #tpu.memory_space<hbm>>
      %dma_wait3A_255 = arith.constant 0 : i32
      %dma_wait3A_256 = tpu.memref_slice %arg2[%add3A, %add3A_251, %dma_wait3A_255] : memref<32x82x128xi32, #tpu.memory_space<hbm>> -> memref<1x1x128xi32, #tpu.memory_space<hbm>>
      %dma_wait3A_257 = tpu.memref_squeeze %dma_wait3A_256 : memref<1x1x128xi32, #tpu.memory_space<hbm>> -> memref<128xi32, #tpu.memory_space<hbm>>
      tpu.wait_dma2 semaphore(%arg20 : memref<!tpu.dma_semaphore, #tpu.memory_space<semaphore_mem>>) src(%dma_wait3A_257 : memref<128xi32, #tpu.memory_space<hbm>>) dst(%arg9 : memref<128xi32, #tpu.memory_space<vmem>>)
      %dma_wait3A_258 = arith.constant 0 : i32
      %dma_wait3A_259 = arith.constant 0 : i32
      %dma_wait3A_260 = tpu.memref_slice %arg14[%dma_wait3A_258, %dma_wait3A_259] : memref<10240x128xf32, #tpu.memory_space<vmem_shared>> -> memref<10240x128xf32, #tpu.memory_space<vmem_shared>>
      tpu.wait_indirect_dma semaphore(%arg18 : memref<!tpu.dma_semaphore, #tpu.memory_space<semaphore_mem>>) src(%arg13 : memref<128x128xf32, #tpu.memory_space<vmem>>) dst(%dma_wait3A_260 : memref<10240x128xf32, #tpu.memory_space<vmem_shared>>)
      %dma_start3A_261 = arith.constant 0 : i32
      %dma_start3A_262 = arith.constant 0 : i32
      %dma_start3A_263 = tpu.memref_slice %arg5[%dma_start3A_261, %dma_start3A_262] : memref<10000x128xf32, #tpu.memory_space<hbm>> -> memref<10000x128xf32, #tpu.memory_space<hbm>>
      tpu.enqueue_indirect_dma source(%dma_start3A_263 : memref<10000x128xf32, #tpu.memory_space<hbm>>) target(%arg13 : memref<128x128xf32, #tpu.memory_space<vmem>>) offsets(%arg9 : memref<128xi32, #tpu.memory_space<vmem>>) semaphore(%arg16 : memref<!tpu.dma_semaphore, #tpu.memory_space<semaphore_mem>>)
      %add3A_264 = arith.constant 1 : i32
      %add3A_265 = arith.addi %mul3A_246, %add3A_264 : i32
      %dma_start3A_266 = arith.constant 0 : i32
      %dma_start3A_267 = tpu.memref_slice %arg3[%add3A, %add3A_265, %dma_start3A_266] : memref<32x82x128xi32, #tpu.memory_space<hbm>> -> memref<1x1x128xi32, #tpu.memory_space<hbm>>
      %dma_start3A_268 = tpu.memref_squeeze %dma_start3A_267 : memref<1x1x128xi32, #tpu.memory_space<hbm>> -> memref<128xi32, #tpu.memory_space<hbm>>
      %dma_start3A_269 = arith.constant 0 : i32
      %dma_start3A_270 = tpu.memref_slice %arg3[%add3A, %add3A_265, %dma_start3A_269] : memref<32x82x128xi32, #tpu.memory_space<hbm>> -> memref<1x1x128xi32, #tpu.memory_space<hbm>>
      %dma_start3A_271 = tpu.memref_squeeze %dma_start3A_270 : memref<1x1x128xi32, #tpu.memory_space<hbm>> -> memref<128xi32, #tpu.memory_space<hbm>>
      tpu.enqueue_dma source(%dma_start3A_271 : memref<128xi32, #tpu.memory_space<hbm>>) target(%arg11 : memref<128xi32, #tpu.memory_space<vmem>>) target_semaphore(%arg22 : memref<!tpu.dma_semaphore, #tpu.memory_space<semaphore_mem>>)
      %dma_wait3A_272 = arith.constant 0 : i32
      %dma_wait3A_273 = tpu.memref_slice %arg3[%add3A, %mul3A_246, %dma_wait3A_272] : memref<32x82x128xi32, #tpu.memory_space<hbm>> -> memref<1x1x128xi32, #tpu.memory_space<hbm>>
      %dma_wait3A_274 = tpu.memref_squeeze %dma_wait3A_273 : memref<1x1x128xi32, #tpu.memory_space<hbm>> -> memref<128xi32, #tpu.memory_space<hbm>>
      %dma_wait3A_275 = arith.constant 0 : i32
      %dma_wait3A_276 = tpu.memref_slice %arg3[%add3A, %mul3A_246, %dma_wait3A_275] : memref<32x82x128xi32, #tpu.memory_space<hbm>> -> memref<1x1x128xi32, #tpu.memory_space<hbm>>
      %dma_wait3A_277 = tpu.memref_squeeze %dma_wait3A_276 : memref<1x1x128xi32, #tpu.memory_space<hbm>> -> memref<128xi32, #tpu.memory_space<hbm>>
      tpu.wait_dma2 semaphore(%arg21 : memref<!tpu.dma_semaphore, #tpu.memory_space<semaphore_mem>>) src(%dma_wait3A_277 : memref<128xi32, #tpu.memory_space<hbm>>) dst(%arg10 : memref<128xi32, #tpu.memory_space<vmem>>)
      %dma_start3A_278 = arith.constant 0 : i32
      %dma_start3A_279 = arith.constant 0 : i32
      %dma_start3A_280 = tpu.memref_slice %arg14[%dma_start3A_278, %dma_start3A_279] : memref<10240x128xf32, #tpu.memory_space<vmem_shared>> -> memref<10240x128xf32, #tpu.memory_space<vmem_shared>>
      tpu.enqueue_indirect_dma source(%arg12 : memref<128x128xf32, #tpu.memory_space<vmem>>) target(%dma_start3A_280 : memref<10240x128xf32, #tpu.memory_space<vmem_shared>>) offsets(%arg10 : memref<128xi32, #tpu.memory_space<vmem>>) semaphore(%arg17 : memref<!tpu.dma_semaphore, #tpu.memory_space<semaphore_mem>>) {add = true}
      %add3A_281 = arith.constant 2 : i32
      %add3A_282 = arith.addi %mul3A_246, %add3A_281 : i32
      %dma_start3A_283 = arith.constant 0 : i32
      %dma_start3A_284 = tpu.memref_slice %arg2[%add3A, %add3A_282, %dma_start3A_283] : memref<32x82x128xi32, #tpu.memory_space<hbm>> -> memref<1x1x128xi32, #tpu.memory_space<hbm>>
      %dma_start3A_285 = tpu.memref_squeeze %dma_start3A_284 : memref<1x1x128xi32, #tpu.memory_space<hbm>> -> memref<128xi32, #tpu.memory_space<hbm>>
      %dma_start3A_286 = arith.constant 0 : i32
      %dma_start3A_287 = tpu.memref_slice %arg2[%add3A, %add3A_282, %dma_start3A_286] : memref<32x82x128xi32, #tpu.memory_space<hbm>> -> memref<1x1x128xi32, #tpu.memory_space<hbm>>
      %dma_start3A_288 = tpu.memref_squeeze %dma_start3A_287 : memref<1x1x128xi32, #tpu.memory_space<hbm>> -> memref<128xi32, #tpu.memory_space<hbm>>
      tpu.enqueue_dma source(%dma_start3A_288 : memref<128xi32, #tpu.memory_space<hbm>>) target(%arg8 : memref<128xi32, #tpu.memory_space<vmem>>) target_semaphore(%arg19 : memref<!tpu.dma_semaphore, #tpu.memory_space<semaphore_mem>>)
      %dma_wait3A_289 = arith.constant 0 : i32
      %dma_wait3A_290 = arith.constant 0 : i32
      %dma_wait3A_291 = tpu.memref_slice %arg5[%dma_wait3A_289, %dma_wait3A_290] : memref<10000x128xf32, #tpu.memory_space<hbm>> -> memref<10000x128xf32, #tpu.memory_space<hbm>>
      tpu.wait_indirect_dma semaphore(%arg16 : memref<!tpu.dma_semaphore, #tpu.memory_space<semaphore_mem>>) src(%dma_wait3A_291 : memref<10000x128xf32, #tpu.memory_space<hbm>>) dst(%arg13 : memref<128x128xf32, #tpu.memory_space<vmem>>)
      %add3A_292 = arith.constant 2 : i32
      %add3A_293 = arith.addi %mul3A_246, %add3A_292 : i32
      %dma_wait3A_294 = arith.constant 0 : i32
      %dma_wait3A_295 = tpu.memref_slice %arg2[%add3A, %add3A_293, %dma_wait3A_294] : memref<32x82x128xi32, #tpu.memory_space<hbm>> -> memref<1x1x128xi32, #tpu.memory_space<hbm>>
      %dma_wait3A_296 = tpu.memref_squeeze %dma_wait3A_295 : memref<1x1x128xi32, #tpu.memory_space<hbm>> -> memref<128xi32, #tpu.memory_space<hbm>>
      %dma_wait3A_297 = arith.constant 0 : i32
      %dma_wait3A_298 = tpu.memref_slice %arg2[%add3A, %add3A_293, %dma_wait3A_297] : memref<32x82x128xi32, #tpu.memory_space<hbm>> -> memref<1x1x128xi32, #tpu.memory_space<hbm>>
      %dma_wait3A_299 = tpu.memref_squeeze %dma_wait3A_298 : memref<1x1x128xi32, #tpu.memory_space<hbm>> -> memref<128xi32, #tpu.memory_space<hbm>>
      tpu.wait_dma2 semaphore(%arg19 : memref<!tpu.dma_semaphore, #tpu.memory_space<semaphore_mem>>) src(%dma_wait3A_299 : memref<128xi32, #tpu.memory_space<hbm>>) dst(%arg8 : memref<128xi32, #tpu.memory_space<vmem>>)
      %dma_wait3A_300 = arith.constant 0 : i32
      %dma_wait3A_301 = arith.constant 0 : i32
      %dma_wait3A_302 = tpu.memref_slice %arg14[%dma_wait3A_300, %dma_wait3A_301] : memref<10240x128xf32, #tpu.memory_space<vmem_shared>> -> memref<10240x128xf32, #tpu.memory_space<vmem_shared>>
      tpu.wait_indirect_dma semaphore(%arg17 : memref<!tpu.dma_semaphore, #tpu.memory_space<semaphore_mem>>) src(%arg12 : memref<128x128xf32, #tpu.memory_space<vmem>>) dst(%dma_wait3A_302 : memref<10240x128xf32, #tpu.memory_space<vmem_shared>>)
      %dma_start3A_303 = arith.constant 0 : i32
      %dma_start3A_304 = arith.constant 0 : i32
      %dma_start3A_305 = tpu.memref_slice %arg5[%dma_start3A_303, %dma_start3A_304] : memref<10000x128xf32, #tpu.memory_space<hbm>> -> memref<10000x128xf32, #tpu.memory_space<hbm>>
      tpu.enqueue_indirect_dma source(%dma_start3A_305 : memref<10000x128xf32, #tpu.memory_space<hbm>>) target(%arg12 : memref<128x128xf32, #tpu.memory_space<vmem>>) offsets(%arg8 : memref<128xi32, #tpu.memory_space<vmem>>) semaphore(%arg15 : memref<!tpu.dma_semaphore, #tpu.memory_space<semaphore_mem>>)
      %add3A_306 = arith.constant 2 : i32
      %add3A_307 = arith.addi %mul3A_246, %add3A_306 : i32
      %dma_start3A_308 = arith.constant 0 : i32
      %dma_start3A_309 = tpu.memref_slice %arg3[%add3A, %add3A_307, %dma_start3A_308] : memref<32x82x128xi32, #tpu.memory_space<hbm>> -> memref<1x1x128xi32, #tpu.memory_space<hbm>>
      %dma_start3A_310 = tpu.memref_squeeze %dma_start3A_309 : memref<1x1x128xi32, #tpu.memory_space<hbm>> -> memref<128xi32, #tpu.memory_space<hbm>>
      %dma_start3A_311 = arith.constant 0 : i32
      %dma_start3A_312 = tpu.memref_slice %arg3[%add3A, %add3A_307, %dma_start3A_311] : memref<32x82x128xi32, #tpu.memory_space<hbm>> -> memref<1x1x128xi32, #tpu.memory_space<hbm>>
      %dma_start3A_313 = tpu.memref_squeeze %dma_start3A_312 : memref<1x1x128xi32, #tpu.memory_space<hbm>> -> memref<128xi32, #tpu.memory_space<hbm>>
      tpu.enqueue_dma source(%dma_start3A_313 : memref<128xi32, #tpu.memory_space<hbm>>) target(%arg10 : memref<128xi32, #tpu.memory_space<vmem>>) target_semaphore(%arg21 : memref<!tpu.dma_semaphore, #tpu.memory_space<semaphore_mem>>)
      %add3A_314 = arith.constant 1 : i32
      %add3A_315 = arith.addi %mul3A_246, %add3A_314 : i32
      %dma_wait3A_316 = arith.constant 0 : i32
      %dma_wait3A_317 = tpu.memref_slice %arg3[%add3A, %add3A_315, %dma_wait3A_316] : memref<32x82x128xi32, #tpu.memory_space<hbm>> -> memref<1x1x128xi32, #tpu.memory_space<hbm>>
      %dma_wait3A_318 = tpu.memref_squeeze %dma_wait3A_317 : memref<1x1x128xi32, #tpu.memory_space<hbm>> -> memref<128xi32, #tpu.memory_space<hbm>>
      %dma_wait3A_319 = arith.constant 0 : i32
      %dma_wait3A_320 = tpu.memref_slice %arg3[%add3A, %add3A_315, %dma_wait3A_319] : memref<32x82x128xi32, #tpu.memory_space<hbm>> -> memref<1x1x128xi32, #tpu.memory_space<hbm>>
      %dma_wait3A_321 = tpu.memref_squeeze %dma_wait3A_320 : memref<1x1x128xi32, #tpu.memory_space<hbm>> -> memref<128xi32, #tpu.memory_space<hbm>>
      tpu.wait_dma2 semaphore(%arg22 : memref<!tpu.dma_semaphore, #tpu.memory_space<semaphore_mem>>) src(%dma_wait3A_321 : memref<128xi32, #tpu.memory_space<hbm>>) dst(%arg11 : memref<128xi32, #tpu.memory_space<vmem>>)
      %dma_start3A_322 = arith.constant 0 : i32
      %dma_start3A_323 = arith.constant 0 : i32
      %dma_start3A_324 = tpu.memref_slice %arg14[%dma_start3A_322, %dma_start3A_323] : memref<10240x128xf32, #tpu.memory_space<vmem_shared>> -> memref<10240x128xf32, #tpu.memory_space<vmem_shared>>
      tpu.enqueue_indirect_dma source(%arg13 : memref<128x128xf32, #tpu.memory_space<vmem>>) target(%dma_start3A_324 : memref<10240x128xf32, #tpu.memory_space<vmem_shared>>) offsets(%arg11 : memref<128xi32, #tpu.memory_space<vmem>>) semaphore(%arg18 : memref<!tpu.dma_semaphore, #tpu.memory_space<semaphore_mem>>) {add = true}
      %add3A_325 = arith.constant 3 : i32
      %add3A_326 = arith.addi %mul3A_246, %add3A_325 : i32
      %dma_start3A_327 = arith.constant 0 : i32
      %dma_start3A_328 = tpu.memref_slice %arg2[%add3A, %add3A_326, %dma_start3A_327] : memref<32x82x128xi32, #tpu.memory_space<hbm>> -> memref<1x1x128xi32, #tpu.memory_space<hbm>>
      %dma_start3A_329 = tpu.memref_squeeze %dma_start3A_328 : memref<1x1x128xi32, #tpu.memory_space<hbm>> -> memref<128xi32, #tpu.memory_space<hbm>>
      %dma_start3A_330 = arith.constant 0 : i32
      %dma_start3A_331 = tpu.memref_slice %arg2[%add3A, %add3A_326, %dma_start3A_330] : memref<32x82x128xi32, #tpu.memory_space<hbm>> -> memref<1x1x128xi32, #tpu.memory_space<hbm>>
      %dma_start3A_332 = tpu.memref_squeeze %dma_start3A_331 : memref<1x1x128xi32, #tpu.memory_space<hbm>> -> memref<128xi32, #tpu.memory_space<hbm>>
      tpu.enqueue_dma source(%dma_start3A_332 : memref<128xi32, #tpu.memory_space<hbm>>) target(%arg9 : memref<128xi32, #tpu.memory_space<vmem>>) target_semaphore(%arg20 : memref<!tpu.dma_semaphore, #tpu.memory_space<semaphore_mem>>)
    }
    %scan3A_206 = arith.constant 39 : i32
    %dma_wait3A_207 = arith.constant 0 : i32
    %dma_wait3A_208 = arith.constant 0 : i32
    %dma_wait3A_209 = tpu.memref_slice %arg5[%dma_wait3A_207, %dma_wait3A_208] : memref<10000x128xf32, #tpu.memory_space<hbm>> -> memref<10000x128xf32, #tpu.memory_space<hbm>>
    tpu.wait_indirect_dma semaphore(%arg15 : memref<!tpu.dma_semaphore, #tpu.memory_space<semaphore_mem>>) src(%dma_wait3A_209 : memref<10000x128xf32, #tpu.memory_space<hbm>>) dst(%arg12 : memref<128x128xf32, #tpu.memory_space<vmem>>)
    %dma_wait3A_210 = arith.constant 81 : i32
    %dma_wait3A_211 = arith.constant 0 : i32
    %dma_wait3A_212 = tpu.memref_slice %arg2[%add3A, %dma_wait3A_210, %dma_wait3A_211] : memref<32x82x128xi32, #tpu.memory_space<hbm>> -> memref<1x1x128xi32, #tpu.memory_space<hbm>>
    %dma_wait3A_213 = tpu.memref_squeeze %dma_wait3A_212 : memref<1x1x128xi32, #tpu.memory_space<hbm>> -> memref<128xi32, #tpu.memory_space<hbm>>
    %dma_wait3A_214 = arith.constant 0 : i32
    %dma_wait3A_215 = tpu.memref_slice %arg2[%add3A, %dma_wait3A_210, %dma_wait3A_214] : memref<32x82x128xi32, #tpu.memory_space<hbm>> -> memref<1x1x128xi32, #tpu.memory_space<hbm>>
    %dma_wait3A_216 = tpu.memref_squeeze %dma_wait3A_215 : memref<1x1x128xi32, #tpu.memory_space<hbm>> -> memref<128xi32, #tpu.memory_space<hbm>>
    tpu.wait_dma2 semaphore(%arg20 : memref<!tpu.dma_semaphore, #tpu.memory_space<semaphore_mem>>) src(%dma_wait3A_216 : memref<128xi32, #tpu.memory_space<hbm>>) dst(%arg9 : memref<128xi32, #tpu.memory_space<vmem>>)
    %dma_wait3A_217 = arith.constant 80 : i32
    %dma_wait3A_218 = arith.constant 0 : i32
    %dma_wait3A_219 = tpu.memref_slice %arg3[%add3A, %dma_wait3A_217, %dma_wait3A_218] : memref<32x82x128xi32, #tpu.memory_space<hbm>> -> memref<1x1x128xi32, #tpu.memory_space<hbm>>
    %dma_wait3A_220 = tpu.memref_squeeze %dma_wait3A_219 : memref<1x1x128xi32, #tpu.memory_space<hbm>> -> memref<128xi32, #tpu.memory_space<hbm>>
    %dma_wait3A_221 = arith.constant 0 : i32
    %dma_wait3A_222 = tpu.memref_slice %arg3[%add3A, %dma_wait3A_217, %dma_wait3A_221] : memref<32x82x128xi32, #tpu.memory_space<hbm>> -> memref<1x1x128xi32, #tpu.memory_space<hbm>>
    %dma_wait3A_223 = tpu.memref_squeeze %dma_wait3A_222 : memref<1x1x128xi32, #tpu.memory_space<hbm>> -> memref<128xi32, #tpu.memory_space<hbm>>
    tpu.wait_dma2 semaphore(%arg21 : memref<!tpu.dma_semaphore, #tpu.memory_space<semaphore_mem>>) src(%dma_wait3A_223 : memref<128xi32, #tpu.memory_space<hbm>>) dst(%arg10 : memref<128xi32, #tpu.memory_space<vmem>>)
    %dma_wait3A_224 = arith.constant 0 : i32
    %dma_wait3A_225 = arith.constant 0 : i32
    %dma_wait3A_226 = tpu.memref_slice %arg14[%dma_wait3A_224, %dma_wait3A_225] : memref<10240x128xf32, #tpu.memory_space<vmem_shared>> -> memref<10240x128xf32, #tpu.memory_space<vmem_shared>>
    tpu.wait_indirect_dma semaphore(%arg18 : memref<!tpu.dma_semaphore, #tpu.memory_space<semaphore_mem>>) src(%arg13 : memref<128x128xf32, #tpu.memory_space<vmem>>) dst(%dma_wait3A_226 : memref<10240x128xf32, #tpu.memory_space<vmem_shared>>)
    %barrier3A_227 = arith.constant 0 : index
    tpu.barrier barrier_id(%barrier3A_227)
    %dma_start3A_228 = arith.constant 1 : i32
    %dma_start3A_229 = arith.constant 0 : i32
    %dma_start3A_230 = tpu.memref_slice %arg7[%dma_start3A_228, %arg0, %mul3A_2, %dma_start3A_229] : memref<2x2x10240x128xf32, #tpu.memory_space<hbm>> -> memref<1x1x640x128xf32, #tpu.memory_space<hbm>>
    %dma_start3A_231 = tpu.memref_squeeze %dma_start3A_230 : memref<1x1x640x128xf32, #tpu.memory_space<hbm>> -> memref<640x128xf32, #tpu.memory_space<hbm>>
    %dma_start3A_232 = arith.constant 0 : i32
    %dma_start3A_233 = tpu.memref_slice %arg14[%mul3A_2, %dma_start3A_232] : memref<10240x128xf32, #tpu.memory_space<vmem_shared>> -> memref<640x128xf32, #tpu.memory_space<vmem_shared>>
    tpu.enqueue_dma source(%dma_start3A_233 : memref<640x128xf32, #tpu.memory_space<vmem_shared>>) target(%dma_start3A_231 : memref<640x128xf32, #tpu.memory_space<hbm>>) target_semaphore(%arg23 : memref<!tpu.dma_semaphore, #tpu.memory_space<semaphore_mem>>)
    %dma_wait3A_234 = arith.constant 1 : i32
    %dma_wait3A_235 = arith.constant 0 : i32
    %dma_wait3A_236 = tpu.memref_slice %arg7[%dma_wait3A_234, %arg0, %mul3A_2, %dma_wait3A_235] : memref<2x2x10240x128xf32, #tpu.memory_space<hbm>> -> memref<1x1x640x128xf32, #tpu.memory_space<hbm>>
    %dma_wait3A_237 = tpu.memref_squeeze %dma_wait3A_236 : memref<1x1x640x128xf32, #tpu.memory_space<hbm>> -> memref<640x128xf32, #tpu.memory_space<hbm>>
    %dma_wait3A_238 = arith.constant 0 : i32
    %dma_wait3A_239 = tpu.memref_slice %arg14[%mul3A_2, %dma_wait3A_238] : memref<10240x128xf32, #tpu.memory_space<vmem_shared>> -> memref<640x128xf32, #tpu.memory_space<vmem_shared>>
    tpu.wait_dma2 semaphore(%arg23 : memref<!tpu.dma_semaphore, #tpu.memory_space<semaphore_mem>>) src(%dma_wait3A_239 : memref<640x128xf32, #tpu.memory_space<vmem_shared>>) dst(%dma_wait3A_237 : memref<640x128xf32, #tpu.memory_space<hbm>>)
    return
  }
}

module attributes {stable_mosaic.version = 14 : i64} {
  func.func @body(%arg0: i32, %arg1: i32, %arg2: memref<1x2000x128xf32, #tpu.memory_space<vmem>>, %arg3: memref<1x2000x128xf32, #tpu.memory_space<vmem>>, %arg4: memref<128x64xf32, #tpu.memory_space<vmem>>, %arg5: memref<128x64xf32, #tpu.memory_space<vmem>>, %arg6: memref<1x128xf32, #tpu.memory_space<vmem>>, %arg7: memref<1x2000x128xf32, #tpu.memory_space<vmem>>, %arg8: memref<1x2000x128xf32, #tpu.memory_space<vmem>>) attributes {dimension_semantics = [#tpu.dimension_semantics<arbitrary>, #tpu.dimension_semantics<arbitrary>], iteration_bounds = array<i64: 3, 5>, scalar_prefetch = 0 : i64, scratch_operands = 0 : i64, tpu.core_type = #tpu.core_type<tc>, window_params = [{transform_indices = @transform_0, window_bounds = array<i64: 1, 2000, 128>}, {transform_indices = @transform_1, window_bounds = array<i64: 1, 2000, 128>}, {pipeline_mode = #tpu.pipeline_mode<synchronous>, transform_indices = @transform_2, window_bounds = array<i64: 128, 64>}, {pipeline_mode = #tpu.pipeline_mode<synchronous>, transform_indices = @transform_3, window_bounds = array<i64: 128, 64>}, {pipeline_mode = #tpu.pipeline_mode<synchronous>, transform_indices = @transform_4, window_bounds = array<i64: 1, 128>}, {transform_indices = @transform_5, window_bounds = array<i64: 1, 2000, 128>}, {transform_indices = @transform_6, window_bounds = array<i64: 1, 2000, 128>}]} {
    %get3A = arith.constant 0 : index
    %get3A_0 = arith.constant 0 : index
    %get3A_1 = arith.constant 0 : index
    %get3A_2 = vector.load %arg2[%get3A, %get3A_0, %get3A_1] : memref<1x2000x128xf32, #tpu.memory_space<vmem>>, vector<1x2000x128xf32>
    %get3A_3 = vector.shape_cast %get3A_2 : vector<1x2000x128xf32> to vector<2000x128xf32>
    %get3A_4 = arith.constant 0 : index
    %get3A_5 = arith.constant 0 : index
    %get3A_6 = arith.constant 0 : index
    %get3A_7 = vector.load %arg3[%get3A_4, %get3A_5, %get3A_6] : memref<1x2000x128xf32, #tpu.memory_space<vmem>>, vector<1x2000x128xf32>
    %get3A_8 = vector.shape_cast %get3A_7 : vector<1x2000x128xf32> to vector<2000x128xf32>
    %get3A_9 = arith.constant 0 : index
    %get3A_10 = arith.constant 0 : index
    %get3A_11 = vector.load %arg4[%get3A_9, %get3A_10] : memref<128x64xf32, #tpu.memory_space<vmem>>, vector<128x64xf32>
    %get3A_12 = arith.constant 0 : index
    %get3A_13 = arith.constant 0 : index
    %get3A_14 = vector.load %arg5[%get3A_12, %get3A_13] : memref<128x64xf32, #tpu.memory_space<vmem>>, vector<128x64xf32>
    %dot_general3A = arith.constant dense<0.000000e+00> : vector<2000x64xf32>
    %dot_general3A_15 = tpu.matmul %get3A_3, %get3A_11, %dot_general3A {dimension_numbers = #tpu.dot_dimension_numbers<[1], [0], [0], [1], [0, 0, 1, 1], [], []>, transpose_lhs_hint = false} : vector<2000x128xf32>, vector<128x64xf32>, vector<2000x64xf32> -> vector<2000x64xf32>
    %dot_general3A_16 = arith.constant dense<0.000000e+00> : vector<2000x64xf32>
    %dot_general3A_17 = tpu.matmul %get3A_8, %get3A_11, %dot_general3A_16 {dimension_numbers = #tpu.dot_dimension_numbers<[1], [0], [0], [1], [0, 0, 1, 1], [], []>, transpose_lhs_hint = false} : vector<2000x128xf32>, vector<128x64xf32>, vector<2000x64xf32> -> vector<2000x64xf32>
    %concatenate3A = tpu.concatenate %dot_general3A_15, %dot_general3A_17 in 1 : vector<2000x64xf32>, vector<2000x64xf32> -> vector<2000x128xf32>
    %swap3A = arith.constant 0 : index
    %swap3A_18 = arith.constant 0 : index
    %swap3A_19 = arith.constant 0 : index
    %swap3A_20 = vector.load %arg7[%swap3A, %swap3A_18, %swap3A_19] : memref<1x2000x128xf32, #tpu.memory_space<vmem>>, vector<1x2000x128xf32>
    %swap3A_21 = vector.shape_cast %swap3A_20 : vector<1x2000x128xf32> to vector<2000x128xf32>
    %swap3A_22 = vector.shape_cast %concatenate3A : vector<2000x128xf32> to vector<1x2000x128xf32>
    tpu.vector_store %arg7[%swap3A, %swap3A_18, %swap3A_19], %swap3A_22 {strides = array<i32>} : memref<1x2000x128xf32, #tpu.memory_space<vmem>>, vector<1x2000x128xf32>,
    %dot_general3A_23 = arith.constant dense<0.000000e+00> : vector<2000x64xf32>
    %dot_general3A_24 = tpu.matmul %get3A_3, %get3A_14, %dot_general3A_23 {dimension_numbers = #tpu.dot_dimension_numbers<[1], [0], [0], [1], [0, 0, 1, 1], [], []>, transpose_lhs_hint = false} : vector<2000x128xf32>, vector<128x64xf32>, vector<2000x64xf32> -> vector<2000x64xf32>
    %dot_general3A_25 = arith.constant dense<0.000000e+00> : vector<2000x64xf32>
    %dot_general3A_26 = tpu.matmul %get3A_8, %get3A_14, %dot_general3A_25 {dimension_numbers = #tpu.dot_dimension_numbers<[1], [0], [0], [1], [0, 0, 1, 1], [], []>, transpose_lhs_hint = false} : vector<2000x128xf32>, vector<128x64xf32>, vector<2000x64xf32> -> vector<2000x64xf32>
    %concatenate3A_27 = tpu.concatenate %dot_general3A_24, %dot_general3A_26 in 1 : vector<2000x64xf32>, vector<2000x64xf32> -> vector<2000x128xf32>
    %get3A_28 = arith.constant 0 : index
    %get3A_29 = arith.constant 0 : index
    %get3A_30 = vector.load %arg6[%get3A_28, %get3A_29] : memref<1x128xf32, #tpu.memory_space<vmem>>, vector<1x128xf32>
    %add3A = vector.broadcast %get3A_30 : vector<1x128xf32> to vector<2000x128xf32>
    %add3A_31 = arith.addf %concatenate3A_27, %add3A : vector<2000x128xf32>
    %swap3A_32 = arith.constant 0 : index
    %swap3A_33 = arith.constant 0 : index
    %swap3A_34 = arith.constant 0 : index
    %swap3A_35 = vector.load %arg8[%swap3A_32, %swap3A_33, %swap3A_34] : memref<1x2000x128xf32, #tpu.memory_space<vmem>>, vector<1x2000x128xf32>
    %swap3A_36 = vector.shape_cast %swap3A_35 : vector<1x2000x128xf32> to vector<2000x128xf32>
    %swap3A_37 = vector.shape_cast %add3A_31 : vector<2000x128xf32> to vector<1x2000x128xf32>
    tpu.vector_store %arg8[%swap3A_32, %swap3A_33, %swap3A_34], %swap3A_37 {strides = array<i32>} : memref<1x2000x128xf32, #tpu.memory_space<vmem>>, vector<1x2000x128xf32>,
    return
  }
  func.func @transform_0(%arg0: i32, %arg1: i32) -> (i32, i32, i32) {
    %mul3A = arith.constant 2 : i32
    %mul3A_0 = arith.muli %mul3A, %arg0 : i32
    %c0_i32 = arith.constant 0 : i32
    %c0_i32_1 = arith.constant 0 : i32
    return %mul3A_0, %arg1, %c0_i32 : i32, i32, i32
  }
  func.func @transform_1(%arg0: i32, %arg1: i32) -> (i32, i32, i32) {
    %mul3A = arith.constant 2 : i32
    %mul3A_0 = arith.muli %mul3A, %arg0 : i32
    %add3A = arith.constant 1 : i32
    %add3A_1 = arith.addi %mul3A_0, %add3A : i32
    %min3A = arith.constant 4 : i32
    %min3A_2 = arith.minsi %add3A_1, %min3A : i32
    %c0_i32 = arith.constant 0 : i32
    %c0_i32_3 = arith.constant 0 : i32
    return %min3A_2, %arg1, %c0_i32 : i32, i32, i32
  }
  func.func @transform_2(%arg0: i32, %arg1: i32) -> (i32, i32) {
    %c0_i32 = arith.constant 0 : i32
    %c0_i32_0 = arith.constant 0 : i32
    %c0_i32_1 = arith.constant 0 : i32
    return %c0_i32, %c0_i32_0 : i32, i32
  }
  func.func @transform_3(%arg0: i32, %arg1: i32) -> (i32, i32) {
    %c0_i32 = arith.constant 0 : i32
    %c0_i32_0 = arith.constant 0 : i32
    %c0_i32_1 = arith.constant 0 : i32
    return %c0_i32, %c0_i32_0 : i32, i32
  }
  func.func @transform_4(%arg0: i32, %arg1: i32) -> (i32, i32) {
    %c0_i32 = arith.constant 0 : i32
    %c0_i32_0 = arith.constant 0 : i32
    %c0_i32_1 = arith.constant 0 : i32
    return %c0_i32, %c0_i32_0 : i32, i32
  }
  func.func @transform_5(%arg0: i32, %arg1: i32) -> (i32, i32, i32) {
    %c0_i32 = arith.constant 0 : i32
    %c0_i32_0 = arith.constant 0 : i32
    return %arg0, %arg1, %c0_i32 : i32, i32, i32
  }
  func.func @transform_6(%arg0: i32, %arg1: i32) -> (i32, i32, i32) {
    %c0_i32 = arith.constant 0 : i32
    %c0_i32_0 = arith.constant 0 : i32
    return %arg0, %arg1, %c0_i32 : i32, i32, i32
  }
}

module attributes {stable_mosaic.version = 14 : i64} {
  func.func @body(%arg0: i32, %arg1: i32, %arg2: memref<1x2x1000x128xf32, #tpu.memory_space<vmem>>, %arg3: memref<1000x2xf32, #tpu.memory_space<vmem>>, %arg4: memref<1x1000x128xf32, #tpu.memory_space<vmem>>, %arg5: memref<128x128xf32, #tpu.memory_space<vmem>>, %arg6: memref<128x128xf32, #tpu.memory_space<vmem>>, %arg7: memref<1x128xf32, #tpu.memory_space<vmem>>, %arg8: memref<1x1000x128xf32, #tpu.memory_space<vmem>>, %arg9: memref<1x1000x128xf32, #tpu.memory_space<vmem>>) attributes {dimension_semantics = [#tpu.dimension_semantics<arbitrary>, #tpu.dimension_semantics<arbitrary>], iteration_bounds = array<i64: 2, 10>, scalar_prefetch = 0 : i64, scratch_operands = 0 : i64, tpu.core_type = #tpu.core_type<tc>, window_params = [{transform_indices = @transform_0, window_bounds = array<i64: 1, 2, 1000, 128>}, {transform_indices = @transform_1, window_bounds = array<i64: 1000, 2>}, {transform_indices = @transform_2, window_bounds = array<i64: 1, 1000, 128>}, {pipeline_mode = #tpu.pipeline_mode<synchronous>, transform_indices = @transform_3, window_bounds = array<i64: 128, 128>}, {pipeline_mode = #tpu.pipeline_mode<synchronous>, transform_indices = @transform_4, window_bounds = array<i64: 128, 128>}, {pipeline_mode = #tpu.pipeline_mode<synchronous>, transform_indices = @transform_5, window_bounds = array<i64: 1, 128>}, {transform_indices = @transform_6, window_bounds = array<i64: 1, 1000, 128>}, {transform_indices = @transform_7, window_bounds = array<i64: 1, 1000, 128>}]} {
    %get3A = arith.constant 0 : index
    %get3A_0 = arith.constant 0 : index
    %get3A_1 = arith.constant 0 : index
    %get3A_2 = arith.constant 0 : index
    %get3A_3 = vector.load %arg2[%get3A, %get3A_0, %get3A_1, %get3A_2] : memref<1x2x1000x128xf32, #tpu.memory_space<vmem>>, vector<1x1x1000x128xf32>
    %get3A_4 = vector.shape_cast %get3A_3 : vector<1x1x1000x128xf32> to vector<1000x128xf32>
    %get3A_5 = arith.constant 0 : index
    %get3A_6 = arith.constant 1 : index
    %get3A_7 = arith.constant 0 : index
    %get3A_8 = arith.constant 0 : index
    %get3A_9 = vector.load %arg2[%get3A_5, %get3A_6, %get3A_7, %get3A_8] : memref<1x2x1000x128xf32, #tpu.memory_space<vmem>>, vector<1x1x1000x128xf32>
    %get3A_10 = vector.shape_cast %get3A_9 : vector<1x1x1000x128xf32> to vector<1000x128xf32>
    %add3A = arith.addf %get3A_4, %get3A_10 : vector<1000x128xf32>
    %get3A_11 = arith.constant 0 : index
    %get3A_12 = arith.constant 0 : index
    %get3A_13 = vector.load %arg3[%get3A_11, %get3A_12] : memref<1000x2xf32, #tpu.memory_space<vmem>>, vector<1000x1xf32>
    %get3A_14 = vector.shape_cast %get3A_13 : vector<1000x1xf32> to vector<1000xf32>
    %get3A_15 = arith.constant 0 : index
    %get3A_16 = arith.constant 1 : index
    %get3A_17 = vector.load %arg3[%get3A_15, %get3A_16] : memref<1000x2xf32, #tpu.memory_space<vmem>>, vector<1000x1xf32>
    %get3A_18 = vector.shape_cast %get3A_17 : vector<1000x1xf32> to vector<1000xf32>
    %add3A_19 = arith.addf %get3A_14, %get3A_18 : vector<1000xf32>
    %max3A = arith.constant 1.000000e+00 : f32
    %max3A_20 = vector.broadcast %max3A : f32 to vector<1000xf32>
    %max3A_21 = arith.maximumf %add3A_19, %max3A_20 : vector<1000xf32>
    %div3A = arith.constant 1.000000e+00 : f32
    %div3A_22 = vector.broadcast %div3A : f32 to vector<1000xf32>
    %div3A_23 = arith.divf %div3A_22, %max3A_21 : vector<1000xf32>
    %broadcast_in_dim3A = vector.shape_cast %div3A_23 : vector<1000xf32> to vector<1000x1xf32>
    %mul3A = vector.broadcast %broadcast_in_dim3A : vector<1000x1xf32> to vector<1000x128xf32>
    %mul3A_24 = arith.mulf %add3A, %mul3A : vector<1000x128xf32>
    %get3A_25 = arith.constant 0 : index
    %get3A_26 = arith.constant 0 : index
    %get3A_27 = arith.constant 0 : index
    %get3A_28 = vector.load %arg4[%get3A_25, %get3A_26, %get3A_27] : memref<1x1000x128xf32, #tpu.memory_space<vmem>>, vector<1x1000x128xf32>
    %get3A_29 = vector.shape_cast %get3A_28 : vector<1x1000x128xf32> to vector<1000x128xf32>
    %add3A_30 = arith.addf %mul3A_24, %get3A_29 : vector<1000x128xf32>
    %max3A_31 = arith.constant 0.000000e+00 : f32
    %max3A_32 = vector.broadcast %max3A_31 : f32 to vector<1000x128xf32>
    %max3A_33 = arith.maximumf %add3A_30, %max3A_32 : vector<1000x128xf32>
    %get3A_34 = arith.constant 0 : index
    %get3A_35 = arith.constant 0 : index
    %get3A_36 = vector.load %arg5[%get3A_34, %get3A_35] : memref<128x128xf32, #tpu.memory_space<vmem>>, vector<128x128xf32>
    %dot_general3A = arith.constant dense<0.000000e+00> : vector<1000x128xf32>
    %dot_general3A_37 = tpu.matmul %max3A_33, %get3A_36, %dot_general3A {dimension_numbers = #tpu.dot_dimension_numbers<[1], [0], [0], [1], [0, 0, 1, 1], [], []>, transpose_lhs_hint = false} : vector<1000x128xf32>, vector<128x128xf32>, vector<1000x128xf32> -> vector<1000x128xf32>
    %swap3A = arith.constant 0 : index
    %swap3A_38 = arith.constant 0 : index
    %swap3A_39 = arith.constant 0 : index
    %swap3A_40 = vector.load %arg8[%swap3A, %swap3A_38, %swap3A_39] : memref<1x1000x128xf32, #tpu.memory_space<vmem>>, vector<1x1000x128xf32>
    %swap3A_41 = vector.shape_cast %swap3A_40 : vector<1x1000x128xf32> to vector<1000x128xf32>
    %swap3A_42 = vector.shape_cast %dot_general3A_37 : vector<1000x128xf32> to vector<1x1000x128xf32>
    tpu.vector_store %arg8[%swap3A, %swap3A_38, %swap3A_39], %swap3A_42 {strides = array<i32>} : memref<1x1000x128xf32, #tpu.memory_space<vmem>>, vector<1x1000x128xf32>,
    %get3A_43 = arith.constant 0 : index
    %get3A_44 = arith.constant 0 : index
    %get3A_45 = vector.load %arg6[%get3A_43, %get3A_44] : memref<128x128xf32, #tpu.memory_space<vmem>>, vector<128x128xf32>
    %dot_general3A_46 = arith.constant dense<0.000000e+00> : vector<1000x128xf32>
    %dot_general3A_47 = tpu.matmul %max3A_33, %get3A_45, %dot_general3A_46 {dimension_numbers = #tpu.dot_dimension_numbers<[1], [0], [0], [1], [0, 0, 1, 1], [], []>, transpose_lhs_hint = false} : vector<1000x128xf32>, vector<128x128xf32>, vector<1000x128xf32> -> vector<1000x128xf32>
    %get3A_48 = arith.constant 0 : index
    %get3A_49 = arith.constant 0 : index
    %get3A_50 = vector.load %arg7[%get3A_48, %get3A_49] : memref<1x128xf32, #tpu.memory_space<vmem>>, vector<1x128xf32>
    %add3A_51 = vector.broadcast %get3A_50 : vector<1x128xf32> to vector<1000x128xf32>
    %add3A_52 = arith.addf %dot_general3A_47, %add3A_51 : vector<1000x128xf32>
    %swap3A_53 = arith.constant 0 : index
    %swap3A_54 = arith.constant 0 : index
    %swap3A_55 = arith.constant 0 : index
    %swap3A_56 = vector.load %arg9[%swap3A_53, %swap3A_54, %swap3A_55] : memref<1x1000x128xf32, #tpu.memory_space<vmem>>, vector<1x1000x128xf32>
    %swap3A_57 = vector.shape_cast %swap3A_56 : vector<1x1000x128xf32> to vector<1000x128xf32>
    %swap3A_58 = vector.shape_cast %add3A_52 : vector<1000x128xf32> to vector<1x1000x128xf32>
    tpu.vector_store %arg9[%swap3A_53, %swap3A_54, %swap3A_55], %swap3A_58 {strides = array<i32>} : memref<1x1000x128xf32, #tpu.memory_space<vmem>>, vector<1x1000x128xf32>,
    return
  }
  func.func @transform_0(%arg0: i32, %arg1: i32) -> (i32, i32, i32, i32) {
    %c0_i32 = arith.constant 0 : i32
    %c0_i32_0 = arith.constant 0 : i32
    %c0_i32_1 = arith.constant 0 : i32
    return %arg0, %c0_i32, %arg1, %c0_i32_0 : i32, i32, i32, i32
  }
  func.func @transform_1(%arg0: i32, %arg1: i32) -> (i32, i32) {
    %c0_i32 = arith.constant 0 : i32
    %c0_i32_0 = arith.constant 0 : i32
    return %arg1, %c0_i32 : i32, i32
  }
  func.func @transform_2(%arg0: i32, %arg1: i32) -> (i32, i32, i32) {
    %c0_i32 = arith.constant 0 : i32
    %c0_i32_0 = arith.constant 0 : i32
    return %arg0, %arg1, %c0_i32 : i32, i32, i32
  }
  func.func @transform_3(%arg0: i32, %arg1: i32) -> (i32, i32) {
    %c0_i32 = arith.constant 0 : i32
    %c0_i32_0 = arith.constant 0 : i32
    %c0_i32_1 = arith.constant 0 : i32
    return %c0_i32, %c0_i32_0 : i32, i32
  }
  func.func @transform_4(%arg0: i32, %arg1: i32) -> (i32, i32) {
    %c0_i32 = arith.constant 0 : i32
    %c0_i32_0 = arith.constant 0 : i32
    %c0_i32_1 = arith.constant 0 : i32
    return %c0_i32, %c0_i32_0 : i32, i32
  }
  func.func @transform_5(%arg0: i32, %arg1: i32) -> (i32, i32) {
    %c0_i32 = arith.constant 0 : i32
    %c0_i32_0 = arith.constant 0 : i32
    %c0_i32_1 = arith.constant 0 : i32
    return %c0_i32, %c0_i32_0 : i32, i32
  }
  func.func @transform_6(%arg0: i32, %arg1: i32) -> (i32, i32, i32) {
    %c0_i32 = arith.constant 0 : i32
    %c0_i32_0 = arith.constant 0 : i32
    return %arg0, %arg1, %c0_i32 : i32, i32, i32
  }
  func.func @transform_7(%arg0: i32, %arg1: i32) -> (i32, i32, i32) {
    %c0_i32 = arith.constant 0 : i32
    %c0_i32_0 = arith.constant 0 : i32
    return %arg0, %arg1, %c0_i32 : i32, i32, i32
  }
}

module attributes {stable_mosaic.version = 14 : i64} {
  func.func @body(%arg0: i32, %arg1: memref<2x1000x64xf32, #tpu.memory_space<vmem>>, %arg2: memref<1000x2xf32, #tpu.memory_space<vmem>>, %arg3: memref<1000x64xf32, #tpu.memory_space<vmem>>, %arg4: memref<64x64xf32, #tpu.memory_space<vmem>>, %arg5: memref<64x64xf32, #tpu.memory_space<vmem>>, %arg6: memref<1x64xf32, #tpu.memory_space<vmem>>, %arg7: memref<1000x64xf32, #tpu.memory_space<vmem>>, %arg8: memref<1000x64xf32, #tpu.memory_space<vmem>>) attributes {dimension_semantics = [#tpu.dimension_semantics<arbitrary>], iteration_bounds = array<i64: 10>, scalar_prefetch = 0 : i64, scratch_operands = 0 : i64, tpu.core_type = #tpu.core_type<tc>, window_params = [{transform_indices = @transform_0, window_bounds = array<i64: 2, 1000, 64>}, {transform_indices = @transform_1, window_bounds = array<i64: 1000, 2>}, {transform_indices = @transform_2, window_bounds = array<i64: 1000, 64>}, {pipeline_mode = #tpu.pipeline_mode<synchronous>, transform_indices = @transform_3, window_bounds = array<i64: 64, 64>}, {pipeline_mode = #tpu.pipeline_mode<synchronous>, transform_indices = @transform_4, window_bounds = array<i64: 64, 64>}, {pipeline_mode = #tpu.pipeline_mode<synchronous>, transform_indices = @transform_5, window_bounds = array<i64: 1, 64>}, {transform_indices = @transform_6, window_bounds = array<i64: 1000, 64>}, {transform_indices = @transform_7, window_bounds = array<i64: 1000, 64>}]} {
    %get3A = arith.constant 0 : index
    %get3A_0 = arith.constant 0 : index
    %get3A_1 = arith.constant 0 : index
    %get3A_2 = vector.load %arg1[%get3A, %get3A_0, %get3A_1] : memref<2x1000x64xf32, #tpu.memory_space<vmem>>, vector<1x1000x64xf32>
    %get3A_3 = vector.shape_cast %get3A_2 : vector<1x1000x64xf32> to vector<1000x64xf32>
    %get3A_4 = arith.constant 1 : index
    %get3A_5 = arith.constant 0 : index
    %get3A_6 = arith.constant 0 : index
    %get3A_7 = vector.load %arg1[%get3A_4, %get3A_5, %get3A_6] : memref<2x1000x64xf32, #tpu.memory_space<vmem>>, vector<1x1000x64xf32>
    %get3A_8 = vector.shape_cast %get3A_7 : vector<1x1000x64xf32> to vector<1000x64xf32>
    %add3A = arith.addf %get3A_3, %get3A_8 : vector<1000x64xf32>
    %get3A_9 = arith.constant 0 : index
    %get3A_10 = arith.constant 0 : index
    %get3A_11 = vector.load %arg2[%get3A_9, %get3A_10] : memref<1000x2xf32, #tpu.memory_space<vmem>>, vector<1000x1xf32>
    %get3A_12 = vector.shape_cast %get3A_11 : vector<1000x1xf32> to vector<1000xf32>
    %get3A_13 = arith.constant 0 : index
    %get3A_14 = arith.constant 1 : index
    %get3A_15 = vector.load %arg2[%get3A_13, %get3A_14] : memref<1000x2xf32, #tpu.memory_space<vmem>>, vector<1000x1xf32>
    %get3A_16 = vector.shape_cast %get3A_15 : vector<1000x1xf32> to vector<1000xf32>
    %add3A_17 = arith.addf %get3A_12, %get3A_16 : vector<1000xf32>
    %max3A = arith.constant 1.000000e+00 : f32
    %max3A_18 = vector.broadcast %max3A : f32 to vector<1000xf32>
    %max3A_19 = arith.maximumf %add3A_17, %max3A_18 : vector<1000xf32>
    %div3A = arith.constant 1.000000e+00 : f32
    %div3A_20 = vector.broadcast %div3A : f32 to vector<1000xf32>
    %div3A_21 = arith.divf %div3A_20, %max3A_19 : vector<1000xf32>
    %broadcast_in_dim3A = vector.shape_cast %div3A_21 : vector<1000xf32> to vector<1000x1xf32>
    %mul3A = vector.broadcast %broadcast_in_dim3A : vector<1000x1xf32> to vector<1000x64xf32>
    %mul3A_22 = arith.mulf %add3A, %mul3A : vector<1000x64xf32>
    %get3A_23 = arith.constant 0 : index
    %get3A_24 = arith.constant 0 : index
    %get3A_25 = vector.load %arg3[%get3A_23, %get3A_24] : memref<1000x64xf32, #tpu.memory_space<vmem>>, vector<1000x64xf32>
    %add3A_26 = arith.addf %mul3A_22, %get3A_25 : vector<1000x64xf32>
    %max3A_27 = arith.constant 0.000000e+00 : f32
    %max3A_28 = vector.broadcast %max3A_27 : f32 to vector<1000x64xf32>
    %max3A_29 = arith.maximumf %add3A_26, %max3A_28 : vector<1000x64xf32>
    %get3A_30 = arith.constant 0 : index
    %get3A_31 = arith.constant 0 : index
    %get3A_32 = vector.load %arg4[%get3A_30, %get3A_31] : memref<64x64xf32, #tpu.memory_space<vmem>>, vector<64x64xf32>
    %dot_general3A = arith.constant dense<0.000000e+00> : vector<1000x64xf32>
    %dot_general3A_33 = tpu.matmul %max3A_29, %get3A_32, %dot_general3A {dimension_numbers = #tpu.dot_dimension_numbers<[1], [0], [0], [1], [0, 0, 1, 1], [], []>, transpose_lhs_hint = false} : vector<1000x64xf32>, vector<64x64xf32>, vector<1000x64xf32> -> vector<1000x64xf32>
    %swap3A = arith.constant 0 : index
    %swap3A_34 = arith.constant 0 : index
    %swap3A_35 = vector.load %arg7[%swap3A, %swap3A_34] : memref<1000x64xf32, #tpu.memory_space<vmem>>, vector<1000x64xf32>
    tpu.vector_store %arg7[%swap3A, %swap3A_34], %dot_general3A_33 {strides = array<i32>} : memref<1000x64xf32, #tpu.memory_space<vmem>>, vector<1000x64xf32>,
    %get3A_36 = arith.constant 0 : index
    %get3A_37 = arith.constant 0 : index
    %get3A_38 = vector.load %arg5[%get3A_36, %get3A_37] : memref<64x64xf32, #tpu.memory_space<vmem>>, vector<64x64xf32>
    %dot_general3A_39 = arith.constant dense<0.000000e+00> : vector<1000x64xf32>
    %dot_general3A_40 = tpu.matmul %max3A_29, %get3A_38, %dot_general3A_39 {dimension_numbers = #tpu.dot_dimension_numbers<[1], [0], [0], [1], [0, 0, 1, 1], [], []>, transpose_lhs_hint = false} : vector<1000x64xf32>, vector<64x64xf32>, vector<1000x64xf32> -> vector<1000x64xf32>
    %get3A_41 = arith.constant 0 : index
    %get3A_42 = arith.constant 0 : index
    %get3A_43 = vector.load %arg6[%get3A_41, %get3A_42] : memref<1x64xf32, #tpu.memory_space<vmem>>, vector<1x64xf32>
    %add3A_44 = vector.broadcast %get3A_43 : vector<1x64xf32> to vector<1000x64xf32>
    %add3A_45 = arith.addf %dot_general3A_40, %add3A_44 : vector<1000x64xf32>
    %swap3A_46 = arith.constant 0 : index
    %swap3A_47 = arith.constant 0 : index
    %swap3A_48 = vector.load %arg8[%swap3A_46, %swap3A_47] : memref<1000x64xf32, #tpu.memory_space<vmem>>, vector<1000x64xf32>
    tpu.vector_store %arg8[%swap3A_46, %swap3A_47], %add3A_45 {strides = array<i32>} : memref<1000x64xf32, #tpu.memory_space<vmem>>, vector<1000x64xf32>,
    return
  }
  func.func @transform_0(%arg0: i32) -> (i32, i32, i32) {
    %c0_i32 = arith.constant 0 : i32
    %c0_i32_0 = arith.constant 0 : i32
    %c0_i32_1 = arith.constant 0 : i32
    return %c0_i32, %arg0, %c0_i32_0 : i32, i32, i32
  }
  func.func @transform_1(%arg0: i32) -> (i32, i32) {
    %c0_i32 = arith.constant 0 : i32
    %c0_i32_0 = arith.constant 0 : i32
    return %arg0, %c0_i32 : i32, i32
  }
  func.func @transform_2(%arg0: i32) -> (i32, i32) {
    %c0_i32 = arith.constant 0 : i32
    %c0_i32_0 = arith.constant 0 : i32
    return %arg0, %c0_i32 : i32, i32
  }
  func.func @transform_3(%arg0: i32) -> (i32, i32) {
    %c0_i32 = arith.constant 0 : i32
    %c0_i32_0 = arith.constant 0 : i32
    %c0_i32_1 = arith.constant 0 : i32
    return %c0_i32, %c0_i32_0 : i32, i32
  }
  func.func @transform_4(%arg0: i32) -> (i32, i32) {
    %c0_i32 = arith.constant 0 : i32
    %c0_i32_0 = arith.constant 0 : i32
    %c0_i32_1 = arith.constant 0 : i32
    return %c0_i32, %c0_i32_0 : i32, i32
  }
  func.func @transform_5(%arg0: i32) -> (i32, i32) {
    %c0_i32 = arith.constant 0 : i32
    %c0_i32_0 = arith.constant 0 : i32
    %c0_i32_1 = arith.constant 0 : i32
    return %c0_i32, %c0_i32_0 : i32, i32
  }
  func.func @transform_6(%arg0: i32) -> (i32, i32) {
    %c0_i32 = arith.constant 0 : i32
    %c0_i32_0 = arith.constant 0 : i32
    return %arg0, %c0_i32 : i32, i32
  }
  func.func @transform_7(%arg0: i32) -> (i32, i32) {
    %c0_i32 = arith.constant 0 : i32
    %c0_i32_0 = arith.constant 0 : i32
    return %arg0, %c0_i32 : i32, i32
  }
}

module attributes {stable_mosaic.version = 14 : i64} {
  func.func @body(%arg0: i32, %arg1: i32, %arg2: memref<1x2x1000x128xf32, #tpu.memory_space<vmem>>, %arg3: memref<1000x2xf32, #tpu.memory_space<vmem>>, %arg4: memref<1x1000x128xf32, #tpu.memory_space<vmem>>, %arg5: memref<1000x64xf32, #tpu.memory_space<vmem>>, %arg6: memref<1x1x8x128xf32, #tpu.memory_space<vmem>>) attributes {dimension_semantics = [#tpu.dimension_semantics<arbitrary>, #tpu.dimension_semantics<arbitrary>], iteration_bounds = array<i64: 10, 3>, scalar_prefetch = 0 : i64, scratch_operands = 0 : i64, tpu.core_type = #tpu.core_type<tc>, window_params = [{transform_indices = @transform_0, window_bounds = array<i64: 1, 2, 1000, 128>}, {transform_indices = @transform_1, window_bounds = array<i64: 1000, 2>}, {transform_indices = @transform_2, window_bounds = array<i64: 1, 1000, 128>}, {transform_indices = @transform_3, window_bounds = array<i64: 1000, 64>}, {transform_indices = @transform_4, window_bounds = array<i64: 1, 1, 8, 128>}]} {
    %get3A = arith.constant 0 : index
    %get3A_0 = arith.constant 0 : index
    %get3A_1 = vector.load %arg3[%get3A, %get3A_0] : memref<1000x2xf32, #tpu.memory_space<vmem>>, vector<1000x1xf32>
    %get3A_2 = vector.shape_cast %get3A_1 : vector<1000x1xf32> to vector<1000xf32>
    %get3A_3 = arith.constant 0 : index
    %get3A_4 = arith.constant 1 : index
    %get3A_5 = vector.load %arg3[%get3A_3, %get3A_4] : memref<1000x2xf32, #tpu.memory_space<vmem>>, vector<1000x1xf32>
    %get3A_6 = vector.shape_cast %get3A_5 : vector<1000x1xf32> to vector<1000xf32>
    %add3A = arith.addf %get3A_2, %get3A_6 : vector<1000xf32>
    %max3A = arith.constant 1.000000e+00 : f32
    %max3A_7 = vector.broadcast %max3A : f32 to vector<1000xf32>
    %max3A_8 = arith.maximumf %add3A, %max3A_7 : vector<1000xf32>
    %div3A = arith.constant 1.000000e+00 : f32
    %div3A_9 = vector.broadcast %div3A : f32 to vector<1000xf32>
    %div3A_10 = arith.divf %div3A_9, %max3A_8 : vector<1000xf32>
    %get3A_11 = arith.constant 0 : index
    %get3A_12 = arith.constant 0 : index
    %get3A_13 = arith.constant 0 : index
    %get3A_14 = arith.constant 0 : index
    %get3A_15 = vector.load %arg2[%get3A_11, %get3A_12, %get3A_13, %get3A_14] : memref<1x2x1000x128xf32, #tpu.memory_space<vmem>>, vector<1x1x1000x128xf32>
    %get3A_16 = vector.shape_cast %get3A_15 : vector<1x1x1000x128xf32> to vector<1000x128xf32>
    %get3A_17 = arith.constant 0 : index
    %get3A_18 = arith.constant 1 : index
    %get3A_19 = arith.constant 0 : index
    %get3A_20 = arith.constant 0 : index
    %get3A_21 = vector.load %arg2[%get3A_17, %get3A_18, %get3A_19, %get3A_20] : memref<1x2x1000x128xf32, #tpu.memory_space<vmem>>, vector<1x1x1000x128xf32>
    %get3A_22 = vector.shape_cast %get3A_21 : vector<1x1x1000x128xf32> to vector<1000x128xf32>
    %add3A_23 = arith.addf %get3A_16, %get3A_22 : vector<1000x128xf32>
    %broadcast_in_dim3A = vector.shape_cast %div3A_10 : vector<1000xf32> to vector<1000x1xf32>
    %mul3A = vector.broadcast %broadcast_in_dim3A : vector<1000x1xf32> to vector<1000x128xf32>
    %mul3A_24 = arith.mulf %add3A_23, %mul3A : vector<1000x128xf32>
    %get3A_25 = arith.constant 0 : index
    %get3A_26 = arith.constant 0 : index
    %get3A_27 = arith.constant 0 : index
    %get3A_28 = vector.load %arg4[%get3A_25, %get3A_26, %get3A_27] : memref<1x1000x128xf32, #tpu.memory_space<vmem>>, vector<1x1000x128xf32>
    %get3A_29 = vector.shape_cast %get3A_28 : vector<1x1000x128xf32> to vector<1000x128xf32>
    %add3A_30 = arith.addf %mul3A_24, %get3A_29 : vector<1000x128xf32>
    %slice3A = vector.extract_strided_slice %add3A_30 {offsets = [0, 0], sizes = [1000, 64], strides = [1, 1]} : vector<1000x128xf32> to vector<1000x64xf32>
    %swap3A = arith.constant 0 : index
    %swap3A_31 = arith.constant 0 : index
    %swap3A_32 = vector.load %arg5[%swap3A, %swap3A_31] : memref<1000x64xf32, #tpu.memory_space<vmem>>, vector<1000x64xf32>
    tpu.vector_store %arg5[%swap3A, %swap3A_31], %slice3A {strides = array<i32>} : memref<1000x64xf32, #tpu.memory_space<vmem>>, vector<1000x64xf32>,
    %reduce_sum3A = arith.constant dense<0.000000e+00> : vector<128xf32>
    %reduce_sum3A_33 = vector.multi_reduction <add>, %add3A_30, %reduce_sum3A [0] : vector<1000x128xf32> to vector<128xf32>
    %broadcast_in_dim3A_34 = vector.shape_cast %reduce_sum3A_33 : vector<128xf32> to vector<1x128xf32>
    %broadcast_in_dim3A_35 = vector.shape_cast %broadcast_in_dim3A_34 : vector<1x128xf32> to vector<1x128xf32>
    %broadcast_in_dim3A_36 = vector.broadcast %broadcast_in_dim3A_35 : vector<1x128xf32> to vector<8x128xf32>
    %swap3A_37 = arith.constant 0 : index
    %swap3A_38 = arith.constant 0 : index
    %swap3A_39 = arith.constant 0 : index
    %swap3A_40 = arith.constant 0 : index
    %swap3A_41 = vector.load %arg6[%swap3A_37, %swap3A_38, %swap3A_39, %swap3A_40] : memref<1x1x8x128xf32, #tpu.memory_space<vmem>>, vector<1x1x8x128xf32>
    %swap3A_42 = vector.shape_cast %swap3A_41 : vector<1x1x8x128xf32> to vector<8x128xf32>
    %swap3A_43 = vector.shape_cast %broadcast_in_dim3A_36 : vector<8x128xf32> to vector<1x1x8x128xf32>
    tpu.vector_store %arg6[%swap3A_37, %swap3A_38, %swap3A_39, %swap3A_40], %swap3A_43 {strides = array<i32>} : memref<1x1x8x128xf32, #tpu.memory_space<vmem>>, vector<1x1x8x128xf32>,
    return
  }
  func.func @transform_0(%arg0: i32, %arg1: i32) -> (i32, i32, i32, i32) {
    %c0_i32 = arith.constant 0 : i32
    %c0_i32_0 = arith.constant 0 : i32
    %c0_i32_1 = arith.constant 0 : i32
    return %arg1, %c0_i32, %arg0, %c0_i32_0 : i32, i32, i32, i32
  }
  func.func @transform_1(%arg0: i32, %arg1: i32) -> (i32, i32) {
    %c0_i32 = arith.constant 0 : i32
    %c0_i32_0 = arith.constant 0 : i32
    return %arg0, %c0_i32 : i32, i32
  }
  func.func @transform_2(%arg0: i32, %arg1: i32) -> (i32, i32, i32) {
    %c0_i32 = arith.constant 0 : i32
    %c0_i32_0 = arith.constant 0 : i32
    return %arg1, %arg0, %c0_i32 : i32, i32, i32
  }
  func.func @transform_3(%arg0: i32, %arg1: i32) -> (i32, i32) {
    %c0_i32 = arith.constant 0 : i32
    %c0_i32_0 = arith.constant 0 : i32
    return %arg0, %c0_i32 : i32, i32
  }
  func.func @transform_4(%arg0: i32, %arg1: i32) -> (i32, i32, i32, i32) {
    %c0_i32 = arith.constant 0 : i32
    %c0_i32_0 = arith.constant 0 : i32
    %c0_i32_1 = arith.constant 0 : i32
    return %arg1, %arg0, %c0_i32, %c0_i32_0 : i32, i32, i32, i32
  }
}

module attributes {stable_mosaic.version = 14 : i64} {
  func.func @body(%arg0: memref<240x128xf32, #tpu.memory_space<vmem>>, %arg1: memref<64x96xf32, #tpu.memory_space<vmem>>, %arg2: memref<32x96xf32, #tpu.memory_space<vmem>>, %arg3: memref<1x96xf32, #tpu.memory_space<vmem>>, %arg4: memref<1x96xf32, #tpu.memory_space<vmem>>, %arg5: memref<64x96xf32, #tpu.memory_space<vmem>>, %arg6: memref<32x96xf32, #tpu.memory_space<vmem>>, %arg7: memref<1x96xf32, #tpu.memory_space<vmem>>, %arg8: memref<1x96xf32, #tpu.memory_space<vmem>>, %arg9: memref<64x32xf32, #tpu.memory_space<vmem>>, %arg10: memref<1x32xf32, #tpu.memory_space<vmem>>, %arg11: memref<1x32xf32, #tpu.memory_space<vmem>>, %arg12: memref<1x1xf32, #tpu.memory_space<vmem>>, %arg13: memref<64x64xf32, #tpu.memory_space<vmem>>, %arg14: memref<1x64xf32, #tpu.memory_space<vmem>>, %arg15: memref<64x128xf32, #tpu.memory_space<vmem>>, %arg16: memref<1x128xf32, #tpu.memory_space<vmem>>, %arg17: memref<64x64xf32, #tpu.memory_space<vmem>>, %arg18: memref<1x64xf32, #tpu.memory_space<vmem>>, %arg19: memref<1x128xf32, #tpu.memory_space<vmem>>, %arg20: memref<5x128xf32, #tpu.memory_space<vmem>>, %arg21: memref<1x64xf32, #tpu.memory_space<vmem>>) attributes {dimension_semantics = [], scalar_prefetch = 0 : i64, scratch_operands = 0 : i64, tpu.core_type = #tpu.core_type<tc>} {
    %get3A = arith.constant 0 : index
    %get3A_0 = arith.constant 0 : index
    %get3A_1 = vector.load %arg0[%get3A, %get3A_0] : memref<240x128xf32, #tpu.memory_space<vmem>>, vector<1x64xf32>
    %get3A_2 = arith.constant 8 : index
    %get3A_3 = arith.constant 0 : index
    %get3A_4 = vector.load %arg0[%get3A_2, %get3A_3] : memref<240x128xf32, #tpu.memory_space<vmem>>, vector<1x64xf32>
    %add3A = arith.addf %get3A_1, %get3A_4 : vector<1x64xf32>
    %get3A_5 = arith.constant 16 : index
    %get3A_6 = arith.constant 0 : index
    %get3A_7 = vector.load %arg0[%get3A_5, %get3A_6] : memref<240x128xf32, #tpu.memory_space<vmem>>, vector<1x64xf32>
    %add3A_8 = arith.addf %add3A, %get3A_7 : vector<1x64xf32>
    %get3A_9 = arith.constant 24 : index
    %get3A_10 = arith.constant 0 : index
    %get3A_11 = vector.load %arg0[%get3A_9, %get3A_10] : memref<240x128xf32, #tpu.memory_space<vmem>>, vector<1x64xf32>
    %add3A_12 = arith.addf %add3A_8, %get3A_11 : vector<1x64xf32>
    %get3A_13 = arith.constant 32 : index
    %get3A_14 = arith.constant 0 : index
    %get3A_15 = vector.load %arg0[%get3A_13, %get3A_14] : memref<240x128xf32, #tpu.memory_space<vmem>>, vector<1x64xf32>
    %add3A_16 = arith.addf %add3A_12, %get3A_15 : vector<1x64xf32>
    %get3A_17 = arith.constant 40 : index
    %get3A_18 = arith.constant 0 : index
    %get3A_19 = vector.load %arg0[%get3A_17, %get3A_18] : memref<240x128xf32, #tpu.memory_space<vmem>>, vector<1x64xf32>
    %add3A_20 = arith.addf %add3A_16, %get3A_19 : vector<1x64xf32>
    %get3A_21 = arith.constant 48 : index
    %get3A_22 = arith.constant 0 : index
    %get3A_23 = vector.load %arg0[%get3A_21, %get3A_22] : memref<240x128xf32, #tpu.memory_space<vmem>>, vector<1x64xf32>
    %add3A_24 = arith.addf %add3A_20, %get3A_23 : vector<1x64xf32>
    %get3A_25 = arith.constant 56 : index
    %get3A_26 = arith.constant 0 : index
    %get3A_27 = vector.load %arg0[%get3A_25, %get3A_26] : memref<240x128xf32, #tpu.memory_space<vmem>>, vector<1x64xf32>
    %add3A_28 = arith.addf %add3A_24, %get3A_27 : vector<1x64xf32>
    %get3A_29 = arith.constant 64 : index
    %get3A_30 = arith.constant 0 : index
    %get3A_31 = vector.load %arg0[%get3A_29, %get3A_30] : memref<240x128xf32, #tpu.memory_space<vmem>>, vector<1x64xf32>
    %add3A_32 = arith.addf %add3A_28, %get3A_31 : vector<1x64xf32>
    %get3A_33 = arith.constant 72 : index
    %get3A_34 = arith.constant 0 : index
    %get3A_35 = vector.load %arg0[%get3A_33, %get3A_34] : memref<240x128xf32, #tpu.memory_space<vmem>>, vector<1x64xf32>
    %add3A_36 = arith.addf %add3A_32, %get3A_35 : vector<1x64xf32>
    %mul3A = arith.constant 9.99999974E-5 : f32
    %mul3A_37 = vector.broadcast %mul3A : f32 to vector<1x64xf32>
    %mul3A_38 = arith.mulf %add3A_36, %mul3A_37 : vector<1x64xf32>
    %get3A_39 = arith.constant 0 : index
    %get3A_40 = arith.constant 64 : index
    %get3A_41 = vector.load %arg0[%get3A_39, %get3A_40] : memref<240x128xf32, #tpu.memory_space<vmem>>, vector<1x64xf32>
    %get3A_42 = arith.constant 8 : index
    %get3A_43 = arith.constant 64 : index
    %get3A_44 = vector.load %arg0[%get3A_42, %get3A_43] : memref<240x128xf32, #tpu.memory_space<vmem>>, vector<1x64xf32>
    %add3A_45 = arith.addf %get3A_41, %get3A_44 : vector<1x64xf32>
    %get3A_46 = arith.constant 16 : index
    %get3A_47 = arith.constant 64 : index
    %get3A_48 = vector.load %arg0[%get3A_46, %get3A_47] : memref<240x128xf32, #tpu.memory_space<vmem>>, vector<1x64xf32>
    %add3A_49 = arith.addf %add3A_45, %get3A_48 : vector<1x64xf32>
    %get3A_50 = arith.constant 24 : index
    %get3A_51 = arith.constant 64 : index
    %get3A_52 = vector.load %arg0[%get3A_50, %get3A_51] : memref<240x128xf32, #tpu.memory_space<vmem>>, vector<1x64xf32>
    %add3A_53 = arith.addf %add3A_49, %get3A_52 : vector<1x64xf32>
    %get3A_54 = arith.constant 32 : index
    %get3A_55 = arith.constant 64 : index
    %get3A_56 = vector.load %arg0[%get3A_54, %get3A_55] : memref<240x128xf32, #tpu.memory_space<vmem>>, vector<1x64xf32>
    %add3A_57 = arith.addf %add3A_53, %get3A_56 : vector<1x64xf32>
    %get3A_58 = arith.constant 40 : index
    %get3A_59 = arith.constant 64 : index
    %get3A_60 = vector.load %arg0[%get3A_58, %get3A_59] : memref<240x128xf32, #tpu.memory_space<vmem>>, vector<1x64xf32>
    %add3A_61 = arith.addf %add3A_57, %get3A_60 : vector<1x64xf32>
    %get3A_62 = arith.constant 48 : index
    %get3A_63 = arith.constant 64 : index
    %get3A_64 = vector.load %arg0[%get3A_62, %get3A_63] : memref<240x128xf32, #tpu.memory_space<vmem>>, vector<1x64xf32>
    %add3A_65 = arith.addf %add3A_61, %get3A_64 : vector<1x64xf32>
    %get3A_66 = arith.constant 56 : index
    %get3A_67 = arith.constant 64 : index
    %get3A_68 = vector.load %arg0[%get3A_66, %get3A_67] : memref<240x128xf32, #tpu.memory_space<vmem>>, vector<1x64xf32>
    %add3A_69 = arith.addf %add3A_65, %get3A_68 : vector<1x64xf32>
    %get3A_70 = arith.constant 64 : index
    %get3A_71 = arith.constant 64 : index
    %get3A_72 = vector.load %arg0[%get3A_70, %get3A_71] : memref<240x128xf32, #tpu.memory_space<vmem>>, vector<1x64xf32>
    %add3A_73 = arith.addf %add3A_69, %get3A_72 : vector<1x64xf32>
    %get3A_74 = arith.constant 72 : index
    %get3A_75 = arith.constant 64 : index
    %get3A_76 = vector.load %arg0[%get3A_74, %get3A_75] : memref<240x128xf32, #tpu.memory_space<vmem>>, vector<1x64xf32>
    %add3A_77 = arith.addf %add3A_73, %get3A_76 : vector<1x64xf32>
    %mul3A_78 = arith.constant 9.99999974E-5 : f32
    %mul3A_79 = vector.broadcast %mul3A_78 : f32 to vector<1x64xf32>
    %mul3A_80 = arith.mulf %add3A_77, %mul3A_79 : vector<1x64xf32>
    %get3A_81 = arith.constant 80 : index
    %get3A_82 = arith.constant 0 : index
    %get3A_83 = vector.load %arg0[%get3A_81, %get3A_82] : memref<240x128xf32, #tpu.memory_space<vmem>>, vector<1x64xf32>
    %get3A_84 = arith.constant 88 : index
    %get3A_85 = arith.constant 0 : index
    %get3A_86 = vector.load %arg0[%get3A_84, %get3A_85] : memref<240x128xf32, #tpu.memory_space<vmem>>, vector<1x64xf32>
    %add3A_87 = arith.addf %get3A_83, %get3A_86 : vector<1x64xf32>
    %get3A_88 = arith.constant 96 : index
    %get3A_89 = arith.constant 0 : index
    %get3A_90 = vector.load %arg0[%get3A_88, %get3A_89] : memref<240x128xf32, #tpu.memory_space<vmem>>, vector<1x64xf32>
    %add3A_91 = arith.addf %add3A_87, %get3A_90 : vector<1x64xf32>
    %get3A_92 = arith.constant 104 : index
    %get3A_93 = arith.constant 0 : index
    %get3A_94 = vector.load %arg0[%get3A_92, %get3A_93] : memref<240x128xf32, #tpu.memory_space<vmem>>, vector<1x64xf32>
    %add3A_95 = arith.addf %add3A_91, %get3A_94 : vector<1x64xf32>
    %get3A_96 = arith.constant 112 : index
    %get3A_97 = arith.constant 0 : index
    %get3A_98 = vector.load %arg0[%get3A_96, %get3A_97] : memref<240x128xf32, #tpu.memory_space<vmem>>, vector<1x64xf32>
    %add3A_99 = arith.addf %add3A_95, %get3A_98 : vector<1x64xf32>
    %get3A_100 = arith.constant 120 : index
    %get3A_101 = arith.constant 0 : index
    %get3A_102 = vector.load %arg0[%get3A_100, %get3A_101] : memref<240x128xf32, #tpu.memory_space<vmem>>, vector<1x64xf32>
    %add3A_103 = arith.addf %add3A_99, %get3A_102 : vector<1x64xf32>
    %get3A_104 = arith.constant 128 : index
    %get3A_105 = arith.constant 0 : index
    %get3A_106 = vector.load %arg0[%get3A_104, %get3A_105] : memref<240x128xf32, #tpu.memory_space<vmem>>, vector<1x64xf32>
    %add3A_107 = arith.addf %add3A_103, %get3A_106 : vector<1x64xf32>
    %get3A_108 = arith.constant 136 : index
    %get3A_109 = arith.constant 0 : index
    %get3A_110 = vector.load %arg0[%get3A_108, %get3A_109] : memref<240x128xf32, #tpu.memory_space<vmem>>, vector<1x64xf32>
    %add3A_111 = arith.addf %add3A_107, %get3A_110 : vector<1x64xf32>
    %get3A_112 = arith.constant 144 : index
    %get3A_113 = arith.constant 0 : index
    %get3A_114 = vector.load %arg0[%get3A_112, %get3A_113] : memref<240x128xf32, #tpu.memory_space<vmem>>, vector<1x64xf32>
    %add3A_115 = arith.addf %add3A_111, %get3A_114 : vector<1x64xf32>
    %get3A_116 = arith.constant 152 : index
    %get3A_117 = arith.constant 0 : index
    %get3A_118 = vector.load %arg0[%get3A_116, %get3A_117] : memref<240x128xf32, #tpu.memory_space<vmem>>, vector<1x64xf32>
    %add3A_119 = arith.addf %add3A_115, %get3A_118 : vector<1x64xf32>
    %mul3A_120 = arith.constant 9.99999974E-5 : f32
    %mul3A_121 = vector.broadcast %mul3A_120 : f32 to vector<1x64xf32>
    %mul3A_122 = arith.mulf %add3A_119, %mul3A_121 : vector<1x64xf32>
    %get3A_123 = arith.constant 80 : index
    %get3A_124 = arith.constant 64 : index
    %get3A_125 = vector.load %arg0[%get3A_123, %get3A_124] : memref<240x128xf32, #tpu.memory_space<vmem>>, vector<1x64xf32>
    %get3A_126 = arith.constant 88 : index
    %get3A_127 = arith.constant 64 : index
    %get3A_128 = vector.load %arg0[%get3A_126, %get3A_127] : memref<240x128xf32, #tpu.memory_space<vmem>>, vector<1x64xf32>
    %add3A_129 = arith.addf %get3A_125, %get3A_128 : vector<1x64xf32>
    %get3A_130 = arith.constant 96 : index
    %get3A_131 = arith.constant 64 : index
    %get3A_132 = vector.load %arg0[%get3A_130, %get3A_131] : memref<240x128xf32, #tpu.memory_space<vmem>>, vector<1x64xf32>
    %add3A_133 = arith.addf %add3A_129, %get3A_132 : vector<1x64xf32>
    %get3A_134 = arith.constant 104 : index
    %get3A_135 = arith.constant 64 : index
    %get3A_136 = vector.load %arg0[%get3A_134, %get3A_135] : memref<240x128xf32, #tpu.memory_space<vmem>>, vector<1x64xf32>
    %add3A_137 = arith.addf %add3A_133, %get3A_136 : vector<1x64xf32>
    %get3A_138 = arith.constant 112 : index
    %get3A_139 = arith.constant 64 : index
    %get3A_140 = vector.load %arg0[%get3A_138, %get3A_139] : memref<240x128xf32, #tpu.memory_space<vmem>>, vector<1x64xf32>
    %add3A_141 = arith.addf %add3A_137, %get3A_140 : vector<1x64xf32>
    %get3A_142 = arith.constant 120 : index
    %get3A_143 = arith.constant 64 : index
    %get3A_144 = vector.load %arg0[%get3A_142, %get3A_143] : memref<240x128xf32, #tpu.memory_space<vmem>>, vector<1x64xf32>
    %add3A_145 = arith.addf %add3A_141, %get3A_144 : vector<1x64xf32>
    %get3A_146 = arith.constant 128 : index
    %get3A_147 = arith.constant 64 : index
    %get3A_148 = vector.load %arg0[%get3A_146, %get3A_147] : memref<240x128xf32, #tpu.memory_space<vmem>>, vector<1x64xf32>
    %add3A_149 = arith.addf %add3A_145, %get3A_148 : vector<1x64xf32>
    %get3A_150 = arith.constant 136 : index
    %get3A_151 = arith.constant 64 : index
    %get3A_152 = vector.load %arg0[%get3A_150, %get3A_151] : memref<240x128xf32, #tpu.memory_space<vmem>>, vector<1x64xf32>
    %add3A_153 = arith.addf %add3A_149, %get3A_152 : vector<1x64xf32>
    %get3A_154 = arith.constant 144 : index
    %get3A_155 = arith.constant 64 : index
    %get3A_156 = vector.load %arg0[%get3A_154, %get3A_155] : memref<240x128xf32, #tpu.memory_space<vmem>>, vector<1x64xf32>
    %add3A_157 = arith.addf %add3A_153, %get3A_156 : vector<1x64xf32>
    %get3A_158 = arith.constant 152 : index
    %get3A_159 = arith.constant 64 : index
    %get3A_160 = vector.load %arg0[%get3A_158, %get3A_159] : memref<240x128xf32, #tpu.memory_space<vmem>>, vector<1x64xf32>
    %add3A_161 = arith.addf %add3A_157, %get3A_160 : vector<1x64xf32>
    %mul3A_162 = arith.constant 9.99999974E-5 : f32
    %mul3A_163 = vector.broadcast %mul3A_162 : f32 to vector<1x64xf32>
    %mul3A_164 = arith.mulf %add3A_161, %mul3A_163 : vector<1x64xf32>
    %get3A_165 = arith.constant 160 : index
    %get3A_166 = arith.constant 0 : index
    %get3A_167 = vector.load %arg0[%get3A_165, %get3A_166] : memref<240x128xf32, #tpu.memory_space<vmem>>, vector<1x64xf32>
    %get3A_168 = arith.constant 168 : index
    %get3A_169 = arith.constant 0 : index
    %get3A_170 = vector.load %arg0[%get3A_168, %get3A_169] : memref<240x128xf32, #tpu.memory_space<vmem>>, vector<1x64xf32>
    %add3A_171 = arith.addf %get3A_167, %get3A_170 : vector<1x64xf32>
    %get3A_172 = arith.constant 176 : index
    %get3A_173 = arith.constant 0 : index
    %get3A_174 = vector.load %arg0[%get3A_172, %get3A_173] : memref<240x128xf32, #tpu.memory_space<vmem>>, vector<1x64xf32>
    %add3A_175 = arith.addf %add3A_171, %get3A_174 : vector<1x64xf32>
    %get3A_176 = arith.constant 184 : index
    %get3A_177 = arith.constant 0 : index
    %get3A_178 = vector.load %arg0[%get3A_176, %get3A_177] : memref<240x128xf32, #tpu.memory_space<vmem>>, vector<1x64xf32>
    %add3A_179 = arith.addf %add3A_175, %get3A_178 : vector<1x64xf32>
    %get3A_180 = arith.constant 192 : index
    %get3A_181 = arith.constant 0 : index
    %get3A_182 = vector.load %arg0[%get3A_180, %get3A_181] : memref<240x128xf32, #tpu.memory_space<vmem>>, vector<1x64xf32>
    %add3A_183 = arith.addf %add3A_179, %get3A_182 : vector<1x64xf32>
    %get3A_184 = arith.constant 200 : index
    %get3A_185 = arith.constant 0 : index
    %get3A_186 = vector.load %arg0[%get3A_184, %get3A_185] : memref<240x128xf32, #tpu.memory_space<vmem>>, vector<1x64xf32>
    %add3A_187 = arith.addf %add3A_183, %get3A_186 : vector<1x64xf32>
    %get3A_188 = arith.constant 208 : index
    %get3A_189 = arith.constant 0 : index
    %get3A_190 = vector.load %arg0[%get3A_188, %get3A_189] : memref<240x128xf32, #tpu.memory_space<vmem>>, vector<1x64xf32>
    %add3A_191 = arith.addf %add3A_187, %get3A_190 : vector<1x64xf32>
    %get3A_192 = arith.constant 216 : index
    %get3A_193 = arith.constant 0 : index
    %get3A_194 = vector.load %arg0[%get3A_192, %get3A_193] : memref<240x128xf32, #tpu.memory_space<vmem>>, vector<1x64xf32>
    %add3A_195 = arith.addf %add3A_191, %get3A_194 : vector<1x64xf32>
    %get3A_196 = arith.constant 224 : index
    %get3A_197 = arith.constant 0 : index
    %get3A_198 = vector.load %arg0[%get3A_196, %get3A_197] : memref<240x128xf32, #tpu.memory_space<vmem>>, vector<1x64xf32>
    %add3A_199 = arith.addf %add3A_195, %get3A_198 : vector<1x64xf32>
    %get3A_200 = arith.constant 232 : index
    %get3A_201 = arith.constant 0 : index
    %get3A_202 = vector.load %arg0[%get3A_200, %get3A_201] : memref<240x128xf32, #tpu.memory_space<vmem>>, vector<1x64xf32>
    %add3A_203 = arith.addf %add3A_199, %get3A_202 : vector<1x64xf32>
    %mul3A_204 = arith.constant 9.99999974E-5 : f32
    %mul3A_205 = vector.broadcast %mul3A_204 : f32 to vector<1x64xf32>
    %mul3A_206 = arith.mulf %add3A_203, %mul3A_205 : vector<1x64xf32>
    %broadcast_in_dim3A = arith.constant 0.000000e+00 : f32
    %broadcast_in_dim3A_207 = vector.broadcast %broadcast_in_dim3A : f32 to vector<1x32xf32>
    %get3A_208 = arith.constant 0 : index
    %get3A_209 = arith.constant 0 : index
    %get3A_210 = vector.load %arg1[%get3A_208, %get3A_209] : memref<64x96xf32, #tpu.memory_space<vmem>>, vector<64x96xf32>
    %get3A_211 = arith.constant 0 : index
    %get3A_212 = arith.constant 0 : index
    %get3A_213 = vector.load %arg2[%get3A_211, %get3A_212] : memref<32x96xf32, #tpu.memory_space<vmem>>, vector<32x96xf32>
    %get3A_214 = arith.constant 0 : index
    %get3A_215 = arith.constant 0 : index
    %get3A_216 = vector.load %arg3[%get3A_214, %get3A_215] : memref<1x96xf32, #tpu.memory_space<vmem>>, vector<1x96xf32>
    %get3A_217 = arith.constant 0 : index
    %get3A_218 = arith.constant 0 : index
    %get3A_219 = vector.load %arg4[%get3A_217, %get3A_218] : memref<1x96xf32, #tpu.memory_space<vmem>>, vector<1x96xf32>
    %dot_general3A = arith.constant dense<0.000000e+00> : vector<1x96xf32>
    %dot_general3A_220 = tpu.matmul %mul3A_38, %get3A_210, %dot_general3A {dimension_numbers = #tpu.dot_dimension_numbers<[1], [0], [0], [1], [0, 0, 1, 1], [], []>, transpose_lhs_hint = false} : vector<1x64xf32>, vector<64x96xf32>, vector<1x96xf32> -> vector<1x96xf32>
    %add3A_221 = arith.addf %dot_general3A_220, %get3A_216 : vector<1x96xf32>
    %dot_general3A_222 = arith.constant dense<0.000000e+00> : vector<1x96xf32>
    %dot_general3A_223 = tpu.matmul %broadcast_in_dim3A_207, %get3A_213, %dot_general3A_222 {dimension_numbers = #tpu.dot_dimension_numbers<[1], [0], [0], [1], [0, 0, 1, 1], [], []>, transpose_lhs_hint = false} : vector<1x32xf32>, vector<32x96xf32>, vector<1x96xf32> -> vector<1x96xf32>
    %add3A_224 = arith.addf %dot_general3A_223, %get3A_219 : vector<1x96xf32>
    %slice3A = vector.extract_strided_slice %add3A_221 {offsets = [0, 0], sizes = [1, 32], strides = [1, 1]} : vector<1x96xf32> to vector<1x32xf32>
    %slice3A_225 = vector.extract_strided_slice %add3A_224 {offsets = [0, 0], sizes = [1, 32], strides = [1, 1]} : vector<1x96xf32> to vector<1x32xf32>
    %add3A_226 = arith.addf %slice3A, %slice3A_225 : vector<1x32xf32>
    %logistic3A = arith.negf %add3A_226 : vector<1x32xf32>
    %logistic3A_227 = math.exp %logistic3A : vector<1x32xf32>
    %logistic3A_228 = arith.constant 1.000000e+00 : f32
    %logistic3A_229 = vector.broadcast %logistic3A_228 : f32 to vector<1x32xf32>
    %logistic3A_230 = arith.addf %logistic3A_229, %logistic3A_227 : vector<1x32xf32>
    %logistic3A_231 = arith.divf %logistic3A_229, %logistic3A_230 : vector<1x32xf32>
    %slice3A_232 = vector.extract_strided_slice %add3A_221 {offsets = [0, 32], sizes = [1, 32], strides = [1, 1]} : vector<1x96xf32> to vector<1x32xf32>
    %slice3A_233 = vector.extract_strided_slice %add3A_224 {offsets = [0, 32], sizes = [1, 32], strides = [1, 1]} : vector<1x96xf32> to vector<1x32xf32>
    %add3A_234 = arith.addf %slice3A_232, %slice3A_233 : vector<1x32xf32>
    %logistic3A_235 = arith.negf %add3A_234 : vector<1x32xf32>
    %logistic3A_236 = math.exp %logistic3A_235 : vector<1x32xf32>
    %logistic3A_237 = arith.constant 1.000000e+00 : f32
    %logistic3A_238 = vector.broadcast %logistic3A_237 : f32 to vector<1x32xf32>
    %logistic3A_239 = arith.addf %logistic3A_238, %logistic3A_236 : vector<1x32xf32>
    %logistic3A_240 = arith.divf %logistic3A_238, %logistic3A_239 : vector<1x32xf32>
    %slice3A_241 = vector.extract_strided_slice %add3A_221 {offsets = [0, 64], sizes = [1, 32], strides = [1, 1]} : vector<1x96xf32> to vector<1x32xf32>
    %slice3A_242 = vector.extract_strided_slice %add3A_224 {offsets = [0, 64], sizes = [1, 32], strides = [1, 1]} : vector<1x96xf32> to vector<1x32xf32>
    %mul3A_243 = arith.mulf %logistic3A_231, %slice3A_242 : vector<1x32xf32>
    %add3A_244 = arith.addf %slice3A_241, %mul3A_243 : vector<1x32xf32>
    %tanh3A = math.tanh %add3A_244 : vector<1x32xf32>
    %sub3A = arith.constant 1.000000e+00 : f32
    %sub3A_245 = vector.broadcast %sub3A : f32 to vector<1x32xf32>
    %sub3A_246 = arith.subf %sub3A_245, %logistic3A_240 : vector<1x32xf32>
    %mul3A_247 = arith.mulf %sub3A_246, %tanh3A : vector<1x32xf32>
    %mul3A_248 = arith.mulf %logistic3A_240, %broadcast_in_dim3A_207 : vector<1x32xf32>
    %add3A_249 = arith.addf %mul3A_247, %mul3A_248 : vector<1x32xf32>
    %get3A_250 = arith.constant 0 : index
    %get3A_251 = arith.constant 0 : index
    %get3A_252 = vector.load %arg1[%get3A_250, %get3A_251] : memref<64x96xf32, #tpu.memory_space<vmem>>, vector<64x96xf32>
    %get3A_253 = arith.constant 0 : index
    %get3A_254 = arith.constant 0 : index
    %get3A_255 = vector.load %arg2[%get3A_253, %get3A_254] : memref<32x96xf32, #tpu.memory_space<vmem>>, vector<32x96xf32>
    %get3A_256 = arith.constant 0 : index
    %get3A_257 = arith.constant 0 : index
    %get3A_258 = vector.load %arg3[%get3A_256, %get3A_257] : memref<1x96xf32, #tpu.memory_space<vmem>>, vector<1x96xf32>
    %get3A_259 = arith.constant 0 : index
    %get3A_260 = arith.constant 0 : index
    %get3A_261 = vector.load %arg4[%get3A_259, %get3A_260] : memref<1x96xf32, #tpu.memory_space<vmem>>, vector<1x96xf32>
    %dot_general3A_262 = arith.constant dense<0.000000e+00> : vector<1x96xf32>
    %dot_general3A_263 = tpu.matmul %mul3A_80, %get3A_252, %dot_general3A_262 {dimension_numbers = #tpu.dot_dimension_numbers<[1], [0], [0], [1], [0, 0, 1, 1], [], []>, transpose_lhs_hint = false} : vector<1x64xf32>, vector<64x96xf32>, vector<1x96xf32> -> vector<1x96xf32>
    %add3A_264 = arith.addf %dot_general3A_263, %get3A_258 : vector<1x96xf32>
    %dot_general3A_265 = arith.constant dense<0.000000e+00> : vector<1x96xf32>
    %dot_general3A_266 = tpu.matmul %add3A_249, %get3A_255, %dot_general3A_265 {dimension_numbers = #tpu.dot_dimension_numbers<[1], [0], [0], [1], [0, 0, 1, 1], [], []>, transpose_lhs_hint = false} : vector<1x32xf32>, vector<32x96xf32>, vector<1x96xf32> -> vector<1x96xf32>
    %add3A_267 = arith.addf %dot_general3A_266, %get3A_261 : vector<1x96xf32>
    %slice3A_268 = vector.extract_strided_slice %add3A_264 {offsets = [0, 0], sizes = [1, 32], strides = [1, 1]} : vector<1x96xf32> to vector<1x32xf32>
    %slice3A_269 = vector.extract_strided_slice %add3A_267 {offsets = [0, 0], sizes = [1, 32], strides = [1, 1]} : vector<1x96xf32> to vector<1x32xf32>
    %add3A_270 = arith.addf %slice3A_268, %slice3A_269 : vector<1x32xf32>
    %logistic3A_271 = arith.negf %add3A_270 : vector<1x32xf32>
    %logistic3A_272 = math.exp %logistic3A_271 : vector<1x32xf32>
    %logistic3A_273 = arith.constant 1.000000e+00 : f32
    %logistic3A_274 = vector.broadcast %logistic3A_273 : f32 to vector<1x32xf32>
    %logistic3A_275 = arith.addf %logistic3A_274, %logistic3A_272 : vector<1x32xf32>
    %logistic3A_276 = arith.divf %logistic3A_274, %logistic3A_275 : vector<1x32xf32>
    %slice3A_277 = vector.extract_strided_slice %add3A_264 {offsets = [0, 32], sizes = [1, 32], strides = [1, 1]} : vector<1x96xf32> to vector<1x32xf32>
    %slice3A_278 = vector.extract_strided_slice %add3A_267 {offsets = [0, 32], sizes = [1, 32], strides = [1, 1]} : vector<1x96xf32> to vector<1x32xf32>
    %add3A_279 = arith.addf %slice3A_277, %slice3A_278 : vector<1x32xf32>
    %logistic3A_280 = arith.negf %add3A_279 : vector<1x32xf32>
    %logistic3A_281 = math.exp %logistic3A_280 : vector<1x32xf32>
    %logistic3A_282 = arith.constant 1.000000e+00 : f32
    %logistic3A_283 = vector.broadcast %logistic3A_282 : f32 to vector<1x32xf32>
    %logistic3A_284 = arith.addf %logistic3A_283, %logistic3A_281 : vector<1x32xf32>
    %logistic3A_285 = arith.divf %logistic3A_283, %logistic3A_284 : vector<1x32xf32>
    %slice3A_286 = vector.extract_strided_slice %add3A_264 {offsets = [0, 64], sizes = [1, 32], strides = [1, 1]} : vector<1x96xf32> to vector<1x32xf32>
    %slice3A_287 = vector.extract_strided_slice %add3A_267 {offsets = [0, 64], sizes = [1, 32], strides = [1, 1]} : vector<1x96xf32> to vector<1x32xf32>
    %mul3A_288 = arith.mulf %logistic3A_276, %slice3A_287 : vector<1x32xf32>
    %add3A_289 = arith.addf %slice3A_286, %mul3A_288 : vector<1x32xf32>
    %tanh3A_290 = math.tanh %add3A_289 : vector<1x32xf32>
    %sub3A_291 = arith.constant 1.000000e+00 : f32
    %sub3A_292 = vector.broadcast %sub3A_291 : f32 to vector<1x32xf32>
    %sub3A_293 = arith.subf %sub3A_292, %logistic3A_285 : vector<1x32xf32>
    %mul3A_294 = arith.mulf %sub3A_293, %tanh3A_290 : vector<1x32xf32>
    %mul3A_295 = arith.mulf %logistic3A_285, %add3A_249 : vector<1x32xf32>
    %add3A_296 = arith.addf %mul3A_294, %mul3A_295 : vector<1x32xf32>
    %get3A_297 = arith.constant 0 : index
    %get3A_298 = arith.constant 0 : index
    %get3A_299 = vector.load %arg1[%get3A_297, %get3A_298] : memref<64x96xf32, #tpu.memory_space<vmem>>, vector<64x96xf32>
    %get3A_300 = arith.constant 0 : index
    %get3A_301 = arith.constant 0 : index
    %get3A_302 = vector.load %arg2[%get3A_300, %get3A_301] : memref<32x96xf32, #tpu.memory_space<vmem>>, vector<32x96xf32>
    %get3A_303 = arith.constant 0 : index
    %get3A_304 = arith.constant 0 : index
    %get3A_305 = vector.load %arg3[%get3A_303, %get3A_304] : memref<1x96xf32, #tpu.memory_space<vmem>>, vector<1x96xf32>
    %get3A_306 = arith.constant 0 : index
    %get3A_307 = arith.constant 0 : index
    %get3A_308 = vector.load %arg4[%get3A_306, %get3A_307] : memref<1x96xf32, #tpu.memory_space<vmem>>, vector<1x96xf32>
    %dot_general3A_309 = arith.constant dense<0.000000e+00> : vector<1x96xf32>
    %dot_general3A_310 = tpu.matmul %mul3A_122, %get3A_299, %dot_general3A_309 {dimension_numbers = #tpu.dot_dimension_numbers<[1], [0], [0], [1], [0, 0, 1, 1], [], []>, transpose_lhs_hint = false} : vector<1x64xf32>, vector<64x96xf32>, vector<1x96xf32> -> vector<1x96xf32>
    %add3A_311 = arith.addf %dot_general3A_310, %get3A_305 : vector<1x96xf32>
    %dot_general3A_312 = arith.constant dense<0.000000e+00> : vector<1x96xf32>
    %dot_general3A_313 = tpu.matmul %add3A_296, %get3A_302, %dot_general3A_312 {dimension_numbers = #tpu.dot_dimension_numbers<[1], [0], [0], [1], [0, 0, 1, 1], [], []>, transpose_lhs_hint = false} : vector<1x32xf32>, vector<32x96xf32>, vector<1x96xf32> -> vector<1x96xf32>
    %add3A_314 = arith.addf %dot_general3A_313, %get3A_308 : vector<1x96xf32>
    %slice3A_315 = vector.extract_strided_slice %add3A_311 {offsets = [0, 0], sizes = [1, 32], strides = [1, 1]} : vector<1x96xf32> to vector<1x32xf32>
    %slice3A_316 = vector.extract_strided_slice %add3A_314 {offsets = [0, 0], sizes = [1, 32], strides = [1, 1]} : vector<1x96xf32> to vector<1x32xf32>
    %add3A_317 = arith.addf %slice3A_315, %slice3A_316 : vector<1x32xf32>
    %logistic3A_318 = arith.negf %add3A_317 : vector<1x32xf32>
    %logistic3A_319 = math.exp %logistic3A_318 : vector<1x32xf32>
    %logistic3A_320 = arith.constant 1.000000e+00 : f32
    %logistic3A_321 = vector.broadcast %logistic3A_320 : f32 to vector<1x32xf32>
    %logistic3A_322 = arith.addf %logistic3A_321, %logistic3A_319 : vector<1x32xf32>
    %logistic3A_323 = arith.divf %logistic3A_321, %logistic3A_322 : vector<1x32xf32>
    %slice3A_324 = vector.extract_strided_slice %add3A_311 {offsets = [0, 32], sizes = [1, 32], strides = [1, 1]} : vector<1x96xf32> to vector<1x32xf32>
    %slice3A_325 = vector.extract_strided_slice %add3A_314 {offsets = [0, 32], sizes = [1, 32], strides = [1, 1]} : vector<1x96xf32> to vector<1x32xf32>
    %add3A_326 = arith.addf %slice3A_324, %slice3A_325 : vector<1x32xf32>
    %logistic3A_327 = arith.negf %add3A_326 : vector<1x32xf32>
    %logistic3A_328 = math.exp %logistic3A_327 : vector<1x32xf32>
    %logistic3A_329 = arith.constant 1.000000e+00 : f32
    %logistic3A_330 = vector.broadcast %logistic3A_329 : f32 to vector<1x32xf32>
    %logistic3A_331 = arith.addf %logistic3A_330, %logistic3A_328 : vector<1x32xf32>
    %logistic3A_332 = arith.divf %logistic3A_330, %logistic3A_331 : vector<1x32xf32>
    %slice3A_333 = vector.extract_strided_slice %add3A_311 {offsets = [0, 64], sizes = [1, 32], strides = [1, 1]} : vector<1x96xf32> to vector<1x32xf32>
    %slice3A_334 = vector.extract_strided_slice %add3A_314 {offsets = [0, 64], sizes = [1, 32], strides = [1, 1]} : vector<1x96xf32> to vector<1x32xf32>
    %mul3A_335 = arith.mulf %logistic3A_323, %slice3A_334 : vector<1x32xf32>
    %add3A_336 = arith.addf %slice3A_333, %mul3A_335 : vector<1x32xf32>
    %tanh3A_337 = math.tanh %add3A_336 : vector<1x32xf32>
    %sub3A_338 = arith.constant 1.000000e+00 : f32
    %sub3A_339 = vector.broadcast %sub3A_338 : f32 to vector<1x32xf32>
    %sub3A_340 = arith.subf %sub3A_339, %logistic3A_332 : vector<1x32xf32>
    %mul3A_341 = arith.mulf %sub3A_340, %tanh3A_337 : vector<1x32xf32>
    %mul3A_342 = arith.mulf %logistic3A_332, %add3A_296 : vector<1x32xf32>
    %add3A_343 = arith.addf %mul3A_341, %mul3A_342 : vector<1x32xf32>
    %get3A_344 = arith.constant 0 : index
    %get3A_345 = arith.constant 0 : index
    %get3A_346 = vector.load %arg1[%get3A_344, %get3A_345] : memref<64x96xf32, #tpu.memory_space<vmem>>, vector<64x96xf32>
    %get3A_347 = arith.constant 0 : index
    %get3A_348 = arith.constant 0 : index
    %get3A_349 = vector.load %arg2[%get3A_347, %get3A_348] : memref<32x96xf32, #tpu.memory_space<vmem>>, vector<32x96xf32>
    %get3A_350 = arith.constant 0 : index
    %get3A_351 = arith.constant 0 : index
    %get3A_352 = vector.load %arg3[%get3A_350, %get3A_351] : memref<1x96xf32, #tpu.memory_space<vmem>>, vector<1x96xf32>
    %get3A_353 = arith.constant 0 : index
    %get3A_354 = arith.constant 0 : index
    %get3A_355 = vector.load %arg4[%get3A_353, %get3A_354] : memref<1x96xf32, #tpu.memory_space<vmem>>, vector<1x96xf32>
    %dot_general3A_356 = arith.constant dense<0.000000e+00> : vector<1x96xf32>
    %dot_general3A_357 = tpu.matmul %mul3A_164, %get3A_346, %dot_general3A_356 {dimension_numbers = #tpu.dot_dimension_numbers<[1], [0], [0], [1], [0, 0, 1, 1], [], []>, transpose_lhs_hint = false} : vector<1x64xf32>, vector<64x96xf32>, vector<1x96xf32> -> vector<1x96xf32>
    %add3A_358 = arith.addf %dot_general3A_357, %get3A_352 : vector<1x96xf32>
    %dot_general3A_359 = arith.constant dense<0.000000e+00> : vector<1x96xf32>
    %dot_general3A_360 = tpu.matmul %add3A_343, %get3A_349, %dot_general3A_359 {dimension_numbers = #tpu.dot_dimension_numbers<[1], [0], [0], [1], [0, 0, 1, 1], [], []>, transpose_lhs_hint = false} : vector<1x32xf32>, vector<32x96xf32>, vector<1x96xf32> -> vector<1x96xf32>
    %add3A_361 = arith.addf %dot_general3A_360, %get3A_355 : vector<1x96xf32>
    %slice3A_362 = vector.extract_strided_slice %add3A_358 {offsets = [0, 0], sizes = [1, 32], strides = [1, 1]} : vector<1x96xf32> to vector<1x32xf32>
    %slice3A_363 = vector.extract_strided_slice %add3A_361 {offsets = [0, 0], sizes = [1, 32], strides = [1, 1]} : vector<1x96xf32> to vector<1x32xf32>
    %add3A_364 = arith.addf %slice3A_362, %slice3A_363 : vector<1x32xf32>
    %logistic3A_365 = arith.negf %add3A_364 : vector<1x32xf32>
    %logistic3A_366 = math.exp %logistic3A_365 : vector<1x32xf32>
    %logistic3A_367 = arith.constant 1.000000e+00 : f32
    %logistic3A_368 = vector.broadcast %logistic3A_367 : f32 to vector<1x32xf32>
    %logistic3A_369 = arith.addf %logistic3A_368, %logistic3A_366 : vector<1x32xf32>
    %logistic3A_370 = arith.divf %logistic3A_368, %logistic3A_369 : vector<1x32xf32>
    %slice3A_371 = vector.extract_strided_slice %add3A_358 {offsets = [0, 32], sizes = [1, 32], strides = [1, 1]} : vector<1x96xf32> to vector<1x32xf32>
    %slice3A_372 = vector.extract_strided_slice %add3A_361 {offsets = [0, 32], sizes = [1, 32], strides = [1, 1]} : vector<1x96xf32> to vector<1x32xf32>
    %add3A_373 = arith.addf %slice3A_371, %slice3A_372 : vector<1x32xf32>
    %logistic3A_374 = arith.negf %add3A_373 : vector<1x32xf32>
    %logistic3A_375 = math.exp %logistic3A_374 : vector<1x32xf32>
    %logistic3A_376 = arith.constant 1.000000e+00 : f32
    %logistic3A_377 = vector.broadcast %logistic3A_376 : f32 to vector<1x32xf32>
    %logistic3A_378 = arith.addf %logistic3A_377, %logistic3A_375 : vector<1x32xf32>
    %logistic3A_379 = arith.divf %logistic3A_377, %logistic3A_378 : vector<1x32xf32>
    %slice3A_380 = vector.extract_strided_slice %add3A_358 {offsets = [0, 64], sizes = [1, 32], strides = [1, 1]} : vector<1x96xf32> to vector<1x32xf32>
    %slice3A_381 = vector.extract_strided_slice %add3A_361 {offsets = [0, 64], sizes = [1, 32], strides = [1, 1]} : vector<1x96xf32> to vector<1x32xf32>
    %mul3A_382 = arith.mulf %logistic3A_370, %slice3A_381 : vector<1x32xf32>
    %add3A_383 = arith.addf %slice3A_380, %mul3A_382 : vector<1x32xf32>
    %tanh3A_384 = math.tanh %add3A_383 : vector<1x32xf32>
    %sub3A_385 = arith.constant 1.000000e+00 : f32
    %sub3A_386 = vector.broadcast %sub3A_385 : f32 to vector<1x32xf32>
    %sub3A_387 = arith.subf %sub3A_386, %logistic3A_379 : vector<1x32xf32>
    %mul3A_388 = arith.mulf %sub3A_387, %tanh3A_384 : vector<1x32xf32>
    %mul3A_389 = arith.mulf %logistic3A_379, %add3A_343 : vector<1x32xf32>
    %add3A_390 = arith.addf %mul3A_388, %mul3A_389 : vector<1x32xf32>
    %get3A_391 = arith.constant 0 : index
    %get3A_392 = arith.constant 0 : index
    %get3A_393 = vector.load %arg1[%get3A_391, %get3A_392] : memref<64x96xf32, #tpu.memory_space<vmem>>, vector<64x96xf32>
    %get3A_394 = arith.constant 0 : index
    %get3A_395 = arith.constant 0 : index
    %get3A_396 = vector.load %arg2[%get3A_394, %get3A_395] : memref<32x96xf32, #tpu.memory_space<vmem>>, vector<32x96xf32>
    %get3A_397 = arith.constant 0 : index
    %get3A_398 = arith.constant 0 : index
    %get3A_399 = vector.load %arg3[%get3A_397, %get3A_398] : memref<1x96xf32, #tpu.memory_space<vmem>>, vector<1x96xf32>
    %get3A_400 = arith.constant 0 : index
    %get3A_401 = arith.constant 0 : index
    %get3A_402 = vector.load %arg4[%get3A_400, %get3A_401] : memref<1x96xf32, #tpu.memory_space<vmem>>, vector<1x96xf32>
    %dot_general3A_403 = arith.constant dense<0.000000e+00> : vector<1x96xf32>
    %dot_general3A_404 = tpu.matmul %mul3A_206, %get3A_393, %dot_general3A_403 {dimension_numbers = #tpu.dot_dimension_numbers<[1], [0], [0], [1], [0, 0, 1, 1], [], []>, transpose_lhs_hint = false} : vector<1x64xf32>, vector<64x96xf32>, vector<1x96xf32> -> vector<1x96xf32>
    %add3A_405 = arith.addf %dot_general3A_404, %get3A_399 : vector<1x96xf32>
    %dot_general3A_406 = arith.constant dense<0.000000e+00> : vector<1x96xf32>
    %dot_general3A_407 = tpu.matmul %add3A_390, %get3A_396, %dot_general3A_406 {dimension_numbers = #tpu.dot_dimension_numbers<[1], [0], [0], [1], [0, 0, 1, 1], [], []>, transpose_lhs_hint = false} : vector<1x32xf32>, vector<32x96xf32>, vector<1x96xf32> -> vector<1x96xf32>
    %add3A_408 = arith.addf %dot_general3A_407, %get3A_402 : vector<1x96xf32>
    %slice3A_409 = vector.extract_strided_slice %add3A_405 {offsets = [0, 0], sizes = [1, 32], strides = [1, 1]} : vector<1x96xf32> to vector<1x32xf32>
    %slice3A_410 = vector.extract_strided_slice %add3A_408 {offsets = [0, 0], sizes = [1, 32], strides = [1, 1]} : vector<1x96xf32> to vector<1x32xf32>
    %add3A_411 = arith.addf %slice3A_409, %slice3A_410 : vector<1x32xf32>
    %logistic3A_412 = arith.negf %add3A_411 : vector<1x32xf32>
    %logistic3A_413 = math.exp %logistic3A_412 : vector<1x32xf32>
    %logistic3A_414 = arith.constant 1.000000e+00 : f32
    %logistic3A_415 = vector.broadcast %logistic3A_414 : f32 to vector<1x32xf32>
    %logistic3A_416 = arith.addf %logistic3A_415, %logistic3A_413 : vector<1x32xf32>
    %logistic3A_417 = arith.divf %logistic3A_415, %logistic3A_416 : vector<1x32xf32>
    %slice3A_418 = vector.extract_strided_slice %add3A_405 {offsets = [0, 32], sizes = [1, 32], strides = [1, 1]} : vector<1x96xf32> to vector<1x32xf32>
    %slice3A_419 = vector.extract_strided_slice %add3A_408 {offsets = [0, 32], sizes = [1, 32], strides = [1, 1]} : vector<1x96xf32> to vector<1x32xf32>
    %add3A_420 = arith.addf %slice3A_418, %slice3A_419 : vector<1x32xf32>
    %logistic3A_421 = arith.negf %add3A_420 : vector<1x32xf32>
    %logistic3A_422 = math.exp %logistic3A_421 : vector<1x32xf32>
    %logistic3A_423 = arith.constant 1.000000e+00 : f32
    %logistic3A_424 = vector.broadcast %logistic3A_423 : f32 to vector<1x32xf32>
    %logistic3A_425 = arith.addf %logistic3A_424, %logistic3A_422 : vector<1x32xf32>
    %logistic3A_426 = arith.divf %logistic3A_424, %logistic3A_425 : vector<1x32xf32>
    %slice3A_427 = vector.extract_strided_slice %add3A_405 {offsets = [0, 64], sizes = [1, 32], strides = [1, 1]} : vector<1x96xf32> to vector<1x32xf32>
    %slice3A_428 = vector.extract_strided_slice %add3A_408 {offsets = [0, 64], sizes = [1, 32], strides = [1, 1]} : vector<1x96xf32> to vector<1x32xf32>
    %mul3A_429 = arith.mulf %logistic3A_417, %slice3A_428 : vector<1x32xf32>
    %add3A_430 = arith.addf %slice3A_427, %mul3A_429 : vector<1x32xf32>
    %tanh3A_431 = math.tanh %add3A_430 : vector<1x32xf32>
    %sub3A_432 = arith.constant 1.000000e+00 : f32
    %sub3A_433 = vector.broadcast %sub3A_432 : f32 to vector<1x32xf32>
    %sub3A_434 = arith.subf %sub3A_433, %logistic3A_426 : vector<1x32xf32>
    %mul3A_435 = arith.mulf %sub3A_434, %tanh3A_431 : vector<1x32xf32>
    %mul3A_436 = arith.mulf %logistic3A_426, %add3A_390 : vector<1x32xf32>
    %add3A_437 = arith.addf %mul3A_435, %mul3A_436 : vector<1x32xf32>
    %broadcast_in_dim3A_438 = arith.constant 0.000000e+00 : f32
    %broadcast_in_dim3A_439 = vector.broadcast %broadcast_in_dim3A_438 : f32 to vector<1x32xf32>
    %get3A_440 = arith.constant 0 : index
    %get3A_441 = arith.constant 0 : index
    %get3A_442 = vector.load %arg5[%get3A_440, %get3A_441] : memref<64x96xf32, #tpu.memory_space<vmem>>, vector<64x96xf32>
    %get3A_443 = arith.constant 0 : index
    %get3A_444 = arith.constant 0 : index
    %get3A_445 = vector.load %arg6[%get3A_443, %get3A_444] : memref<32x96xf32, #tpu.memory_space<vmem>>, vector<32x96xf32>
    %get3A_446 = arith.constant 0 : index
    %get3A_447 = arith.constant 0 : index
    %get3A_448 = vector.load %arg7[%get3A_446, %get3A_447] : memref<1x96xf32, #tpu.memory_space<vmem>>, vector<1x96xf32>
    %get3A_449 = arith.constant 0 : index
    %get3A_450 = arith.constant 0 : index
    %get3A_451 = vector.load %arg8[%get3A_449, %get3A_450] : memref<1x96xf32, #tpu.memory_space<vmem>>, vector<1x96xf32>
    %dot_general3A_452 = arith.constant dense<0.000000e+00> : vector<1x96xf32>
    %dot_general3A_453 = tpu.matmul %mul3A_206, %get3A_442, %dot_general3A_452 {dimension_numbers = #tpu.dot_dimension_numbers<[1], [0], [0], [1], [0, 0, 1, 1], [], []>, transpose_lhs_hint = false} : vector<1x64xf32>, vector<64x96xf32>, vector<1x96xf32> -> vector<1x96xf32>
    %add3A_454 = arith.addf %dot_general3A_453, %get3A_448 : vector<1x96xf32>
    %dot_general3A_455 = arith.constant dense<0.000000e+00> : vector<1x96xf32>
    %dot_general3A_456 = tpu.matmul %broadcast_in_dim3A_439, %get3A_445, %dot_general3A_455 {dimension_numbers = #tpu.dot_dimension_numbers<[1], [0], [0], [1], [0, 0, 1, 1], [], []>, transpose_lhs_hint = false} : vector<1x32xf32>, vector<32x96xf32>, vector<1x96xf32> -> vector<1x96xf32>
    %add3A_457 = arith.addf %dot_general3A_456, %get3A_451 : vector<1x96xf32>
    %slice3A_458 = vector.extract_strided_slice %add3A_454 {offsets = [0, 0], sizes = [1, 32], strides = [1, 1]} : vector<1x96xf32> to vector<1x32xf32>
    %slice3A_459 = vector.extract_strided_slice %add3A_457 {offsets = [0, 0], sizes = [1, 32], strides = [1, 1]} : vector<1x96xf32> to vector<1x32xf32>
    %add3A_460 = arith.addf %slice3A_458, %slice3A_459 : vector<1x32xf32>
    %logistic3A_461 = arith.negf %add3A_460 : vector<1x32xf32>
    %logistic3A_462 = math.exp %logistic3A_461 : vector<1x32xf32>
    %logistic3A_463 = arith.constant 1.000000e+00 : f32
    %logistic3A_464 = vector.broadcast %logistic3A_463 : f32 to vector<1x32xf32>
    %logistic3A_465 = arith.addf %logistic3A_464, %logistic3A_462 : vector<1x32xf32>
    %logistic3A_466 = arith.divf %logistic3A_464, %logistic3A_465 : vector<1x32xf32>
    %slice3A_467 = vector.extract_strided_slice %add3A_454 {offsets = [0, 32], sizes = [1, 32], strides = [1, 1]} : vector<1x96xf32> to vector<1x32xf32>
    %slice3A_468 = vector.extract_strided_slice %add3A_457 {offsets = [0, 32], sizes = [1, 32], strides = [1, 1]} : vector<1x96xf32> to vector<1x32xf32>
    %add3A_469 = arith.addf %slice3A_467, %slice3A_468 : vector<1x32xf32>
    %logistic3A_470 = arith.negf %add3A_469 : vector<1x32xf32>
    %logistic3A_471 = math.exp %logistic3A_470 : vector<1x32xf32>
    %logistic3A_472 = arith.constant 1.000000e+00 : f32
    %logistic3A_473 = vector.broadcast %logistic3A_472 : f32 to vector<1x32xf32>
    %logistic3A_474 = arith.addf %logistic3A_473, %logistic3A_471 : vector<1x32xf32>
    %logistic3A_475 = arith.divf %logistic3A_473, %logistic3A_474 : vector<1x32xf32>
    %slice3A_476 = vector.extract_strided_slice %add3A_454 {offsets = [0, 64], sizes = [1, 32], strides = [1, 1]} : vector<1x96xf32> to vector<1x32xf32>
    %slice3A_477 = vector.extract_strided_slice %add3A_457 {offsets = [0, 64], sizes = [1, 32], strides = [1, 1]} : vector<1x96xf32> to vector<1x32xf32>
    %mul3A_478 = arith.mulf %logistic3A_466, %slice3A_477 : vector<1x32xf32>
    %add3A_479 = arith.addf %slice3A_476, %mul3A_478 : vector<1x32xf32>
    %tanh3A_480 = math.tanh %add3A_479 : vector<1x32xf32>
    %sub3A_481 = arith.constant 1.000000e+00 : f32
    %sub3A_482 = vector.broadcast %sub3A_481 : f32 to vector<1x32xf32>
    %sub3A_483 = arith.subf %sub3A_482, %logistic3A_475 : vector<1x32xf32>
    %mul3A_484 = arith.mulf %sub3A_483, %tanh3A_480 : vector<1x32xf32>
    %mul3A_485 = arith.mulf %logistic3A_475, %broadcast_in_dim3A_439 : vector<1x32xf32>
    %add3A_486 = arith.addf %mul3A_484, %mul3A_485 : vector<1x32xf32>
    %get3A_487 = arith.constant 0 : index
    %get3A_488 = arith.constant 0 : index
    %get3A_489 = vector.load %arg5[%get3A_487, %get3A_488] : memref<64x96xf32, #tpu.memory_space<vmem>>, vector<64x96xf32>
    %get3A_490 = arith.constant 0 : index
    %get3A_491 = arith.constant 0 : index
    %get3A_492 = vector.load %arg6[%get3A_490, %get3A_491] : memref<32x96xf32, #tpu.memory_space<vmem>>, vector<32x96xf32>
    %get3A_493 = arith.constant 0 : index
    %get3A_494 = arith.constant 0 : index
    %get3A_495 = vector.load %arg7[%get3A_493, %get3A_494] : memref<1x96xf32, #tpu.memory_space<vmem>>, vector<1x96xf32>
    %get3A_496 = arith.constant 0 : index
    %get3A_497 = arith.constant 0 : index
    %get3A_498 = vector.load %arg8[%get3A_496, %get3A_497] : memref<1x96xf32, #tpu.memory_space<vmem>>, vector<1x96xf32>
    %dot_general3A_499 = arith.constant dense<0.000000e+00> : vector<1x96xf32>
    %dot_general3A_500 = tpu.matmul %mul3A_164, %get3A_489, %dot_general3A_499 {dimension_numbers = #tpu.dot_dimension_numbers<[1], [0], [0], [1], [0, 0, 1, 1], [], []>, transpose_lhs_hint = false} : vector<1x64xf32>, vector<64x96xf32>, vector<1x96xf32> -> vector<1x96xf32>
    %add3A_501 = arith.addf %dot_general3A_500, %get3A_495 : vector<1x96xf32>
    %dot_general3A_502 = arith.constant dense<0.000000e+00> : vector<1x96xf32>
    %dot_general3A_503 = tpu.matmul %add3A_486, %get3A_492, %dot_general3A_502 {dimension_numbers = #tpu.dot_dimension_numbers<[1], [0], [0], [1], [0, 0, 1, 1], [], []>, transpose_lhs_hint = false} : vector<1x32xf32>, vector<32x96xf32>, vector<1x96xf32> -> vector<1x96xf32>
    %add3A_504 = arith.addf %dot_general3A_503, %get3A_498 : vector<1x96xf32>
    %slice3A_505 = vector.extract_strided_slice %add3A_501 {offsets = [0, 0], sizes = [1, 32], strides = [1, 1]} : vector<1x96xf32> to vector<1x32xf32>
    %slice3A_506 = vector.extract_strided_slice %add3A_504 {offsets = [0, 0], sizes = [1, 32], strides = [1, 1]} : vector<1x96xf32> to vector<1x32xf32>
    %add3A_507 = arith.addf %slice3A_505, %slice3A_506 : vector<1x32xf32>
    %logistic3A_508 = arith.negf %add3A_507 : vector<1x32xf32>
    %logistic3A_509 = math.exp %logistic3A_508 : vector<1x32xf32>
    %logistic3A_510 = arith.constant 1.000000e+00 : f32
    %logistic3A_511 = vector.broadcast %logistic3A_510 : f32 to vector<1x32xf32>
    %logistic3A_512 = arith.addf %logistic3A_511, %logistic3A_509 : vector<1x32xf32>
    %logistic3A_513 = arith.divf %logistic3A_511, %logistic3A_512 : vector<1x32xf32>
    %slice3A_514 = vector.extract_strided_slice %add3A_501 {offsets = [0, 32], sizes = [1, 32], strides = [1, 1]} : vector<1x96xf32> to vector<1x32xf32>
    %slice3A_515 = vector.extract_strided_slice %add3A_504 {offsets = [0, 32], sizes = [1, 32], strides = [1, 1]} : vector<1x96xf32> to vector<1x32xf32>
    %add3A_516 = arith.addf %slice3A_514, %slice3A_515 : vector<1x32xf32>
    %logistic3A_517 = arith.negf %add3A_516 : vector<1x32xf32>
    %logistic3A_518 = math.exp %logistic3A_517 : vector<1x32xf32>
    %logistic3A_519 = arith.constant 1.000000e+00 : f32
    %logistic3A_520 = vector.broadcast %logistic3A_519 : f32 to vector<1x32xf32>
    %logistic3A_521 = arith.addf %logistic3A_520, %logistic3A_518 : vector<1x32xf32>
    %logistic3A_522 = arith.divf %logistic3A_520, %logistic3A_521 : vector<1x32xf32>
    %slice3A_523 = vector.extract_strided_slice %add3A_501 {offsets = [0, 64], sizes = [1, 32], strides = [1, 1]} : vector<1x96xf32> to vector<1x32xf32>
    %slice3A_524 = vector.extract_strided_slice %add3A_504 {offsets = [0, 64], sizes = [1, 32], strides = [1, 1]} : vector<1x96xf32> to vector<1x32xf32>
    %mul3A_525 = arith.mulf %logistic3A_513, %slice3A_524 : vector<1x32xf32>
    %add3A_526 = arith.addf %slice3A_523, %mul3A_525 : vector<1x32xf32>
    %tanh3A_527 = math.tanh %add3A_526 : vector<1x32xf32>
    %sub3A_528 = arith.constant 1.000000e+00 : f32
    %sub3A_529 = vector.broadcast %sub3A_528 : f32 to vector<1x32xf32>
    %sub3A_530 = arith.subf %sub3A_529, %logistic3A_522 : vector<1x32xf32>
    %mul3A_531 = arith.mulf %sub3A_530, %tanh3A_527 : vector<1x32xf32>
    %mul3A_532 = arith.mulf %logistic3A_522, %add3A_486 : vector<1x32xf32>
    %add3A_533 = arith.addf %mul3A_531, %mul3A_532 : vector<1x32xf32>
    %get3A_534 = arith.constant 0 : index
    %get3A_535 = arith.constant 0 : index
    %get3A_536 = vector.load %arg5[%get3A_534, %get3A_535] : memref<64x96xf32, #tpu.memory_space<vmem>>, vector<64x96xf32>
    %get3A_537 = arith.constant 0 : index
    %get3A_538 = arith.constant 0 : index
    %get3A_539 = vector.load %arg6[%get3A_537, %get3A_538] : memref<32x96xf32, #tpu.memory_space<vmem>>, vector<32x96xf32>
    %get3A_540 = arith.constant 0 : index
    %get3A_541 = arith.constant 0 : index
    %get3A_542 = vector.load %arg7[%get3A_540, %get3A_541] : memref<1x96xf32, #tpu.memory_space<vmem>>, vector<1x96xf32>
    %get3A_543 = arith.constant 0 : index
    %get3A_544 = arith.constant 0 : index
    %get3A_545 = vector.load %arg8[%get3A_543, %get3A_544] : memref<1x96xf32, #tpu.memory_space<vmem>>, vector<1x96xf32>
    %dot_general3A_546 = arith.constant dense<0.000000e+00> : vector<1x96xf32>
    %dot_general3A_547 = tpu.matmul %mul3A_122, %get3A_536, %dot_general3A_546 {dimension_numbers = #tpu.dot_dimension_numbers<[1], [0], [0], [1], [0, 0, 1, 1], [], []>, transpose_lhs_hint = false} : vector<1x64xf32>, vector<64x96xf32>, vector<1x96xf32> -> vector<1x96xf32>
    %add3A_548 = arith.addf %dot_general3A_547, %get3A_542 : vector<1x96xf32>
    %dot_general3A_549 = arith.constant dense<0.000000e+00> : vector<1x96xf32>
    %dot_general3A_550 = tpu.matmul %add3A_533, %get3A_539, %dot_general3A_549 {dimension_numbers = #tpu.dot_dimension_numbers<[1], [0], [0], [1], [0, 0, 1, 1], [], []>, transpose_lhs_hint = false} : vector<1x32xf32>, vector<32x96xf32>, vector<1x96xf32> -> vector<1x96xf32>
    %add3A_551 = arith.addf %dot_general3A_550, %get3A_545 : vector<1x96xf32>
    %slice3A_552 = vector.extract_strided_slice %add3A_548 {offsets = [0, 0], sizes = [1, 32], strides = [1, 1]} : vector<1x96xf32> to vector<1x32xf32>
    %slice3A_553 = vector.extract_strided_slice %add3A_551 {offsets = [0, 0], sizes = [1, 32], strides = [1, 1]} : vector<1x96xf32> to vector<1x32xf32>
    %add3A_554 = arith.addf %slice3A_552, %slice3A_553 : vector<1x32xf32>
    %logistic3A_555 = arith.negf %add3A_554 : vector<1x32xf32>
    %logistic3A_556 = math.exp %logistic3A_555 : vector<1x32xf32>
    %logistic3A_557 = arith.constant 1.000000e+00 : f32
    %logistic3A_558 = vector.broadcast %logistic3A_557 : f32 to vector<1x32xf32>
    %logistic3A_559 = arith.addf %logistic3A_558, %logistic3A_556 : vector<1x32xf32>
    %logistic3A_560 = arith.divf %logistic3A_558, %logistic3A_559 : vector<1x32xf32>
    %slice3A_561 = vector.extract_strided_slice %add3A_548 {offsets = [0, 32], sizes = [1, 32], strides = [1, 1]} : vector<1x96xf32> to vector<1x32xf32>
    %slice3A_562 = vector.extract_strided_slice %add3A_551 {offsets = [0, 32], sizes = [1, 32], strides = [1, 1]} : vector<1x96xf32> to vector<1x32xf32>
    %add3A_563 = arith.addf %slice3A_561, %slice3A_562 : vector<1x32xf32>
    %logistic3A_564 = arith.negf %add3A_563 : vector<1x32xf32>
    %logistic3A_565 = math.exp %logistic3A_564 : vector<1x32xf32>
    %logistic3A_566 = arith.constant 1.000000e+00 : f32
    %logistic3A_567 = vector.broadcast %logistic3A_566 : f32 to vector<1x32xf32>
    %logistic3A_568 = arith.addf %logistic3A_567, %logistic3A_565 : vector<1x32xf32>
    %logistic3A_569 = arith.divf %logistic3A_567, %logistic3A_568 : vector<1x32xf32>
    %slice3A_570 = vector.extract_strided_slice %add3A_548 {offsets = [0, 64], sizes = [1, 32], strides = [1, 1]} : vector<1x96xf32> to vector<1x32xf32>
    %slice3A_571 = vector.extract_strided_slice %add3A_551 {offsets = [0, 64], sizes = [1, 32], strides = [1, 1]} : vector<1x96xf32> to vector<1x32xf32>
    %mul3A_572 = arith.mulf %logistic3A_560, %slice3A_571 : vector<1x32xf32>
    %add3A_573 = arith.addf %slice3A_570, %mul3A_572 : vector<1x32xf32>
    %tanh3A_574 = math.tanh %add3A_573 : vector<1x32xf32>
    %sub3A_575 = arith.constant 1.000000e+00 : f32
    %sub3A_576 = vector.broadcast %sub3A_575 : f32 to vector<1x32xf32>
    %sub3A_577 = arith.subf %sub3A_576, %logistic3A_569 : vector<1x32xf32>
    %mul3A_578 = arith.mulf %sub3A_577, %tanh3A_574 : vector<1x32xf32>
    %mul3A_579 = arith.mulf %logistic3A_569, %add3A_533 : vector<1x32xf32>
    %add3A_580 = arith.addf %mul3A_578, %mul3A_579 : vector<1x32xf32>
    %get3A_581 = arith.constant 0 : index
    %get3A_582 = arith.constant 0 : index
    %get3A_583 = vector.load %arg5[%get3A_581, %get3A_582] : memref<64x96xf32, #tpu.memory_space<vmem>>, vector<64x96xf32>
    %get3A_584 = arith.constant 0 : index
    %get3A_585 = arith.constant 0 : index
    %get3A_586 = vector.load %arg6[%get3A_584, %get3A_585] : memref<32x96xf32, #tpu.memory_space<vmem>>, vector<32x96xf32>
    %get3A_587 = arith.constant 0 : index
    %get3A_588 = arith.constant 0 : index
    %get3A_589 = vector.load %arg7[%get3A_587, %get3A_588] : memref<1x96xf32, #tpu.memory_space<vmem>>, vector<1x96xf32>
    %get3A_590 = arith.constant 0 : index
    %get3A_591 = arith.constant 0 : index
    %get3A_592 = vector.load %arg8[%get3A_590, %get3A_591] : memref<1x96xf32, #tpu.memory_space<vmem>>, vector<1x96xf32>
    %dot_general3A_593 = arith.constant dense<0.000000e+00> : vector<1x96xf32>
    %dot_general3A_594 = tpu.matmul %mul3A_80, %get3A_583, %dot_general3A_593 {dimension_numbers = #tpu.dot_dimension_numbers<[1], [0], [0], [1], [0, 0, 1, 1], [], []>, transpose_lhs_hint = false} : vector<1x64xf32>, vector<64x96xf32>, vector<1x96xf32> -> vector<1x96xf32>
    %add3A_595 = arith.addf %dot_general3A_594, %get3A_589 : vector<1x96xf32>
    %dot_general3A_596 = arith.constant dense<0.000000e+00> : vector<1x96xf32>
    %dot_general3A_597 = tpu.matmul %add3A_580, %get3A_586, %dot_general3A_596 {dimension_numbers = #tpu.dot_dimension_numbers<[1], [0], [0], [1], [0, 0, 1, 1], [], []>, transpose_lhs_hint = false} : vector<1x32xf32>, vector<32x96xf32>, vector<1x96xf32> -> vector<1x96xf32>
    %add3A_598 = arith.addf %dot_general3A_597, %get3A_592 : vector<1x96xf32>
    %slice3A_599 = vector.extract_strided_slice %add3A_595 {offsets = [0, 0], sizes = [1, 32], strides = [1, 1]} : vector<1x96xf32> to vector<1x32xf32>
    %slice3A_600 = vector.extract_strided_slice %add3A_598 {offsets = [0, 0], sizes = [1, 32], strides = [1, 1]} : vector<1x96xf32> to vector<1x32xf32>
    %add3A_601 = arith.addf %slice3A_599, %slice3A_600 : vector<1x32xf32>
    %logistic3A_602 = arith.negf %add3A_601 : vector<1x32xf32>
    %logistic3A_603 = math.exp %logistic3A_602 : vector<1x32xf32>
    %logistic3A_604 = arith.constant 1.000000e+00 : f32
    %logistic3A_605 = vector.broadcast %logistic3A_604 : f32 to vector<1x32xf32>
    %logistic3A_606 = arith.addf %logistic3A_605, %logistic3A_603 : vector<1x32xf32>
    %logistic3A_607 = arith.divf %logistic3A_605, %logistic3A_606 : vector<1x32xf32>
    %slice3A_608 = vector.extract_strided_slice %add3A_595 {offsets = [0, 32], sizes = [1, 32], strides = [1, 1]} : vector<1x96xf32> to vector<1x32xf32>
    %slice3A_609 = vector.extract_strided_slice %add3A_598 {offsets = [0, 32], sizes = [1, 32], strides = [1, 1]} : vector<1x96xf32> to vector<1x32xf32>
    %add3A_610 = arith.addf %slice3A_608, %slice3A_609 : vector<1x32xf32>
    %logistic3A_611 = arith.negf %add3A_610 : vector<1x32xf32>
    %logistic3A_612 = math.exp %logistic3A_611 : vector<1x32xf32>
    %logistic3A_613 = arith.constant 1.000000e+00 : f32
    %logistic3A_614 = vector.broadcast %logistic3A_613 : f32 to vector<1x32xf32>
    %logistic3A_615 = arith.addf %logistic3A_614, %logistic3A_612 : vector<1x32xf32>
    %logistic3A_616 = arith.divf %logistic3A_614, %logistic3A_615 : vector<1x32xf32>
    %slice3A_617 = vector.extract_strided_slice %add3A_595 {offsets = [0, 64], sizes = [1, 32], strides = [1, 1]} : vector<1x96xf32> to vector<1x32xf32>
    %slice3A_618 = vector.extract_strided_slice %add3A_598 {offsets = [0, 64], sizes = [1, 32], strides = [1, 1]} : vector<1x96xf32> to vector<1x32xf32>
    %mul3A_619 = arith.mulf %logistic3A_607, %slice3A_618 : vector<1x32xf32>
    %add3A_620 = arith.addf %slice3A_617, %mul3A_619 : vector<1x32xf32>
    %tanh3A_621 = math.tanh %add3A_620 : vector<1x32xf32>
    %sub3A_622 = arith.constant 1.000000e+00 : f32
    %sub3A_623 = vector.broadcast %sub3A_622 : f32 to vector<1x32xf32>
    %sub3A_624 = arith.subf %sub3A_623, %logistic3A_616 : vector<1x32xf32>
    %mul3A_625 = arith.mulf %sub3A_624, %tanh3A_621 : vector<1x32xf32>
    %mul3A_626 = arith.mulf %logistic3A_616, %add3A_580 : vector<1x32xf32>
    %add3A_627 = arith.addf %mul3A_625, %mul3A_626 : vector<1x32xf32>
    %get3A_628 = arith.constant 0 : index
    %get3A_629 = arith.constant 0 : index
    %get3A_630 = vector.load %arg5[%get3A_628, %get3A_629] : memref<64x96xf32, #tpu.memory_space<vmem>>, vector<64x96xf32>
    %get3A_631 = arith.constant 0 : index
    %get3A_632 = arith.constant 0 : index
    %get3A_633 = vector.load %arg6[%get3A_631, %get3A_632] : memref<32x96xf32, #tpu.memory_space<vmem>>, vector<32x96xf32>
    %get3A_634 = arith.constant 0 : index
    %get3A_635 = arith.constant 0 : index
    %get3A_636 = vector.load %arg7[%get3A_634, %get3A_635] : memref<1x96xf32, #tpu.memory_space<vmem>>, vector<1x96xf32>
    %get3A_637 = arith.constant 0 : index
    %get3A_638 = arith.constant 0 : index
    %get3A_639 = vector.load %arg8[%get3A_637, %get3A_638] : memref<1x96xf32, #tpu.memory_space<vmem>>, vector<1x96xf32>
    %dot_general3A_640 = arith.constant dense<0.000000e+00> : vector<1x96xf32>
    %dot_general3A_641 = tpu.matmul %mul3A_38, %get3A_630, %dot_general3A_640 {dimension_numbers = #tpu.dot_dimension_numbers<[1], [0], [0], [1], [0, 0, 1, 1], [], []>, transpose_lhs_hint = false} : vector<1x64xf32>, vector<64x96xf32>, vector<1x96xf32> -> vector<1x96xf32>
    %add3A_642 = arith.addf %dot_general3A_641, %get3A_636 : vector<1x96xf32>
    %dot_general3A_643 = arith.constant dense<0.000000e+00> : vector<1x96xf32>
    %dot_general3A_644 = tpu.matmul %add3A_627, %get3A_633, %dot_general3A_643 {dimension_numbers = #tpu.dot_dimension_numbers<[1], [0], [0], [1], [0, 0, 1, 1], [], []>, transpose_lhs_hint = false} : vector<1x32xf32>, vector<32x96xf32>, vector<1x96xf32> -> vector<1x96xf32>
    %add3A_645 = arith.addf %dot_general3A_644, %get3A_639 : vector<1x96xf32>
    %slice3A_646 = vector.extract_strided_slice %add3A_642 {offsets = [0, 0], sizes = [1, 32], strides = [1, 1]} : vector<1x96xf32> to vector<1x32xf32>
    %slice3A_647 = vector.extract_strided_slice %add3A_645 {offsets = [0, 0], sizes = [1, 32], strides = [1, 1]} : vector<1x96xf32> to vector<1x32xf32>
    %add3A_648 = arith.addf %slice3A_646, %slice3A_647 : vector<1x32xf32>
    %logistic3A_649 = arith.negf %add3A_648 : vector<1x32xf32>
    %logistic3A_650 = math.exp %logistic3A_649 : vector<1x32xf32>
    %logistic3A_651 = arith.constant 1.000000e+00 : f32
    %logistic3A_652 = vector.broadcast %logistic3A_651 : f32 to vector<1x32xf32>
    %logistic3A_653 = arith.addf %logistic3A_652, %logistic3A_650 : vector<1x32xf32>
    %logistic3A_654 = arith.divf %logistic3A_652, %logistic3A_653 : vector<1x32xf32>
    %slice3A_655 = vector.extract_strided_slice %add3A_642 {offsets = [0, 32], sizes = [1, 32], strides = [1, 1]} : vector<1x96xf32> to vector<1x32xf32>
    %slice3A_656 = vector.extract_strided_slice %add3A_645 {offsets = [0, 32], sizes = [1, 32], strides = [1, 1]} : vector<1x96xf32> to vector<1x32xf32>
    %add3A_657 = arith.addf %slice3A_655, %slice3A_656 : vector<1x32xf32>
    %logistic3A_658 = arith.negf %add3A_657 : vector<1x32xf32>
    %logistic3A_659 = math.exp %logistic3A_658 : vector<1x32xf32>
    %logistic3A_660 = arith.constant 1.000000e+00 : f32
    %logistic3A_661 = vector.broadcast %logistic3A_660 : f32 to vector<1x32xf32>
    %logistic3A_662 = arith.addf %logistic3A_661, %logistic3A_659 : vector<1x32xf32>
    %logistic3A_663 = arith.divf %logistic3A_661, %logistic3A_662 : vector<1x32xf32>
    %slice3A_664 = vector.extract_strided_slice %add3A_642 {offsets = [0, 64], sizes = [1, 32], strides = [1, 1]} : vector<1x96xf32> to vector<1x32xf32>
    %slice3A_665 = vector.extract_strided_slice %add3A_645 {offsets = [0, 64], sizes = [1, 32], strides = [1, 1]} : vector<1x96xf32> to vector<1x32xf32>
    %mul3A_666 = arith.mulf %logistic3A_654, %slice3A_665 : vector<1x32xf32>
    %add3A_667 = arith.addf %slice3A_664, %mul3A_666 : vector<1x32xf32>
    %tanh3A_668 = math.tanh %add3A_667 : vector<1x32xf32>
    %sub3A_669 = arith.constant 1.000000e+00 : f32
    %sub3A_670 = vector.broadcast %sub3A_669 : f32 to vector<1x32xf32>
    %sub3A_671 = arith.subf %sub3A_670, %logistic3A_663 : vector<1x32xf32>
    %mul3A_672 = arith.mulf %sub3A_671, %tanh3A_668 : vector<1x32xf32>
    %mul3A_673 = arith.mulf %logistic3A_663, %add3A_627 : vector<1x32xf32>
    %add3A_674 = arith.addf %mul3A_672, %mul3A_673 : vector<1x32xf32>
    %concatenate3A = tpu.concatenate %add3A_249, %add3A_674 in 1 : vector<1x32xf32>, vector<1x32xf32> -> vector<1x64xf32>
    %concatenate3A_675 = tpu.concatenate %add3A_296, %add3A_627 in 1 : vector<1x32xf32>, vector<1x32xf32> -> vector<1x64xf32>
    %concatenate3A_676 = tpu.concatenate %add3A_343, %add3A_580 in 1 : vector<1x32xf32>, vector<1x32xf32> -> vector<1x64xf32>
    %concatenate3A_677 = tpu.concatenate %add3A_390, %add3A_533 in 1 : vector<1x32xf32>, vector<1x32xf32> -> vector<1x64xf32>
    %concatenate3A_678 = tpu.concatenate %add3A_437, %add3A_486 in 1 : vector<1x32xf32>, vector<1x32xf32> -> vector<1x64xf32>
    %concatenate3A_679 = tpu.concatenate %concatenate3A, %concatenate3A_675, %concatenate3A_676, %concatenate3A_677, %concatenate3A_678 in 0 : vector<1x64xf32>, vector<1x64xf32>, vector<1x64xf32>, vector<1x64xf32>, vector<1x64xf32> -> vector<5x64xf32>
    %get3A_680 = arith.constant 0 : index
    %get3A_681 = arith.constant 0 : index
    %get3A_682 = vector.load %arg9[%get3A_680, %get3A_681] : memref<64x32xf32, #tpu.memory_space<vmem>>, vector<64x32xf32>
    %dot_general3A_683 = arith.constant dense<0.000000e+00> : vector<5x32xf32>
    %dot_general3A_684 = tpu.matmul %concatenate3A_679, %get3A_682, %dot_general3A_683 {dimension_numbers = #tpu.dot_dimension_numbers<[1], [0], [0], [1], [0, 0, 1, 1], [], []>, transpose_lhs_hint = false} : vector<5x64xf32>, vector<64x32xf32>, vector<5x32xf32> -> vector<5x32xf32>
    %get3A_685 = arith.constant 0 : index
    %get3A_686 = arith.constant 0 : index
    %get3A_687 = vector.load %arg10[%get3A_685, %get3A_686] : memref<1x32xf32, #tpu.memory_space<vmem>>, vector<1x32xf32>
    %add3A_688 = vector.broadcast %get3A_687 : vector<1x32xf32> to vector<5x32xf32>
    %add3A_689 = arith.addf %dot_general3A_684, %add3A_688 : vector<5x32xf32>
    %tanh3A_690 = math.tanh %add3A_689 : vector<5x32xf32>
    %get3A_691 = arith.constant 0 : index
    %get3A_692 = arith.constant 0 : index
    %get3A_693 = vector.load %arg11[%get3A_691, %get3A_692] : memref<1x32xf32, #tpu.memory_space<vmem>>, vector<1x32xf32>
    %mul3A_694 = vector.broadcast %get3A_693 : vector<1x32xf32> to vector<5x32xf32>
    %mul3A_695 = arith.mulf %tanh3A_690, %mul3A_694 : vector<5x32xf32>
    %reduce_sum3A = arith.constant dense<0.000000e+00> : vector<5xf32>
    %reduce_sum3A_696 = vector.multi_reduction <add>, %mul3A_695, %reduce_sum3A [1] : vector<5x32xf32> to vector<5xf32>
    %broadcast_in_dim3A_697 = vector.shape_cast %reduce_sum3A_696 : vector<5xf32> to vector<5x1xf32>
    %get3A_698 = arith.constant 0 : index
    %get3A_699 = arith.constant 0 : index
    %get3A_700 = vector.load %arg12[%get3A_698, %get3A_699] : memref<1x1xf32, #tpu.memory_space<vmem>>, vector<1x1xf32>
    %get3A_701 = vector.extract %get3A_700[0, 0] : f32 from vector<1x1xf32>
    %add3A_702 = vector.broadcast %get3A_701 : f32 to vector<5x1xf32>
    %add3A_703 = arith.addf %broadcast_in_dim3A_697, %add3A_702 : vector<5x1xf32>
    %reduce_max3A = vector.shape_cast %add3A_703 : vector<5x1xf32> to vector<1x5x1xf32>
    %reduce_max3A_704 = arith.constant dense<0xFF800000> : vector<1xf32>
    %reduce_max3A_705 = vector.multi_reduction <maximumf>, %reduce_max3A, %reduce_max3A_704 [1, 2] : vector<1x5x1xf32> to vector<1xf32>
    %reduce_max3A_706 = vector.shape_cast %reduce_max3A_705 : vector<1xf32> to vector<1x1x1xf32>
    %reduce_max3A_707 = vector.extract %reduce_max3A_706[0, 0, 0] : f32 from vector<1x1x1xf32>
    %sub3A_708 = vector.broadcast %reduce_max3A_707 : f32 to vector<5x1xf32>
    %sub3A_709 = arith.subf %add3A_703, %sub3A_708 : vector<5x1xf32>
    %exp3A = math.exp %sub3A_709 : vector<5x1xf32>
    %reduce_sum3A_710 = vector.shape_cast %exp3A : vector<5x1xf32> to vector<1x5x1xf32>
    %reduce_sum3A_711 = arith.constant dense<0.000000e+00> : vector<1xf32>
    %reduce_sum3A_712 = vector.multi_reduction <add>, %reduce_sum3A_710, %reduce_sum3A_711 [1, 2] : vector<1x5x1xf32> to vector<1xf32>
    %reduce_sum3A_713 = vector.shape_cast %reduce_sum3A_712 : vector<1xf32> to vector<1x1x1xf32>
    %reduce_sum3A_714 = vector.extract %reduce_sum3A_713[0, 0, 0] : f32 from vector<1x1x1xf32>
    %div3A = vector.broadcast %reduce_sum3A_714 : f32 to vector<5x1xf32>
    %div3A_715 = arith.divf %exp3A, %div3A : vector<5x1xf32>
    %mul3A_716 = vector.broadcast %div3A_715 : vector<5x1xf32> to vector<5x64xf32>
    %mul3A_717 = arith.mulf %concatenate3A_679, %mul3A_716 : vector<5x64xf32>
    %reduce_sum3A_718 = arith.constant dense<0.000000e+00> : vector<64xf32>
    %reduce_sum3A_719 = vector.multi_reduction <add>, %mul3A_717, %reduce_sum3A_718 [0] : vector<5x64xf32> to vector<64xf32>
    %broadcast_in_dim3A_720 = vector.shape_cast %reduce_sum3A_719 : vector<64xf32> to vector<1x64xf32>
    %get3A_721 = arith.constant 0 : index
    %get3A_722 = arith.constant 0 : index
    %get3A_723 = vector.load %arg13[%get3A_721, %get3A_722] : memref<64x64xf32, #tpu.memory_space<vmem>>, vector<64x64xf32>
    %dot_general3A_724 = arith.constant dense<0.000000e+00> : vector<1x64xf32>
    %dot_general3A_725 = tpu.matmul %broadcast_in_dim3A_720, %get3A_723, %dot_general3A_724 {dimension_numbers = #tpu.dot_dimension_numbers<[1], [0], [0], [1], [0, 0, 1, 1], [], []>, transpose_lhs_hint = false} : vector<1x64xf32>, vector<64x64xf32>, vector<1x64xf32> -> vector<1x64xf32>
    %get3A_726 = arith.constant 0 : index
    %get3A_727 = arith.constant 0 : index
    %get3A_728 = vector.load %arg14[%get3A_726, %get3A_727] : memref<1x64xf32, #tpu.memory_space<vmem>>, vector<1x64xf32>
    %add3A_729 = arith.addf %dot_general3A_725, %get3A_728 : vector<1x64xf32>
    %max3A = arith.constant 0.000000e+00 : f32
    %max3A_730 = vector.broadcast %max3A : f32 to vector<1x64xf32>
    %max3A_731 = arith.maximumf %add3A_729, %max3A_730 : vector<1x64xf32>
    %get3A_732 = arith.constant 0 : index
    %get3A_733 = arith.constant 0 : index
    %get3A_734 = vector.load %arg15[%get3A_732, %get3A_733] : memref<64x128xf32, #tpu.memory_space<vmem>>, vector<64x128xf32>
    %dot_general3A_735 = arith.constant dense<0.000000e+00> : vector<1x128xf32>
    %dot_general3A_736 = tpu.matmul %max3A_731, %get3A_734, %dot_general3A_735 {dimension_numbers = #tpu.dot_dimension_numbers<[1], [0], [0], [1], [0, 0, 1, 1], [], []>, transpose_lhs_hint = false} : vector<1x64xf32>, vector<64x128xf32>, vector<1x128xf32> -> vector<1x128xf32>
    %get3A_737 = arith.constant 0 : index
    %get3A_738 = arith.constant 0 : index
    %get3A_739 = vector.load %arg16[%get3A_737, %get3A_738] : memref<1x128xf32, #tpu.memory_space<vmem>>, vector<1x128xf32>
    %add3A_740 = arith.addf %dot_general3A_736, %get3A_739 : vector<1x128xf32>
    %swap3A = arith.constant 0 : index
    %swap3A_741 = arith.constant 0 : index
    %swap3A_742 = vector.load %arg19[%swap3A, %swap3A_741] : memref<1x128xf32, #tpu.memory_space<vmem>>, vector<1x128xf32>
    tpu.vector_store %arg19[%swap3A, %swap3A_741], %add3A_740 {strides = array<i32>} : memref<1x128xf32, #tpu.memory_space<vmem>>, vector<1x128xf32>,
    %broadcast_in_dim3A_743 = vector.shape_cast %div3A_715 : vector<5x1xf32> to vector<5x1xf32>
    %broadcast_in_dim3A_744 = vector.broadcast %broadcast_in_dim3A_743 : vector<5x1xf32> to vector<5x128xf32>
    %swap3A_745 = arith.constant 0 : index
    %swap3A_746 = arith.constant 0 : index
    %swap3A_747 = vector.load %arg20[%swap3A_745, %swap3A_746] : memref<5x128xf32, #tpu.memory_space<vmem>>, vector<5x128xf32>
    tpu.vector_store %arg20[%swap3A_745, %swap3A_746], %broadcast_in_dim3A_744 {strides = array<i32>} : memref<5x128xf32, #tpu.memory_space<vmem>>, vector<5x128xf32>,
    %get3A_748 = arith.constant 0 : index
    %get3A_749 = arith.constant 0 : index
    %get3A_750 = vector.load %arg17[%get3A_748, %get3A_749] : memref<64x64xf32, #tpu.memory_space<vmem>>, vector<64x64xf32>
    %dot_general3A_751 = arith.constant dense<0.000000e+00> : vector<1x64xf32>
    %dot_general3A_752 = tpu.matmul %broadcast_in_dim3A_720, %get3A_750, %dot_general3A_751 {dimension_numbers = #tpu.dot_dimension_numbers<[1], [0], [0], [1], [0, 0, 1, 1], [], []>, transpose_lhs_hint = false} : vector<1x64xf32>, vector<64x64xf32>, vector<1x64xf32> -> vector<1x64xf32>
    %get3A_753 = arith.constant 0 : index
    %get3A_754 = arith.constant 0 : index
    %get3A_755 = vector.load %arg18[%get3A_753, %get3A_754] : memref<1x64xf32, #tpu.memory_space<vmem>>, vector<1x64xf32>
    %add3A_756 = arith.addf %dot_general3A_752, %get3A_755 : vector<1x64xf32>
    %swap3A_757 = arith.constant 0 : index
    %swap3A_758 = arith.constant 0 : index
    %swap3A_759 = vector.load %arg21[%swap3A_757, %swap3A_758] : memref<1x64xf32, #tpu.memory_space<vmem>>, vector<1x64xf32>
    tpu.vector_store %arg21[%swap3A_757, %swap3A_758], %add3A_756 {strides = array<i32>} : memref<1x64xf32, #tpu.memory_space<vmem>>, vector<1x64xf32>,
    return
  }
}

module attributes {stable_mosaic.version = 14 : i64} {
  func.func @body(%arg0: i32, %arg1: memref<1000x64xf32, #tpu.memory_space<vmem>>, %arg2: memref<1x64xf32, #tpu.memory_space<vmem>>, %arg3: memref<64x64xf32, #tpu.memory_space<vmem>>, %arg4: memref<64x128xf32, #tpu.memory_space<vmem>>, %arg5: memref<1x128xf32, #tpu.memory_space<vmem>>, %arg6: memref<1000x128xf32, #tpu.memory_space<vmem>>) attributes {dimension_semantics = [#tpu.dimension_semantics<arbitrary>], iteration_bounds = array<i64: 10>, scalar_prefetch = 0 : i64, scratch_operands = 0 : i64, tpu.core_type = #tpu.core_type<tc>, window_params = [{transform_indices = @transform_0, window_bounds = array<i64: 1000, 64>}, {pipeline_mode = #tpu.pipeline_mode<synchronous>, transform_indices = @transform_1, window_bounds = array<i64: 1, 64>}, {pipeline_mode = #tpu.pipeline_mode<synchronous>, transform_indices = @transform_2, window_bounds = array<i64: 64, 64>}, {pipeline_mode = #tpu.pipeline_mode<synchronous>, transform_indices = @transform_3, window_bounds = array<i64: 64, 128>}, {pipeline_mode = #tpu.pipeline_mode<synchronous>, transform_indices = @transform_4, window_bounds = array<i64: 1, 128>}, {transform_indices = @transform_5, window_bounds = array<i64: 1000, 128>}]} {
    %get3A = arith.constant 0 : index
    %get3A_0 = arith.constant 0 : index
    %get3A_1 = vector.load %arg1[%get3A, %get3A_0] : memref<1000x64xf32, #tpu.memory_space<vmem>>, vector<1000x64xf32>
    %get3A_2 = arith.constant 0 : index
    %get3A_3 = arith.constant 0 : index
    %get3A_4 = vector.load %arg3[%get3A_2, %get3A_3] : memref<64x64xf32, #tpu.memory_space<vmem>>, vector<64x64xf32>
    %dot_general3A = arith.constant dense<0.000000e+00> : vector<1000x64xf32>
    %dot_general3A_5 = tpu.matmul %get3A_1, %get3A_4, %dot_general3A {dimension_numbers = #tpu.dot_dimension_numbers<[1], [0], [0], [1], [0, 0, 1, 1], [], []>, transpose_lhs_hint = false} : vector<1000x64xf32>, vector<64x64xf32>, vector<1000x64xf32> -> vector<1000x64xf32>
    %get3A_6 = arith.constant 0 : index
    %get3A_7 = arith.constant 0 : index
    %get3A_8 = vector.load %arg2[%get3A_6, %get3A_7] : memref<1x64xf32, #tpu.memory_space<vmem>>, vector<1x64xf32>
    %add3A = vector.broadcast %get3A_8 : vector<1x64xf32> to vector<1000x64xf32>
    %add3A_9 = arith.addf %dot_general3A_5, %add3A : vector<1000x64xf32>
    %max3A = arith.constant 0.000000e+00 : f32
    %max3A_10 = vector.broadcast %max3A : f32 to vector<1000x64xf32>
    %max3A_11 = arith.maximumf %add3A_9, %max3A_10 : vector<1000x64xf32>
    %get3A_12 = arith.constant 0 : index
    %get3A_13 = arith.constant 0 : index
    %get3A_14 = vector.load %arg4[%get3A_12, %get3A_13] : memref<64x128xf32, #tpu.memory_space<vmem>>, vector<64x128xf32>
    %dot_general3A_15 = arith.constant dense<0.000000e+00> : vector<1000x128xf32>
    %dot_general3A_16 = tpu.matmul %max3A_11, %get3A_14, %dot_general3A_15 {dimension_numbers = #tpu.dot_dimension_numbers<[1], [0], [0], [1], [0, 0, 1, 1], [], []>, transpose_lhs_hint = false} : vector<1000x64xf32>, vector<64x128xf32>, vector<1000x128xf32> -> vector<1000x128xf32>
    %get3A_17 = arith.constant 0 : index
    %get3A_18 = arith.constant 0 : index
    %get3A_19 = vector.load %arg5[%get3A_17, %get3A_18] : memref<1x128xf32, #tpu.memory_space<vmem>>, vector<1x128xf32>
    %add3A_20 = vector.broadcast %get3A_19 : vector<1x128xf32> to vector<1000x128xf32>
    %add3A_21 = arith.addf %dot_general3A_16, %add3A_20 : vector<1000x128xf32>
    %swap3A = arith.constant 0 : index
    %swap3A_22 = arith.constant 0 : index
    %swap3A_23 = vector.load %arg6[%swap3A, %swap3A_22] : memref<1000x128xf32, #tpu.memory_space<vmem>>, vector<1000x128xf32>
    tpu.vector_store %arg6[%swap3A, %swap3A_22], %add3A_21 {strides = array<i32>} : memref<1000x128xf32, #tpu.memory_space<vmem>>, vector<1000x128xf32>,
    return
  }
  func.func @transform_0(%arg0: i32) -> (i32, i32) {
    %c0_i32 = arith.constant 0 : i32
    %c0_i32_0 = arith.constant 0 : i32
    return %arg0, %c0_i32 : i32, i32
  }
  func.func @transform_1(%arg0: i32) -> (i32, i32) {
    %c0_i32 = arith.constant 0 : i32
    %c0_i32_0 = arith.constant 0 : i32
    %c0_i32_1 = arith.constant 0 : i32
    return %c0_i32, %c0_i32_0 : i32, i32
  }
  func.func @transform_2(%arg0: i32) -> (i32, i32) {
    %c0_i32 = arith.constant 0 : i32
    %c0_i32_0 = arith.constant 0 : i32
    %c0_i32_1 = arith.constant 0 : i32
    return %c0_i32, %c0_i32_0 : i32, i32
  }
  func.func @transform_3(%arg0: i32) -> (i32, i32) {
    %c0_i32 = arith.constant 0 : i32
    %c0_i32_0 = arith.constant 0 : i32
    %c0_i32_1 = arith.constant 0 : i32
    return %c0_i32, %c0_i32_0 : i32, i32
  }
  func.func @transform_4(%arg0: i32) -> (i32, i32) {
    %c0_i32 = arith.constant 0 : i32
    %c0_i32_0 = arith.constant 0 : i32
    %c0_i32_1 = arith.constant 0 : i32
    return %c0_i32, %c0_i32_0 : i32, i32
  }
  func.func @transform_5(%arg0: i32) -> (i32, i32) {
    %c0_i32 = arith.constant 0 : i32
    %c0_i32_0 = arith.constant 0 : i32
    return %arg0, %c0_i32 : i32, i32
  }
}

</mosaic_0001>

<sc_bundles>
// kernel: kernel.11.cloned.1.call-start
scs
__scs_entry_jumppad:
0x0: {  	(pc) =	sbr.rel $0x88, $3  }
0x1: {  	(tag) =	ssettag $0x0;
	lr =	simm.s32 $0x1  }
0x2: {  	[smem:$0x3F85] =	sst lr;
	_ =	strace $0xD0000000  }
0x3: {  	_ = 	snop  }
0x4: {  	_ = 	snop  }
0x5: {  	_ = 	snop  }
0x6: {  	_ = 	snop  }
0x7: {  	_ = 	snop  }
__scs_overlays_trampoline_lowered:
0x8: {  	[smem:$0x3F94] =	sst s0  }
0x9: {  	[smem:$0x3F95] =	sst s1  }
0xa: {  	[smem:$0x3F96] =	sst s2  }
0xb: {  	[smem:$0x3F97] =	sst s3  }
0xc: {  	[smem:$0x3F98] =	sst s4  }
0xd: {  	[smem:$0x3F99] =	sst s5  }
0xe: {  	[smem:$0x3F9A] =	sst s6  }
0xf: {  	[smem:$0x3F9B] =	sst s7  }
0x10: {  	[smem:$0x3F9C] =	sst s8  }
0x11: {  	[smem:$0x3F9D] =	sst s9;
	s0 =	simm.s32 @!p0 $0x0  }
0x12: {  	s1 =	sld [smem:$0x3F83];
	s0 =	simm.s32 @p0 $0x1  }
0x13: {  	[smem:$0x3F9E] =	sst s0;
	s0 =	simm.s32 @!p1 $0x0  }
0x14: {  	s2 =	sld [smem:$0x3F82];
	s0 =	simm.s32 @p1 $0x1  }
0x15: {  	[smem:$0x3F9F] =	sst s0;
	s0 =	simm.s32 @!p2 $0x0  }
0x16: {  	s3 =	sld [smem:$0x3FDB];
	s0 =	simm.s32 @p2 $0x1  }
0x17: {  	s4 =	simm.s32 $0x1BF5;
	[smem:$0x3FA1] =	sst s0  }
0x18: {  	s0 =	sld [smem:$0x3F84];
	_ =	swait.ge [sflag:s4], $0x0  }
0x19: {  	s7 =	sld [smem:$0x3F85]  }
0x1a: {  	s8 =	sadd.s32 $0xFFFFE003, lr  }
0x1b: {  	s9 =	sadd.s32 $0xFFFFFEF7, lr;
	s5 =	simm.s32 $0xFFFFFFFF;
	p2 =	slt.u32 s8, $0xFFFFF086  }
0x1c: {  	p1 =	slt.u32 s9, $0xF7A;
	s5 =	simm.s32 @!p2 $0x0  }
0x1d: {  	s5 =	simm.s32 @p1 $0x1;
	p0 =	seq.s32 s7, s2  }
0x1e: {  	s7 =	smul.u32 @!p0 $0xF7A, s2;
	p2 =	seq.s32 @!p0 s5, $0x0  }
0x1f: {  	s9 =	smul.u32 $0xF7A, s1;
	s8 =	simm.s32 @!p0 $0x1BF5;
	p2 =	por !p2, p0  }
0x20: {  	[sflag:s8] =	ssyncset.s32 @!p0 $0xFFFFF086;
	s6 =	sadd.s32 @!p0 s3, s7;
	s7 =	simm.s32 @!p0 $0x108  }
0x21: {  	s3 =	sadd.s32 s3, s9;
	s6 =	sadd.s32 @!p0 $0x88, s6;
	s7 =	simm.s32 @p2 $0x1082  }
0x22: {  	[simem:s7], [sflag:s8] =	dma.local @!p0 [hbm:s6], $0xF7A  }
0x23: {  	s9 =	sor.u32 $0xD0000000, s2;
	s6 =	simm.s32 $0x108;
	_ =	swait.ge @!p0 [sflag:s8], $0x0  }
0x24: {  	s3 =	sadd.s32 $0x88, s3;
	s6 =	simm.s32 @!p1 $0x1082;
	[sflag:s4] =	ssyncset.s32 $0xFFFFF086  }
0x25: {  	[simem:s6], [sflag:s4] =	dma.local [hbm:s3], $0xF7A  }
0x26: {  	[smem:$0x3F85] =	sst s1;
	(tag) =	ssettag s2;
	_ =	strace s9  }
0x27: {  	s1 =	sld [smem:$0x3F95]  }
0x28: {  	s2 =	sld [smem:$0x3F96]  }
0x29: {  	s4 =	sld [smem:$0x3F98]  }
0x2a: {  	p0 =	seq.s32 s5, $0x0;
	s5 =	sld [smem:$0x3F99]  }
0x2b: {  	s6 =	sld [smem:$0x3F9A]  }
0x2c: {  	s7 =	sld [smem:$0x3F9B]  }
0x2d: {  	s3 =	simm.s32 $0x108;
	s8 =	sld [smem:$0x3F9C]  }
0x2e: {  	s3 =	simm.s32 @!p0 $0x1082;
	s9 =	sld [smem:$0x3F9D]  }
0x2f: {  	lr =	sadd.s32 s0, s3;
	s0 =	sld [smem:$0x3F94]  }
0x30: {  	s3 =	sld [smem:$0x3F97]  }
0x31: {  	[smem:$0x3FA0] =	sst s10  }
0x32: {  	s10 =	sld [smem:$0x3F9E];
	_ =	sdelay $0x3  }
0x33: {  	p0 =	seq.s32 s10, $0x1;
	s10 =	sld [smem:$0x3FA0];
	_ =	sdelay $0x3  }
0x34: {  	[smem:$0x3FA0] =	sst s10  }
0x35: {  	s10 =	sld [smem:$0x3F9F];
	_ =	sdelay $0x3  }
0x36: {  	p1 =	seq.s32 s10, $0x1;
	s10 =	sld [smem:$0x3FA0];
	_ =	sdelay $0x3  }
0x37: {  	[smem:$0x3FA0] =	sst s10  }
0x38: {  	s10 =	sld [smem:$0x3FA1]  }
0x39: {  	_ = 	snop;
	(pc) =	sbr.ind lr, $3  }
0x3a: {  	_ = 	snop  }
0x3b: {  	_ = 	snop  }
0x3c: {  	p2 =	seq.s32 s10, $0x1;
	s10 =	sld [smem:$0x3FA0]  }
0x3d: {  	_ =	shalt  }
0x3e: {  	_ =	shalt  }
0x3f: {  	_ =	shalt  }
0x40: {  	_ =	shalt  }
0x41: {  	_ =	shalt  }
0x42: {  	_ =	shalt  }
0x43: {  	_ =	shalt  }
0x44: {  	_ =	shalt  }
0x45: {  	_ =	shalt  }
0x46: {  	_ =	shalt  }
0x47: {  	_ =	shalt  }
0x48: {  	_ =	shalt  }
0x49: {  	_ =	shalt  }
0x4a: {  	_ =	shalt  }
0x4b: {  	_ =	shalt  }
0x4c: {  	_ =	shalt  }
0x4d: {  	_ =	shalt  }
0x4e: {  	_ =	shalt  }
0x4f: {  	_ =	shalt  }
0x50: {  	_ =	shalt  }
0x51: {  	_ =	shalt  }
0x52: {  	_ =	shalt  }
0x53: {  	_ =	shalt  }
0x54: {  	_ =	shalt  }
0x55: {  	_ =	shalt  }
0x56: {  	_ =	shalt  }
0x57: {  	_ =	shalt  }
0x58: {  	_ =	shalt  }
0x59: {  	_ =	shalt  }
0x5a: {  	_ =	shalt  }
0x5b: {  	_ =	shalt  }
0x5c: {  	_ =	shalt  }
0x5d: {  	_ =	shalt  }
0x5e: {  	_ =	shalt  }
0x5f: {  	_ =	shalt  }
0x60: {  	_ =	shalt  }
0x61: {  	_ =	shalt  }
0x62: {  	_ =	shalt  }
0x63: {  	_ =	shalt  }
0x64: {  	_ =	shalt  }
0x65: {  	_ =	shalt  }
0x66: {  	_ =	shalt  }
0x67: {  	_ =	shalt  }
0x68: {  	_ =	shalt  }
0x69: {  	_ =	shalt  }
0x6a: {  	_ =	shalt  }
0x6b: {  	_ =	shalt  }
0x6c: {  	_ =	shalt  }
0x6d: {  	_ =	shalt  }
0x6e: {  	_ =	shalt  }
0x6f: {  	_ =	shalt  }
0x70: {  	_ =	shalt  }
0x71: {  	_ =	shalt  }
0x72: {  	_ =	shalt  }
0x73: {  	_ =	shalt  }
0x74: {  	_ =	shalt  }
0x75: {  	_ =	shalt  }
0x76: {  	_ =	shalt  }
0x77: {  	_ =	shalt  }
0x78: {  	_ =	shalt  }
0x79: {  	_ =	shalt  }
0x7a: {  	_ =	shalt  }
0x7b: {  	_ =	shalt  }
0x7c: {  	_ =	shalt  }
0x7d: {  	_ =	shalt  }
0x7e: {  	_ =	shalt  }
0x7f: {  	_ =	shalt  }
0x80: {  	_ =	shalt  }
0x81: {  	_ =	shalt  }
0x82: {  	_ =	shalt  }
0x83: {  	_ =	shalt  }
0x84: {  	_ =	shalt  }
0x85: {  	_ =	shalt  }
0x86: {  	_ =	shalt  }
0x87: {  	_ =	shalt  }
.Lfunc_end0:
.L_simem_size_0:
called_computation_lowered:
.L_overlay_start_0:
0x88: {  	s2 =	sld [smem:$0x3FD9]  }
0x89: {  	s3 =	sld [smem:$0x3FFE];
	_ =	sdelay $0x1  }
0x8a: {  	s1 =	srdreg.scid  }
0x8b: {  	s0 =	sand.u32 $0x1, s1  }
0x8c: {  	s14 =	sshll.u32 s0, $0xA;
	s2 =	sadd.s32 s3, s2  }
0x8d: {  	s2 =	sadd.s32 s2, s14  }
0x8e: {  	[smem:$0x3FAC] =	sst s2  }
0x8f: {  	_ = 	snop  }
0x90: {  	s2 =	sld [smem:$0x3FD0];
	_ =	sdelay $0x2  }
0x91: {  	s15 =	simm.s32 $0xA;
	s4 =	simm.s32 $0x10  }
0x92: {  	[smem:s4], [sflag:s15] =	dma.local [hbm:s2], $0x1  }
0x93: {  	_ =	swait.eq [sflag:s15], $0x1  }
0x94: {  	[sflag:s15] =	ssyncset.done $0x0  }
0x95: {  	[sflag:s15] =	ssyncadd.s32 $0xFFFFFFFF  }
0x96: {  	s16 =	sld [smem:$0x13];
	(tm) =	ssettm $0x1  }
0x97: {  	s17 =	sld [smem:$0x3FFB];
	_ =	sdelay $0x3  }
0x98: {  	_ =	strace s17  }
0x99: {  	s3 =	sld [smem:$0x3FFC];
	_ =	sdelay $0x3  }
0x9a: {  	_ =	strace s3  }
0x9b: {  	s3 =	sld [smem:$0x3FFD];
	_ =	sdelay $0x3  }
0x9c: {  	_ =	strace s3  }
0x9d: {  	_ =	strace $0x8FFFFFFF  }
0x9e: {  	s18 =	sld [smem:$0x3FDB];
	_ =	sdelay $0x1  }
0x9f: {  	s19 =	simm.s32 $_scs_section_size  }
0xa0: {  	s5 =	simm.s32 $_size__tile_overlayer_lowered;
	s6 =	simm.s32 $_tile_overlayer_lowered  }
0xa1: {  	s22 =	simm.s32 $0x1BFF;
	s21 =	sshll.u32 s6, $0x1;
	s3 =	sadd.s32 s19, s18  }
0xa2: {  	s7 =	simm.s32 $0x0;
	s20 =	sshll.u32 s5, $0x1;
	s5 =	sadd.s32 s21, s3  }
0xa3: {  	[timem:s7], [sflag:s22] =	dma.local [hbm:s5], s20  }
0xa4: {  	_ =	swait.ge [sflag:s22], s20  }
0xa5: {  	s4 =	ssub.s32 $0x0, s20;
	[sflag:s22] =	ssyncset.done $0x0  }
0xa6: {  	[sflag:s22] =	ssyncadd.s32 s4;
	_ =	sdelay $0x1  }
0xa7: {  	s23 =	simm.s32 $0x1B8B  }
0xa8: {  	_ =	swait.ge [sflag:s23], $0x1  }
0xa9: {  	[sflag:s23] =	ssyncset.done $0x0  }
0xaa: {  	s25 =	simm.s32 $0x1B8E;
	s24 =	sld [smem:$0x3FFE];
	[sflag:s23] =	ssyncadd.s32 $0xFFFFFFFF  }
0xab: {  	s26 =	simm.s32 $execute0_lowered;
	[smem:$0x3FD2] =	sst s25  }
0xac: {  	s5 =	sshll.u32 s26, $0x1;
	_ =	strace $0x80000046;
	[dreg:$0x1] =	wrdreg $0xFFFFFFFF  }
0xad: {  	s28 =	simm.s32 $_size_execute0_lowered;
	s3 =	sadd.s32 s3, s5;
	[dreg:$0x0] =	wrdreg $0x0  }
0xae: {  	s5 =	sshll.u32 s28, $0x1;
	[dreg:$0x2] =	wrdreg s3  }
0xaf: {  	[dreg:$0x3] =	wrdreg s5  }
0xb0: {  	[dreg:$0x4] =	wrdreg $0xC0  }
0xb1: {  	_ =	task [dreg:s7], $0x5FFFF  }
0xb2: {  	[dreg:$0x1] =	wrdreg $0xFFFFFFFF  }
0xb3: {  	[dreg:$0x0] =	wrdreg $0x60  }
0xb4: {  	[dreg:$0x2] =	wrdreg s16  }
0xb5: {  	[dreg:$0x3] =	wrdreg s24  }
0xb6: {  	[dreg:$0x4] =	wrdreg $0x82000  }
0xb7: {  	[dreg:$0x5] =	wrdreg $0x1C5000  }
0xb8: {  	[dreg:$0x6] =	wrdreg $0x9  }
0xb9: {  	_ =	task.clear_ibuf [dreg:s7], $0x7FFFF;
	_ =	strace $0x90000046  }
0xba: {  	s29 =	simm.s32 $0x9;
	_ =	strace $0x80000048  }
0xbb: {  	_ =	swait.ge [sflag:s29], $0x1  }
0xbc: {  	[sflag:s29] =	ssyncadd.s32 $0xFFFFFFFF  }
0xbd: {  	_ =	strace $0x90000048  }
0xbe: {  	_ =	sfence  }
0xbf: {  	s30 =	sld [smem:$0x0];
	_ =	sdelay $0x2  }
0xc0: {  	s31 =	sshll.u32 s1, $0xD;
	s1 =	sshrl.u32 s1, $0x2  }
0xc1: {  	s3 =	sand.u32 $0x4000, s31;
	s1 =	sadd.s32 s1, s30  }
0xc2: {  	s0 =	sor.u32 s3, s0;
	s1 =	sshll.u32 s1, $0x11  }
0xc3: {  	s0 =	sor.u32 s1, s0  }
0xc4: {  	s0 =	sadd.s32 $0x8F2B, s0  }
0xc5: {  	[sflag:s0] =	ssyncadd.remote.s32 $0x1  }
0xc6: {  	_ =	sfence.sel $0xFFFF  }
0xc7: {  	[dreg:$0x0] =	wrdreg $0xFFFFFFFF;
	(pc) =	sbr.abs _section_cstart, $3  }
0xc8: {  	[dreg:$0x1] =	wrdreg $0xFFFFFFFF  }
0xc9: {  	_ =	task.clear_ibuf [dreg:s7], $0x2FFFF;
	_ =	strace $0x9FFFFFFF  }
0xca: {  	(tm) =	ssettm $0x7FFFFFFF  }
0xcb: {  	_ =	shalt  }
tec
execute0_lowered:
.L_overlay_start_1:
0x0: {  	(tag) =	ssettag $0x1  }
0x1: {  	s1 =	rddreg [dreg:$0x0]  }
0x2: {  	s0 =	rddreg [dreg:$0x1]  }
0x3: {  	s2 =	rddreg [dreg:$0x2]  }
0x4: {  	s3 =	rddreg [dreg:$0x3]  }
0x5: {  	s5 =	simm.s32 $0x0;
	s4 =	srdreg.scid;
	s14 =	stileid.u32  }
0x6: {  	s28 =	simm.s32 $0x80;
	s29 =	simm.s32 $0x1C200;
	s30 =	simm.s32 $0x8  }
0x7: {  	s31 =	simm.s32 $0x180;
	[smem:$0x7FF] =	sst s5;
	s10 =	smul.u32 $0x14000, s14  }
0x8: {  	s4 =	sand.u32 $0x1, s4;
	s6 =	sadd.s32 $0xC9A00, s0;
	s11 =	smul.u32 $0x280, s14  }
0x9: {  	s7 =	sadd.s32 $0xA2800, s0;
	s8 =	sadd.s32 $0x7B600, s0;
	s25 =	smul.u32 $0x50000, s14  }
0xa: {  	s12 =	sadd.s32 $0xD4A00, s0;
	s23 =	sshll.u32 s14, $0x1;
	s9 =	smul.u32 $0x140000, s4  }
0xb: {  	s14 =	simm.s32 $0x4;
	_ =	strace $0x80000047;
	s22 =	smul.u32 $0x2800, s4  }
0xc: {  	[dreg:$0x5] =	wrdreg s12;
	s12 =	sor.u32 s4, s23;
	s4 =	ssub.s32 $0x2, s4  }
0xd: {  	s24 =	sshrl.u32 s4, $0x1;
	s9 =	sadd.s32 s10, s9;
	s10 =	sadd.s32 s11, s22  }
0xe: {  	s19 =	sadd.s32 s11, s3;
	s9 =	sshrl.u32 s9, $0x3;
	s13 =	sshrl.u32 s10, $0x3  }
0xf: {  	[dreg:$0x6] =	wrdreg s19;
	s9 =	sadd.s32 s9, s0;
	s0 =	sadd.s32 s13, s0  }
0x10: {  	s10 =	smul.u32 $0x2C00, s12;
	s13 =	sshrl.u32 s25, $0x2;
	s0 =	sadd.s32 $0xD7200, s0  }
0x11: {  	s4 =	ssub.s32 s4, s24;
	s18 =	sadd.s32 s13, s2;
	[dreg:$0x9] =	wrdreg s0  }
0x12: {  	s26 =	sshrl.u32 s10, $0x3;
	s24 =	sadd.s32 $0xD7C00, s9;
	[dreg:$0xa] =	wrdreg s18  }
0x13: {  	s25 =	sadd.s32 $0x127C00, s9;
	s9 =	simm.s32 $0x5;
	[dreg:$0x10] =	wrdreg s24  }
0x14: {  	s15 =	sadd.s32 s6, s26;
	s16 =	sor.u32 $0x10, s26;
	[dreg:$0x11] =	wrdreg s25  }
0x15: {  	s20 =	sadd.s32 s1, s26;
	s22 =	sor.u32 $0x20, s26;
	[dreg:$0x7] =	wrdreg s15  }
0x16: {  	s26 =	smax.u32 s4, $0x1;
	s25 =	simm.s32 $0xA;
	[dreg:$0xb] =	wrdreg s20  }
0x17: {  	s4 =	simm.s32 $0x7;
	s17 =	sadd.s32 s6, s16;
	[dreg:$0x12] =	wrdreg s26  }
0x18: {  	s24 =	simm.s32 $0x2;
	s21 =	sadd.s32 s1, s16;
	[dreg:$0x8] =	wrdreg s17  }
0x19: {  	s11 =	sadd.s32 s1, s22;
	s0 =	sadd.s32 s6, s22;
	[dreg:$0xc] =	wrdreg s21  }
0x1a: {  	s23 =	sadd.s32 $0x30, s20;
	s20 =	simm.s32 $0x1C280;
	[dreg:$0xd] =	wrdreg s11  }
0x1b: {  	s26 =	simm.s32 $0x100;
	s15 =	simm.s32 $0x200;
	[dreg:$0xe] =	wrdreg s0  }
0x1c: {  	s22 =	simm.s32 $0x6;
	[dreg:$0xf] =	wrdreg s23;
	s0 =	simm.s32 $0x3  }
0x1d: {  	v0 =	vimm.f32 $1.000000000e+00;
	v1 =	vimm.f32 $0.0e+00;
	s21 =	simm.s32 $0x1;
	s23 =	simm.s32 $0x4200;
	s17 =	simm.s32 $0x0  }
.LBB2_1:
0x1e: {  	[tilespmem:$0x1C200] =	vst v0  }
0x1f: {  	[tilespmem:$0x1C210] =	vst v0  }
0x20: {  	[tilespmem:$0x1C220] =	vst v0  }
0x21: {  	[tilespmem:$0x1C230] =	vst v0  }
0x22: {  	[tilespmem:$0x1C240] =	vst v0  }
0x23: {  	[tilespmem:$0x1C250] =	vst v0  }
0x24: {  	[tilespmem:$0x1C260] =	vst v0  }
0x25: {  	[tilespmem:$0x1C270] =	vst v0  }
0x26: {  	[tilespmem:$0x1C280] =	vst v1  }
0x27: {  	[tilespmem:$0x1C290] =	vst v1  }
0x28: {  	[tilespmem:$0x1C2A0] =	vst v1  }
0x29: {  	[tilespmem:$0x1C2B0] =	vst v1  }
0x2a: {  	[tilespmem:$0x1C2C0] =	vst v1  }
0x2b: {  	[tilespmem:$0x1C2D0] =	vst v1  }
0x2c: {  	[tilespmem:$0x1C2E0] =	vst v1  }
0x2d: {  	[tilespmem:$0x1C2F0] =	vst v1  }
0x2e: {  	[tilespmem:$0x1C300] =	vst v1  }
0x2f: {  	[tilespmem:$0x1C310] =	vst v1  }
0x30: {  	[tilespmem:$0x1C320] =	vst v1  }
0x31: {  	[tilespmem:$0x1C330] =	vst v1  }
0x32: {  	[tilespmem:$0x1C340] =	vst v1  }
0x33: {  	[tilespmem:$0x1C350] =	vst v1  }
0x34: {  	[tilespmem:$0x1C360] =	vst v1  }
0x35: {  	[tilespmem:$0x1C370] =	vst v1  }
0x36: {  	[tilespmem:$0x1C380] =	vst v1  }
0x37: {  	[tilespmem:$0x1C390] =	vst v1  }
0x38: {  	[tilespmem:$0x1C3A0] =	vst v1  }
0x39: {  	[tilespmem:$0x1C3B0] =	vst v1  }
0x3a: {  	[tilespmem:$0x1C3C0] =	vst v1  }
0x3b: {  	[tilespmem:$0x1C3D0] =	vst v1  }
0x3c: {  	[tilespmem:$0x1C3E0] =	vst v1  }
0x3d: {  	[tilespmem:$0x1C3F0] =	vst v1  }
0x3e: {  	[tilespmem:$0x1C400] =	vst v1  }
0x3f: {  	[tilespmem:$0x1C410] =	vst v1  }
0x40: {  	[tilespmem:$0x1C420] =	vst v1  }
0x41: {  	[tilespmem:$0x1C430] =	vst v1  }
0x42: {  	[tilespmem:$0x1C440] =	vst v1  }
0x43: {  	[tilespmem:$0x1C450] =	vst v1  }
0x44: {  	[tilespmem:$0x1C460] =	vst v1  }
0x45: {  	[tilespmem:$0x1C470] =	vst v1  }
0x46: {  	[tilespmem:$0x1C480] =	vst v1  }
0x47: {  	[tilespmem:$0x1C490] =	vst v1  }
0x48: {  	[tilespmem:$0x1C4A0] =	vst v1  }
0x49: {  	[tilespmem:$0x1C4B0] =	vst v1  }
0x4a: {  	[tilespmem:$0x1C4C0] =	vst v1  }
0x4b: {  	[tilespmem:$0x1C4D0] =	vst v1  }
0x4c: {  	[tilespmem:$0x1C4E0] =	vst v1  }
0x4d: {  	[tilespmem:$0x1C4F0] =	vst v1  }
0x4e: {  	[spmem:s19] =	stream.linear.scatter [tilespmem:s20], [sflag:$0xA], $0x280, $0x38;
	[tilespmem:$0x1C780] =	vst v63  }
0x4f: {  	_ =	swait.ge [sflag:s25], $0x280  }
0x50: {  	[sflag:s25] =	ssyncset.done $0x0  }
0x51: {  	[sflag:s25] =	ssyncadd.s32 $0xFFFFFD80  }
0x52: {  	[bflag:$0x0] =	sbarrier.arrive $0xFFFF  }
0x53: {  	s11 =	rddreg [dreg:$0x7]  }
0x54: {  	[tilespmem:s26], [sflag:$0xA] =	stream.linear.gather [hbm4b:s11+s5], $0x80, $0x38;
	[tilespmem:$0x1C780] =	vst v63  }
0x55: {  	_ =	swait.ge [sflag:s25], $0x80  }
0x56: {  	[sflag:s25] =	ssyncset.done $0x0  }
0x57: {  	[sflag:s25] =	ssyncadd.s32 $0xFFFFFF80  }
0x58: {  	[spmem:s3] =	stream.indirect.scatter.add.f32 [tilespmem:s29], [sflag:$0x3], $0x1, s26, s28, $0xb8;
	[tilespmem:$0x1C780] =	vst v63  }
0x59: {  	s13 =	rddreg [dreg:$0x8]  }
0x5a: {  	[tilespmem:s31], [sflag:$0x8] =	stream.linear.gather [hbm4b:s13+s5], $0x80, $0x38;
	[tilespmem:$0x1C780] =	vst v63  }
0x5b: {  	s12 =	simm.s32 $0x100;
	_ =	swait.ge [sflag:s30], $0x80  }
0x5c: {  	s13 =	sand.u32 $0x7C00, s12;
	[sflag:s30] =	ssyncset.done $0x0  }
0x5d: {  	s12 =	sand.u32 $0x300, s12;
	s13 =	sadd.s32 s10, s13;
	[sflag:s30] =	ssyncadd.s32 $0xFFFFFF80  }
0x5e: {  	[spmem:s3] =	stream.indirect.scatter.add.f32 [tilespmem:s29], [sflag:$0x4], $0x1, s31, s28, $0xb8;
	[tilespmem:$0x1C780] =	vst v63  }
0x5f: {  	s12 =	sor.u32 s12, s13;
	_ =	swait.ge [sflag:s0], $0x80  }
0x60: {  	s12 =	sshrl.u32 s12, $0x3;
	[sflag:s0] =	ssyncset.done $0x0  }
0x61: {  	s12 =	sadd.s32 s6, s12;
	[sflag:s0] =	ssyncadd.s32 $0xFFFFFF80  }
0x62: {  	[tilespmem:s26], [sflag:$0x7] =	stream.linear.gather [hbm4b:s12+s5], $0x80, $0x38;
	[tilespmem:$0x1C780] =	vst v63  }
0x63: {  	_ =	swait.ge [sflag:s4], $0x80  }
0x64: {  	s16 =	sand.u32 $0x7C00, s31;
	[sflag:s4] =	ssyncset.done $0x0  }
0x65: {  	s18 =	sand.u32 $0x380, s31;
	s12 =	sadd.s32 s10, s16;
	[sflag:s4] =	ssyncadd.s32 $0xFFFFFF80  }
0x66: {  	[spmem:s3] =	stream.indirect.scatter.add.f32 [tilespmem:s29], [sflag:$0x3], $0x1, s26, s28, $0xb8;
	[tilespmem:$0x1C780] =	vst v63  }
0x67: {  	s13 =	sor.u32 s18, s12;
	_ =	swait.ge [sflag:s14], $0x80  }
0x68: {  	s12 =	simm.s32 $0x280;
	s13 =	sshrl.u32 s13, $0x3;
	[sflag:s14] =	ssyncset.done $0x0  }
.LBB2_2:
0x69: {  	p0 =	sne.s32 s12, $0x2880  }
0x6a: {  	[sflag:s14] =	ssyncadd.s32 $0xFFFFFF80;
	s13 =	sadd.s32 s6, s13;
	s16 =	smov.u32 s12  }
0x6b: {  	[tilespmem:s31], [sflag:$0x8] =	stream.linear.gather [hbm4b:s13+s5], $0x80, $0x38;
	[tilespmem:$0x1C780] =	vst v63  }
0x6c: {  	s12 =	sadd.s32 $0x100, s12;
	s13 =	sadd.s32 $0xFFFFFF80, s16;
	_ =	swait.ge [sflag:s30], $0x80  }
0x6d: {  	s18 =	sand.u32 $0x7C00, s13;
	s13 =	sand.u32 $0x300, s13;
	[sflag:s30] =	ssyncset.done $0x0  }
0x6e: {  	s18 =	sadd.s32 s10, s18;
	[sflag:s30] =	ssyncadd.s32 $0xFFFFFF80  }
0x6f: {  	[spmem:s3] =	stream.indirect.scatter.add.f32 [tilespmem:s29], [sflag:$0x4], $0x1, s31, s28, $0xb8;
	[tilespmem:$0x1C780] =	vst v63  }
0x70: {  	s13 =	sor.u32 s13, s18;
	_ =	swait.ge [sflag:s0], $0x80  }
0x71: {  	s13 =	sshrl.u32 s13, $0x3;
	[sflag:s0] =	ssyncset.done $0x0  }
0x72: {  	s13 =	sadd.s32 s6, s13;
	[sflag:s0] =	ssyncadd.s32 $0xFFFFFF80  }
0x73: {  	[tilespmem:s26], [sflag:$0x7] =	stream.linear.gather [hbm4b:s13+s5], $0x80, $0x38;
	[tilespmem:$0x1C780] =	vst v63  }
0x74: {  	_ =	swait.ge [sflag:s4], $0x80  }
.Ltmp0:
0x75: {  	s13 =	sand.u32 $0x7C00, s16;
	[sflag:s4] =	ssyncset.done $0x0;
	(pc) =	sbr.rel @p0 .LBB2_2-.Ltmp0, $4  }
0x76: {  	s16 =	sand.u32 $0x380, s16;
	s13 =	sadd.s32 s10, s13;
	[sflag:s4] =	ssyncadd.s32 $0xFFFFFF80  }
0x77: {  	[spmem:s3] =	stream.indirect.scatter.add.f32 [tilespmem:s29], [sflag:$0x3], $0x1, s26, s28, $0xb8;
	[tilespmem:$0x1C780] =	vst v63  }
0x78: {  	s13 =	sor.u32 s16, s13;
	_ =	swait.ge [sflag:s14], $0x80  }
0x79: {  	s13 =	sshrl.u32 s13, $0x3;
	[sflag:s14] =	ssyncset.done $0x0  }
0x7a: {  	[sflag:s14] =	ssyncadd.s32 $0xFFFFFF80;
	s12 =	sadd.s32 s6, s13  }
0x7b: {  	[tilespmem:s31], [sflag:$0x8] =	stream.linear.gather [hbm4b:s12+s5], $0x80, $0x38;
	[tilespmem:$0x1C780] =	vst v63  }
0x7c: {  	_ =	swait.ge [sflag:s0], $0x80  }
0x7d: {  	[sflag:s0] =	ssyncset.done $0x0  }
0x7e: {  	[sflag:s0] =	ssyncadd.s32 $0xFFFFFF80  }
0x7f: {  	_ =	swait.ge [sflag:s30], $0x80  }
0x80: {  	[sflag:s30] =	ssyncset.done $0x0  }
0x81: {  	[sflag:s30] =	ssyncadd.s32 $0xFFFFFF80  }
0x82: {  	[bflag:$0x0] =	sbarrier.arrive $0xFFFF  }
0x83: {  	[tilespmem:s20], [sflag:$0xA] =	stream.linear.gather [spmem:s19], $0x280, $0x38;
	[tilespmem:$0x1C780] =	vst v63  }
0x84: {  	_ =	swait.ge [sflag:s25], $0x280  }
0x85: {  	[sflag:s25] =	ssyncset.done $0x0  }
0x86: {  	s16 =	stileid.u32;
	s11 =	rddreg [dreg:$0x9];
	[sflag:s25] =	ssyncadd.s32 $0xFFFFFD80  }
0x87: {  	[hbm4b:s11+s5] =	stream.linear.scatter [tilespmem:s20], [sflag:$0xA], $0x280, $0x38;
	[tilespmem:$0x1C780] =	vst v63  }
0x88: {  	s20 =	sshll.u32 s16, $0x6;
	_ =	swait.ge [sflag:s25], $0x280  }
0x89: {  	s19 =	sor.u32 $0x1C0A, s20;
	[sflag:s25] =	ssyncset.done $0x0;
	s18 =	rddreg [dreg:$0xa]  }
0x8a: {  	s12 =	rddreg [dreg:$0x5];
	[sflag:s25] =	ssyncadd.s32 $0xFFFFFD80;
	s18 =	sshrl.u32 s18, $0x3  }
0x8b: {  	[spmem:s18], [sflag:s19] =	dma.local [hbm:s12], $0x2800  }
0x8c: {  	_ =	swait.ge [sflag:s25], $0x2800  }
0x8d: {  	[sflag:s25] =	ssyncset.done $0x0  }
0x8e: {  	[sflag:s25] =	ssyncadd.s32 $0xFFFFD800  }
0x8f: {  	[bflag:$0x0] =	sbarrier.arrive $0xFFFF  }
0x90: {  	s13 =	rddreg [dreg:$0xb]  }
0x91: {  	[tilespmem:s5], [sflag:$0xA] =	stream.linear.gather [hbm4b:s13+s5], $0x80, $0x38;
	[tilespmem:$0x1C780] =	vst v63  }
0x92: {  	_ =	swait.ge [sflag:s25], $0x80  }
0x93: {  	[sflag:s25] =	ssyncset.done $0x0  }
0x94: {  	s16 =	rddreg [dreg:$0x7];
	[sflag:s25] =	ssyncadd.s32 $0xFFFFFF80  }
0x95: {  	[tilespmem:s26], [sflag:$0xA] =	stream.linear.gather [hbm4b:s16+s5], $0x80, $0x38;
	[tilespmem:$0x1C780] =	vst v63  }
0x96: {  	_ =	swait.ge [sflag:s25], $0x80  }
0x97: {  	[sflag:s25] =	ssyncset.done $0x0  }
0x98: {  	[sflag:s25] =	ssyncadd.s32 $0xFFFFFF80  }
0x99: {  	[tilespmem:s15], [sflag:$0x1] =	stream.indirect.gather [hbm4b:s7+s28], $0x80, s5, s28, $0xb8;
	[tilespmem:$0x1C780] =	vst v63  }
0x9a: {  	s12 =	rddreg [dreg:$0xc]  }
0x9b: {  	[tilespmem:s28], [sflag:$0x6] =	stream.linear.gather [hbm4b:s12+s5], $0x80, $0x38;
	[tilespmem:$0x1C780] =	vst v63  }
0x9c: {  	_ =	swait.ge [sflag:s21], $0x4000  }
0x9d: {  	[sflag:s21] =	ssyncset.done $0x0  }
0x9e: {  	[sflag:s21] =	ssyncadd.s32 $0xFFFFC000  }
0x9f: {  	_ =	swait.ge [sflag:s22], $0x80  }
0xa0: {  	[sflag:s22] =	ssyncset.done $0x0  }
0xa1: {  	[sflag:s22] =	ssyncadd.s32 $0xFFFFFF80  }
0xa2: {  	[tilespmem:s23], [sflag:$0x2] =	stream.indirect.gather [hbm4b:s7+s28], $0x80, s28, s28, $0xb8;
	[tilespmem:$0x1C780] =	vst v63  }
0xa3: {  	s13 =	rddreg [dreg:$0x8]  }
0xa4: {  	[tilespmem:s31], [sflag:$0x8] =	stream.linear.gather [hbm4b:s13+s5], $0x80, $0x38;
	[tilespmem:$0x1C780] =	vst v63  }
0xa5: {  	_ = 	snop  }
0xa6: {  	[spmem:s2] =	stream.indirect.scatter.add.f32 [tilespmem:s15], [sflag:$0x3], $0x80, s26, s28, $0xb8;
	[tilespmem:$0x1C780] =	vst v63  }
0xa7: {  	s16 =	rddreg [dreg:$0xd]  }
0xa8: {  	[tilespmem:s5], [sflag:$0x5] =	stream.linear.gather [hbm4b:s16+s5], $0x80, $0x38;
	[tilespmem:$0x1C780] =	vst v63  }
0xa9: {  	_ =	swait.ge [sflag:s24], $0x4000  }
0xaa: {  	[sflag:s24] =	ssyncset.done $0x0  }
0xab: {  	[sflag:s24] =	ssyncadd.s32 $0xFFFFC000  }
0xac: {  	_ =	swait.ge [sflag:s9], $0x80  }
0xad: {  	[sflag:s9] =	ssyncset.done $0x0  }
0xae: {  	[sflag:s9] =	ssyncadd.s32 $0xFFFFFF80  }
0xaf: {  	_ =	swait.ge [sflag:s0], $0x4000  }
0xb0: {  	[sflag:s0] =	ssyncset.done $0x0  }
0xb1: {  	[sflag:s0] =	ssyncadd.s32 $0xFFFFC000  }
0xb2: {  	[tilespmem:s15], [sflag:$0x1] =	stream.indirect.gather [hbm4b:s7+s28], $0x80, s5, s28, $0xb8;
	[tilespmem:$0x1C780] =	vst v63  }
0xb3: {  	s12 =	rddreg [dreg:$0xe]  }
0xb4: {  	[tilespmem:s26], [sflag:$0x7] =	stream.linear.gather [hbm4b:s12+s5], $0x80, $0x38;
	[tilespmem:$0x1C780] =	vst v63  }
0xb5: {  	_ =	swait.ge [sflag:s30], $0x80  }
0xb6: {  	[sflag:s30] =	ssyncset.done $0x0  }
0xb7: {  	[sflag:s30] =	ssyncadd.s32 $0xFFFFFF80  }
0xb8: {  	[spmem:s2] =	stream.indirect.scatter.add.f32 [tilespmem:s23], [sflag:$0x4], $0x80, s31, s28, $0xb8;
	[tilespmem:$0x1C780] =	vst v63  }
0xb9: {  	s13 =	rddreg [dreg:$0xf]  }
0xba: {  	[tilespmem:s28], [sflag:$0x6] =	stream.linear.gather [hbm4b:s13+s5], $0x80, $0x38;
	[tilespmem:$0x1C780] =	vst v63  }
0xbb: {  	_ =	swait.ge [sflag:s21], $0x4000  }
0xbc: {  	[sflag:s21] =	ssyncset.done $0x0  }
0xbd: {  	[sflag:s21] =	ssyncadd.s32 $0xFFFFC000  }
0xbe: {  	s16 =	simm.s32 $0x100;
	_ =	swait.ge [sflag:s22], $0x80  }
0xbf: {  	s11 =	sand.u32 $0x7C00, s16;
	[sflag:s22] =	ssyncset.done $0x0  }
0xc0: {  	s12 =	sand.u32 $0x300, s16;
	s13 =	sadd.s32 s10, s11;
	[sflag:s22] =	ssyncadd.s32 $0xFFFFFF80  }
0xc1: {  	s12 =	sor.u32 s13, s12;
	_ =	swait.ge [sflag:s14], $0x4000  }
0xc2: {  	s12 =	sor.u32 $0x80, s12;
	[sflag:s14] =	ssyncset.done $0x0  }
0xc3: {  	s16 =	simm.s32 $0x200;
	s12 =	sshrl.u32 s12, $0x3;
	[sflag:s14] =	ssyncadd.s32 $0xFFFFC000  }
0xc4: {  	[tilespmem:s23], [sflag:$0x2] =	stream.indirect.gather [hbm4b:s7+s28], $0x80, s28, s28, $0xb8;
	[tilespmem:$0x1C780] =	vst v63  }
0xc5: {  	s11 =	sand.u32 $0xFC00, s16;
	s12 =	sadd.s32 s6, s12  }
0xc6: {  	[tilespmem:s31], [sflag:$0x8] =	stream.linear.gather [hbm4b:s12+s5], $0x80, $0x38;
	[tilespmem:$0x1C780] =	vst v63  }
0xc7: {  	s13 =	sand.u32 $0x300, s16;
	s12 =	sadd.s32 s10, s11;
	_ =	swait.ge [sflag:s4], $0x80  }
0xc8: {  	s12 =	sor.u32 s13, s12;
	[sflag:s4] =	ssyncset.done $0x0  }
0xc9: {  	s12 =	sshrl.u32 s12, $0x3;
	[sflag:s4] =	ssyncadd.s32 $0xFFFFFF80  }
0xca: {  	[spmem:s2] =	stream.indirect.scatter.add.f32 [tilespmem:s15], [sflag:$0x3], $0x80, s26, s28, $0xb8;
	[tilespmem:$0x1C780] =	vst v63  }
0xcb: {  	s16 =	sadd.s32 s1, s12  }
0xcc: {  	[tilespmem:s5], [sflag:$0x5] =	stream.linear.gather [hbm4b:s16+s5], $0x80, $0x38;
	[tilespmem:$0x1C780] =	vst v63  }
0xcd: {  	_ =	swait.ge [sflag:s24], $0x4000  }
0xce: {  	[sflag:s24] =	ssyncset.done $0x0  }
0xcf: {  	[sflag:s24] =	ssyncadd.s32 $0xFFFFC000  }
0xd0: {  	_ =	swait.ge [sflag:s9], $0x80  }
0xd1: {  	[sflag:s9] =	ssyncset.done $0x0  }
0xd2: {  	[sflag:s9] =	ssyncadd.s32 $0xFFFFFF80  }
0xd3: {  	_ =	swait.ge [sflag:s0], $0x4000  }
0xd4: {  	[sflag:s0] =	ssyncset.done $0x0  }
0xd5: {  	s11 =	simm.s32 $0x280;
	[sflag:s0] =	ssyncadd.s32 $0xFFFFC000  }
0xd6: {  	[tilespmem:s15], [sflag:$0x1] =	stream.indirect.gather [hbm4b:s7+s28], $0x80, s5, s28, $0xb8;
	[tilespmem:$0x1C780] =	vst v63  }
0xd7: {  	s12 =	sadd.s32 s6, s12;
	s16 =	sand.u32 $0xFC00, s11  }
0xd8: {  	[tilespmem:s26], [sflag:$0x7] =	stream.linear.gather [hbm4b:s12+s5], $0x80, $0x38;
	[tilespmem:$0x1C780] =	vst v63  }
0xd9: {  	s13 =	sand.u32 $0x380, s11;
	s12 =	sadd.s32 s10, s16;
	_ =	swait.ge [sflag:s30], $0x80  }
0xda: {  	s12 =	sor.u32 s13, s12;
	[sflag:s30] =	ssyncset.done $0x0  }
0xdb: {  	s16 =	simm.s32 $0x380;
	s13 =	sshrl.u32 s12, $0x3;
	[sflag:s30] =	ssyncadd.s32 $0xFFFFFF80  }
.LBB2_4:
0xdc: {  	[spmem:s2] =	stream.indirect.scatter.add.f32 [tilespmem:s23], [sflag:$0x4], $0x80, s31, s28, $0xb8;
	[tilespmem:$0x1C780] =	vst v63  }
0xdd: {  	s12 =	smov.u32 s16  }
0xde: {  	p0 =	sne.s32 s16, $0x2880;
	s16 =	sadd.s32 $0x100, s16;
	s13 =	sadd.s32 s1, s13  }
0xdf: {  	[tilespmem:s28], [sflag:$0x6] =	stream.linear.gather [hbm4b:s13+s5], $0x80, $0x38;
	[tilespmem:$0x1C780] =	vst v63  }
0xe0: {  	_ =	swait.ge [sflag:s21], $0x4000  }
0xe1: {  	[sflag:s21] =	ssyncset.done $0x0  }
0xe2: {  	[sflag:s21] =	ssyncadd.s32 $0xFFFFC000  }
0xe3: {  	s13 =	sadd.s32 $0xFFFFFE80, s12;
	_ =	swait.ge [sflag:s22], $0x80  }
0xe4: {  	s11 =	sand.u32 $0x7C00, s13;
	[sflag:s22] =	ssyncset.done $0x0  }
0xe5: {  	s13 =	sand.u32 $0x300, s13;
	s11 =	sadd.s32 s10, s11;
	[sflag:s22] =	ssyncadd.s32 $0xFFFFFF80  }
0xe6: {  	s11 =	sor.u32 s11, s13;
	_ =	swait.ge [sflag:s14], $0x4000  }
0xe7: {  	s11 =	sor.u32 $0x80, s11;
	[sflag:s14] =	ssyncset.done $0x0  }
0xe8: {  	s11 =	sshrl.u32 s11, $0x3;
	[sflag:s14] =	ssyncadd.s32 $0xFFFFC000  }
0xe9: {  	[tilespmem:s23], [sflag:$0x2] =	stream.indirect.gather [hbm4b:s7+s28], $0x80, s28, s28, $0xb8;
	[tilespmem:$0x1C780] =	vst v63  }
0xea: {  	s13 =	sadd.s32 $0xFFFFFF80, s12;
	s11 =	sadd.s32 s6, s11  }
0xeb: {  	[tilespmem:s31], [sflag:$0x8] =	stream.linear.gather [hbm4b:s11+s5], $0x80, $0x38;
	[tilespmem:$0x1C780] =	vst v63  }
0xec: {  	s11 =	sand.u32 $0xFC00, s13;
	_ =	swait.ge [sflag:s4], $0x80  }
0xed: {  	s13 =	sand.u32 $0x300, s13;
	s11 =	sadd.s32 s10, s11;
	[sflag:s4] =	ssyncset.done $0x0  }
0xee: {  	s11 =	sor.u32 s13, s11;
	[sflag:s4] =	ssyncadd.s32 $0xFFFFFF80  }
0xef: {  	[spmem:s2] =	stream.indirect.scatter.add.f32 [tilespmem:s15], [sflag:$0x3], $0x80, s26, s28, $0xb8;
	[tilespmem:$0x1C780] =	vst v63  }
0xf0: {  	s11 =	sshrl.u32 s11, $0x3  }
0xf1: {  	s13 =	sadd.s32 s1, s11  }
0xf2: {  	[tilespmem:s5], [sflag:$0x5] =	stream.linear.gather [hbm4b:s13+s5], $0x80, $0x38;
	[tilespmem:$0x1C780] =	vst v63  }
0xf3: {  	_ =	swait.ge [sflag:s24], $0x4000  }
0xf4: {  	[sflag:s24] =	ssyncset.done $0x0  }
0xf5: {  	[sflag:s24] =	ssyncadd.s32 $0xFFFFC000  }
0xf6: {  	_ =	swait.ge [sflag:s9], $0x80  }
0xf7: {  	[sflag:s9] =	ssyncset.done $0x0  }
0xf8: {  	[sflag:s9] =	ssyncadd.s32 $0xFFFFFF80  }
0xf9: {  	_ =	swait.ge [sflag:s0], $0x4000  }
0xfa: {  	[sflag:s0] =	ssyncset.done $0x0  }
0xfb: {  	s11 =	sadd.s32 s6, s11;
	[sflag:s0] =	ssyncadd.s32 $0xFFFFC000  }
0xfc: {  	[tilespmem:s15], [sflag:$0x1] =	stream.indirect.gather [hbm4b:s7+s28], $0x80, s5, s28, $0xb8;
	[tilespmem:$0x1C780] =	vst v63  }
.Ltmp1:
0xfd: {  	s13 =	sand.u32 $0xFC00, s12;
	(pc) =	sbr.rel @p0 .LBB2_4-.Ltmp1, $4  }
0xfe: {  	[tilespmem:s26], [sflag:$0x7] =	stream.linear.gather [hbm4b:s11+s5], $0x80, $0x38;
	[tilespmem:$0x1C780] =	vst v63  }
0xff: {  	s12 =	sand.u32 $0x380, s12;
	s11 =	sadd.s32 s10, s13;
	_ =	swait.ge [sflag:s30], $0x80  }
0x100: {  	s11 =	sor.u32 s12, s11;
	[sflag:s30] =	ssyncset.done $0x0  }
0x101: {  	s13 =	sshrl.u32 s11, $0x3;
	[sflag:s30] =	ssyncadd.s32 $0xFFFFFF80  }
0x102: {  	[spmem:s2] =	stream.indirect.scatter.add.f32 [tilespmem:s23], [sflag:$0x4], $0x80, s31, s28, $0xb8;
	[tilespmem:$0x1C780] =	vst v63  }
0x103: {  	s11 =	sadd.s32 s1, s13  }
0x104: {  	[tilespmem:s28], [sflag:$0x6] =	stream.linear.gather [hbm4b:s11+s5], $0x80, $0x38;
	[tilespmem:$0x1C780] =	vst v63  }
0x105: {  	_ =	swait.ge [sflag:s21], $0x4000  }
0x106: {  	[sflag:s21] =	ssyncset.done $0x0  }
0x107: {  	[sflag:s21] =	ssyncadd.s32 $0xFFFFC000  }
0x108: {  	_ =	swait.ge [sflag:s22], $0x80  }
0x109: {  	[sflag:s22] =	ssyncset.done $0x0  }
0x10a: {  	[sflag:s22] =	ssyncadd.s32 $0xFFFFFF80  }
0x10b: {  	_ =	swait.ge [sflag:s4], $0x80  }
0x10c: {  	[sflag:s4] =	ssyncset.done $0x0  }
0x10d: {  	[sflag:s4] =	ssyncadd.s32 $0xFFFFFF80  }
0x10e: {  	_ =	swait.ge [sflag:s14], $0x4000  }
0x10f: {  	[sflag:s14] =	ssyncset.done $0x0  }
0x110: {  	[sflag:s14] =	ssyncadd.s32 $0xFFFFC000  }
0x111: {  	[bflag:$0x0] =	sbarrier.arrive $0xFFFF  }
0x112: {  	s20 =	sor.u32 $0x1C09, s20;
	s12 =	simm.s32 $0x9;
	s16 =	rddreg [dreg:$0x10]  }
0x113: {  	[hbm:s16], [sflag:s20] =	dma.local [spmem:s18], $0x2800  }
0x114: {  	_ =	swait.ge [sflag:s12], $0x2800  }
0x115: {  	[sflag:s12] =	ssyncset.done $0x0  }
0x116: {  	s13 =	rddreg [dreg:$0x5];
	[sflag:s12] =	ssyncadd.s32 $0xFFFFD800  }
0x117: {  	[spmem:s18], [sflag:s19] =	dma.local [hbm:s13], $0x2800  }
0x118: {  	_ =	swait.ge [sflag:s25], $0x2800  }
0x119: {  	[sflag:s25] =	ssyncset.done $0x0  }
0x11a: {  	[sflag:s25] =	ssyncadd.s32 $0xFFFFD800  }
0x11b: {  	[bflag:$0x0] =	sbarrier.arrive $0xFFFF  }
0x11c: {  	s16 =	rddreg [dreg:$0xb]  }
0x11d: {  	[tilespmem:s5], [sflag:$0xA] =	stream.linear.gather [hbm4b:s16+s5], $0x80, $0x38;
	[tilespmem:$0x1C780] =	vst v63  }
0x11e: {  	_ =	swait.ge [sflag:s25], $0x80  }
0x11f: {  	[sflag:s25] =	ssyncset.done $0x0  }
0x120: {  	s19 =	rddreg [dreg:$0x7];
	[sflag:s25] =	ssyncadd.s32 $0xFFFFFF80  }
0x121: {  	[tilespmem:s26], [sflag:$0xA] =	stream.linear.gather [hbm4b:s19+s5], $0x80, $0x38;
	[tilespmem:$0x1C780] =	vst v63  }
0x122: {  	_ =	swait.ge [sflag:s25], $0x80  }
0x123: {  	[sflag:s25] =	ssyncset.done $0x0  }
0x124: {  	[sflag:s25] =	ssyncadd.s32 $0xFFFFFF80  }
0x125: {  	[tilespmem:s15], [sflag:$0x1] =	stream.indirect.gather [hbm4b:s8+s28], $0x80, s5, s28, $0xb8;
	[tilespmem:$0x1C780] =	vst v63  }
0x126: {  	s12 =	rddreg [dreg:$0xc]  }
0x127: {  	[tilespmem:s28], [sflag:$0x6] =	stream.linear.gather [hbm4b:s12+s5], $0x80, $0x38;
	[tilespmem:$0x1C780] =	vst v63  }
0x128: {  	_ =	swait.ge [sflag:s21], $0x4000  }
0x129: {  	[sflag:s21] =	ssyncset.done $0x0  }
0x12a: {  	[sflag:s21] =	ssyncadd.s32 $0xFFFFC000  }
0x12b: {  	_ =	swait.ge [sflag:s22], $0x80  }
0x12c: {  	[sflag:s22] =	ssyncset.done $0x0  }
0x12d: {  	[sflag:s22] =	ssyncadd.s32 $0xFFFFFF80  }
0x12e: {  	[tilespmem:s23], [sflag:$0x2] =	stream.indirect.gather [hbm4b:s8+s28], $0x80, s28, s28, $0xb8;
	[tilespmem:$0x1C780] =	vst v63  }
0x12f: {  	s13 =	rddreg [dreg:$0x8]  }
0x130: {  	[tilespmem:s31], [sflag:$0x8] =	stream.linear.gather [hbm4b:s13+s5], $0x80, $0x38;
	[tilespmem:$0x1C780] =	vst v63  }
0x131: {  	_ = 	snop  }
0x132: {  	[spmem:s2] =	stream.indirect.scatter.add.f32 [tilespmem:s15], [sflag:$0x3], $0x80, s26, s28, $0xb8;
	[tilespmem:$0x1C780] =	vst v63  }
0x133: {  	s16 =	rddreg [dreg:$0xd]  }
0x134: {  	[tilespmem:s5], [sflag:$0x5] =	stream.linear.gather [hbm4b:s16+s5], $0x80, $0x38;
	[tilespmem:$0x1C780] =	vst v63  }
0x135: {  	_ =	swait.ge [sflag:s24], $0x4000  }
0x136: {  	[sflag:s24] =	ssyncset.done $0x0  }
0x137: {  	[sflag:s24] =	ssyncadd.s32 $0xFFFFC000  }
0x138: {  	_ =	swait.ge [sflag:s9], $0x80  }
0x139: {  	[sflag:s9] =	ssyncset.done $0x0  }
0x13a: {  	[sflag:s9] =	ssyncadd.s32 $0xFFFFFF80  }
0x13b: {  	_ =	swait.ge [sflag:s0], $0x4000  }
0x13c: {  	[sflag:s0] =	ssyncset.done $0x0  }
0x13d: {  	[sflag:s0] =	ssyncadd.s32 $0xFFFFC000  }
0x13e: {  	[tilespmem:s15], [sflag:$0x1] =	stream.indirect.gather [hbm4b:s8+s28], $0x80, s5, s28, $0xb8;
	[tilespmem:$0x1C780] =	vst v63  }
0x13f: {  	s19 =	rddreg [dreg:$0xe]  }
0x140: {  	[tilespmem:s26], [sflag:$0x7] =	stream.linear.gather [hbm4b:s19+s5], $0x80, $0x38;
	[tilespmem:$0x1C780] =	vst v63  }
0x141: {  	_ =	swait.ge [sflag:s30], $0x80  }
0x142: {  	[sflag:s30] =	ssyncset.done $0x0  }
0x143: {  	[sflag:s30] =	ssyncadd.s32 $0xFFFFFF80  }
0x144: {  	[spmem:s2] =	stream.indirect.scatter.add.f32 [tilespmem:s23], [sflag:$0x4], $0x80, s31, s28, $0xb8;
	[tilespmem:$0x1C780] =	vst v63  }
0x145: {  	s12 =	rddreg [dreg:$0xf]  }
0x146: {  	[tilespmem:s28], [sflag:$0x6] =	stream.linear.gather [hbm4b:s12+s5], $0x80, $0x38;
	[tilespmem:$0x1C780] =	vst v63  }
0x147: {  	_ =	swait.ge [sflag:s21], $0x4000  }
0x148: {  	[sflag:s21] =	ssyncset.done $0x0  }
0x149: {  	[sflag:s21] =	ssyncadd.s32 $0xFFFFC000  }
0x14a: {  	s13 =	simm.s32 $0x100;
	_ =	swait.ge [sflag:s22], $0x80  }
0x14b: {  	s12 =	sand.u32 $0x7C00, s13;
	[sflag:s22] =	ssyncset.done $0x0  }
0x14c: {  	s11 =	sand.u32 $0x300, s13;
	s12 =	sadd.s32 s10, s12;
	[sflag:s22] =	ssyncadd.s32 $0xFFFFFF80  }
0x14d: {  	s11 =	sor.u32 s12, s11;
	_ =	swait.ge [sflag:s14], $0x4000  }
0x14e: {  	s11 =	sor.u32 $0x80, s11;
	[sflag:s14] =	ssyncset.done $0x0  }
0x14f: {  	s16 =	simm.s32 $0x200;
	s11 =	sshrl.u32 s11, $0x3;
	[sflag:s14] =	ssyncadd.s32 $0xFFFFC000  }
0x150: {  	[tilespmem:s23], [sflag:$0x2] =	stream.indirect.gather [hbm4b:s8+s28], $0x80, s28, s28, $0xb8;
	[tilespmem:$0x1C780] =	vst v63  }
0x151: {  	s19 =	sand.u32 $0xFC00, s16;
	s11 =	sadd.s32 s6, s11  }
0x152: {  	[tilespmem:s31], [sflag:$0x8] =	stream.linear.gather [hbm4b:s11+s5], $0x80, $0x38;
	[tilespmem:$0x1C780] =	vst v63  }
0x153: {  	s12 =	sand.u32 $0x300, s16;
	s11 =	sadd.s32 s10, s19;
	_ =	swait.ge [sflag:s4], $0x80  }
0x154: {  	s11 =	sor.u32 s12, s11;
	[sflag:s4] =	ssyncset.done $0x0  }
0x155: {  	s11 =	sshrl.u32 s11, $0x3;
	[sflag:s4] =	ssyncadd.s32 $0xFFFFFF80  }
0x156: {  	[spmem:s2] =	stream.indirect.scatter.add.f32 [tilespmem:s15], [sflag:$0x3], $0x80, s26, s28, $0xb8;
	[tilespmem:$0x1C780] =	vst v63  }
0x157: {  	s13 =	sadd.s32 s1, s11  }
0x158: {  	[tilespmem:s5], [sflag:$0x5] =	stream.linear.gather [hbm4b:s13+s5], $0x80, $0x38;
	[tilespmem:$0x1C780] =	vst v63  }
0x159: {  	_ =	swait.ge [sflag:s24], $0x4000  }
0x15a: {  	[sflag:s24] =	ssyncset.done $0x0  }
0x15b: {  	[sflag:s24] =	ssyncadd.s32 $0xFFFFC000  }
0x15c: {  	_ =	swait.ge [sflag:s9], $0x80  }
0x15d: {  	[sflag:s9] =	ssyncset.done $0x0  }
0x15e: {  	[sflag:s9] =	ssyncadd.s32 $0xFFFFFF80  }
0x15f: {  	_ =	swait.ge [sflag:s0], $0x4000  }
0x160: {  	[sflag:s0] =	ssyncset.done $0x0  }
0x161: {  	s16 =	simm.s32 $0x280;
	[sflag:s0] =	ssyncadd.s32 $0xFFFFC000  }
0x162: {  	[tilespmem:s15], [sflag:$0x1] =	stream.indirect.gather [hbm4b:s8+s28], $0x80, s5, s28, $0xb8;
	[tilespmem:$0x1C780] =	vst v63  }
0x163: {  	s19 =	sand.u32 $0xFC00, s16;
	s11 =	sadd.s32 s6, s11  }
0x164: {  	[tilespmem:s26], [sflag:$0x7] =	stream.linear.gather [hbm4b:s11+s5], $0x80, $0x38;
	[tilespmem:$0x1C780] =	vst v63  }
0x165: {  	s12 =	sand.u32 $0x380, s16;
	s11 =	sadd.s32 s10, s19;
	_ =	swait.ge [sflag:s30], $0x80  }
0x166: {  	s11 =	sor.u32 s12, s11;
	[sflag:s30] =	ssyncset.done $0x0  }
0x167: {  	s16 =	simm.s32 $0x380;
	s13 =	sshrl.u32 s11, $0x3;
	[sflag:s30] =	ssyncadd.s32 $0xFFFFFF80  }
.LBB2_6:
0x168: {  	[spmem:s2] =	stream.indirect.scatter.add.f32 [tilespmem:s23], [sflag:$0x4], $0x80, s31, s28, $0xb8;
	[tilespmem:$0x1C780] =	vst v63  }
0x169: {  	s12 =	smov.u32 s16  }
0x16a: {  	p0 =	sne.s32 s16, $0x2880;
	s16 =	sadd.s32 $0x100, s16;
	s11 =	sadd.s32 s1, s13  }
0x16b: {  	[tilespmem:s28], [sflag:$0x6] =	stream.linear.gather [hbm4b:s11+s5], $0x80, $0x38;
	[tilespmem:$0x1C780] =	vst v63  }
0x16c: {  	_ =	swait.ge [sflag:s21], $0x4000  }
0x16d: {  	[sflag:s21] =	ssyncset.done $0x0  }
0x16e: {  	[sflag:s21] =	ssyncadd.s32 $0xFFFFC000  }
0x16f: {  	s11 =	sadd.s32 $0xFFFFFE80, s12;
	_ =	swait.ge [sflag:s22], $0x80  }
0x170: {  	s13 =	sand.u32 $0x7C00, s11;
	[sflag:s22] =	ssyncset.done $0x0  }
0x171: {  	s11 =	sand.u32 $0x300, s11;
	s13 =	sadd.s32 s10, s13;
	[sflag:s22] =	ssyncadd.s32 $0xFFFFFF80  }
0x172: {  	s11 =	sor.u32 s13, s11;
	_ =	swait.ge [sflag:s14], $0x4000  }
0x173: {  	s11 =	sor.u32 $0x80, s11;
	[sflag:s14] =	ssyncset.done $0x0  }
0x174: {  	s11 =	sshrl.u32 s11, $0x3;
	[sflag:s14] =	ssyncadd.s32 $0xFFFFC000  }
0x175: {  	[tilespmem:s23], [sflag:$0x2] =	stream.indirect.gather [hbm4b:s8+s28], $0x80, s28, s28, $0xb8;
	[tilespmem:$0x1C780] =	vst v63  }
0x176: {  	s13 =	sadd.s32 $0xFFFFFF80, s12;
	s11 =	sadd.s32 s6, s11  }
0x177: {  	[tilespmem:s31], [sflag:$0x8] =	stream.linear.gather [hbm4b:s11+s5], $0x80, $0x38;
	[tilespmem:$0x1C780] =	vst v63  }
0x178: {  	s11 =	sand.u32 $0xFC00, s13;
	_ =	swait.ge [sflag:s4], $0x80  }
0x179: {  	s13 =	sand.u32 $0x300, s13;
	s11 =	sadd.s32 s10, s11;
	[sflag:s4] =	ssyncset.done $0x0  }
0x17a: {  	s11 =	sor.u32 s13, s11;
	[sflag:s4] =	ssyncadd.s32 $0xFFFFFF80  }
0x17b: {  	[spmem:s2] =	stream.indirect.scatter.add.f32 [tilespmem:s15], [sflag:$0x3], $0x80, s26, s28, $0xb8;
	[tilespmem:$0x1C780] =	vst v63  }
0x17c: {  	s11 =	sshrl.u32 s11, $0x3  }
0x17d: {  	s13 =	sadd.s32 s1, s11  }
0x17e: {  	[tilespmem:s5], [sflag:$0x5] =	stream.linear.gather [hbm4b:s13+s5], $0x80, $0x38;
	[tilespmem:$0x1C780] =	vst v63  }
0x17f: {  	_ =	swait.ge [sflag:s24], $0x4000  }
0x180: {  	[sflag:s24] =	ssyncset.done $0x0  }
0x181: {  	[sflag:s24] =	ssyncadd.s32 $0xFFFFC000  }
0x182: {  	_ =	swait.ge [sflag:s9], $0x80  }
0x183: {  	[sflag:s9] =	ssyncset.done $0x0  }
0x184: {  	[sflag:s9] =	ssyncadd.s32 $0xFFFFFF80  }
0x185: {  	_ =	swait.ge [sflag:s0], $0x4000  }
0x186: {  	[sflag:s0] =	ssyncset.done $0x0  }
0x187: {  	s11 =	sadd.s32 s6, s11;
	[sflag:s0] =	ssyncadd.s32 $0xFFFFC000  }
0x188: {  	[tilespmem:s15], [sflag:$0x1] =	stream.indirect.gather [hbm4b:s8+s28], $0x80, s5, s28, $0xb8;
	[tilespmem:$0x1C780] =	vst v63  }
.Ltmp2:
0x189: {  	s13 =	sand.u32 $0xFC00, s12;
	(pc) =	sbr.rel @p0 .LBB2_6-.Ltmp2, $4  }
0x18a: {  	[tilespmem:s26], [sflag:$0x7] =	stream.linear.gather [hbm4b:s11+s5], $0x80, $0x38;
	[tilespmem:$0x1C780] =	vst v63  }
0x18b: {  	s12 =	sand.u32 $0x380, s12;
	s11 =	sadd.s32 s10, s13;
	_ =	swait.ge [sflag:s30], $0x80  }
0x18c: {  	s11 =	sor.u32 s12, s11;
	[sflag:s30] =	ssyncset.done $0x0  }
0x18d: {  	s13 =	sshrl.u32 s11, $0x3;
	[sflag:s30] =	ssyncadd.s32 $0xFFFFFF80  }
0x18e: {  	[spmem:s2] =	stream.indirect.scatter.add.f32 [tilespmem:s23], [sflag:$0x4], $0x80, s31, s28, $0xb8;
	[tilespmem:$0x1C780] =	vst v63  }
0x18f: {  	s11 =	sadd.s32 s1, s13  }
0x190: {  	[tilespmem:s28], [sflag:$0x6] =	stream.linear.gather [hbm4b:s11+s5], $0x80, $0x38;
	[tilespmem:$0x1C780] =	vst v63  }
0x191: {  	_ =	swait.ge [sflag:s21], $0x4000  }
0x192: {  	[sflag:s21] =	ssyncset.done $0x0  }
0x193: {  	[sflag:s21] =	ssyncadd.s32 $0xFFFFC000  }
0x194: {  	_ =	swait.ge [sflag:s22], $0x80  }
0x195: {  	[sflag:s22] =	ssyncset.done $0x0  }
0x196: {  	[sflag:s22] =	ssyncadd.s32 $0xFFFFFF80  }
0x197: {  	_ =	swait.ge [sflag:s4], $0x80  }
0x198: {  	[sflag:s4] =	ssyncset.done $0x0  }
0x199: {  	[sflag:s4] =	ssyncadd.s32 $0xFFFFFF80  }
0x19a: {  	_ =	swait.ge [sflag:s14], $0x4000  }
0x19b: {  	[sflag:s14] =	ssyncset.done $0x0  }
0x19c: {  	[sflag:s14] =	ssyncadd.s32 $0xFFFFC000  }
0x19d: {  	[bflag:$0x0] =	sbarrier.arrive $0xFFFF  }
0x19e: {  	s12 =	simm.s32 $0x9;
	s19 =	rddreg [dreg:$0x11]  }
0x19f: {  	[hbm:s19], [sflag:s20] =	dma.local [spmem:s18], $0x2800  }
0x1a0: {  	_ =	swait.ge [sflag:s12], $0x2800  }
0x1a1: {  	s17 =	sadd.s32 $0x1, s17;
	s20 =	rddreg [dreg:$0x12]  }
0x1a2: {  	p0 =	sne.s32 s17, s20  }
.Ltmp3:
0x1a3: {  	_ = 	snop;
	(pc) =	sbr.rel @p0 .LBB2_1-.Ltmp3, $3  }
0x1a4: {  	_ =	sdelay $0x1  }
0x1a5: {  	[sflag:s12] =	ssyncset.done $0x0  }
0x1a6: {  	s19 =	rddreg [dreg:$0x6];
	[sflag:s12] =	ssyncadd.s32 $0xFFFFD800;
	s20 =	simm.s32 $0x1C280  }
0x1a7: {  	_ =	sfence.sel $0x180000  }
0x1a8: {  	[bflag:$0x0] =	sbarrier.arrive $0xFFFF  }
0x1a9: {  	_ =	strace $0x90000047  }
0x1aa: {  	s0 =	stileid.u32;
	[bflag:$0x2] =	sbarrier.arrive $0xFFFF  }
0x1ab: {  	p0 =	sne.s32 s0, $0x0;
	s0 =	rddreg [dreg:$0x4]  }
0x1ac: {  	s0 =	sadd.s32 @!p0 $0x100000, s0  }
0x1ad: {  	[sflag:s0] =	ssyncadd.tile.s32 @!p0 $0x1;
	_ =	shalt  }
.Lfunc_end2:
_tile_overlayer_lowered:
.L_overlay_start_2:
0x1ae: {  	(tag) =	ssettag $0x2  }
0x1af: {  	s0 =	rddreg [dreg:$0x0];
	s2 =	stileid.u32  }
0x1b0: {  	s1 =	rddreg [dreg:$0x1];
	p0 =	sne.s32 s2, $0x0  }
0x1b1: {  	s3 =	rddreg [dreg:$0x2];
	[bflag:$0x3] =	sbarrier.arrive $0xFFFF;
	s2 =	simm.s32 @!p0 $0x1C0A  }
0x1b2: {  	[timem:s3], [sflag:s2] =	dma.local @!p0 [hbm:s0], s1  }
0x1b3: {  	s0 =	simm.s32 @!p0 $0xA  }
0x1b4: {  	_ =	swait.ge @!p0 [sflag:s0], s1  }
0x1b5: {  	s1 =	ssub.s32 @!p0 $0x0, s1;
	[sflag:s0] =	ssyncset.done @!p0 $0x0  }
0x1b6: {  	[sflag:s0] =	ssyncadd.s32 @!p0 s1  }
0x1b7: {  	[bflag:$0x3] =	sbarrier.arrive $0xFFFF  }
0x1b8: {  	_ =	shalt  }

// kernel: kernel.14.cloned.1.call-start
scs
__scs_entry_jumppad:
0x0: {  	(pc) =	sbr.rel $0x88, $3  }
0x1: {  	(tag) =	ssettag $0x0;
	lr =	simm.s32 $0x1  }
0x2: {  	[smem:$0x3F85] =	sst lr;
	_ =	strace $0xD0000000  }
0x3: {  	_ = 	snop  }
0x4: {  	_ = 	snop  }
0x5: {  	_ = 	snop  }
0x6: {  	_ = 	snop  }
0x7: {  	_ = 	snop  }
__scs_overlays_trampoline_lowered:
0x8: {  	[smem:$0x3F94] =	sst s0  }
0x9: {  	[smem:$0x3F95] =	sst s1  }
0xa: {  	[smem:$0x3F96] =	sst s2  }
0xb: {  	[smem:$0x3F97] =	sst s3  }
0xc: {  	[smem:$0x3F98] =	sst s4  }
0xd: {  	[smem:$0x3F99] =	sst s5  }
0xe: {  	[smem:$0x3F9A] =	sst s6  }
0xf: {  	[smem:$0x3F9B] =	sst s7  }
0x10: {  	[smem:$0x3F9C] =	sst s8  }
0x11: {  	[smem:$0x3F9D] =	sst s9;
	s0 =	simm.s32 @!p0 $0x0  }
0x12: {  	s1 =	sld [smem:$0x3F83];
	s0 =	simm.s32 @p0 $0x1  }
0x13: {  	[smem:$0x3F9E] =	sst s0;
	s0 =	simm.s32 @!p1 $0x0  }
0x14: {  	s2 =	sld [smem:$0x3F82];
	s0 =	simm.s32 @p1 $0x1  }
0x15: {  	[smem:$0x3F9F] =	sst s0;
	s0 =	simm.s32 @!p2 $0x0  }
0x16: {  	s3 =	sld [smem:$0x3FDB];
	s0 =	simm.s32 @p2 $0x1  }
0x17: {  	s4 =	simm.s32 $0x1BF5;
	[smem:$0x3FA1] =	sst s0  }
0x18: {  	s0 =	sld [smem:$0x3F84];
	_ =	swait.ge [sflag:s4], $0x0  }
0x19: {  	s7 =	sld [smem:$0x3F85]  }
0x1a: {  	s8 =	sadd.s32 $0xFFFFE003, lr  }
0x1b: {  	s9 =	sadd.s32 $0xFFFFFEF7, lr;
	s5 =	simm.s32 $0xFFFFFFFF;
	p2 =	slt.u32 s8, $0xFFFFF086  }
0x1c: {  	p1 =	slt.u32 s9, $0xF7A;
	s5 =	simm.s32 @!p2 $0x0  }
0x1d: {  	s5 =	simm.s32 @p1 $0x1;
	p0 =	seq.s32 s7, s2  }
0x1e: {  	s7 =	smul.u32 @!p0 $0xF7A, s2;
	p2 =	seq.s32 @!p0 s5, $0x0  }
0x1f: {  	s9 =	smul.u32 $0xF7A, s1;
	s8 =	simm.s32 @!p0 $0x1BF5;
	p2 =	por !p2, p0  }
0x20: {  	[sflag:s8] =	ssyncset.s32 @!p0 $0xFFFFF086;
	s6 =	sadd.s32 @!p0 s3, s7;
	s7 =	simm.s32 @!p0 $0x108  }
0x21: {  	s3 =	sadd.s32 s3, s9;
	s6 =	sadd.s32 @!p0 $0x88, s6;
	s7 =	simm.s32 @p2 $0x1082  }
0x22: {  	[simem:s7], [sflag:s8] =	dma.local @!p0 [hbm:s6], $0xF7A  }
0x23: {  	s9 =	sor.u32 $0xD0000000, s2;
	s6 =	simm.s32 $0x108;
	_ =	swait.ge @!p0 [sflag:s8], $0x0  }
0x24: {  	s3 =	sadd.s32 $0x88, s3;
	s6 =	simm.s32 @!p1 $0x1082;
	[sflag:s4] =	ssyncset.s32 $0xFFFFF086  }
0x25: {  	[simem:s6], [sflag:s4] =	dma.local [hbm:s3], $0xF7A  }
0x26: {  	[smem:$0x3F85] =	sst s1;
	(tag) =	ssettag s2;
	_ =	strace s9  }
0x27: {  	s1 =	sld [smem:$0x3F95]  }
0x28: {  	s2 =	sld [smem:$0x3F96]  }
0x29: {  	s4 =	sld [smem:$0x3F98]  }
0x2a: {  	p0 =	seq.s32 s5, $0x0;
	s5 =	sld [smem:$0x3F99]  }
0x2b: {  	s6 =	sld [smem:$0x3F9A]  }
0x2c: {  	s7 =	sld [smem:$0x3F9B]  }
0x2d: {  	s3 =	simm.s32 $0x108;
	s8 =	sld [smem:$0x3F9C]  }
0x2e: {  	s3 =	simm.s32 @!p0 $0x1082;
	s9 =	sld [smem:$0x3F9D]  }
0x2f: {  	lr =	sadd.s32 s0, s3;
	s0 =	sld [smem:$0x3F94]  }
0x30: {  	s3 =	sld [smem:$0x3F97]  }
0x31: {  	[smem:$0x3FA0] =	sst s10  }
0x32: {  	s10 =	sld [smem:$0x3F9E];
	_ =	sdelay $0x3  }
0x33: {  	p0 =	seq.s32 s10, $0x1;
	s10 =	sld [smem:$0x3FA0];
	_ =	sdelay $0x3  }
0x34: {  	[smem:$0x3FA0] =	sst s10  }
0x35: {  	s10 =	sld [smem:$0x3F9F];
	_ =	sdelay $0x3  }
0x36: {  	p1 =	seq.s32 s10, $0x1;
	s10 =	sld [smem:$0x3FA0];
	_ =	sdelay $0x3  }
0x37: {  	[smem:$0x3FA0] =	sst s10  }
0x38: {  	s10 =	sld [smem:$0x3FA1]  }
0x39: {  	_ = 	snop;
	(pc) =	sbr.ind lr, $3  }
0x3a: {  	_ = 	snop  }
0x3b: {  	_ = 	snop  }
0x3c: {  	p2 =	seq.s32 s10, $0x1;
	s10 =	sld [smem:$0x3FA0]  }
0x3d: {  	_ =	shalt  }
0x3e: {  	_ =	shalt  }
0x3f: {  	_ =	shalt  }
0x40: {  	_ =	shalt  }
0x41: {  	_ =	shalt  }
0x42: {  	_ =	shalt  }
0x43: {  	_ =	shalt  }
0x44: {  	_ =	shalt  }
0x45: {  	_ =	shalt  }
0x46: {  	_ =	shalt  }
0x47: {  	_ =	shalt  }
0x48: {  	_ =	shalt  }
0x49: {  	_ =	shalt  }
0x4a: {  	_ =	shalt  }
0x4b: {  	_ =	shalt  }
0x4c: {  	_ =	shalt  }
0x4d: {  	_ =	shalt  }
0x4e: {  	_ =	shalt  }
0x4f: {  	_ =	shalt  }
0x50: {  	_ =	shalt  }
0x51: {  	_ =	shalt  }
0x52: {  	_ =	shalt  }
0x53: {  	_ =	shalt  }
0x54: {  	_ =	shalt  }
0x55: {  	_ =	shalt  }
0x56: {  	_ =	shalt  }
0x57: {  	_ =	shalt  }
0x58: {  	_ =	shalt  }
0x59: {  	_ =	shalt  }
0x5a: {  	_ =	shalt  }
0x5b: {  	_ =	shalt  }
0x5c: {  	_ =	shalt  }
0x5d: {  	_ =	shalt  }
0x5e: {  	_ =	shalt  }
0x5f: {  	_ =	shalt  }
0x60: {  	_ =	shalt  }
0x61: {  	_ =	shalt  }
0x62: {  	_ =	shalt  }
0x63: {  	_ =	shalt  }
0x64: {  	_ =	shalt  }
0x65: {  	_ =	shalt  }
0x66: {  	_ =	shalt  }
0x67: {  	_ =	shalt  }
0x68: {  	_ =	shalt  }
0x69: {  	_ =	shalt  }
0x6a: {  	_ =	shalt  }
0x6b: {  	_ =	shalt  }
0x6c: {  	_ =	shalt  }
0x6d: {  	_ =	shalt  }
0x6e: {  	_ =	shalt  }
0x6f: {  	_ =	shalt  }
0x70: {  	_ =	shalt  }
0x71: {  	_ =	shalt  }
0x72: {  	_ =	shalt  }
0x73: {  	_ =	shalt  }
0x74: {  	_ =	shalt  }
0x75: {  	_ =	shalt  }
0x76: {  	_ =	shalt  }
0x77: {  	_ =	shalt  }
0x78: {  	_ =	shalt  }
0x79: {  	_ =	shalt  }
0x7a: {  	_ =	shalt  }
0x7b: {  	_ =	shalt  }
0x7c: {  	_ =	shalt  }
0x7d: {  	_ =	shalt  }
0x7e: {  	_ =	shalt  }
0x7f: {  	_ =	shalt  }
0x80: {  	_ =	shalt  }
0x81: {  	_ =	shalt  }
0x82: {  	_ =	shalt  }
0x83: {  	_ =	shalt  }
0x84: {  	_ =	shalt  }
0x85: {  	_ =	shalt  }
0x86: {  	_ =	shalt  }
0x87: {  	_ =	shalt  }
.Lfunc_end0:
.L_simem_size_0:
called_computation.1_lowered:
.L_overlay_start_0:
0x88: {  	s2 =	sld [smem:$0x3FD9]  }
0x89: {  	s3 =	sld [smem:$0x3FFE];
	_ =	sdelay $0x1  }
0x8a: {  	s1 =	srdreg.scid  }
0x8b: {  	s0 =	sand.u32 $0x1, s1  }
0x8c: {  	s14 =	sshll.u32 s0, $0xA;
	s2 =	sadd.s32 s3, s2  }
0x8d: {  	s2 =	sadd.s32 s2, s14  }
0x8e: {  	[smem:$0x3FAC] =	sst s2  }
0x8f: {  	_ = 	snop  }
0x90: {  	s2 =	sld [smem:$0x3FD0];
	_ =	sdelay $0x2  }
0x91: {  	s15 =	simm.s32 $0xA;
	s4 =	simm.s32 $0x10  }
0x92: {  	[smem:s4], [sflag:s15] =	dma.local [hbm:s2], $0x1  }
0x93: {  	_ =	swait.eq [sflag:s15], $0x1  }
0x94: {  	[sflag:s15] =	ssyncset.done $0x0  }
0x95: {  	[sflag:s15] =	ssyncadd.s32 $0xFFFFFFFF  }
0x96: {  	s16 =	sld [smem:$0x13];
	(tm) =	ssettm $0x1  }
0x97: {  	s17 =	sld [smem:$0x3FFB];
	_ =	sdelay $0x3  }
0x98: {  	_ =	strace s17  }
0x99: {  	s3 =	sld [smem:$0x3FFC];
	_ =	sdelay $0x3  }
0x9a: {  	_ =	strace s3  }
0x9b: {  	s3 =	sld [smem:$0x3FFD];
	_ =	sdelay $0x3  }
0x9c: {  	_ =	strace s3  }
0x9d: {  	_ =	strace $0x8FFFFFFF  }
0x9e: {  	s18 =	sld [smem:$0x3FDB];
	_ =	sdelay $0x1  }
0x9f: {  	s19 =	simm.s32 $_scs_section_size  }
0xa0: {  	s5 =	simm.s32 $_size__tile_overlayer_lowered;
	s6 =	simm.s32 $_tile_overlayer_lowered  }
0xa1: {  	s22 =	simm.s32 $0x1BFF;
	s21 =	sshll.u32 s6, $0x1;
	s3 =	sadd.s32 s19, s18  }
0xa2: {  	s7 =	simm.s32 $0x0;
	s20 =	sshll.u32 s5, $0x1;
	s5 =	sadd.s32 s21, s3  }
0xa3: {  	[timem:s7], [sflag:s22] =	dma.local [hbm:s5], s20  }
0xa4: {  	_ =	swait.ge [sflag:s22], s20  }
0xa5: {  	s4 =	ssub.s32 $0x0, s20;
	[sflag:s22] =	ssyncset.done $0x0  }
0xa6: {  	[sflag:s22] =	ssyncadd.s32 s4;
	_ =	sdelay $0x1  }
0xa7: {  	s23 =	simm.s32 $0x1B8B  }
0xa8: {  	_ =	swait.ge [sflag:s23], $0x1  }
0xa9: {  	[sflag:s23] =	ssyncset.done $0x0  }
0xaa: {  	s25 =	simm.s32 $0x1B8E;
	s24 =	sld [smem:$0x3FFE];
	[sflag:s23] =	ssyncadd.s32 $0xFFFFFFFF  }
0xab: {  	s26 =	simm.s32 $execute0_lowered;
	[smem:$0x3FD2] =	sst s25  }
0xac: {  	s5 =	sshll.u32 s26, $0x1;
	_ =	strace $0x80000049;
	[dreg:$0x1] =	wrdreg $0xFFFFFFFF  }
0xad: {  	s28 =	simm.s32 $_size_execute0_lowered;
	s3 =	sadd.s32 s3, s5;
	[dreg:$0x0] =	wrdreg $0x0  }
0xae: {  	s5 =	sshll.u32 s28, $0x1;
	[dreg:$0x2] =	wrdreg s3  }
0xaf: {  	[dreg:$0x3] =	wrdreg s5  }
0xb0: {  	[dreg:$0x4] =	wrdreg $0xC0  }
0xb1: {  	_ =	task [dreg:s7], $0x5FFFF  }
0xb2: {  	[dreg:$0x1] =	wrdreg $0xFFFFFFFF  }
0xb3: {  	[dreg:$0x0] =	wrdreg $0x60  }
0xb4: {  	[dreg:$0x2] =	wrdreg s16  }
0xb5: {  	[dreg:$0x3] =	wrdreg s24  }
0xb6: {  	[dreg:$0x4] =	wrdreg $0x82000  }
0xb7: {  	[dreg:$0x5] =	wrdreg $0x9  }
0xb8: {  	_ =	task.clear_ibuf [dreg:s7], $0x6FFFF;
	_ =	strace $0x90000049  }
0xb9: {  	s29 =	simm.s32 $0x9;
	_ =	strace $0x8000004B  }
0xba: {  	_ =	swait.ge [sflag:s29], $0x1  }
0xbb: {  	[sflag:s29] =	ssyncadd.s32 $0xFFFFFFFF  }
0xbc: {  	_ =	strace $0x9000004B  }
0xbd: {  	_ =	sfence  }
0xbe: {  	s30 =	sld [smem:$0x0];
	_ =	sdelay $0x2  }
0xbf: {  	s31 =	sshll.u32 s1, $0xD;
	s1 =	sshrl.u32 s1, $0x2  }
0xc0: {  	s3 =	sand.u32 $0x4000, s31;
	s1 =	sadd.s32 s1, s30  }
0xc1: {  	s0 =	sor.u32 s3, s0;
	s1 =	sshll.u32 s1, $0x11  }
0xc2: {  	s0 =	sor.u32 s1, s0  }
0xc3: {  	s0 =	sadd.s32 $0x8F2B, s0  }
0xc4: {  	[sflag:s0] =	ssyncadd.remote.s32 $0x1  }
0xc5: {  	_ =	sfence.sel $0xFFFF  }
0xc6: {  	[dreg:$0x0] =	wrdreg $0xFFFFFFFF;
	(pc) =	sbr.abs _section_cstart, $3  }
0xc7: {  	[dreg:$0x1] =	wrdreg $0xFFFFFFFF  }
0xc8: {  	_ =	task.clear_ibuf [dreg:s7], $0x2FFFF;
	_ =	strace $0x9FFFFFFF  }
0xc9: {  	(tm) =	ssettm $0x7FFFFFFF  }
tec
execute0_lowered:
.L_overlay_start_1:
0x0: {  	(tag) =	ssettag $0x1  }
0x1: {  	s1 =	rddreg [dreg:$0x0]  }
0x2: {  	s0 =	rddreg [dreg:$0x1]  }
0x3: {  	s2 =	rddreg [dreg:$0x2];
	s4 =	simm.s32 $0x0;
	s3 =	srdreg.scid  }
0x4: {  	s13 =	stileid.u32;
	s28 =	simm.s32 $0x1;
	s29 =	simm.s32 $0x6  }
0x5: {  	s30 =	simm.s32 $0x4200;
	s31 =	simm.s32 $0x180;
	[smem:$0x7FF] =	sst s4  }
0x6: {  	s3 =	sand.u32 $0x1, s3;
	s5 =	sadd.s32 $0xC9A00, s0;
	s6 =	sadd.s32 $0x125400, s0  }
0x7: {  	s9 =	smul.u32 $0x14000, s13;
	s7 =	sadd.s32 $0x173800, s0;
	s17 =	sadd.s32 $0xD4A00, s0  }
0x8: {  	s12 =	sshll.u32 s13, $0x1;
	s11 =	smul.u32 $0x50000, s13;
	s16 =	sshll.u32 s13, $0x6  }
0x9: {  	s8 =	smul.u32 $0x140000, s3;
	_ =	strace $0x8000004A;
	s10 =	ssub.s32 $0x2, s3  }
0xa: {  	s3 =	sor.u32 s3, s12;
	[dreg:$0x4] =	wrdreg s16;
	s12 =	sshrl.u32 s10, $0x1  }
0xb: {  	s15 =	sshrl.u32 s11, $0x2;
	s11 =	sor.u32 $0x1C0A, s16;
	s8 =	sadd.s32 s9, s8  }
0xc: {  	s9 =	smul.u32 $0x2C00, s3;
	s14 =	ssub.s32 s10, s12;
	[dreg:$0x5] =	wrdreg s11  }
0xd: {  	s3 =	simm.s32 $0x5;
	s8 =	sshrl.u32 s8, $0x3;
	s26 =	smax.u32 s14, $0x1  }
0xe: {  	s0 =	sadd.s32 s8, s0;
	s8 =	sadd.s32 s15, s2;
	s18 =	sshrl.u32 s9, $0x3  }
0xf: {  	[dreg:$0xe] =	wrdreg s26;
	s26 =	simm.s32 $0x200;
	s21 =	sadd.s32 s5, s18  }
0x10: {  	s19 =	sadd.s32 s1, s18;
	s25 =	sadd.s32 $0x6200, s0;
	[dreg:$0x6] =	wrdreg s21  }
0x11: {  	s20 =	sor.u32 $0x10, s18;
	s0 =	sadd.s32 $0x56200, s0;
	[dreg:$0xc] =	wrdreg s25  }
0x12: {  	s10 =	sor.u32 $0x20, s18;
	s22 =	sadd.s32 s1, s20;
	[dreg:$0xd] =	wrdreg s0  }
0x13: {  	s11 =	sadd.s32 s5, s20;
	s23 =	sadd.s32 s1, s10;
	[dreg:$0x7] =	wrdreg s22  }
0x14: {  	s10 =	sadd.s32 s5, s10;
	s18 =	smov.u32 s19;
	[dreg:$0x8] =	wrdreg s11  }
0x15: {  	s24 =	sadd.s32 $0x30, s19;
	s25 =	simm.s32 $0x80;
	[dreg:$0x9] =	wrdreg s23  }
0x16: {  	s0 =	simm.s32 $0x2;
	s19 =	simm.s32 $0x3;
	[dreg:$0xa] =	wrdreg s10  }
0x17: {  	s20 =	simm.s32 $0x8;
	s21 =	simm.s32 $0x4;
	[dreg:$0xb] =	wrdreg s24  }
0x18: {  	s22 =	sshrl.u32 s8, $0x3;
	s23 =	simm.s32 $0xA;
	s24 =	simm.s32 $0x100  }
0x19: {  	s10 =	simm.s32 $0x7;
	s8 =	simm.s32 $0x9;
	s11 =	simm.s32 $0x0  }
.LBB2_1:
0x1a: {  	s12 =	rddreg [dreg:$0x5]  }
0x1b: {  	[spmem:s22], [sflag:s12] =	dma.local [hbm:s17], $0x2800  }
0x1c: {  	_ =	swait.ge [sflag:s23], $0x2800  }
0x1d: {  	[sflag:s23] =	ssyncset.done $0x0  }
0x1e: {  	[sflag:s23] =	ssyncadd.s32 $0xFFFFD800  }
0x1f: {  	[bflag:$0x0] =	sbarrier.arrive $0xFFFF  }
0x20: {  	[tilespmem:s4], [sflag:$0xA] =	stream.linear.gather [hbm4b:s18+s4], $0x80, $0x38;
	[tilespmem:$0x1C200] =	vst v63  }
0x21: {  	_ =	swait.ge [sflag:s23], $0x80  }
0x22: {  	[sflag:s23] =	ssyncset.done $0x0  }
0x23: {  	s13 =	rddreg [dreg:$0x6];
	[sflag:s23] =	ssyncadd.s32 $0xFFFFFF80  }
0x24: {  	[tilespmem:s24], [sflag:$0xA] =	stream.linear.gather [hbm4b:s13+s4], $0x80, $0x38;
	[tilespmem:$0x1C200] =	vst v63  }
0x25: {  	_ =	swait.ge [sflag:s23], $0x80  }
0x26: {  	[sflag:s23] =	ssyncset.done $0x0  }
0x27: {  	[sflag:s23] =	ssyncadd.s32 $0xFFFFFF80  }
0x28: {  	[tilespmem:s26], [sflag:$0x1] =	stream.indirect.gather [hbm4b:s6+s25], $0x80, s4, s25, $0xb8;
	[tilespmem:$0x1C200] =	vst v63  }
0x29: {  	s14 =	rddreg [dreg:$0x7]  }
0x2a: {  	[tilespmem:s25], [sflag:$0x6] =	stream.linear.gather [hbm4b:s14+s4], $0x80, $0x38;
	[tilespmem:$0x1C200] =	vst v63  }
0x2b: {  	_ =	swait.ge [sflag:s28], $0x4000  }
0x2c: {  	[sflag:s28] =	ssyncset.done $0x0  }
0x2d: {  	[sflag:s28] =	ssyncadd.s32 $0xFFFFC000  }
0x2e: {  	_ =	swait.ge [sflag:s29], $0x80  }
0x2f: {  	[sflag:s29] =	ssyncset.done $0x0  }
0x30: {  	[sflag:s29] =	ssyncadd.s32 $0xFFFFFF80  }
0x31: {  	[tilespmem:s30], [sflag:$0x2] =	stream.indirect.gather [hbm4b:s6+s25], $0x80, s25, s25, $0xb8;
	[tilespmem:$0x1C200] =	vst v63  }
0x32: {  	s15 =	rddreg [dreg:$0x8]  }
0x33: {  	[tilespmem:s31], [sflag:$0x8] =	stream.linear.gather [hbm4b:s15+s4], $0x80, $0x38;
	[tilespmem:$0x1C200] =	vst v63  }
0x34: {  	_ = 	snop  }
0x35: {  	[spmem:s2] =	stream.indirect.scatter.add.f32 [tilespmem:s26], [sflag:$0x3], $0x80, s24, s25, $0xb8;
	[tilespmem:$0x1C200] =	vst v63  }
0x36: {  	s16 =	rddreg [dreg:$0x9]  }
0x37: {  	[tilespmem:s4], [sflag:$0x5] =	stream.linear.gather [hbm4b:s16+s4], $0x80, $0x38;
	[tilespmem:$0x1C200] =	vst v63  }
0x38: {  	_ =	swait.ge [sflag:s0], $0x4000  }
0x39: {  	[sflag:s0] =	ssyncset.done $0x0  }
0x3a: {  	[sflag:s0] =	ssyncadd.s32 $0xFFFFC000  }
0x3b: {  	_ =	swait.ge [sflag:s3], $0x80  }
0x3c: {  	[sflag:s3] =	ssyncset.done $0x0  }
0x3d: {  	[sflag:s3] =	ssyncadd.s32 $0xFFFFFF80  }
0x3e: {  	_ =	swait.ge [sflag:s19], $0x4000  }
0x3f: {  	[sflag:s19] =	ssyncset.done $0x0  }
0x40: {  	[sflag:s19] =	ssyncadd.s32 $0xFFFFC000  }
0x41: {  	[tilespmem:s26], [sflag:$0x1] =	stream.indirect.gather [hbm4b:s6+s25], $0x80, s4, s25, $0xb8;
	[tilespmem:$0x1C200] =	vst v63  }
0x42: {  	s13 =	rddreg [dreg:$0xa]  }
0x43: {  	[tilespmem:s24], [sflag:$0x7] =	stream.linear.gather [hbm4b:s13+s4], $0x80, $0x38;
	[tilespmem:$0x1C200] =	vst v63  }
0x44: {  	_ =	swait.ge [sflag:s20], $0x80  }
0x45: {  	[sflag:s20] =	ssyncset.done $0x0  }
0x46: {  	[sflag:s20] =	ssyncadd.s32 $0xFFFFFF80  }
0x47: {  	[spmem:s2] =	stream.indirect.scatter.add.f32 [tilespmem:s30], [sflag:$0x4], $0x80, s31, s25, $0xb8;
	[tilespmem:$0x1C200] =	vst v63  }
0x48: {  	s14 =	rddreg [dreg:$0xb]  }
0x49: {  	[tilespmem:s25], [sflag:$0x6] =	stream.linear.gather [hbm4b:s14+s4], $0x80, $0x38;
	[tilespmem:$0x1C200] =	vst v63  }
0x4a: {  	_ =	swait.ge [sflag:s28], $0x4000  }
0x4b: {  	[sflag:s28] =	ssyncset.done $0x0  }
0x4c: {  	[sflag:s28] =	ssyncadd.s32 $0xFFFFC000  }
0x4d: {  	s13 =	simm.s32 $0x100;
	_ =	swait.ge [sflag:s29], $0x80  }
0x4e: {  	s14 =	sand.u32 $0x7C00, s13;
	[sflag:s29] =	ssyncset.done $0x0  }
0x4f: {  	s13 =	sand.u32 $0x300, s13;
	s14 =	sadd.s32 s9, s14;
	[sflag:s29] =	ssyncadd.s32 $0xFFFFFF80  }
0x50: {  	s13 =	sor.u32 s14, s13;
	_ =	swait.ge [sflag:s21], $0x4000  }
0x51: {  	s13 =	sor.u32 $0x80, s13;
	[sflag:s21] =	ssyncset.done $0x0  }
0x52: {  	s15 =	simm.s32 $0x200;
	s13 =	sshrl.u32 s13, $0x3;
	[sflag:s21] =	ssyncadd.s32 $0xFFFFC000  }
0x53: {  	[tilespmem:s30], [sflag:$0x2] =	stream.indirect.gather [hbm4b:s6+s25], $0x80, s25, s25, $0xb8;
	[tilespmem:$0x1C200] =	vst v63  }
0x54: {  	s16 =	sand.u32 $0xFC00, s15;
	s13 =	sadd.s32 s5, s13  }
0x55: {  	[tilespmem:s31], [sflag:$0x8] =	stream.linear.gather [hbm4b:s13+s4], $0x80, $0x38;
	[tilespmem:$0x1C200] =	vst v63  }
0x56: {  	s14 =	sand.u32 $0x300, s15;
	s13 =	sadd.s32 s9, s16;
	_ =	swait.ge [sflag:s10], $0x80  }
0x57: {  	s13 =	sor.u32 s14, s13;
	[sflag:s10] =	ssyncset.done $0x0  }
0x58: {  	s13 =	sshrl.u32 s13, $0x3;
	[sflag:s10] =	ssyncadd.s32 $0xFFFFFF80  }
0x59: {  	[spmem:s2] =	stream.indirect.scatter.add.f32 [tilespmem:s26], [sflag:$0x3], $0x80, s24, s25, $0xb8;
	[tilespmem:$0x1C200] =	vst v63  }
0x5a: {  	s12 =	sadd.s32 s1, s13  }
0x5b: {  	[tilespmem:s4], [sflag:$0x5] =	stream.linear.gather [hbm4b:s12+s4], $0x80, $0x38;
	[tilespmem:$0x1C200] =	vst v63  }
0x5c: {  	_ =	swait.ge [sflag:s0], $0x4000  }
0x5d: {  	[sflag:s0] =	ssyncset.done $0x0  }
0x5e: {  	[sflag:s0] =	ssyncadd.s32 $0xFFFFC000  }
0x5f: {  	_ =	swait.ge [sflag:s3], $0x80  }
0x60: {  	[sflag:s3] =	ssyncset.done $0x0  }
0x61: {  	[sflag:s3] =	ssyncadd.s32 $0xFFFFFF80  }
0x62: {  	_ =	swait.ge [sflag:s19], $0x4000  }
0x63: {  	[sflag:s19] =	ssyncset.done $0x0  }
0x64: {  	s15 =	simm.s32 $0x280;
	[sflag:s19] =	ssyncadd.s32 $0xFFFFC000  }
0x65: {  	[tilespmem:s26], [sflag:$0x1] =	stream.indirect.gather [hbm4b:s6+s25], $0x80, s4, s25, $0xb8;
	[tilespmem:$0x1C200] =	vst v63  }
0x66: {  	s16 =	sand.u32 $0xFC00, s15;
	s13 =	sadd.s32 s5, s13  }
0x67: {  	[tilespmem:s24], [sflag:$0x7] =	stream.linear.gather [hbm4b:s13+s4], $0x80, $0x38;
	[tilespmem:$0x1C200] =	vst v63  }
0x68: {  	s14 =	sand.u32 $0x380, s15;
	s13 =	sadd.s32 s9, s16;
	_ =	swait.ge [sflag:s20], $0x80  }
0x69: {  	s14 =	sor.u32 s14, s13;
	[sflag:s20] =	ssyncset.done $0x0  }
0x6a: {  	s13 =	simm.s32 $0x380;
	s15 =	sshrl.u32 s14, $0x3;
	[sflag:s20] =	ssyncadd.s32 $0xFFFFFF80  }
.LBB2_2:
0x6b: {  	[spmem:s2] =	stream.indirect.scatter.add.f32 [tilespmem:s30], [sflag:$0x4], $0x80, s31, s25, $0xb8;
	[tilespmem:$0x1C200] =	vst v63  }
0x6c: {  	s14 =	smov.u32 s13  }
0x6d: {  	p0 =	sne.s32 s13, $0x2880;
	s13 =	sadd.s32 $0x100, s13;
	s15 =	sadd.s32 s1, s15  }
0x6e: {  	[tilespmem:s25], [sflag:$0x6] =	stream.linear.gather [hbm4b:s15+s4], $0x80, $0x38;
	[tilespmem:$0x1C200] =	vst v63  }
0x6f: {  	_ =	swait.ge [sflag:s28], $0x4000  }
0x70: {  	[sflag:s28] =	ssyncset.done $0x0  }
0x71: {  	[sflag:s28] =	ssyncadd.s32 $0xFFFFC000  }
0x72: {  	s15 =	sadd.s32 $0xFFFFFE80, s14;
	_ =	swait.ge [sflag:s29], $0x80  }
0x73: {  	s16 =	sand.u32 $0x7C00, s15;
	[sflag:s29] =	ssyncset.done $0x0  }
0x74: {  	s15 =	sand.u32 $0x300, s15;
	s16 =	sadd.s32 s9, s16;
	[sflag:s29] =	ssyncadd.s32 $0xFFFFFF80  }
0x75: {  	s15 =	sor.u32 s16, s15;
	_ =	swait.ge [sflag:s21], $0x4000  }
0x76: {  	s15 =	sor.u32 $0x80, s15;
	[sflag:s21] =	ssyncset.done $0x0  }
0x77: {  	s15 =	sshrl.u32 s15, $0x3;
	[sflag:s21] =	ssyncadd.s32 $0xFFFFC000  }
0x78: {  	[tilespmem:s30], [sflag:$0x2] =	stream.indirect.gather [hbm4b:s6+s25], $0x80, s25, s25, $0xb8;
	[tilespmem:$0x1C200] =	vst v63  }
0x79: {  	s16 =	sadd.s32 $0xFFFFFF80, s14;
	s15 =	sadd.s32 s5, s15  }
0x7a: {  	[tilespmem:s31], [sflag:$0x8] =	stream.linear.gather [hbm4b:s15+s4], $0x80, $0x38;
	[tilespmem:$0x1C200] =	vst v63  }
0x7b: {  	s15 =	sand.u32 $0xFC00, s16;
	_ =	swait.ge [sflag:s10], $0x80  }
0x7c: {  	s16 =	sand.u32 $0x300, s16;
	s15 =	sadd.s32 s9, s15;
	[sflag:s10] =	ssyncset.done $0x0  }
0x7d: {  	s15 =	sor.u32 s16, s15;
	[sflag:s10] =	ssyncadd.s32 $0xFFFFFF80  }
0x7e: {  	[spmem:s2] =	stream.indirect.scatter.add.f32 [tilespmem:s26], [sflag:$0x3], $0x80, s24, s25, $0xb8;
	[tilespmem:$0x1C200] =	vst v63  }
0x7f: {  	s15 =	sshrl.u32 s15, $0x3  }
0x80: {  	s16 =	sadd.s32 s1, s15  }
0x81: {  	[tilespmem:s4], [sflag:$0x5] =	stream.linear.gather [hbm4b:s16+s4], $0x80, $0x38;
	[tilespmem:$0x1C200] =	vst v63  }
0x82: {  	_ =	swait.ge [sflag:s0], $0x4000  }
0x83: {  	[sflag:s0] =	ssyncset.done $0x0  }
0x84: {  	[sflag:s0] =	ssyncadd.s32 $0xFFFFC000  }
0x85: {  	_ =	swait.ge [sflag:s3], $0x80  }
0x86: {  	[sflag:s3] =	ssyncset.done $0x0  }
0x87: {  	[sflag:s3] =	ssyncadd.s32 $0xFFFFFF80  }
0x88: {  	_ =	swait.ge [sflag:s19], $0x4000  }
0x89: {  	[sflag:s19] =	ssyncset.done $0x0  }
0x8a: {  	s15 =	sadd.s32 s5, s15;
	[sflag:s19] =	ssyncadd.s32 $0xFFFFC000  }
0x8b: {  	[tilespmem:s26], [sflag:$0x1] =	stream.indirect.gather [hbm4b:s6+s25], $0x80, s4, s25, $0xb8;
	[tilespmem:$0x1C200] =	vst v63  }
.Ltmp0:
0x8c: {  	s16 =	sand.u32 $0xFC00, s14;
	(pc) =	sbr.rel @p0 .LBB2_2-.Ltmp0, $4  }
0x8d: {  	[tilespmem:s24], [sflag:$0x7] =	stream.linear.gather [hbm4b:s15+s4], $0x80, $0x38;
	[tilespmem:$0x1C200] =	vst v63  }
0x8e: {  	s14 =	sand.u32 $0x380, s14;
	s15 =	sadd.s32 s9, s16;
	_ =	swait.ge [sflag:s20], $0x80  }
0x8f: {  	s14 =	sor.u32 s14, s15;
	[sflag:s20] =	ssyncset.done $0x0  }
0x90: {  	s15 =	sshrl.u32 s14, $0x3;
	[sflag:s20] =	ssyncadd.s32 $0xFFFFFF80  }
0x91: {  	[spmem:s2] =	stream.indirect.scatter.add.f32 [tilespmem:s30], [sflag:$0x4], $0x80, s31, s25, $0xb8;
	[tilespmem:$0x1C200] =	vst v63  }
0x92: {  	s13 =	sadd.s32 s1, s15  }
0x93: {  	[tilespmem:s25], [sflag:$0x6] =	stream.linear.gather [hbm4b:s13+s4], $0x80, $0x38;
	[tilespmem:$0x1C200] =	vst v63  }
0x94: {  	_ =	swait.ge [sflag:s28], $0x4000  }
0x95: {  	[sflag:s28] =	ssyncset.done $0x0  }
0x96: {  	[sflag:s28] =	ssyncadd.s32 $0xFFFFC000  }
0x97: {  	_ =	swait.ge [sflag:s29], $0x80  }
0x98: {  	[sflag:s29] =	ssyncset.done $0x0  }
0x99: {  	[sflag:s29] =	ssyncadd.s32 $0xFFFFFF80  }
0x9a: {  	_ =	swait.ge [sflag:s10], $0x80  }
0x9b: {  	[sflag:s10] =	ssyncset.done $0x0  }
0x9c: {  	[sflag:s10] =	ssyncadd.s32 $0xFFFFFF80  }
0x9d: {  	_ =	swait.ge [sflag:s21], $0x4000  }
0x9e: {  	[sflag:s21] =	ssyncset.done $0x0  }
0x9f: {  	[sflag:s21] =	ssyncadd.s32 $0xFFFFC000  }
0xa0: {  	[bflag:$0x0] =	sbarrier.arrive $0xFFFF  }
0xa1: {  	s12 =	rddreg [dreg:$0x4]  }
0xa2: {  	s16 =	rddreg [dreg:$0xc];
	s13 =	sor.u32 $0x1C09, s12  }
0xa3: {  	[hbm:s16], [sflag:s13] =	dma.local [spmem:s22], $0x2800  }
0xa4: {  	_ =	swait.ge [sflag:s8], $0x2800  }
0xa5: {  	[sflag:s8] =	ssyncset.done $0x0  }
0xa6: {  	s14 =	rddreg [dreg:$0x5];
	[sflag:s8] =	ssyncadd.s32 $0xFFFFD800  }
0xa7: {  	[spmem:s22], [sflag:s14] =	dma.local [hbm:s17], $0x2800  }
0xa8: {  	_ =	swait.ge [sflag:s23], $0x2800  }
0xa9: {  	[sflag:s23] =	ssyncset.done $0x0  }
0xaa: {  	[sflag:s23] =	ssyncadd.s32 $0xFFFFD800  }
0xab: {  	[bflag:$0x0] =	sbarrier.arrive $0xFFFF  }
0xac: {  	[tilespmem:s4], [sflag:$0xA] =	stream.linear.gather [hbm4b:s18+s4], $0x80, $0x38;
	[tilespmem:$0x1C200] =	vst v63  }
0xad: {  	_ =	swait.ge [sflag:s23], $0x80  }
0xae: {  	[sflag:s23] =	ssyncset.done $0x0  }
0xaf: {  	s12 =	smov.u32 s17;
	s17 =	rddreg [dreg:$0x6];
	[sflag:s23] =	ssyncadd.s32 $0xFFFFFF80  }
0xb0: {  	[tilespmem:s24], [sflag:$0xA] =	stream.linear.gather [hbm4b:s17+s4], $0x80, $0x38;
	[tilespmem:$0x1C200] =	vst v63  }
0xb1: {  	_ =	swait.ge [sflag:s23], $0x80  }
0xb2: {  	[sflag:s23] =	ssyncset.done $0x0  }
0xb3: {  	[sflag:s23] =	ssyncadd.s32 $0xFFFFFF80  }
0xb4: {  	[tilespmem:s26], [sflag:$0x1] =	stream.indirect.gather [hbm4b:s7+s25], $0x80, s4, s25, $0xb8;
	[tilespmem:$0x1C200] =	vst v63  }
0xb5: {  	s15 =	rddreg [dreg:$0x7]  }
0xb6: {  	[tilespmem:s25], [sflag:$0x6] =	stream.linear.gather [hbm4b:s15+s4], $0x80, $0x38;
	[tilespmem:$0x1C200] =	vst v63  }
0xb7: {  	_ =	swait.ge [sflag:s28], $0x4000  }
0xb8: {  	[sflag:s28] =	ssyncset.done $0x0  }
0xb9: {  	[sflag:s28] =	ssyncadd.s32 $0xFFFFC000  }
0xba: {  	_ =	swait.ge [sflag:s29], $0x80  }
0xbb: {  	[sflag:s29] =	ssyncset.done $0x0  }
0xbc: {  	[sflag:s29] =	ssyncadd.s32 $0xFFFFFF80  }
0xbd: {  	[tilespmem:s30], [sflag:$0x2] =	stream.indirect.gather [hbm4b:s7+s25], $0x80, s25, s25, $0xb8;
	[tilespmem:$0x1C200] =	vst v63  }
0xbe: {  	s16 =	rddreg [dreg:$0x8]  }
0xbf: {  	[tilespmem:s31], [sflag:$0x8] =	stream.linear.gather [hbm4b:s16+s4], $0x80, $0x38;
	[tilespmem:$0x1C200] =	vst v63  }
0xc0: {  	_ = 	snop  }
0xc1: {  	[spmem:s2] =	stream.indirect.scatter.add.f32 [tilespmem:s26], [sflag:$0x3], $0x80, s24, s25, $0xb8;
	[tilespmem:$0x1C200] =	vst v63  }
0xc2: {  	s17 =	rddreg [dreg:$0x9]  }
0xc3: {  	[tilespmem:s4], [sflag:$0x5] =	stream.linear.gather [hbm4b:s17+s4], $0x80, $0x38;
	[tilespmem:$0x1C200] =	vst v63  }
0xc4: {  	_ =	swait.ge [sflag:s0], $0x4000  }
0xc5: {  	[sflag:s0] =	ssyncset.done $0x0  }
0xc6: {  	[sflag:s0] =	ssyncadd.s32 $0xFFFFC000  }
0xc7: {  	_ =	swait.ge [sflag:s3], $0x80  }
0xc8: {  	[sflag:s3] =	ssyncset.done $0x0  }
0xc9: {  	[sflag:s3] =	ssyncadd.s32 $0xFFFFFF80  }
0xca: {  	_ =	swait.ge [sflag:s19], $0x4000  }
0xcb: {  	[sflag:s19] =	ssyncset.done $0x0  }
0xcc: {  	[sflag:s19] =	ssyncadd.s32 $0xFFFFC000  }
0xcd: {  	[tilespmem:s26], [sflag:$0x1] =	stream.indirect.gather [hbm4b:s7+s25], $0x80, s4, s25, $0xb8;
	[tilespmem:$0x1C200] =	vst v63  }
0xce: {  	s15 =	rddreg [dreg:$0xa]  }
0xcf: {  	[tilespmem:s24], [sflag:$0x7] =	stream.linear.gather [hbm4b:s15+s4], $0x80, $0x38;
	[tilespmem:$0x1C200] =	vst v63  }
0xd0: {  	_ =	swait.ge [sflag:s20], $0x80  }
0xd1: {  	[sflag:s20] =	ssyncset.done $0x0  }
0xd2: {  	[sflag:s20] =	ssyncadd.s32 $0xFFFFFF80  }
0xd3: {  	[spmem:s2] =	stream.indirect.scatter.add.f32 [tilespmem:s30], [sflag:$0x4], $0x80, s31, s25, $0xb8;
	[tilespmem:$0x1C200] =	vst v63  }
0xd4: {  	s16 =	rddreg [dreg:$0xb]  }
0xd5: {  	[tilespmem:s25], [sflag:$0x6] =	stream.linear.gather [hbm4b:s16+s4], $0x80, $0x38;
	[tilespmem:$0x1C200] =	vst v63  }
0xd6: {  	_ =	swait.ge [sflag:s28], $0x4000  }
0xd7: {  	[sflag:s28] =	ssyncset.done $0x0  }
0xd8: {  	[sflag:s28] =	ssyncadd.s32 $0xFFFFC000  }
0xd9: {  	s17 =	simm.s32 $0x100;
	_ =	swait.ge [sflag:s29], $0x80  }
0xda: {  	s16 =	sand.u32 $0x7C00, s17;
	[sflag:s29] =	ssyncset.done $0x0  }
0xdb: {  	s14 =	sand.u32 $0x300, s17;
	s15 =	sadd.s32 s9, s16;
	[sflag:s29] =	ssyncadd.s32 $0xFFFFFF80  }
0xdc: {  	s14 =	sor.u32 s15, s14;
	_ =	swait.ge [sflag:s21], $0x4000  }
0xdd: {  	s14 =	sor.u32 $0x80, s14;
	[sflag:s21] =	ssyncset.done $0x0  }
0xde: {  	s17 =	simm.s32 $0x200;
	s14 =	sshrl.u32 s14, $0x3;
	[sflag:s21] =	ssyncadd.s32 $0xFFFFC000  }
0xdf: {  	[tilespmem:s30], [sflag:$0x2] =	stream.indirect.gather [hbm4b:s7+s25], $0x80, s25, s25, $0xb8;
	[tilespmem:$0x1C200] =	vst v63  }
0xe0: {  	s16 =	sand.u32 $0xFC00, s17;
	s14 =	sadd.s32 s5, s14  }
0xe1: {  	[tilespmem:s31], [sflag:$0x8] =	stream.linear.gather [hbm4b:s14+s4], $0x80, $0x38;
	[tilespmem:$0x1C200] =	vst v63  }
0xe2: {  	s15 =	sand.u32 $0x300, s17;
	s14 =	sadd.s32 s9, s16;
	_ =	swait.ge [sflag:s10], $0x80  }
0xe3: {  	s14 =	sor.u32 s15, s14;
	[sflag:s10] =	ssyncset.done $0x0  }
0xe4: {  	s14 =	sshrl.u32 s14, $0x3;
	[sflag:s10] =	ssyncadd.s32 $0xFFFFFF80  }
0xe5: {  	[spmem:s2] =	stream.indirect.scatter.add.f32 [tilespmem:s26], [sflag:$0x3], $0x80, s24, s25, $0xb8;
	[tilespmem:$0x1C200] =	vst v63  }
0xe6: {  	s17 =	sadd.s32 s1, s14  }
0xe7: {  	[tilespmem:s4], [sflag:$0x5] =	stream.linear.gather [hbm4b:s17+s4], $0x80, $0x38;
	[tilespmem:$0x1C200] =	vst v63  }
0xe8: {  	_ =	swait.ge [sflag:s0], $0x4000  }
0xe9: {  	[sflag:s0] =	ssyncset.done $0x0  }
0xea: {  	[sflag:s0] =	ssyncadd.s32 $0xFFFFC000  }
0xeb: {  	_ =	swait.ge [sflag:s3], $0x80  }
0xec: {  	[sflag:s3] =	ssyncset.done $0x0  }
0xed: {  	[sflag:s3] =	ssyncadd.s32 $0xFFFFFF80  }
0xee: {  	_ =	swait.ge [sflag:s19], $0x4000  }
0xef: {  	[sflag:s19] =	ssyncset.done $0x0  }
0xf0: {  	s16 =	simm.s32 $0x280;
	[sflag:s19] =	ssyncadd.s32 $0xFFFFC000  }
0xf1: {  	[tilespmem:s26], [sflag:$0x1] =	stream.indirect.gather [hbm4b:s7+s25], $0x80, s4, s25, $0xb8;
	[tilespmem:$0x1C200] =	vst v63  }
0xf2: {  	s14 =	sadd.s32 s5, s14;
	s17 =	sand.u32 $0xFC00, s16  }
0xf3: {  	[tilespmem:s24], [sflag:$0x7] =	stream.linear.gather [hbm4b:s14+s4], $0x80, $0x38;
	[tilespmem:$0x1C200] =	vst v63  }
0xf4: {  	s15 =	sand.u32 $0x380, s16;
	s14 =	sadd.s32 s9, s17;
	_ =	swait.ge [sflag:s20], $0x80  }
0xf5: {  	s15 =	sor.u32 s15, s14;
	[sflag:s20] =	ssyncset.done $0x0  }
0xf6: {  	s14 =	simm.s32 $0x380;
	s16 =	sshrl.u32 s15, $0x3;
	[sflag:s20] =	ssyncadd.s32 $0xFFFFFF80  }
.LBB2_4:
0xf7: {  	[spmem:s2] =	stream.indirect.scatter.add.f32 [tilespmem:s30], [sflag:$0x4], $0x80, s31, s25, $0xb8;
	[tilespmem:$0x1C200] =	vst v63  }
0xf8: {  	s15 =	smov.u32 s14  }
0xf9: {  	p0 =	sne.s32 s14, $0x2880;
	s14 =	sadd.s32 $0x100, s14;
	s16 =	sadd.s32 s1, s16  }
0xfa: {  	[tilespmem:s25], [sflag:$0x6] =	stream.linear.gather [hbm4b:s16+s4], $0x80, $0x38;
	[tilespmem:$0x1C200] =	vst v63  }
0xfb: {  	_ =	swait.ge [sflag:s28], $0x4000  }
0xfc: {  	[sflag:s28] =	ssyncset.done $0x0  }
0xfd: {  	[sflag:s28] =	ssyncadd.s32 $0xFFFFC000  }
0xfe: {  	s16 =	sadd.s32 $0xFFFFFE80, s15;
	_ =	swait.ge [sflag:s29], $0x80  }
0xff: {  	s17 =	sand.u32 $0x7C00, s16;
	[sflag:s29] =	ssyncset.done $0x0  }
0x100: {  	s16 =	sand.u32 $0x300, s16;
	s17 =	sadd.s32 s9, s17;
	[sflag:s29] =	ssyncadd.s32 $0xFFFFFF80  }
0x101: {  	s16 =	sor.u32 s17, s16;
	_ =	swait.ge [sflag:s21], $0x4000  }
0x102: {  	s16 =	sor.u32 $0x80, s16;
	[sflag:s21] =	ssyncset.done $0x0  }
0x103: {  	s16 =	sshrl.u32 s16, $0x3;
	[sflag:s21] =	ssyncadd.s32 $0xFFFFC000  }
0x104: {  	[tilespmem:s30], [sflag:$0x2] =	stream.indirect.gather [hbm4b:s7+s25], $0x80, s25, s25, $0xb8;
	[tilespmem:$0x1C200] =	vst v63  }
0x105: {  	s17 =	sadd.s32 $0xFFFFFF80, s15;
	s16 =	sadd.s32 s5, s16  }
0x106: {  	[tilespmem:s31], [sflag:$0x8] =	stream.linear.gather [hbm4b:s16+s4], $0x80, $0x38;
	[tilespmem:$0x1C200] =	vst v63  }
0x107: {  	s16 =	sand.u32 $0xFC00, s17;
	_ =	swait.ge [sflag:s10], $0x80  }
0x108: {  	s17 =	sand.u32 $0x300, s17;
	s16 =	sadd.s32 s9, s16;
	[sflag:s10] =	ssyncset.done $0x0  }
0x109: {  	s16 =	sor.u32 s17, s16;
	[sflag:s10] =	ssyncadd.s32 $0xFFFFFF80  }
0x10a: {  	[spmem:s2] =	stream.indirect.scatter.add.f32 [tilespmem:s26], [sflag:$0x3], $0x80, s24, s25, $0xb8;
	[tilespmem:$0x1C200] =	vst v63  }
0x10b: {  	s16 =	sshrl.u32 s16, $0x3  }
0x10c: {  	s17 =	sadd.s32 s1, s16  }
0x10d: {  	[tilespmem:s4], [sflag:$0x5] =	stream.linear.gather [hbm4b:s17+s4], $0x80, $0x38;
	[tilespmem:$0x1C200] =	vst v63  }
0x10e: {  	_ =	swait.ge [sflag:s0], $0x4000  }
0x10f: {  	[sflag:s0] =	ssyncset.done $0x0  }
0x110: {  	[sflag:s0] =	ssyncadd.s32 $0xFFFFC000  }
0x111: {  	_ =	swait.ge [sflag:s3], $0x80  }
0x112: {  	[sflag:s3] =	ssyncset.done $0x0  }
0x113: {  	[sflag:s3] =	ssyncadd.s32 $0xFFFFFF80  }
0x114: {  	_ =	swait.ge [sflag:s19], $0x4000  }
0x115: {  	[sflag:s19] =	ssyncset.done $0x0  }
0x116: {  	s16 =	sadd.s32 s5, s16;
	[sflag:s19] =	ssyncadd.s32 $0xFFFFC000  }
0x117: {  	[tilespmem:s26], [sflag:$0x1] =	stream.indirect.gather [hbm4b:s7+s25], $0x80, s4, s25, $0xb8;
	[tilespmem:$0x1C200] =	vst v63  }
.Ltmp1:
0x118: {  	s17 =	sand.u32 $0xFC00, s15;
	(pc) =	sbr.rel @p0 .LBB2_4-.Ltmp1, $4  }
0x119: {  	[tilespmem:s24], [sflag:$0x7] =	stream.linear.gather [hbm4b:s16+s4], $0x80, $0x38;
	[tilespmem:$0x1C200] =	vst v63  }
0x11a: {  	s15 =	sand.u32 $0x380, s15;
	s16 =	sadd.s32 s9, s17;
	_ =	swait.ge [sflag:s20], $0x80  }
0x11b: {  	s15 =	sor.u32 s15, s16;
	[sflag:s20] =	ssyncset.done $0x0  }
0x11c: {  	s16 =	sshrl.u32 s15, $0x3;
	[sflag:s20] =	ssyncadd.s32 $0xFFFFFF80  }
0x11d: {  	[spmem:s2] =	stream.indirect.scatter.add.f32 [tilespmem:s30], [sflag:$0x4], $0x80, s31, s25, $0xb8;
	[tilespmem:$0x1C200] =	vst v63  }
0x11e: {  	s14 =	sadd.s32 s1, s16  }
0x11f: {  	[tilespmem:s25], [sflag:$0x6] =	stream.linear.gather [hbm4b:s14+s4], $0x80, $0x38;
	[tilespmem:$0x1C200] =	vst v63  }
0x120: {  	_ =	swait.ge [sflag:s28], $0x4000  }
0x121: {  	[sflag:s28] =	ssyncset.done $0x0  }
0x122: {  	[sflag:s28] =	ssyncadd.s32 $0xFFFFC000  }
0x123: {  	_ =	swait.ge [sflag:s29], $0x80  }
0x124: {  	[sflag:s29] =	ssyncset.done $0x0  }
0x125: {  	[sflag:s29] =	ssyncadd.s32 $0xFFFFFF80  }
0x126: {  	_ =	swait.ge [sflag:s10], $0x80  }
0x127: {  	[sflag:s10] =	ssyncset.done $0x0  }
0x128: {  	[sflag:s10] =	ssyncadd.s32 $0xFFFFFF80  }
0x129: {  	_ =	swait.ge [sflag:s21], $0x4000  }
0x12a: {  	[sflag:s21] =	ssyncset.done $0x0  }
0x12b: {  	[sflag:s21] =	ssyncadd.s32 $0xFFFFC000  }
0x12c: {  	[bflag:$0x0] =	sbarrier.arrive $0xFFFF  }
0x12d: {  	s16 =	rddreg [dreg:$0xd]  }
0x12e: {  	[hbm:s16], [sflag:s13] =	dma.local [spmem:s22], $0x2800  }
0x12f: {  	_ =	swait.ge [sflag:s8], $0x2800  }
0x130: {  	s11 =	sadd.s32 $0x1, s11;
	s17 =	rddreg [dreg:$0xe]  }
0x131: {  	p0 =	sne.s32 s11, s17  }
.Ltmp2:
0x132: {  	_ = 	snop;
	(pc) =	sbr.rel @p0 .LBB2_1-.Ltmp2, $3  }
0x133: {  	_ =	sdelay $0x1  }
0x134: {  	[sflag:s8] =	ssyncset.done $0x0  }
0x135: {  	[sflag:s8] =	ssyncadd.s32 $0xFFFFD800;
	s17 =	smov.u32 s12  }
0x136: {  	_ =	sfence.sel $0x180000  }
0x137: {  	[bflag:$0x0] =	sbarrier.arrive $0xFFFF  }
0x138: {  	_ =	strace $0x9000004A  }
0x139: {  	s0 =	stileid.u32;
	[bflag:$0x2] =	sbarrier.arrive $0xFFFF  }
0x13a: {  	p0 =	sne.s32 s0, $0x0;
	s0 =	rddreg [dreg:$0x3]  }
0x13b: {  	s0 =	sadd.s32 @!p0 $0x100000, s0  }
0x13c: {  	[sflag:s0] =	ssyncadd.tile.s32 @!p0 $0x1;
	_ =	shalt  }
.Lfunc_end2:
_tile_overlayer_lowered:
.L_overlay_start_2:
0x13d: {  	(tag) =	ssettag $0x2  }
0x13e: {  	s0 =	rddreg [dreg:$0x0];
	s2 =	stileid.u32  }
0x13f: {  	s1 =	rddreg [dreg:$0x1];
	p0 =	sne.s32 s2, $0x0  }
0x140: {  	s3 =	rddreg [dreg:$0x2];
	[bflag:$0x3] =	sbarrier.arrive $0xFFFF;
	s2 =	simm.s32 @!p0 $0x1C0A  }
0x141: {  	[timem:s3], [sflag:s2] =	dma.local @!p0 [hbm:s0], s1  }
0x142: {  	s0 =	simm.s32 @!p0 $0xA  }
0x143: {  	_ =	swait.ge @!p0 [sflag:s0], s1  }
0x144: {  	s1 =	ssub.s32 @!p0 $0x0, s1;
	[sflag:s0] =	ssyncset.done @!p0 $0x0  }
0x145: {  	[sflag:s0] =	ssyncadd.s32 @!p0 s1  }
0x146: {  	[bflag:$0x3] =	sbarrier.arrive $0xFFFF  }
0x147: {  	_ =	shalt  }

// kernel: kernel.17.cloned.1.call-start
scs
__scs_entry_jumppad:
0x0: {  	(pc) =	sbr.rel $0x88, $3  }
0x1: {  	(tag) =	ssettag $0x0;
	lr =	simm.s32 $0x1  }
0x2: {  	[smem:$0x3F85] =	sst lr;
	_ =	strace $0xD0000000  }
0x3: {  	_ = 	snop  }
0x4: {  	_ = 	snop  }
0x5: {  	_ = 	snop  }
0x6: {  	_ = 	snop  }
0x7: {  	_ = 	snop  }
__scs_overlays_trampoline_lowered:
0x8: {  	[smem:$0x3F94] =	sst s0  }
0x9: {  	[smem:$0x3F95] =	sst s1  }
0xa: {  	[smem:$0x3F96] =	sst s2  }
0xb: {  	[smem:$0x3F97] =	sst s3  }
0xc: {  	[smem:$0x3F98] =	sst s4  }
0xd: {  	[smem:$0x3F99] =	sst s5  }
0xe: {  	[smem:$0x3F9A] =	sst s6  }
0xf: {  	[smem:$0x3F9B] =	sst s7  }
0x10: {  	[smem:$0x3F9C] =	sst s8  }
0x11: {  	[smem:$0x3F9D] =	sst s9;
	s0 =	simm.s32 @!p0 $0x0  }
0x12: {  	s1 =	sld [smem:$0x3F83];
	s0 =	simm.s32 @p0 $0x1  }
0x13: {  	[smem:$0x3F9E] =	sst s0;
	s0 =	simm.s32 @!p1 $0x0  }
0x14: {  	s2 =	sld [smem:$0x3F82];
	s0 =	simm.s32 @p1 $0x1  }
0x15: {  	[smem:$0x3F9F] =	sst s0;
	s0 =	simm.s32 @!p2 $0x0  }
0x16: {  	s3 =	sld [smem:$0x3FDB];
	s0 =	simm.s32 @p2 $0x1  }
0x17: {  	s4 =	simm.s32 $0x1BF5;
	[smem:$0x3FA1] =	sst s0  }
0x18: {  	s0 =	sld [smem:$0x3F84];
	_ =	swait.ge [sflag:s4], $0x0  }
0x19: {  	s7 =	sld [smem:$0x3F85]  }
0x1a: {  	s8 =	sadd.s32 $0xFFFFE003, lr  }
0x1b: {  	s9 =	sadd.s32 $0xFFFFFEF7, lr;
	s5 =	simm.s32 $0xFFFFFFFF;
	p2 =	slt.u32 s8, $0xFFFFF086  }
0x1c: {  	p1 =	slt.u32 s9, $0xF7A;
	s5 =	simm.s32 @!p2 $0x0  }
0x1d: {  	s5 =	simm.s32 @p1 $0x1;
	p0 =	seq.s32 s7, s2  }
0x1e: {  	s7 =	smul.u32 @!p0 $0xF7A, s2;
	p2 =	seq.s32 @!p0 s5, $0x0  }
0x1f: {  	s9 =	smul.u32 $0xF7A, s1;
	s8 =	simm.s32 @!p0 $0x1BF5;
	p2 =	por !p2, p0  }
0x20: {  	[sflag:s8] =	ssyncset.s32 @!p0 $0xFFFFF086;
	s6 =	sadd.s32 @!p0 s3, s7;
	s7 =	simm.s32 @!p0 $0x108  }
0x21: {  	s3 =	sadd.s32 s3, s9;
	s6 =	sadd.s32 @!p0 $0x88, s6;
	s7 =	simm.s32 @p2 $0x1082  }
0x22: {  	[simem:s7], [sflag:s8] =	dma.local @!p0 [hbm:s6], $0xF7A  }
0x23: {  	s9 =	sor.u32 $0xD0000000, s2;
	s6 =	simm.s32 $0x108;
	_ =	swait.ge @!p0 [sflag:s8], $0x0  }
0x24: {  	s3 =	sadd.s32 $0x88, s3;
	s6 =	simm.s32 @!p1 $0x1082;
	[sflag:s4] =	ssyncset.s32 $0xFFFFF086  }
0x25: {  	[simem:s6], [sflag:s4] =	dma.local [hbm:s3], $0xF7A  }
0x26: {  	[smem:$0x3F85] =	sst s1;
	(tag) =	ssettag s2;
	_ =	strace s9  }
0x27: {  	s1 =	sld [smem:$0x3F95]  }
0x28: {  	s2 =	sld [smem:$0x3F96]  }
0x29: {  	s4 =	sld [smem:$0x3F98]  }
0x2a: {  	p0 =	seq.s32 s5, $0x0;
	s5 =	sld [smem:$0x3F99]  }
0x2b: {  	s6 =	sld [smem:$0x3F9A]  }
0x2c: {  	s7 =	sld [smem:$0x3F9B]  }
0x2d: {  	s3 =	simm.s32 $0x108;
	s8 =	sld [smem:$0x3F9C]  }
0x2e: {  	s3 =	simm.s32 @!p0 $0x1082;
	s9 =	sld [smem:$0x3F9D]  }
0x2f: {  	lr =	sadd.s32 s0, s3;
	s0 =	sld [smem:$0x3F94]  }
0x30: {  	s3 =	sld [smem:$0x3F97]  }
0x31: {  	[smem:$0x3FA0] =	sst s10  }
0x32: {  	s10 =	sld [smem:$0x3F9E];
	_ =	sdelay $0x3  }
0x33: {  	p0 =	seq.s32 s10, $0x1;
	s10 =	sld [smem:$0x3FA0];
	_ =	sdelay $0x3  }
0x34: {  	[smem:$0x3FA0] =	sst s10  }
0x35: {  	s10 =	sld [smem:$0x3F9F];
	_ =	sdelay $0x3  }
0x36: {  	p1 =	seq.s32 s10, $0x1;
	s10 =	sld [smem:$0x3FA0];
	_ =	sdelay $0x3  }
0x37: {  	[smem:$0x3FA0] =	sst s10  }
0x38: {  	s10 =	sld [smem:$0x3FA1]  }
0x39: {  	_ = 	snop;
	(pc) =	sbr.ind lr, $3  }
0x3a: {  	_ = 	snop  }
0x3b: {  	_ = 	snop  }
0x3c: {  	p2 =	seq.s32 s10, $0x1;
	s10 =	sld [smem:$0x3FA0]  }
0x3d: {  	_ =	shalt  }
0x3e: {  	_ =	shalt  }
0x3f: {  	_ =	shalt  }
0x40: {  	_ =	shalt  }
0x41: {  	_ =	shalt  }
0x42: {  	_ =	shalt  }
0x43: {  	_ =	shalt  }
0x44: {  	_ =	shalt  }
0x45: {  	_ =	shalt  }
0x46: {  	_ =	shalt  }
0x47: {  	_ =	shalt  }
0x48: {  	_ =	shalt  }
0x49: {  	_ =	shalt  }
0x4a: {  	_ =	shalt  }
0x4b: {  	_ =	shalt  }
0x4c: {  	_ =	shalt  }
0x4d: {  	_ =	shalt  }
0x4e: {  	_ =	shalt  }
0x4f: {  	_ =	shalt  }
0x50: {  	_ =	shalt  }
0x51: {  	_ =	shalt  }
0x52: {  	_ =	shalt  }
0x53: {  	_ =	shalt  }
0x54: {  	_ =	shalt  }
0x55: {  	_ =	shalt  }
0x56: {  	_ =	shalt  }
0x57: {  	_ =	shalt  }
0x58: {  	_ =	shalt  }
0x59: {  	_ =	shalt  }
0x5a: {  	_ =	shalt  }
0x5b: {  	_ =	shalt  }
0x5c: {  	_ =	shalt  }
0x5d: {  	_ =	shalt  }
0x5e: {  	_ =	shalt  }
0x5f: {  	_ =	shalt  }
0x60: {  	_ =	shalt  }
0x61: {  	_ =	shalt  }
0x62: {  	_ =	shalt  }
0x63: {  	_ =	shalt  }
0x64: {  	_ =	shalt  }
0x65: {  	_ =	shalt  }
0x66: {  	_ =	shalt  }
0x67: {  	_ =	shalt  }
0x68: {  	_ =	shalt  }
0x69: {  	_ =	shalt  }
0x6a: {  	_ =	shalt  }
0x6b: {  	_ =	shalt  }
0x6c: {  	_ =	shalt  }
0x6d: {  	_ =	shalt  }
0x6e: {  	_ =	shalt  }
0x6f: {  	_ =	shalt  }
0x70: {  	_ =	shalt  }
0x71: {  	_ =	shalt  }
0x72: {  	_ =	shalt  }
0x73: {  	_ =	shalt  }
0x74: {  	_ =	shalt  }
0x75: {  	_ =	shalt  }
0x76: {  	_ =	shalt  }
0x77: {  	_ =	shalt  }
0x78: {  	_ =	shalt  }
0x79: {  	_ =	shalt  }
0x7a: {  	_ =	shalt  }
0x7b: {  	_ =	shalt  }
0x7c: {  	_ =	shalt  }
0x7d: {  	_ =	shalt  }
0x7e: {  	_ =	shalt  }
0x7f: {  	_ =	shalt  }
0x80: {  	_ =	shalt  }
0x81: {  	_ =	shalt  }
0x82: {  	_ =	shalt  }
0x83: {  	_ =	shalt  }
0x84: {  	_ =	shalt  }
0x85: {  	_ =	shalt  }
0x86: {  	_ =	shalt  }
0x87: {  	_ =	shalt  }
.Lfunc_end0:
.L_simem_size_0:
called_computation.2_lowered:
.L_overlay_start_0:
0x88: {  	s2 =	sld [smem:$0x3FD9]  }
0x89: {  	s3 =	sld [smem:$0x3FFE];
	_ =	sdelay $0x1  }
0x8a: {  	s1 =	srdreg.scid  }
0x8b: {  	s0 =	sand.u32 $0x1, s1  }
0x8c: {  	s14 =	sshll.u32 s0, $0xA;
	s2 =	sadd.s32 s3, s2  }
0x8d: {  	s2 =	sadd.s32 s2, s14  }
0x8e: {  	[smem:$0x3FAC] =	sst s2  }
0x8f: {  	_ = 	snop  }
0x90: {  	s2 =	sld [smem:$0x3FD0];
	_ =	sdelay $0x2  }
0x91: {  	s15 =	simm.s32 $0xA;
	s4 =	simm.s32 $0x10  }
0x92: {  	[smem:s4], [sflag:s15] =	dma.local [hbm:s2], $0x1  }
0x93: {  	_ =	swait.eq [sflag:s15], $0x1  }
0x94: {  	[sflag:s15] =	ssyncset.done $0x0  }
0x95: {  	[sflag:s15] =	ssyncadd.s32 $0xFFFFFFFF  }
0x96: {  	s16 =	sld [smem:$0x13];
	(tm) =	ssettm $0x1  }
0x97: {  	s17 =	sld [smem:$0x3FFB];
	_ =	sdelay $0x3  }
0x98: {  	_ =	strace s17  }
0x99: {  	s3 =	sld [smem:$0x3FFC];
	_ =	sdelay $0x3  }
0x9a: {  	_ =	strace s3  }
0x9b: {  	s3 =	sld [smem:$0x3FFD];
	_ =	sdelay $0x3  }
0x9c: {  	_ =	strace s3  }
0x9d: {  	_ =	strace $0x8FFFFFFF  }
0x9e: {  	s18 =	sld [smem:$0x3FDB];
	_ =	sdelay $0x1  }
0x9f: {  	s19 =	simm.s32 $_scs_section_size  }
0xa0: {  	s5 =	simm.s32 $_size__tile_overlayer_lowered;
	s6 =	simm.s32 $_tile_overlayer_lowered  }
0xa1: {  	s22 =	simm.s32 $0x1BFF;
	s21 =	sshll.u32 s6, $0x1;
	s3 =	sadd.s32 s19, s18  }
0xa2: {  	s7 =	simm.s32 $0x0;
	s20 =	sshll.u32 s5, $0x1;
	s5 =	sadd.s32 s21, s3  }
0xa3: {  	[timem:s7], [sflag:s22] =	dma.local [hbm:s5], s20  }
0xa4: {  	_ =	swait.ge [sflag:s22], s20  }
0xa5: {  	s4 =	ssub.s32 $0x0, s20;
	[sflag:s22] =	ssyncset.done $0x0  }
0xa6: {  	[sflag:s22] =	ssyncadd.s32 s4;
	_ =	sdelay $0x1  }
0xa7: {  	s23 =	simm.s32 $0x1B8B  }
0xa8: {  	_ =	swait.ge [sflag:s23], $0x1  }
0xa9: {  	[sflag:s23] =	ssyncset.done $0x0  }
0xaa: {  	s25 =	simm.s32 $0x1B8E;
	s24 =	sld [smem:$0x3FFE];
	[sflag:s23] =	ssyncadd.s32 $0xFFFFFFFF  }
0xab: {  	s26 =	simm.s32 $execute0_lowered;
	[smem:$0x3FD2] =	sst s25  }
0xac: {  	s5 =	sshll.u32 s26, $0x1;
	_ =	strace $0x8000004C;
	[dreg:$0x1] =	wrdreg $0xFFFFFFFF  }
0xad: {  	s28 =	simm.s32 $_size_execute0_lowered;
	s3 =	sadd.s32 s3, s5;
	[dreg:$0x0] =	wrdreg $0x0  }
0xae: {  	s5 =	sshll.u32 s28, $0x1;
	[dreg:$0x2] =	wrdreg s3  }
0xaf: {  	[dreg:$0x3] =	wrdreg s5  }
0xb0: {  	[dreg:$0x4] =	wrdreg $0xC0  }
0xb1: {  	_ =	task [dreg:s7], $0x5FFFF  }
0xb2: {  	[dreg:$0x1] =	wrdreg $0xFFFFFFFF  }
0xb3: {  	[dreg:$0x0] =	wrdreg $0x60  }
0xb4: {  	[dreg:$0x2] =	wrdreg s16  }
0xb5: {  	[dreg:$0x3] =	wrdreg s24  }
0xb6: {  	[dreg:$0x4] =	wrdreg $0x82000  }
0xb7: {  	[dreg:$0x5] =	wrdreg $0x9  }
0xb8: {  	_ =	task.clear_ibuf [dreg:s7], $0x6FFFF;
	_ =	strace $0x9000004C  }
0xb9: {  	s29 =	simm.s32 $0x9;
	_ =	strace $0x8000004E  }
0xba: {  	_ =	swait.ge [sflag:s29], $0x1  }
0xbb: {  	[sflag:s29] =	ssyncadd.s32 $0xFFFFFFFF  }
0xbc: {  	_ =	strace $0x9000004E  }
0xbd: {  	_ =	sfence  }
0xbe: {  	s30 =	sld [smem:$0x0];
	_ =	sdelay $0x2  }
0xbf: {  	s31 =	sshll.u32 s1, $0xD;
	s1 =	sshrl.u32 s1, $0x2  }
0xc0: {  	s3 =	sand.u32 $0x4000, s31;
	s1 =	sadd.s32 s1, s30  }
0xc1: {  	s0 =	sor.u32 s3, s0;
	s1 =	sshll.u32 s1, $0x11  }
0xc2: {  	s0 =	sor.u32 s1, s0  }
0xc3: {  	s0 =	sadd.s32 $0x8F2B, s0  }
0xc4: {  	[sflag:s0] =	ssyncadd.remote.s32 $0x1  }
0xc5: {  	_ =	sfence.sel $0xFFFF  }
0xc6: {  	[dreg:$0x0] =	wrdreg $0xFFFFFFFF;
	(pc) =	sbr.abs _section_cstart, $3  }
0xc7: {  	[dreg:$0x1] =	wrdreg $0xFFFFFFFF  }
0xc8: {  	_ =	task.clear_ibuf [dreg:s7], $0x2FFFF;
	_ =	strace $0x9FFFFFFF  }
0xc9: {  	(tm) =	ssettm $0x7FFFFFFF  }
tec
execute0_lowered:
.L_overlay_start_1:
0x0: {  	(tag) =	ssettag $0x1  }
0x1: {  	s1 =	rddreg [dreg:$0x0]  }
0x2: {  	s0 =	rddreg [dreg:$0x1]  }
0x3: {  	s2 =	rddreg [dreg:$0x2];
	s3 =	srdreg.scid;
	s4 =	simm.s32 $0x0  }
0x4: {  	s12 =	stileid.u32;
	s28 =	simm.s32 $0x4200;
	s29 =	simm.s32 $0x180  }
0x5: {  	s30 =	simm.s32 $0x2;
	s31 =	simm.s32 $0x5;
	s13 =	simm.s32 $0x0  }
0x6: {  	s3 =	sand.u32 $0x1, s3;
	[smem:$0x7FF] =	sst s4;
	s8 =	smul.u32 $0x14000, s12  }
0x7: {  	s5 =	sadd.s32 $0xC9A00, s0;
	s6 =	sadd.s32 $0x125400, s0;
	s17 =	sshll.u32 s12, $0x1  }
0x8: {  	s18 =	smul.u32 $0x50000, s12;
	s19 =	sadd.s32 $0xD4A00, s0;
	s21 =	sshll.u32 s12, $0x6  }
0x9: {  	s12 =	simm.s32 $0x9;
	s7 =	smul.u32 $0x140000, s3;
	_ =	strace $0x8000004D  }
0xa: {  	s9 =	ssub.s32 $0x2, s3;
	s3 =	sor.u32 s3, s17;
	[dreg:$0x4] =	wrdreg s19  }
0xb: {  	[dreg:$0x5] =	wrdreg s21;
	s11 =	sshrl.u32 s9, $0x1;
	s7 =	sadd.s32 s8, s7  }
0xc: {  	s20 =	ssub.s32 s9, s11;
	s8 =	sshrl.u32 s18, $0x2;
	s10 =	sshrl.u32 s7, $0x3  }
0xd: {  	s7 =	smul.u32 $0x2C00, s3;
	s8 =	sadd.s32 s8, s2;
	s19 =	smax.u32 s20, $0x1  }
0xe: {  	s3 =	simm.s32 $0x8;
	s0 =	sadd.s32 s10, s0;
	s10 =	sor.u32 $0x1C0A, s21  }
0xf: {  	s20 =	sshrl.u32 s8, $0x3;
	s21 =	simm.s32 $0xA;
	s8 =	simm.s32 $0x4  }
0x10: {  	s22 =	sshrl.u32 s7, $0x3;
	[dreg:$0x6] =	wrdreg s10;
	s18 =	sadd.s32 $0x14C600, s0  }
0x11: {  	s0 =	simm.s32 $0x3;
	s23 =	sadd.s32 s5, s22;
	s24 =	sor.u32 $0x10, s22  }
0x12: {  	s11 =	sadd.s32 s1, s22;
	[dreg:$0x7] =	wrdreg s23;
	s25 =	sadd.s32 s1, s24  }
0x13: {  	s9 =	sor.u32 $0x20, s22;
	s10 =	sadd.s32 s5, s24;
	[dreg:$0x8] =	wrdreg s25  }
0x14: {  	s22 =	simm.s32 $0x100;
	s26 =	sadd.s32 s1, s9;
	[dreg:$0x9] =	wrdreg s10  }
0x15: {  	s9 =	sadd.s32 s5, s9;
	s17 =	sadd.s32 $0x30, s11;
	[dreg:$0xa] =	wrdreg s26  }
0x16: {  	s23 =	simm.s32 $0x80;
	s24 =	simm.s32 $0x200;
	[dreg:$0xb] =	wrdreg s9  }
0x17: {  	s25 =	simm.s32 $0x1;
	s26 =	simm.s32 $0x6;
	s10 =	simm.s32 $0x7  }
.LBB2_1:
0x18: {  	s9 =	rddreg [dreg:$0x4]  }
0x19: {  	s14 =	rddreg [dreg:$0x6]  }
0x1a: {  	[spmem:s20], [sflag:s14] =	dma.local [hbm:s9], $0x2800  }
0x1b: {  	_ =	swait.ge [sflag:s21], $0x2800  }
0x1c: {  	[sflag:s21] =	ssyncset.done $0x0  }
0x1d: {  	[sflag:s21] =	ssyncadd.s32 $0xFFFFD800  }
0x1e: {  	[bflag:$0x0] =	sbarrier.arrive $0xFFFF  }
0x1f: {  	[tilespmem:s4], [sflag:$0xA] =	stream.linear.gather [hbm4b:s11+s4], $0x80, $0x38;
	[tilespmem:$0x1C200] =	vst v63  }
0x20: {  	_ =	swait.ge [sflag:s21], $0x80  }
0x21: {  	[sflag:s21] =	ssyncset.done $0x0  }
0x22: {  	s14 =	rddreg [dreg:$0x7];
	[sflag:s21] =	ssyncadd.s32 $0xFFFFFF80  }
0x23: {  	[tilespmem:s22], [sflag:$0xA] =	stream.linear.gather [hbm4b:s14+s4], $0x80, $0x38;
	[tilespmem:$0x1C200] =	vst v63  }
0x24: {  	_ =	swait.ge [sflag:s21], $0x80  }
0x25: {  	[sflag:s21] =	ssyncset.done $0x0  }
0x26: {  	[sflag:s21] =	ssyncadd.s32 $0xFFFFFF80  }
0x27: {  	[tilespmem:s24], [sflag:$0x1] =	stream.indirect.gather [hbm4b:s6+s23], $0x80, s4, s23, $0xb8;
	[tilespmem:$0x1C200] =	vst v63  }
0x28: {  	s15 =	rddreg [dreg:$0x8]  }
0x29: {  	[tilespmem:s23], [sflag:$0x6] =	stream.linear.gather [hbm4b:s15+s4], $0x80, $0x38;
	[tilespmem:$0x1C200] =	vst v63  }
0x2a: {  	_ =	swait.ge [sflag:s25], $0x4000  }
0x2b: {  	[sflag:s25] =	ssyncset.done $0x0  }
0x2c: {  	[sflag:s25] =	ssyncadd.s32 $0xFFFFC000  }
0x2d: {  	_ =	swait.ge [sflag:s26], $0x80  }
0x2e: {  	[sflag:s26] =	ssyncset.done $0x0  }
0x2f: {  	[sflag:s26] =	ssyncadd.s32 $0xFFFFFF80  }
0x30: {  	[tilespmem:s28], [sflag:$0x2] =	stream.indirect.gather [hbm4b:s6+s23], $0x80, s23, s23, $0xb8;
	[tilespmem:$0x1C200] =	vst v63  }
0x31: {  	s16 =	rddreg [dreg:$0x9]  }
0x32: {  	[tilespmem:s29], [sflag:$0x8] =	stream.linear.gather [hbm4b:s16+s4], $0x80, $0x38;
	[tilespmem:$0x1C200] =	vst v63  }
0x33: {  	_ = 	snop  }
0x34: {  	[spmem:s2] =	stream.indirect.scatter.add.f32 [tilespmem:s24], [sflag:$0x3], $0x80, s22, s23, $0xb8;
	[tilespmem:$0x1C200] =	vst v63  }
0x35: {  	s14 =	rddreg [dreg:$0xa]  }
0x36: {  	[tilespmem:s4], [sflag:$0x5] =	stream.linear.gather [hbm4b:s14+s4], $0x80, $0x38;
	[tilespmem:$0x1C200] =	vst v63  }
0x37: {  	_ =	swait.ge [sflag:s30], $0x4000  }
0x38: {  	[sflag:s30] =	ssyncset.done $0x0  }
0x39: {  	[sflag:s30] =	ssyncadd.s32 $0xFFFFC000  }
0x3a: {  	_ =	swait.ge [sflag:s31], $0x80  }
0x3b: {  	[sflag:s31] =	ssyncset.done $0x0  }
0x3c: {  	[sflag:s31] =	ssyncadd.s32 $0xFFFFFF80  }
0x3d: {  	_ =	swait.ge [sflag:s0], $0x4000  }
0x3e: {  	[sflag:s0] =	ssyncset.done $0x0  }
0x3f: {  	[sflag:s0] =	ssyncadd.s32 $0xFFFFC000  }
0x40: {  	[tilespmem:s24], [sflag:$0x1] =	stream.indirect.gather [hbm4b:s6+s23], $0x80, s4, s23, $0xb8;
	[tilespmem:$0x1C200] =	vst v63  }
0x41: {  	s15 =	rddreg [dreg:$0xb]  }
0x42: {  	[tilespmem:s22], [sflag:$0x7] =	stream.linear.gather [hbm4b:s15+s4], $0x80, $0x38;
	[tilespmem:$0x1C200] =	vst v63  }
0x43: {  	_ =	swait.ge [sflag:s3], $0x80  }
0x44: {  	[sflag:s3] =	ssyncset.done $0x0  }
0x45: {  	[sflag:s3] =	ssyncadd.s32 $0xFFFFFF80  }
0x46: {  	[spmem:s2] =	stream.indirect.scatter.add.f32 [tilespmem:s28], [sflag:$0x4], $0x80, s29, s23, $0xb8;
	[tilespmem:$0x1C200] =	vst v63  }
0x47: {  	_ = 	snop  }
0x48: {  	[tilespmem:s23], [sflag:$0x6] =	stream.linear.gather [hbm4b:s17+s4], $0x80, $0x38;
	[tilespmem:$0x1C200] =	vst v63  }
0x49: {  	_ =	swait.ge [sflag:s25], $0x4000  }
0x4a: {  	[sflag:s25] =	ssyncset.done $0x0  }
0x4b: {  	[sflag:s25] =	ssyncadd.s32 $0xFFFFC000  }
0x4c: {  	s16 =	simm.s32 $0x100;
	_ =	swait.ge [sflag:s26], $0x80  }
0x4d: {  	s15 =	sand.u32 $0x7C00, s16;
	[sflag:s26] =	ssyncset.done $0x0  }
0x4e: {  	s9 =	sand.u32 $0x300, s16;
	s14 =	sadd.s32 s7, s15;
	[sflag:s26] =	ssyncadd.s32 $0xFFFFFF80  }
0x4f: {  	s9 =	sor.u32 s14, s9;
	_ =	swait.ge [sflag:s8], $0x4000  }
0x50: {  	s9 =	sor.u32 $0x80, s9;
	[sflag:s8] =	ssyncset.done $0x0  }
0x51: {  	s16 =	simm.s32 $0x200;
	s9 =	sshrl.u32 s9, $0x3;
	[sflag:s8] =	ssyncadd.s32 $0xFFFFC000  }
0x52: {  	[tilespmem:s28], [sflag:$0x2] =	stream.indirect.gather [hbm4b:s6+s23], $0x80, s23, s23, $0xb8;
	[tilespmem:$0x1C200] =	vst v63  }
0x53: {  	s15 =	sand.u32 $0xFC00, s16;
	s9 =	sadd.s32 s5, s9  }
0x54: {  	[tilespmem:s29], [sflag:$0x8] =	stream.linear.gather [hbm4b:s9+s4], $0x80, $0x38;
	[tilespmem:$0x1C200] =	vst v63  }
0x55: {  	s14 =	sand.u32 $0x300, s16;
	s9 =	sadd.s32 s7, s15;
	_ =	swait.ge [sflag:s10], $0x80  }
0x56: {  	s9 =	sor.u32 s14, s9;
	[sflag:s10] =	ssyncset.done $0x0  }
0x57: {  	s9 =	sshrl.u32 s9, $0x3;
	[sflag:s10] =	ssyncadd.s32 $0xFFFFFF80  }
0x58: {  	[spmem:s2] =	stream.indirect.scatter.add.f32 [tilespmem:s24], [sflag:$0x3], $0x80, s22, s23, $0xb8;
	[tilespmem:$0x1C200] =	vst v63  }
0x59: {  	s16 =	sadd.s32 s1, s9  }
0x5a: {  	[tilespmem:s4], [sflag:$0x5] =	stream.linear.gather [hbm4b:s16+s4], $0x80, $0x38;
	[tilespmem:$0x1C200] =	vst v63  }
0x5b: {  	_ =	swait.ge [sflag:s30], $0x4000  }
0x5c: {  	[sflag:s30] =	ssyncset.done $0x0  }
0x5d: {  	[sflag:s30] =	ssyncadd.s32 $0xFFFFC000  }
0x5e: {  	_ =	swait.ge [sflag:s31], $0x80  }
0x5f: {  	[sflag:s31] =	ssyncset.done $0x0  }
0x60: {  	[sflag:s31] =	ssyncadd.s32 $0xFFFFFF80  }
0x61: {  	_ =	swait.ge [sflag:s0], $0x4000  }
0x62: {  	[sflag:s0] =	ssyncset.done $0x0  }
0x63: {  	s15 =	simm.s32 $0x280;
	[sflag:s0] =	ssyncadd.s32 $0xFFFFC000  }
0x64: {  	[tilespmem:s24], [sflag:$0x1] =	stream.indirect.gather [hbm4b:s6+s23], $0x80, s4, s23, $0xb8;
	[tilespmem:$0x1C200] =	vst v63  }
0x65: {  	s9 =	sadd.s32 s5, s9;
	s16 =	sand.u32 $0xFC00, s15  }
0x66: {  	[tilespmem:s22], [sflag:$0x7] =	stream.linear.gather [hbm4b:s9+s4], $0x80, $0x38;
	[tilespmem:$0x1C200] =	vst v63  }
0x67: {  	s14 =	sand.u32 $0x380, s15;
	s9 =	sadd.s32 s7, s16;
	_ =	swait.ge [sflag:s3], $0x80  }
0x68: {  	s14 =	sor.u32 s14, s9;
	[sflag:s3] =	ssyncset.done $0x0  }
0x69: {  	s9 =	simm.s32 $0x380;
	s15 =	sshrl.u32 s14, $0x3;
	[sflag:s3] =	ssyncadd.s32 $0xFFFFFF80  }
.LBB2_2:
0x6a: {  	[spmem:s2] =	stream.indirect.scatter.add.f32 [tilespmem:s28], [sflag:$0x4], $0x80, s29, s23, $0xb8;
	[tilespmem:$0x1C200] =	vst v63  }
0x6b: {  	s14 =	smov.u32 s9  }
0x6c: {  	p0 =	sne.s32 s9, $0x2880;
	s9 =	sadd.s32 $0x100, s9;
	s15 =	sadd.s32 s1, s15  }
0x6d: {  	[tilespmem:s23], [sflag:$0x6] =	stream.linear.gather [hbm4b:s15+s4], $0x80, $0x38;
	[tilespmem:$0x1C200] =	vst v63  }
0x6e: {  	_ =	swait.ge [sflag:s25], $0x4000  }
0x6f: {  	[sflag:s25] =	ssyncset.done $0x0  }
0x70: {  	[sflag:s25] =	ssyncadd.s32 $0xFFFFC000  }
0x71: {  	s15 =	sadd.s32 $0xFFFFFE80, s14;
	_ =	swait.ge [sflag:s26], $0x80  }
0x72: {  	s16 =	sand.u32 $0x7C00, s15;
	[sflag:s26] =	ssyncset.done $0x0  }
0x73: {  	s15 =	sand.u32 $0x300, s15;
	s16 =	sadd.s32 s7, s16;
	[sflag:s26] =	ssyncadd.s32 $0xFFFFFF80  }
0x74: {  	s15 =	sor.u32 s16, s15;
	_ =	swait.ge [sflag:s8], $0x4000  }
0x75: {  	s15 =	sor.u32 $0x80, s15;
	[sflag:s8] =	ssyncset.done $0x0  }
0x76: {  	s15 =	sshrl.u32 s15, $0x3;
	[sflag:s8] =	ssyncadd.s32 $0xFFFFC000  }
0x77: {  	[tilespmem:s28], [sflag:$0x2] =	stream.indirect.gather [hbm4b:s6+s23], $0x80, s23, s23, $0xb8;
	[tilespmem:$0x1C200] =	vst v63  }
0x78: {  	s16 =	sadd.s32 $0xFFFFFF80, s14;
	s15 =	sadd.s32 s5, s15  }
0x79: {  	[tilespmem:s29], [sflag:$0x8] =	stream.linear.gather [hbm4b:s15+s4], $0x80, $0x38;
	[tilespmem:$0x1C200] =	vst v63  }
0x7a: {  	s15 =	sand.u32 $0xFC00, s16;
	_ =	swait.ge [sflag:s10], $0x80  }
0x7b: {  	s16 =	sand.u32 $0x300, s16;
	s15 =	sadd.s32 s7, s15;
	[sflag:s10] =	ssyncset.done $0x0  }
0x7c: {  	s15 =	sor.u32 s16, s15;
	[sflag:s10] =	ssyncadd.s32 $0xFFFFFF80  }
0x7d: {  	[spmem:s2] =	stream.indirect.scatter.add.f32 [tilespmem:s24], [sflag:$0x3], $0x80, s22, s23, $0xb8;
	[tilespmem:$0x1C200] =	vst v63  }
0x7e: {  	s15 =	sshrl.u32 s15, $0x3  }
0x7f: {  	s16 =	sadd.s32 s1, s15  }
0x80: {  	[tilespmem:s4], [sflag:$0x5] =	stream.linear.gather [hbm4b:s16+s4], $0x80, $0x38;
	[tilespmem:$0x1C200] =	vst v63  }
0x81: {  	_ =	swait.ge [sflag:s30], $0x4000  }
0x82: {  	[sflag:s30] =	ssyncset.done $0x0  }
0x83: {  	[sflag:s30] =	ssyncadd.s32 $0xFFFFC000  }
0x84: {  	_ =	swait.ge [sflag:s31], $0x80  }
0x85: {  	[sflag:s31] =	ssyncset.done $0x0  }
0x86: {  	[sflag:s31] =	ssyncadd.s32 $0xFFFFFF80  }
0x87: {  	_ =	swait.ge [sflag:s0], $0x4000  }
0x88: {  	[sflag:s0] =	ssyncset.done $0x0  }
0x89: {  	s15 =	sadd.s32 s5, s15;
	[sflag:s0] =	ssyncadd.s32 $0xFFFFC000  }
0x8a: {  	[tilespmem:s24], [sflag:$0x1] =	stream.indirect.gather [hbm4b:s6+s23], $0x80, s4, s23, $0xb8;
	[tilespmem:$0x1C200] =	vst v63  }
.Ltmp0:
0x8b: {  	s16 =	sand.u32 $0xFC00, s14;
	(pc) =	sbr.rel @p0 .LBB2_2-.Ltmp0, $4  }
0x8c: {  	[tilespmem:s22], [sflag:$0x7] =	stream.linear.gather [hbm4b:s15+s4], $0x80, $0x38;
	[tilespmem:$0x1C200] =	vst v63  }
0x8d: {  	s14 =	sand.u32 $0x380, s14;
	s15 =	sadd.s32 s7, s16;
	_ =	swait.ge [sflag:s3], $0x80  }
0x8e: {  	s14 =	sor.u32 s14, s15;
	[sflag:s3] =	ssyncset.done $0x0  }
0x8f: {  	s15 =	sshrl.u32 s14, $0x3;
	[sflag:s3] =	ssyncadd.s32 $0xFFFFFF80  }
0x90: {  	[spmem:s2] =	stream.indirect.scatter.add.f32 [tilespmem:s28], [sflag:$0x4], $0x80, s29, s23, $0xb8;
	[tilespmem:$0x1C200] =	vst v63  }
0x91: {  	s9 =	sadd.s32 s1, s15  }
0x92: {  	[tilespmem:s23], [sflag:$0x6] =	stream.linear.gather [hbm4b:s9+s4], $0x80, $0x38;
	[tilespmem:$0x1C200] =	vst v63  }
0x93: {  	_ =	swait.ge [sflag:s25], $0x4000  }
0x94: {  	[sflag:s25] =	ssyncset.done $0x0  }
0x95: {  	[sflag:s25] =	ssyncadd.s32 $0xFFFFC000  }
0x96: {  	_ =	swait.ge [sflag:s26], $0x80  }
0x97: {  	[sflag:s26] =	ssyncset.done $0x0  }
0x98: {  	[sflag:s26] =	ssyncadd.s32 $0xFFFFFF80  }
0x99: {  	_ =	swait.ge [sflag:s10], $0x80  }
0x9a: {  	[sflag:s10] =	ssyncset.done $0x0  }
0x9b: {  	[sflag:s10] =	ssyncadd.s32 $0xFFFFFF80  }
0x9c: {  	_ =	swait.ge [sflag:s8], $0x4000  }
0x9d: {  	[sflag:s8] =	ssyncset.done $0x0  }
0x9e: {  	[sflag:s8] =	ssyncadd.s32 $0xFFFFC000  }
0x9f: {  	s13 =	sadd.s32 $0x1, s13;
	[bflag:$0x0] =	sbarrier.arrive $0xFFFF  }
0xa0: {  	p0 =	sne.s32 s13, s19;
	s16 =	rddreg [dreg:$0x5]  }
.Ltmp1:
0xa1: {  	s9 =	sor.u32 $0x1C09, s16;
	(pc) =	sbr.rel @p0 .LBB2_1-.Ltmp1, $4  }
0xa2: {  	[hbm:s18], [sflag:s9] =	dma.local [spmem:s20], $0x2800  }
0xa3: {  	_ =	swait.ge [sflag:s12], $0x2800  }
0xa4: {  	[sflag:s12] =	ssyncset.done $0x0  }
0xa5: {  	[sflag:s12] =	ssyncadd.s32 $0xFFFFD800  }
0xa6: {  	_ =	sfence.sel $0x180000  }
0xa7: {  	[bflag:$0x0] =	sbarrier.arrive $0xFFFF  }
0xa8: {  	_ =	strace $0x9000004D  }
0xa9: {  	s0 =	stileid.u32;
	[bflag:$0x2] =	sbarrier.arrive $0xFFFF  }
0xaa: {  	p0 =	sne.s32 s0, $0x0;
	s0 =	rddreg [dreg:$0x3]  }
0xab: {  	s0 =	sadd.s32 @!p0 $0x100000, s0  }
0xac: {  	[sflag:s0] =	ssyncadd.tile.s32 @!p0 $0x1;
	_ =	shalt  }
.Lfunc_end2:
_tile_overlayer_lowered:
.L_overlay_start_2:
0xad: {  	(tag) =	ssettag $0x2  }
0xae: {  	s0 =	rddreg [dreg:$0x0];
	s2 =	stileid.u32  }
0xaf: {  	s1 =	rddreg [dreg:$0x1];
	p0 =	sne.s32 s2, $0x0  }
0xb0: {  	s3 =	rddreg [dreg:$0x2];
	[bflag:$0x3] =	sbarrier.arrive $0xFFFF;
	s2 =	simm.s32 @!p0 $0x1C0A  }
0xb1: {  	[timem:s3], [sflag:s2] =	dma.local @!p0 [hbm:s0], s1  }
0xb2: {  	s0 =	simm.s32 @!p0 $0xA  }
0xb3: {  	_ =	swait.ge @!p0 [sflag:s0], s1  }
0xb4: {  	s1 =	ssub.s32 @!p0 $0x0, s1;
	[sflag:s0] =	ssyncset.done @!p0 $0x0  }
0xb5: {  	[sflag:s0] =	ssyncadd.s32 @!p0 s1  }
0xb6: {  	[bflag:$0x3] =	sbarrier.arrive $0xFFFF  }
0xb7: {  	_ =	shalt  }

</sc_bundles>
